<compile_context>
chip_gen: v7x
topology: tpu7x:2x2x1
jax: 0.10.2.dev20260603
libtpu: 0.0.44.dev20260713+nightly
codegen_flags: <defaults>
</compile_context>

<pallas_src>
import functools

import jax
import jax.numpy as jnp
from jax import lax
from jax.experimental import pallas as pl
from jax.experimental.pallas import tpu as pltpu
from jax.experimental.pallas import tpu_sc as plsc

N = 10000
E = 320000
D_IN = 128
D_HID = 16

NC = 2
NS = 16
NW = NC * NS
EPW = E // NW
CH = 80
G = 5
NCH = EPW // CH
NG = NCH // G
NP = 10240
RPT = NP // NS


def _seg_sum_partials(support, edges, fuse_relu_combine):
    mesh = plsc.VectorSubcoreMesh(core_axis_name="c", subcore_axis_name="s")

    @functools.partial(
        pl.kernel,
        mesh=mesh,
        compiler_params=pltpu.CompilerParams(use_tc_tiling_on_sc=False,
                                            needs_layout_passes=False),
        out_type=jax.ShapeDtypeStruct((NC, NP // 8, 8 * D_HID), jnp.float32),
        scratch_types=[
            pltpu.VMEM((NCH, CH), jnp.int32),
            pltpu.VMEM((NCH, CH), jnp.int32),
            ((pltpu.VMEM((CH, D_HID), jnp.float32),) * G,
             (pltpu.VMEM((CH, D_HID), jnp.float32),) * G),
            pltpu.VMEM((RPT, D_HID), jnp.float32),
            pltpu.VMEM((RPT // 8, 8 * D_HID), jnp.float32),
            pltpu.VMEM((RPT // 8, 8 * D_HID), jnp.float32),
            pltpu.VMEM((D_HID, RPT + 1), jnp.float32),
            pltpu.VMEM_SHARED((NP, D_HID), jnp.float32),
            pltpu.VMEM_SHARED((NP, D_HID), jnp.float32),
            (pltpu.SemaphoreType.DMA,) * 2,
            (pltpu.SemaphoreType.DMA,) * 2,
        ],
    )
    def seg_kernel(sup_hbm, edge_hbm, out_hbm,
                   col_v, row_v, bufs, zbuf, wbuf0, wbuf1, tbuf, acc_sh,
                   sup_sh, gsem, ssem):
        c = lax.axis_index("c")
        s = lax.axis_index("s")
        wid = c * NS + s

        def zero_body(i, _):
            zbuf[i, :] = jnp.zeros((D_HID,), jnp.float32)
            return 0
        lax.fori_loop(0, RPT, zero_body, 0)
        pltpu.sync_copy(zbuf, acc_sh.at[pl.ds(s * RPT, RPT)])

        if fuse_relu_combine:
            pltpu.sync_copy(sup_hbm.at[0, pl.ds(s * RPT // 8, RPT // 8)],
                            wbuf0)
            pltpu.sync_copy(sup_hbm.at[1, pl.ds(s * RPT // 8, RPT // 8)],
                            wbuf1)

            def comb_body(r, _):
                for k in range(8):
                    sl = pl.ds(k * D_HID, D_HID)
                    zbuf[r * 8 + k, :] = jnp.maximum(
                        wbuf0[r, sl] + wbuf1[r, sl], 0.0)
                return 0
            lax.fori_loop(0, RPT // 8, comb_body, 0)
            pltpu.sync_copy(zbuf, sup_sh.at[pl.ds(s * RPT, RPT)])
        else:
            pltpu.sync_copy(sup_hbm.at[:, pl.ds(s * RPT, RPT)],
                            tbuf.at[:, pl.ds(0, RPT)])
            lanes = lax.iota(jnp.int32, 16)

            def tr_body(i, _):
                zbuf[i, :] = plsc.load_gather(
                    tbuf, [lanes, jnp.full((16,), i, jnp.int32)])
                return 0
            lax.fori_loop(0, RPT, tr_body, 0)
            pltpu.sync_copy(zbuf, sup_sh.at[pl.ds(s * RPT, RPT)])
        dummy_src = edge_hbm.at[0, 0, pl.ds(0, 16)]
        pltpu.sync_copy(edge_hbm.at[1, wid], col_v)
        pltpu.sync_copy(edge_hbm.at[0, wid], row_v)
        plsc.subcore_barrier()

        def drain(buf, sem):
            pltpu.make_async_copy(dummy_src, buf, sem).wait()

        def issue_group(g, p):
            for b in range(G):
                pltpu.async_copy(sup_sh.at[col_v.at[g * G + b]],
                                 bufs[p][b], gsem[p])

        def process_group(g, p, reissue):
            for b in range(G):
                drain(bufs[p][b], gsem[p])
                pltpu.async_copy(bufs[p][b], acc_sh.at[row_v.at[g * G + b]],
                                 ssem[p], add=True)
            for b in range(G):
                drain(bufs[p][b], ssem[p])
            if reissue:
                issue_group(g + 2, p)

        issue_group(0, 0)
        issue_group(1, 1)

        def body(t, _):
            process_group(t, 0, True)
            process_group(t + 1, 1, True)
            return 0
        lax.fori_loop(0, (NG - 3) // 2, lambda i, u: body(2 * i, u), 0,
                      unroll=False)
        process_group(NG - 3, 0, True)
        process_group(NG - 2, 1, False)
        process_group(NG - 1, 0, False)

        plsc.subcore_barrier()
        pltpu.sync_copy(acc_sh.at[pl.ds(s * RPT, RPT)], zbuf)

        def pack_body(r, _):
            for k in range(8):
                wbuf0[r, pl.ds(k * D_HID, D_HID)] = zbuf[r * 8 + k, :]
            return 0
        lax.fori_loop(0, RPT // 8, pack_body, 0)
        pltpu.sync_copy(wbuf0, out_hbm.at[c, pl.ds(s * RPT // 8, RPT // 8)])

    return seg_kernel(support, edges)


def _matmul(x, w, block_m):
    _, K = x.shape
    Do = w.shape[1]

    def mm_kernel(x_ref, w_ref, o_ref):
        o_ref[...] = lax.dot_general(
            w_ref[...], x_ref[...],
            dimension_numbers=(((0,), (1,)), ((), ())),
            preferred_element_type=jnp.float32)

    return pl.pallas_call(
        mm_kernel,
        grid=(NP // block_m,),
        in_specs=[
            pl.BlockSpec((block_m, K), lambda i: (i, 0)),
            pl.BlockSpec((K, Do), lambda i: (0, 0)),
        ],
        out_specs=pl.BlockSpec((Do, block_m), lambda i: (0, i)),
        out_shape=jax.ShapeDtypeStruct((Do, NP), jnp.float32),
    )(x, w)


def _combine_matmul(q, w, block_m):
    Do = w.shape[1] // 8

    def cm_kernel(q_ref, w_ref, o_ref):
        o_ref[...] = jnp.dot(q_ref[0] + q_ref[1], w_ref[...],
                             preferred_element_type=jnp.float32)

    return pl.pallas_call(
        cm_kernel,
        grid=(1,),
        in_specs=[
            pl.BlockSpec((NC, NP // 8, 8 * D_HID), lambda i: (0, 0, 0)),
            pl.BlockSpec((8 * D_HID, 8 * Do), lambda i: (0, 0)),
        ],
        out_specs=pl.BlockSpec((NP // 8, 8 * Do), lambda i: (0, 0)),
        out_shape=jax.ShapeDtypeStruct((NP // 8, 8 * Do), jnp.float32),
    )(q, w)


def kernel(feature, edge_index, W1, W2):
    edges = edge_index.reshape(2, NW, NCH, CH)
    support1 = _matmul(feature, W1, block_m=2048)
    p1 = _seg_sum_partials(support1, edges, fuse_relu_combine=False)
    p2 = _seg_sum_partials(p1, edges, fuse_relu_combine=True)
    w2big = jnp.kron(jnp.eye(8, dtype=jnp.float32), W2)
    packed = _combine_matmul(p2, w2big, block_m=2048)
    return packed.reshape(NP, W2.shape[1])[:N]

# --- scband reference (transcript-rebuilt; emitter-appended) ---
"""Pipeline reference for scband-gcn-net-47880295416003 (READ-ONLY COPY).

The authoritative reference and input builder live on the scoring server;
editing this copy changes nothing except your own understanding.
"""

import jax, jax.numpy as jnp
import numpy as np

N = 10000
E = 320000
D_IN = 128
D_HID = 16
D_OUT = 7

def setup_inputs(seed: int = 0) -> dict:
    key = jax.random.key(seed)
    k1, k2, k3, k4 = jax.random.split(key, 4)
    feature = jax.random.normal(k1, (N, D_IN), dtype=jnp.float32)
    edge_index = jax.random.randint(k2, (2, E), 0, N, dtype=jnp.int32)
    # learned parameters per init_kwargs (use_bias=False, so no bias params)
    W1 = jax.random.normal(k3, (D_IN, D_HID), dtype=jnp.float32) * (1.0 / np.sqrt(D_IN))
    W2 = jax.random.normal(k4, (D_HID, D_OUT), dtype=jnp.float32) * (1.0 / np.sqrt(D_HID))
    return {"feature": feature, "edge_index": edge_index, "W1": W1, "W2": W2}

def reference(feature, edge_index, W1, W2):
    # adjacency is a sparse COO [N, N] matrix with rows=edge_index[0] (dst),
    # cols=edge_index[1] (src), values=1.0 (unweighted).
    row = edge_index[0]
    col = edge_index[1]
    # layer 1: support = X @ W1; output = A @ support (SpMM via gather + scatter-add)
    support1 = feature @ W1
    h = jax.ops.segment_sum(support1[col], row, num_segments=N)
    h = jax.nn.relu(h)
    # layer 2
    support2 = h @ W2
    logits = jax.ops.segment_sum(support2[col], row, num_segments=N)
    return logits

if __name__ == "__main__":
    import jax
    _d = setup_inputs()
    print(jax.jit(kernel)(*tuple(_d.values())))

</pallas_src>

<mosaic_0001>
#map = affine_map<(d0, d1) -> (0, 0, 0)>
#map1 = affine_map<(d0, d1) -> (0, 0, 0, 0)>
module attributes {stable_mosaic.version = 14 : i64} {
  func.func @seg_kernel(%arg0: i32, %arg1: i32, %arg2: memref<2x1280x128xf32, #tpu.memory_space<hbm>>, %arg3: memref<2x32x125x80xi32, #tpu.memory_space<hbm>>, %arg4: memref<2x1280x128xf32, #tpu.memory_space<hbm>>, %arg5: memref<125x80xi32, #tpu.memory_space<vmem>>, %arg6: memref<125x80xi32, #tpu.memory_space<vmem>>, %arg7: memref<80x16xf32, #tpu.memory_space<vmem>>, %arg8: memref<80x16xf32, #tpu.memory_space<vmem>>, %arg9: memref<80x16xf32, #tpu.memory_space<vmem>>, %arg10: memref<80x16xf32, #tpu.memory_space<vmem>>, %arg11: memref<80x16xf32, #tpu.memory_space<vmem>>, %arg12: memref<80x16xf32, #tpu.memory_space<vmem>>, %arg13: memref<80x16xf32, #tpu.memory_space<vmem>>, %arg14: memref<80x16xf32, #tpu.memory_space<vmem>>, %arg15: memref<80x16xf32, #tpu.memory_space<vmem>>, %arg16: memref<80x16xf32, #tpu.memory_space<vmem>>, %arg17: memref<640x16xf32, #tpu.memory_space<vmem>>, %arg18: memref<80x128xf32, #tpu.memory_space<vmem>>, %arg19: memref<80x128xf32, #tpu.memory_space<vmem>>, %arg20: memref<16x641xf32, #tpu.memory_space<vmem>>, %arg21: memref<10240x16xf32, #tpu.memory_space<vmem_shared>>, %arg22: memref<10240x16xf32, #tpu.memory_space<vmem_shared>>, %arg23: memref<!tpu.dma_semaphore, #tpu.memory_space<semaphore_mem>>, %arg24: memref<!tpu.dma_semaphore, #tpu.memory_space<semaphore_mem>>, %arg25: memref<!tpu.dma_semaphore, #tpu.memory_space<semaphore_mem>>, %arg26: memref<!tpu.dma_semaphore, #tpu.memory_space<semaphore_mem>>) attributes {dimension_semantics = [#tpu.dimension_semantics<core_parallel>, #tpu.dimension_semantics<subcore_parallel>], iteration_bounds = array<i64: 2, 16>, scalar_prefetch = 0 : i64, scratch_operands = 22 : i64, tpu.core_type = #tpu.core_type<sc_vector_subcore>, window_params = [{transform_indices = #map}, {transform_indices = #map1}, {transform_indices = #map}]} {
    %mul3A = arith.constant 16 : i32
    %mul3A_0 = arith.muli %arg0, %mul3A : i32
    %add3A = arith.addi %mul3A_0, %arg1 : i32
    %scan3A = arith.constant 0 : i32
    %scan3A_1 = arith.constant 0 : i32
    %scan3A_2 = arith.constant 640 : i32
    %scan3A_3 = arith.addi %scan3A_1, %scan3A_2 : i32
    %scan3A_4 = arith.constant 1 : i32
    %scan3A_5 = scf.for %scan3A_618 = %scan3A_1 to %scan3A_3 step %scan3A_4 iter_args(%scan3A_619 = %scan3A) -> (i32)  : i32 {
      %broadcast_in_dim3A = arith.constant 0.000000e+00 : f32
      %broadcast_in_dim3A_620 = vector.broadcast %broadcast_in_dim3A : f32 to vector<16xf32>
      %swap3A = arith.index_cast %scan3A_618 : i32 to index
      %swap3A_621 = arith.constant 0 : index
      %swap3A_622 = tpu.vector_load %arg17[%swap3A, %swap3A_621] {strides = array<i32>} : memref<640x16xf32, #tpu.memory_space<vmem>>, vector<16xf32>,
      tpu.vector_store %arg17[%swap3A, %swap3A_621], %broadcast_in_dim3A_620 {strides = array<i32>} : memref<640x16xf32, #tpu.memory_space<vmem>>, vector<16xf32>,
      %scan3A_623 = arith.constant 0 : i32
      scf.yield %scan3A_623 : i32
    }
    %scan3A_6 = arith.constant 640 : i32
    %mul3A_7 = arith.constant 640 : i32
    %mul3A_8 = arith.muli %arg1, %mul3A_7 : i32
    "tpu.region"() ({
      %run_scoped3A_618 = tpu.sem_alloc : memref<!tpu.dma_semaphore, #tpu.memory_space<semaphore_mem>>
      %dma_start3A_619 = arith.constant 0 : i32
      %dma_start3A_620 = tpu.memref_slice %arg21[%mul3A_8, %dma_start3A_619] : memref<10240x16xf32, #tpu.memory_space<vmem_shared>> -> memref<640x16xf32, #tpu.memory_space<vmem_shared>>
      %dma_start3A_621 = arith.constant 0 : i32
      %dma_start3A_622 = tpu.memref_slice %arg21[%mul3A_8, %dma_start3A_621] : memref<10240x16xf32, #tpu.memory_space<vmem_shared>> -> memref<640x16xf32, #tpu.memory_space<vmem_shared>>
      tpu.enqueue_dma source(%arg17 : memref<640x16xf32, #tpu.memory_space<vmem>>) target(%dma_start3A_622 : memref<640x16xf32, #tpu.memory_space<vmem_shared>>) target_semaphore(%run_scoped3A_618 : memref<!tpu.dma_semaphore, #tpu.memory_space<semaphore_mem>>)
      %dma_wait3A_623 = arith.constant 0 : i32
      %dma_wait3A_624 = tpu.memref_slice %arg21[%mul3A_8, %dma_wait3A_623] : memref<10240x16xf32, #tpu.memory_space<vmem_shared>> -> memref<640x16xf32, #tpu.memory_space<vmem_shared>>
      %dma_wait3A_625 = arith.constant 0 : i32
      %dma_wait3A_626 = tpu.memref_slice %arg21[%mul3A_8, %dma_wait3A_625] : memref<10240x16xf32, #tpu.memory_space<vmem_shared>> -> memref<640x16xf32, #tpu.memory_space<vmem_shared>>
      tpu.wait_dma2 semaphore(%run_scoped3A_618 : memref<!tpu.dma_semaphore, #tpu.memory_space<semaphore_mem>>) src(%arg17 : memref<640x16xf32, #tpu.memory_space<vmem>>) dst(%dma_wait3A_626 : memref<640x16xf32, #tpu.memory_space<vmem_shared>>)
      tpu.yield
    }) : () -> ()
    %mul3A_9 = arith.constant 640 : i32
    %mul3A_10 = arith.muli %arg1, %mul3A_9 : i32
    %jit3A = arith.constant 8 : i32
    %div3A = arith.divsi %mul3A_10, %jit3A : i32
    %sign3A = arith.constant 0 : i32
    %sign3A_11 = arith.cmpi sgt, %mul3A_10, %sign3A : i32
    %sign3A_12 = arith.extui %sign3A_11 : i1 to i32
    %sign3A_13 = arith.constant 0 : i32
    %sign3A_14 = arith.cmpi slt, %mul3A_10, %sign3A_13 : i32
    %sign3A_15 = arith.extui %sign3A_14 : i1 to i32
    %sign3A_16 = arith.subi %sign3A_12, %sign3A_15 : i32
    %sign3A_17 = arith.constant 0 : i32
    %sign3A_18 = arith.cmpi sgt, %jit3A, %sign3A_17 : i32
    %sign3A_19 = arith.extui %sign3A_18 : i1 to i32
    %sign3A_20 = arith.constant 0 : i32
    %sign3A_21 = arith.cmpi slt, %jit3A, %sign3A_20 : i32
    %sign3A_22 = arith.extui %sign3A_21 : i1 to i32
    %sign3A_23 = arith.subi %sign3A_19, %sign3A_22 : i32
    %ne3A = arith.cmpi ne, %sign3A_16, %sign3A_23 : i32
    %rem3A = arith.remsi %mul3A_10, %jit3A : i32
    %ne3A_24 = arith.constant 0 : i32
    %ne3A_25 = arith.cmpi ne, %rem3A, %ne3A_24 : i32
    %and3A = arith.andi %ne3A, %ne3A_25 : i1
    %sub3A = arith.constant 1 : i32
    %sub3A_26 = arith.subi %div3A, %sub3A : i32
    %select_n3A = arith.select %and3A, %sub3A_26, %div3A : i32
    %run_scoped3A = arith.constant 0 : i32
    "tpu.region"() ({
      %run_scoped3A_618 = tpu.sem_alloc : memref<!tpu.dma_semaphore, #tpu.memory_space<semaphore_mem>>
      %dma_start3A_619 = arith.constant 0 : i32
      %dma_start3A_620 = tpu.memref_slice %arg2[%run_scoped3A, %select_n3A, %dma_start3A_619] : memref<2x1280x128xf32, #tpu.memory_space<hbm>> -> memref<1x80x128xf32, #tpu.memory_space<hbm>>
      %dma_start3A_621 = tpu.memref_squeeze %dma_start3A_620 : memref<1x80x128xf32, #tpu.memory_space<hbm>> -> memref<80x128xf32, #tpu.memory_space<hbm>>
      %dma_start3A_622 = arith.constant 0 : i32
      %dma_start3A_623 = tpu.memref_slice %arg2[%run_scoped3A, %select_n3A, %dma_start3A_622] : memref<2x1280x128xf32, #tpu.memory_space<hbm>> -> memref<1x80x128xf32, #tpu.memory_space<hbm>>
      %dma_start3A_624 = tpu.memref_squeeze %dma_start3A_623 : memref<1x80x128xf32, #tpu.memory_space<hbm>> -> memref<80x128xf32, #tpu.memory_space<hbm>>
      tpu.enqueue_dma source(%dma_start3A_624 : memref<80x128xf32, #tpu.memory_space<hbm>>) target(%arg18 : memref<80x128xf32, #tpu.memory_space<vmem>>) target_semaphore(%run_scoped3A_618 : memref<!tpu.dma_semaphore, #tpu.memory_space<semaphore_mem>>)
      %dma_wait3A_625 = arith.constant 0 : i32
      %dma_wait3A_626 = tpu.memref_slice %arg2[%run_scoped3A, %select_n3A, %dma_wait3A_625] : memref<2x1280x128xf32, #tpu.memory_space<hbm>> -> memref<1x80x128xf32, #tpu.memory_space<hbm>>
      %dma_wait3A_627 = tpu.memref_squeeze %dma_wait3A_626 : memref<1x80x128xf32, #tpu.memory_space<hbm>> -> memref<80x128xf32, #tpu.memory_space<hbm>>
      %dma_wait3A_628 = arith.constant 0 : i32
      %dma_wait3A_629 = tpu.memref_slice %arg2[%run_scoped3A, %select_n3A, %dma_wait3A_628] : memref<2x1280x128xf32, #tpu.memory_space<hbm>> -> memref<1x80x128xf32, #tpu.memory_space<hbm>>
      %dma_wait3A_630 = tpu.memref_squeeze %dma_wait3A_629 : memref<1x80x128xf32, #tpu.memory_space<hbm>> -> memref<80x128xf32, #tpu.memory_space<hbm>>
      tpu.wait_dma2 semaphore(%run_scoped3A_618 : memref<!tpu.dma_semaphore, #tpu.memory_space<semaphore_mem>>) src(%dma_wait3A_630 : memref<80x128xf32, #tpu.memory_space<hbm>>) dst(%arg18 : memref<80x128xf32, #tpu.memory_space<vmem>>)
      tpu.yield
    }) : () -> ()
    %mul3A_27 = arith.constant 640 : i32
    %mul3A_28 = arith.muli %arg1, %mul3A_27 : i32
    %jit3A_29 = arith.constant 8 : i32
    %div3A_30 = arith.divsi %mul3A_28, %jit3A_29 : i32
    %sign3A_31 = arith.constant 0 : i32
    %sign3A_32 = arith.cmpi sgt, %mul3A_28, %sign3A_31 : i32
    %sign3A_33 = arith.extui %sign3A_32 : i1 to i32
    %sign3A_34 = arith.constant 0 : i32
    %sign3A_35 = arith.cmpi slt, %mul3A_28, %sign3A_34 : i32
    %sign3A_36 = arith.extui %sign3A_35 : i1 to i32
    %sign3A_37 = arith.subi %sign3A_33, %sign3A_36 : i32
    %sign3A_38 = arith.constant 0 : i32
    %sign3A_39 = arith.cmpi sgt, %jit3A_29, %sign3A_38 : i32
    %sign3A_40 = arith.extui %sign3A_39 : i1 to i32
    %sign3A_41 = arith.constant 0 : i32
    %sign3A_42 = arith.cmpi slt, %jit3A_29, %sign3A_41 : i32
    %sign3A_43 = arith.extui %sign3A_42 : i1 to i32
    %sign3A_44 = arith.subi %sign3A_40, %sign3A_43 : i32
    %ne3A_45 = arith.cmpi ne, %sign3A_37, %sign3A_44 : i32
    %rem3A_46 = arith.remsi %mul3A_28, %jit3A_29 : i32
    %ne3A_47 = arith.constant 0 : i32
    %ne3A_48 = arith.cmpi ne, %rem3A_46, %ne3A_47 : i32
    %and3A_49 = arith.andi %ne3A_45, %ne3A_48 : i1
    %sub3A_50 = arith.constant 1 : i32
    %sub3A_51 = arith.subi %div3A_30, %sub3A_50 : i32
    %select_n3A_52 = arith.select %and3A_49, %sub3A_51, %div3A_30 : i32
    %run_scoped3A_53 = arith.constant 1 : i32
    "tpu.region"() ({
      %run_scoped3A_618 = tpu.sem_alloc : memref<!tpu.dma_semaphore, #tpu.memory_space<semaphore_mem>>
      %dma_start3A_619 = arith.constant 0 : i32
      %dma_start3A_620 = tpu.memref_slice %arg2[%run_scoped3A_53, %select_n3A_52, %dma_start3A_619] : memref<2x1280x128xf32, #tpu.memory_space<hbm>> -> memref<1x80x128xf32, #tpu.memory_space<hbm>>
      %dma_start3A_621 = tpu.memref_squeeze %dma_start3A_620 : memref<1x80x128xf32, #tpu.memory_space<hbm>> -> memref<80x128xf32, #tpu.memory_space<hbm>>
      %dma_start3A_622 = arith.constant 0 : i32
      %dma_start3A_623 = tpu.memref_slice %arg2[%run_scoped3A_53, %select_n3A_52, %dma_start3A_622] : memref<2x1280x128xf32, #tpu.memory_space<hbm>> -> memref<1x80x128xf32, #tpu.memory_space<hbm>>
      %dma_start3A_624 = tpu.memref_squeeze %dma_start3A_623 : memref<1x80x128xf32, #tpu.memory_space<hbm>> -> memref<80x128xf32, #tpu.memory_space<hbm>>
      tpu.enqueue_dma source(%dma_start3A_624 : memref<80x128xf32, #tpu.memory_space<hbm>>) target(%arg19 : memref<80x128xf32, #tpu.memory_space<vmem>>) target_semaphore(%run_scoped3A_618 : memref<!tpu.dma_semaphore, #tpu.memory_space<semaphore_mem>>)
      %dma_wait3A_625 = arith.constant 0 : i32
      %dma_wait3A_626 = tpu.memref_slice %arg2[%run_scoped3A_53, %select_n3A_52, %dma_wait3A_625] : memref<2x1280x128xf32, #tpu.memory_space<hbm>> -> memref<1x80x128xf32, #tpu.memory_space<hbm>>
      %dma_wait3A_627 = tpu.memref_squeeze %dma_wait3A_626 : memref<1x80x128xf32, #tpu.memory_space<hbm>> -> memref<80x128xf32, #tpu.memory_space<hbm>>
      %dma_wait3A_628 = arith.constant 0 : i32
      %dma_wait3A_629 = tpu.memref_slice %arg2[%run_scoped3A_53, %select_n3A_52, %dma_wait3A_628] : memref<2x1280x128xf32, #tpu.memory_space<hbm>> -> memref<1x80x128xf32, #tpu.memory_space<hbm>>
      %dma_wait3A_630 = tpu.memref_squeeze %dma_wait3A_629 : memref<1x80x128xf32, #tpu.memory_space<hbm>> -> memref<80x128xf32, #tpu.memory_space<hbm>>
      tpu.wait_dma2 semaphore(%run_scoped3A_618 : memref<!tpu.dma_semaphore, #tpu.memory_space<semaphore_mem>>) src(%dma_wait3A_630 : memref<80x128xf32, #tpu.memory_space<hbm>>) dst(%arg19 : memref<80x128xf32, #tpu.memory_space<vmem>>)
      tpu.yield
    }) : () -> ()
    %scan3A_54 = arith.constant 0 : i32
    %scan3A_55 = arith.constant 0 : i32
    %scan3A_56 = arith.constant 80 : i32
    %scan3A_57 = arith.addi %scan3A_55, %scan3A_56 : i32
    %scan3A_58 = arith.constant 1 : i32
    %scan3A_59 = scf.for %scan3A_618 = %scan3A_55 to %scan3A_57 step %scan3A_58 iter_args(%scan3A_619 = %scan3A_54) -> (i32)  : i32 {
      %get3A = arith.index_cast %scan3A_618 : i32 to index
      %get3A_620 = arith.constant 0 : index
      %get3A_621 = tpu.vector_load %arg18[%get3A, %get3A_620] {strides = array<i32>} : memref<80x128xf32, #tpu.memory_space<vmem>>, vector<16xf32>,
      %get3A_622 = arith.index_cast %scan3A_618 : i32 to index
      %get3A_623 = arith.constant 0 : index
      %get3A_624 = tpu.vector_load %arg19[%get3A_622, %get3A_623] {strides = array<i32>} : memref<80x128xf32, #tpu.memory_space<vmem>>, vector<16xf32>,
      %add3A_625 = arith.addf %get3A_621, %get3A_624 : vector<16xf32>
      %max3A = arith.constant 0.000000e+00 : f32
      %max3A_626 = vector.broadcast %max3A : f32 to vector<16xf32>
      %max3A_627 = arith.maximumf %add3A_625, %max3A_626 : vector<16xf32>
      %mul3A_628 = arith.constant 8 : i32
      %mul3A_629 = arith.muli %scan3A_618, %mul3A_628 : i32
      %add3A_630 = arith.constant 0 : i32
      %add3A_631 = arith.addi %mul3A_629, %add3A_630 : i32
      %swap3A = arith.index_cast %add3A_631 : i32 to index
      %swap3A_632 = arith.constant 0 : index
      %swap3A_633 = tpu.vector_load %arg17[%swap3A, %swap3A_632] {strides = array<i32>} : memref<640x16xf32, #tpu.memory_space<vmem>>, vector<16xf32>,
      tpu.vector_store %arg17[%swap3A, %swap3A_632], %max3A_627 {strides = array<i32>} : memref<640x16xf32, #tpu.memory_space<vmem>>, vector<16xf32>,
      %get3A_634 = arith.index_cast %scan3A_618 : i32 to index
      %get3A_635 = arith.constant 16 : index
      %get3A_636 = tpu.vector_load %arg18[%get3A_634, %get3A_635] {strides = array<i32>} : memref<80x128xf32, #tpu.memory_space<vmem>>, vector<16xf32>,
      %get3A_637 = arith.index_cast %scan3A_618 : i32 to index
      %get3A_638 = arith.constant 16 : index
      %get3A_639 = tpu.vector_load %arg19[%get3A_637, %get3A_638] {strides = array<i32>} : memref<80x128xf32, #tpu.memory_space<vmem>>, vector<16xf32>,
      %add3A_640 = arith.addf %get3A_636, %get3A_639 : vector<16xf32>
      %max3A_641 = arith.constant 0.000000e+00 : f32
      %max3A_642 = vector.broadcast %max3A_641 : f32 to vector<16xf32>
      %max3A_643 = arith.maximumf %add3A_640, %max3A_642 : vector<16xf32>
      %mul3A_644 = arith.constant 8 : i32
      %mul3A_645 = arith.muli %scan3A_618, %mul3A_644 : i32
      %add3A_646 = arith.constant 1 : i32
      %add3A_647 = arith.addi %mul3A_645, %add3A_646 : i32
      %swap3A_648 = arith.index_cast %add3A_647 : i32 to index
      %swap3A_649 = arith.constant 0 : index
      %swap3A_650 = tpu.vector_load %arg17[%swap3A_648, %swap3A_649] {strides = array<i32>} : memref<640x16xf32, #tpu.memory_space<vmem>>, vector<16xf32>,
      tpu.vector_store %arg17[%swap3A_648, %swap3A_649], %max3A_643 {strides = array<i32>} : memref<640x16xf32, #tpu.memory_space<vmem>>, vector<16xf32>,
      %get3A_651 = arith.index_cast %scan3A_618 : i32 to index
      %get3A_652 = arith.constant 32 : index
      %get3A_653 = tpu.vector_load %arg18[%get3A_651, %get3A_652] {strides = array<i32>} : memref<80x128xf32, #tpu.memory_space<vmem>>, vector<16xf32>,
      %get3A_654 = arith.index_cast %scan3A_618 : i32 to index
      %get3A_655 = arith.constant 32 : index
      %get3A_656 = tpu.vector_load %arg19[%get3A_654, %get3A_655] {strides = array<i32>} : memref<80x128xf32, #tpu.memory_space<vmem>>, vector<16xf32>,
      %add3A_657 = arith.addf %get3A_653, %get3A_656 : vector<16xf32>
      %max3A_658 = arith.constant 0.000000e+00 : f32
      %max3A_659 = vector.broadcast %max3A_658 : f32 to vector<16xf32>
      %max3A_660 = arith.maximumf %add3A_657, %max3A_659 : vector<16xf32>
      %mul3A_661 = arith.constant 8 : i32
      %mul3A_662 = arith.muli %scan3A_618, %mul3A_661 : i32
      %add3A_663 = arith.constant 2 : i32
      %add3A_664 = arith.addi %mul3A_662, %add3A_663 : i32
      %swap3A_665 = arith.index_cast %add3A_664 : i32 to index
      %swap3A_666 = arith.constant 0 : index
      %swap3A_667 = tpu.vector_load %arg17[%swap3A_665, %swap3A_666] {strides = array<i32>} : memref<640x16xf32, #tpu.memory_space<vmem>>, vector<16xf32>,
      tpu.vector_store %arg17[%swap3A_665, %swap3A_666], %max3A_660 {strides = array<i32>} : memref<640x16xf32, #tpu.memory_space<vmem>>, vector<16xf32>,
      %get3A_668 = arith.index_cast %scan3A_618 : i32 to index
      %get3A_669 = arith.constant 48 : index
      %get3A_670 = tpu.vector_load %arg18[%get3A_668, %get3A_669] {strides = array<i32>} : memref<80x128xf32, #tpu.memory_space<vmem>>, vector<16xf32>,
      %get3A_671 = arith.index_cast %scan3A_618 : i32 to index
      %get3A_672 = arith.constant 48 : index
      %get3A_673 = tpu.vector_load %arg19[%get3A_671, %get3A_672] {strides = array<i32>} : memref<80x128xf32, #tpu.memory_space<vmem>>, vector<16xf32>,
      %add3A_674 = arith.addf %get3A_670, %get3A_673 : vector<16xf32>
      %max3A_675 = arith.constant 0.000000e+00 : f32
      %max3A_676 = vector.broadcast %max3A_675 : f32 to vector<16xf32>
      %max3A_677 = arith.maximumf %add3A_674, %max3A_676 : vector<16xf32>
      %mul3A_678 = arith.constant 8 : i32
      %mul3A_679 = arith.muli %scan3A_618, %mul3A_678 : i32
      %add3A_680 = arith.constant 3 : i32
      %add3A_681 = arith.addi %mul3A_679, %add3A_680 : i32
      %swap3A_682 = arith.index_cast %add3A_681 : i32 to index
      %swap3A_683 = arith.constant 0 : index
      %swap3A_684 = tpu.vector_load %arg17[%swap3A_682, %swap3A_683] {strides = array<i32>} : memref<640x16xf32, #tpu.memory_space<vmem>>, vector<16xf32>,
      tpu.vector_store %arg17[%swap3A_682, %swap3A_683], %max3A_677 {strides = array<i32>} : memref<640x16xf32, #tpu.memory_space<vmem>>, vector<16xf32>,
      %get3A_685 = arith.index_cast %scan3A_618 : i32 to index
      %get3A_686 = arith.constant 64 : index
      %get3A_687 = tpu.vector_load %arg18[%get3A_685, %get3A_686] {strides = array<i32>} : memref<80x128xf32, #tpu.memory_space<vmem>>, vector<16xf32>,
      %get3A_688 = arith.index_cast %scan3A_618 : i32 to index
      %get3A_689 = arith.constant 64 : index
      %get3A_690 = tpu.vector_load %arg19[%get3A_688, %get3A_689] {strides = array<i32>} : memref<80x128xf32, #tpu.memory_space<vmem>>, vector<16xf32>,
      %add3A_691 = arith.addf %get3A_687, %get3A_690 : vector<16xf32>
      %max3A_692 = arith.constant 0.000000e+00 : f32
      %max3A_693 = vector.broadcast %max3A_692 : f32 to vector<16xf32>
      %max3A_694 = arith.maximumf %add3A_691, %max3A_693 : vector<16xf32>
      %mul3A_695 = arith.constant 8 : i32
      %mul3A_696 = arith.muli %scan3A_618, %mul3A_695 : i32
      %add3A_697 = arith.constant 4 : i32
      %add3A_698 = arith.addi %mul3A_696, %add3A_697 : i32
      %swap3A_699 = arith.index_cast %add3A_698 : i32 to index
      %swap3A_700 = arith.constant 0 : index
      %swap3A_701 = tpu.vector_load %arg17[%swap3A_699, %swap3A_700] {strides = array<i32>} : memref<640x16xf32, #tpu.memory_space<vmem>>, vector<16xf32>,
      tpu.vector_store %arg17[%swap3A_699, %swap3A_700], %max3A_694 {strides = array<i32>} : memref<640x16xf32, #tpu.memory_space<vmem>>, vector<16xf32>,
      %get3A_702 = arith.index_cast %scan3A_618 : i32 to index
      %get3A_703 = arith.constant 80 : index
      %get3A_704 = tpu.vector_load %arg18[%get3A_702, %get3A_703] {strides = array<i32>} : memref<80x128xf32, #tpu.memory_space<vmem>>, vector<16xf32>,
      %get3A_705 = arith.index_cast %scan3A_618 : i32 to index
      %get3A_706 = arith.constant 80 : index
      %get3A_707 = tpu.vector_load %arg19[%get3A_705, %get3A_706] {strides = array<i32>} : memref<80x128xf32, #tpu.memory_space<vmem>>, vector<16xf32>,
      %add3A_708 = arith.addf %get3A_704, %get3A_707 : vector<16xf32>
      %max3A_709 = arith.constant 0.000000e+00 : f32
      %max3A_710 = vector.broadcast %max3A_709 : f32 to vector<16xf32>
      %max3A_711 = arith.maximumf %add3A_708, %max3A_710 : vector<16xf32>
      %mul3A_712 = arith.constant 8 : i32
      %mul3A_713 = arith.muli %scan3A_618, %mul3A_712 : i32
      %add3A_714 = arith.constant 5 : i32
      %add3A_715 = arith.addi %mul3A_713, %add3A_714 : i32
      %swap3A_716 = arith.index_cast %add3A_715 : i32 to index
      %swap3A_717 = arith.constant 0 : index
      %swap3A_718 = tpu.vector_load %arg17[%swap3A_716, %swap3A_717] {strides = array<i32>} : memref<640x16xf32, #tpu.memory_space<vmem>>, vector<16xf32>,
      tpu.vector_store %arg17[%swap3A_716, %swap3A_717], %max3A_711 {strides = array<i32>} : memref<640x16xf32, #tpu.memory_space<vmem>>, vector<16xf32>,
      %get3A_719 = arith.index_cast %scan3A_618 : i32 to index
      %get3A_720 = arith.constant 96 : index
      %get3A_721 = tpu.vector_load %arg18[%get3A_719, %get3A_720] {strides = array<i32>} : memref<80x128xf32, #tpu.memory_space<vmem>>, vector<16xf32>,
      %get3A_722 = arith.index_cast %scan3A_618 : i32 to index
      %get3A_723 = arith.constant 96 : index
      %get3A_724 = tpu.vector_load %arg19[%get3A_722, %get3A_723] {strides = array<i32>} : memref<80x128xf32, #tpu.memory_space<vmem>>, vector<16xf32>,
      %add3A_725 = arith.addf %get3A_721, %get3A_724 : vector<16xf32>
      %max3A_726 = arith.constant 0.000000e+00 : f32
      %max3A_727 = vector.broadcast %max3A_726 : f32 to vector<16xf32>
      %max3A_728 = arith.maximumf %add3A_725, %max3A_727 : vector<16xf32>
      %mul3A_729 = arith.constant 8 : i32
      %mul3A_730 = arith.muli %scan3A_618, %mul3A_729 : i32
      %add3A_731 = arith.constant 6 : i32
      %add3A_732 = arith.addi %mul3A_730, %add3A_731 : i32
      %swap3A_733 = arith.index_cast %add3A_732 : i32 to index
      %swap3A_734 = arith.constant 0 : index
      %swap3A_735 = tpu.vector_load %arg17[%swap3A_733, %swap3A_734] {strides = array<i32>} : memref<640x16xf32, #tpu.memory_space<vmem>>, vector<16xf32>,
      tpu.vector_store %arg17[%swap3A_733, %swap3A_734], %max3A_728 {strides = array<i32>} : memref<640x16xf32, #tpu.memory_space<vmem>>, vector<16xf32>,
      %get3A_736 = arith.index_cast %scan3A_618 : i32 to index
      %get3A_737 = arith.constant 112 : index
      %get3A_738 = tpu.vector_load %arg18[%get3A_736, %get3A_737] {strides = array<i32>} : memref<80x128xf32, #tpu.memory_space<vmem>>, vector<16xf32>,
      %get3A_739 = arith.index_cast %scan3A_618 : i32 to index
      %get3A_740 = arith.constant 112 : index
      %get3A_741 = tpu.vector_load %arg19[%get3A_739, %get3A_740] {strides = array<i32>} : memref<80x128xf32, #tpu.memory_space<vmem>>, vector<16xf32>,
      %add3A_742 = arith.addf %get3A_738, %get3A_741 : vector<16xf32>
      %max3A_743 = arith.constant 0.000000e+00 : f32
      %max3A_744 = vector.broadcast %max3A_743 : f32 to vector<16xf32>
      %max3A_745 = arith.maximumf %add3A_742, %max3A_744 : vector<16xf32>
      %mul3A_746 = arith.constant 8 : i32
      %mul3A_747 = arith.muli %scan3A_618, %mul3A_746 : i32
      %add3A_748 = arith.constant 7 : i32
      %add3A_749 = arith.addi %mul3A_747, %add3A_748 : i32
      %swap3A_750 = arith.index_cast %add3A_749 : i32 to index
      %swap3A_751 = arith.constant 0 : index
      %swap3A_752 = tpu.vector_load %arg17[%swap3A_750, %swap3A_751] {strides = array<i32>} : memref<640x16xf32, #tpu.memory_space<vmem>>, vector<16xf32>,
      tpu.vector_store %arg17[%swap3A_750, %swap3A_751], %max3A_745 {strides = array<i32>} : memref<640x16xf32, #tpu.memory_space<vmem>>, vector<16xf32>,
      %scan3A_753 = arith.constant 0 : i32
      scf.yield %scan3A_753 : i32
    }
    %scan3A_60 = arith.constant 80 : i32
    %mul3A_61 = arith.constant 640 : i32
    %mul3A_62 = arith.muli %arg1, %mul3A_61 : i32
    "tpu.region"() ({
      %run_scoped3A_618 = tpu.sem_alloc : memref<!tpu.dma_semaphore, #tpu.memory_space<semaphore_mem>>
      %dma_start3A_619 = arith.constant 0 : i32
      %dma_start3A_620 = tpu.memref_slice %arg22[%mul3A_62, %dma_start3A_619] : memref<10240x16xf32, #tpu.memory_space<vmem_shared>> -> memref<640x16xf32, #tpu.memory_space<vmem_shared>>
      %dma_start3A_621 = arith.constant 0 : i32
      %dma_start3A_622 = tpu.memref_slice %arg22[%mul3A_62, %dma_start3A_621] : memref<10240x16xf32, #tpu.memory_space<vmem_shared>> -> memref<640x16xf32, #tpu.memory_space<vmem_shared>>
      tpu.enqueue_dma source(%arg17 : memref<640x16xf32, #tpu.memory_space<vmem>>) target(%dma_start3A_622 : memref<640x16xf32, #tpu.memory_space<vmem_shared>>) target_semaphore(%run_scoped3A_618 : memref<!tpu.dma_semaphore, #tpu.memory_space<semaphore_mem>>)
      %dma_wait3A_623 = arith.constant 0 : i32
      %dma_wait3A_624 = tpu.memref_slice %arg22[%mul3A_62, %dma_wait3A_623] : memref<10240x16xf32, #tpu.memory_space<vmem_shared>> -> memref<640x16xf32, #tpu.memory_space<vmem_shared>>
      %dma_wait3A_625 = arith.constant 0 : i32
      %dma_wait3A_626 = tpu.memref_slice %arg22[%mul3A_62, %dma_wait3A_625] : memref<10240x16xf32, #tpu.memory_space<vmem_shared>> -> memref<640x16xf32, #tpu.memory_space<vmem_shared>>
      tpu.wait_dma2 semaphore(%run_scoped3A_618 : memref<!tpu.dma_semaphore, #tpu.memory_space<semaphore_mem>>) src(%arg17 : memref<640x16xf32, #tpu.memory_space<vmem>>) dst(%dma_wait3A_626 : memref<640x16xf32, #tpu.memory_space<vmem_shared>>)
      tpu.yield
    }) : () -> ()
    %run_scoped3A_63 = arith.constant 1 : i32
    "tpu.region"() ({
      %run_scoped3A_618 = tpu.sem_alloc : memref<!tpu.dma_semaphore, #tpu.memory_space<semaphore_mem>>
      %dma_start3A_619 = arith.constant 0 : i32
      %dma_start3A_620 = arith.constant 0 : i32
      %dma_start3A_621 = tpu.memref_slice %arg3[%run_scoped3A_63, %add3A, %dma_start3A_619, %dma_start3A_620] : memref<2x32x125x80xi32, #tpu.memory_space<hbm>> -> memref<1x1x125x80xi32, #tpu.memory_space<hbm>>
      %dma_start3A_622 = tpu.memref_squeeze %dma_start3A_621 : memref<1x1x125x80xi32, #tpu.memory_space<hbm>> -> memref<125x80xi32, #tpu.memory_space<hbm>>
      %dma_start3A_623 = arith.constant 0 : i32
      %dma_start3A_624 = arith.constant 0 : i32
      %dma_start3A_625 = tpu.memref_slice %arg3[%run_scoped3A_63, %add3A, %dma_start3A_623, %dma_start3A_624] : memref<2x32x125x80xi32, #tpu.memory_space<hbm>> -> memref<1x1x125x80xi32, #tpu.memory_space<hbm>>
      %dma_start3A_626 = tpu.memref_squeeze %dma_start3A_625 : memref<1x1x125x80xi32, #tpu.memory_space<hbm>> -> memref<125x80xi32, #tpu.memory_space<hbm>>
      tpu.enqueue_dma source(%dma_start3A_626 : memref<125x80xi32, #tpu.memory_space<hbm>>) target(%arg5 : memref<125x80xi32, #tpu.memory_space<vmem>>) target_semaphore(%run_scoped3A_618 : memref<!tpu.dma_semaphore, #tpu.memory_space<semaphore_mem>>)
      %dma_wait3A_627 = arith.constant 0 : i32
      %dma_wait3A_628 = arith.constant 0 : i32
      %dma_wait3A_629 = tpu.memref_slice %arg3[%run_scoped3A_63, %add3A, %dma_wait3A_627, %dma_wait3A_628] : memref<2x32x125x80xi32, #tpu.memory_space<hbm>> -> memref<1x1x125x80xi32, #tpu.memory_space<hbm>>
      %dma_wait3A_630 = tpu.memref_squeeze %dma_wait3A_629 : memref<1x1x125x80xi32, #tpu.memory_space<hbm>> -> memref<125x80xi32, #tpu.memory_space<hbm>>
      %dma_wait3A_631 = arith.constant 0 : i32
      %dma_wait3A_632 = arith.constant 0 : i32
      %dma_wait3A_633 = tpu.memref_slice %arg3[%run_scoped3A_63, %add3A, %dma_wait3A_631, %dma_wait3A_632] : memref<2x32x125x80xi32, #tpu.memory_space<hbm>> -> memref<1x1x125x80xi32, #tpu.memory_space<hbm>>
      %dma_wait3A_634 = tpu.memref_squeeze %dma_wait3A_633 : memref<1x1x125x80xi32, #tpu.memory_space<hbm>> -> memref<125x80xi32, #tpu.memory_space<hbm>>
      tpu.wait_dma2 semaphore(%run_scoped3A_618 : memref<!tpu.dma_semaphore, #tpu.memory_space<semaphore_mem>>) src(%dma_wait3A_634 : memref<125x80xi32, #tpu.memory_space<hbm>>) dst(%arg5 : memref<125x80xi32, #tpu.memory_space<vmem>>)
      tpu.yield
    }) : () -> ()
    %run_scoped3A_64 = arith.constant 0 : i32
    "tpu.region"() ({
      %run_scoped3A_618 = tpu.sem_alloc : memref<!tpu.dma_semaphore, #tpu.memory_space<semaphore_mem>>
      %dma_start3A_619 = arith.constant 0 : i32
      %dma_start3A_620 = arith.constant 0 : i32
      %dma_start3A_621 = tpu.memref_slice %arg3[%run_scoped3A_64, %add3A, %dma_start3A_619, %dma_start3A_620] : memref<2x32x125x80xi32, #tpu.memory_space<hbm>> -> memref<1x1x125x80xi32, #tpu.memory_space<hbm>>
      %dma_start3A_622 = tpu.memref_squeeze %dma_start3A_621 : memref<1x1x125x80xi32, #tpu.memory_space<hbm>> -> memref<125x80xi32, #tpu.memory_space<hbm>>
      %dma_start3A_623 = arith.constant 0 : i32
      %dma_start3A_624 = arith.constant 0 : i32
      %dma_start3A_625 = tpu.memref_slice %arg3[%run_scoped3A_64, %add3A, %dma_start3A_623, %dma_start3A_624] : memref<2x32x125x80xi32, #tpu.memory_space<hbm>> -> memref<1x1x125x80xi32, #tpu.memory_space<hbm>>
      %dma_start3A_626 = tpu.memref_squeeze %dma_start3A_625 : memref<1x1x125x80xi32, #tpu.memory_space<hbm>> -> memref<125x80xi32, #tpu.memory_space<hbm>>
      tpu.enqueue_dma source(%dma_start3A_626 : memref<125x80xi32, #tpu.memory_space<hbm>>) target(%arg6 : memref<125x80xi32, #tpu.memory_space<vmem>>) target_semaphore(%run_scoped3A_618 : memref<!tpu.dma_semaphore, #tpu.memory_space<semaphore_mem>>)
      %dma_wait3A_627 = arith.constant 0 : i32
      %dma_wait3A_628 = arith.constant 0 : i32
      %dma_wait3A_629 = tpu.memref_slice %arg3[%run_scoped3A_64, %add3A, %dma_wait3A_627, %dma_wait3A_628] : memref<2x32x125x80xi32, #tpu.memory_space<hbm>> -> memref<1x1x125x80xi32, #tpu.memory_space<hbm>>
      %dma_wait3A_630 = tpu.memref_squeeze %dma_wait3A_629 : memref<1x1x125x80xi32, #tpu.memory_space<hbm>> -> memref<125x80xi32, #tpu.memory_space<hbm>>
      %dma_wait3A_631 = arith.constant 0 : i32
      %dma_wait3A_632 = arith.constant 0 : i32
      %dma_wait3A_633 = tpu.memref_slice %arg3[%run_scoped3A_64, %add3A, %dma_wait3A_631, %dma_wait3A_632] : memref<2x32x125x80xi32, #tpu.memory_space<hbm>> -> memref<1x1x125x80xi32, #tpu.memory_space<hbm>>
      %dma_wait3A_634 = tpu.memref_squeeze %dma_wait3A_633 : memref<1x1x125x80xi32, #tpu.memory_space<hbm>> -> memref<125x80xi32, #tpu.memory_space<hbm>>
      tpu.wait_dma2 semaphore(%run_scoped3A_618 : memref<!tpu.dma_semaphore, #tpu.memory_space<semaphore_mem>>) src(%dma_wait3A_634 : memref<125x80xi32, #tpu.memory_space<hbm>>) dst(%arg6 : memref<125x80xi32, #tpu.memory_space<vmem>>)
      tpu.yield
    }) : () -> ()
    %barrier3A = arith.constant 0 : index
    tpu.barrier barrier_id(%barrier3A)
    %dma_start3A = arith.constant 0 : i32
    %dma_start3A_65 = arith.constant 0 : i32
    %dma_start3A_66 = tpu.memref_slice %arg5[%dma_start3A, %dma_start3A_65] : memref<125x80xi32, #tpu.memory_space<vmem>> -> memref<1x80xi32, #tpu.memory_space<vmem>>
    %dma_start3A_67 = tpu.memref_squeeze %dma_start3A_66 : memref<1x80xi32, #tpu.memory_space<vmem>> -> memref<80xi32, #tpu.memory_space<vmem>>
    %dma_start3A_68 = arith.constant 0 : i32
    %dma_start3A_69 = arith.constant 0 : i32
    %dma_start3A_70 = tpu.memref_slice %arg22[%dma_start3A_68, %dma_start3A_69] : memref<10240x16xf32, #tpu.memory_space<vmem_shared>> -> memref<10240x16xf32, #tpu.memory_space<vmem_shared>>
    tpu.enqueue_indirect_dma source(%dma_start3A_70 : memref<10240x16xf32, #tpu.memory_space<vmem_shared>>) target(%arg7 : memref<80x16xf32, #tpu.memory_space<vmem>>) offsets(%dma_start3A_67 : memref<80xi32, #tpu.memory_space<vmem>>) semaphore(%arg23 : memref<!tpu.dma_semaphore, #tpu.memory_space<semaphore_mem>>)
    %dma_start3A_71 = arith.constant 1 : i32
    %dma_start3A_72 = arith.constant 0 : i32
    %dma_start3A_73 = tpu.memref_slice %arg5[%dma_start3A_71, %dma_start3A_72] : memref<125x80xi32, #tpu.memory_space<vmem>> -> memref<1x80xi32, #tpu.memory_space<vmem>>
    %dma_start3A_74 = tpu.memref_squeeze %dma_start3A_73 : memref<1x80xi32, #tpu.memory_space<vmem>> -> memref<80xi32, #tpu.memory_space<vmem>>
    %dma_start3A_75 = arith.constant 0 : i32
    %dma_start3A_76 = arith.constant 0 : i32
    %dma_start3A_77 = tpu.memref_slice %arg22[%dma_start3A_75, %dma_start3A_76] : memref<10240x16xf32, #tpu.memory_space<vmem_shared>> -> memref<10240x16xf32, #tpu.memory_space<vmem_shared>>
    tpu.enqueue_indirect_dma source(%dma_start3A_77 : memref<10240x16xf32, #tpu.memory_space<vmem_shared>>) target(%arg8 : memref<80x16xf32, #tpu.memory_space<vmem>>) offsets(%dma_start3A_74 : memref<80xi32, #tpu.memory_space<vmem>>) semaphore(%arg23 : memref<!tpu.dma_semaphore, #tpu.memory_space<semaphore_mem>>)
    %dma_start3A_78 = arith.constant 2 : i32
    %dma_start3A_79 = arith.constant 0 : i32
    %dma_start3A_80 = tpu.memref_slice %arg5[%dma_start3A_78, %dma_start3A_79] : memref<125x80xi32, #tpu.memory_space<vmem>> -> memref<1x80xi32, #tpu.memory_space<vmem>>
    %dma_start3A_81 = tpu.memref_squeeze %dma_start3A_80 : memref<1x80xi32, #tpu.memory_space<vmem>> -> memref<80xi32, #tpu.memory_space<vmem>>
    %dma_start3A_82 = arith.constant 0 : i32
    %dma_start3A_83 = arith.constant 0 : i32
    %dma_start3A_84 = tpu.memref_slice %arg22[%dma_start3A_82, %dma_start3A_83] : memref<10240x16xf32, #tpu.memory_space<vmem_shared>> -> memref<10240x16xf32, #tpu.memory_space<vmem_shared>>
    tpu.enqueue_indirect_dma source(%dma_start3A_84 : memref<10240x16xf32, #tpu.memory_space<vmem_shared>>) target(%arg9 : memref<80x16xf32, #tpu.memory_space<vmem>>) offsets(%dma_start3A_81 : memref<80xi32, #tpu.memory_space<vmem>>) semaphore(%arg23 : memref<!tpu.dma_semaphore, #tpu.memory_space<semaphore_mem>>)
    %dma_start3A_85 = arith.constant 3 : i32
    %dma_start3A_86 = arith.constant 0 : i32
    %dma_start3A_87 = tpu.memref_slice %arg5[%dma_start3A_85, %dma_start3A_86] : memref<125x80xi32, #tpu.memory_space<vmem>> -> memref<1x80xi32, #tpu.memory_space<vmem>>
    %dma_start3A_88 = tpu.memref_squeeze %dma_start3A_87 : memref<1x80xi32, #tpu.memory_space<vmem>> -> memref<80xi32, #tpu.memory_space<vmem>>
    %dma_start3A_89 = arith.constant 0 : i32
    %dma_start3A_90 = arith.constant 0 : i32
    %dma_start3A_91 = tpu.memref_slice %arg22[%dma_start3A_89, %dma_start3A_90] : memref<10240x16xf32, #tpu.memory_space<vmem_shared>> -> memref<10240x16xf32, #tpu.memory_space<vmem_shared>>
    tpu.enqueue_indirect_dma source(%dma_start3A_91 : memref<10240x16xf32, #tpu.memory_space<vmem_shared>>) target(%arg10 : memref<80x16xf32, #tpu.memory_space<vmem>>) offsets(%dma_start3A_88 : memref<80xi32, #tpu.memory_space<vmem>>) semaphore(%arg23 : memref<!tpu.dma_semaphore, #tpu.memory_space<semaphore_mem>>)
    %dma_start3A_92 = arith.constant 4 : i32
    %dma_start3A_93 = arith.constant 0 : i32
    %dma_start3A_94 = tpu.memref_slice %arg5[%dma_start3A_92, %dma_start3A_93] : memref<125x80xi32, #tpu.memory_space<vmem>> -> memref<1x80xi32, #tpu.memory_space<vmem>>
    %dma_start3A_95 = tpu.memref_squeeze %dma_start3A_94 : memref<1x80xi32, #tpu.memory_space<vmem>> -> memref<80xi32, #tpu.memory_space<vmem>>
    %dma_start3A_96 = arith.constant 0 : i32
    %dma_start3A_97 = arith.constant 0 : i32
    %dma_start3A_98 = tpu.memref_slice %arg22[%dma_start3A_96, %dma_start3A_97] : memref<10240x16xf32, #tpu.memory_space<vmem_shared>> -> memref<10240x16xf32, #tpu.memory_space<vmem_shared>>
    tpu.enqueue_indirect_dma source(%dma_start3A_98 : memref<10240x16xf32, #tpu.memory_space<vmem_shared>>) target(%arg11 : memref<80x16xf32, #tpu.memory_space<vmem>>) offsets(%dma_start3A_95 : memref<80xi32, #tpu.memory_space<vmem>>) semaphore(%arg23 : memref<!tpu.dma_semaphore, #tpu.memory_space<semaphore_mem>>)
    %dma_start3A_99 = arith.constant 5 : i32
    %dma_start3A_100 = arith.constant 0 : i32
    %dma_start3A_101 = tpu.memref_slice %arg5[%dma_start3A_99, %dma_start3A_100] : memref<125x80xi32, #tpu.memory_space<vmem>> -> memref<1x80xi32, #tpu.memory_space<vmem>>
    %dma_start3A_102 = tpu.memref_squeeze %dma_start3A_101 : memref<1x80xi32, #tpu.memory_space<vmem>> -> memref<80xi32, #tpu.memory_space<vmem>>
    %dma_start3A_103 = arith.constant 0 : i32
    %dma_start3A_104 = arith.constant 0 : i32
    %dma_start3A_105 = tpu.memref_slice %arg22[%dma_start3A_103, %dma_start3A_104] : memref<10240x16xf32, #tpu.memory_space<vmem_shared>> -> memref<10240x16xf32, #tpu.memory_space<vmem_shared>>
    tpu.enqueue_indirect_dma source(%dma_start3A_105 : memref<10240x16xf32, #tpu.memory_space<vmem_shared>>) target(%arg12 : memref<80x16xf32, #tpu.memory_space<vmem>>) offsets(%dma_start3A_102 : memref<80xi32, #tpu.memory_space<vmem>>) semaphore(%arg24 : memref<!tpu.dma_semaphore, #tpu.memory_space<semaphore_mem>>)
    %dma_start3A_106 = arith.constant 6 : i32
    %dma_start3A_107 = arith.constant 0 : i32
    %dma_start3A_108 = tpu.memref_slice %arg5[%dma_start3A_106, %dma_start3A_107] : memref<125x80xi32, #tpu.memory_space<vmem>> -> memref<1x80xi32, #tpu.memory_space<vmem>>
    %dma_start3A_109 = tpu.memref_squeeze %dma_start3A_108 : memref<1x80xi32, #tpu.memory_space<vmem>> -> memref<80xi32, #tpu.memory_space<vmem>>
    %dma_start3A_110 = arith.constant 0 : i32
    %dma_start3A_111 = arith.constant 0 : i32
    %dma_start3A_112 = tpu.memref_slice %arg22[%dma_start3A_110, %dma_start3A_111] : memref<10240x16xf32, #tpu.memory_space<vmem_shared>> -> memref<10240x16xf32, #tpu.memory_space<vmem_shared>>
    tpu.enqueue_indirect_dma source(%dma_start3A_112 : memref<10240x16xf32, #tpu.memory_space<vmem_shared>>) target(%arg13 : memref<80x16xf32, #tpu.memory_space<vmem>>) offsets(%dma_start3A_109 : memref<80xi32, #tpu.memory_space<vmem>>) semaphore(%arg24 : memref<!tpu.dma_semaphore, #tpu.memory_space<semaphore_mem>>)
    %dma_start3A_113 = arith.constant 7 : i32
    %dma_start3A_114 = arith.constant 0 : i32
    %dma_start3A_115 = tpu.memref_slice %arg5[%dma_start3A_113, %dma_start3A_114] : memref<125x80xi32, #tpu.memory_space<vmem>> -> memref<1x80xi32, #tpu.memory_space<vmem>>
    %dma_start3A_116 = tpu.memref_squeeze %dma_start3A_115 : memref<1x80xi32, #tpu.memory_space<vmem>> -> memref<80xi32, #tpu.memory_space<vmem>>
    %dma_start3A_117 = arith.constant 0 : i32
    %dma_start3A_118 = arith.constant 0 : i32
    %dma_start3A_119 = tpu.memref_slice %arg22[%dma_start3A_117, %dma_start3A_118] : memref<10240x16xf32, #tpu.memory_space<vmem_shared>> -> memref<10240x16xf32, #tpu.memory_space<vmem_shared>>
    tpu.enqueue_indirect_dma source(%dma_start3A_119 : memref<10240x16xf32, #tpu.memory_space<vmem_shared>>) target(%arg14 : memref<80x16xf32, #tpu.memory_space<vmem>>) offsets(%dma_start3A_116 : memref<80xi32, #tpu.memory_space<vmem>>) semaphore(%arg24 : memref<!tpu.dma_semaphore, #tpu.memory_space<semaphore_mem>>)
    %dma_start3A_120 = arith.constant 8 : i32
    %dma_start3A_121 = arith.constant 0 : i32
    %dma_start3A_122 = tpu.memref_slice %arg5[%dma_start3A_120, %dma_start3A_121] : memref<125x80xi32, #tpu.memory_space<vmem>> -> memref<1x80xi32, #tpu.memory_space<vmem>>
    %dma_start3A_123 = tpu.memref_squeeze %dma_start3A_122 : memref<1x80xi32, #tpu.memory_space<vmem>> -> memref<80xi32, #tpu.memory_space<vmem>>
    %dma_start3A_124 = arith.constant 0 : i32
    %dma_start3A_125 = arith.constant 0 : i32
    %dma_start3A_126 = tpu.memref_slice %arg22[%dma_start3A_124, %dma_start3A_125] : memref<10240x16xf32, #tpu.memory_space<vmem_shared>> -> memref<10240x16xf32, #tpu.memory_space<vmem_shared>>
    tpu.enqueue_indirect_dma source(%dma_start3A_126 : memref<10240x16xf32, #tpu.memory_space<vmem_shared>>) target(%arg15 : memref<80x16xf32, #tpu.memory_space<vmem>>) offsets(%dma_start3A_123 : memref<80xi32, #tpu.memory_space<vmem>>) semaphore(%arg24 : memref<!tpu.dma_semaphore, #tpu.memory_space<semaphore_mem>>)
    %dma_start3A_127 = arith.constant 9 : i32
    %dma_start3A_128 = arith.constant 0 : i32
    %dma_start3A_129 = tpu.memref_slice %arg5[%dma_start3A_127, %dma_start3A_128] : memref<125x80xi32, #tpu.memory_space<vmem>> -> memref<1x80xi32, #tpu.memory_space<vmem>>
    %dma_start3A_130 = tpu.memref_squeeze %dma_start3A_129 : memref<1x80xi32, #tpu.memory_space<vmem>> -> memref<80xi32, #tpu.memory_space<vmem>>
    %dma_start3A_131 = arith.constant 0 : i32
    %dma_start3A_132 = arith.constant 0 : i32
    %dma_start3A_133 = tpu.memref_slice %arg22[%dma_start3A_131, %dma_start3A_132] : memref<10240x16xf32, #tpu.memory_space<vmem_shared>> -> memref<10240x16xf32, #tpu.memory_space<vmem_shared>>
    tpu.enqueue_indirect_dma source(%dma_start3A_133 : memref<10240x16xf32, #tpu.memory_space<vmem_shared>>) target(%arg16 : memref<80x16xf32, #tpu.memory_space<vmem>>) offsets(%dma_start3A_130 : memref<80xi32, #tpu.memory_space<vmem>>) semaphore(%arg24 : memref<!tpu.dma_semaphore, #tpu.memory_space<semaphore_mem>>)
    %scan3A_134 = arith.constant 0 : i32
    %scan3A_135 = arith.constant 0 : i32
    %scan3A_136 = arith.constant 0 : i32
    %scan3A_137 = arith.constant 0 : i32
    %scan3A_138 = arith.constant 11 : i32
    %scan3A_139 = arith.addi %scan3A_137, %scan3A_138 : i32
    %scan3A_140 = arith.constant 1 : i32
    %scan3A_141 = scf.for %scan3A_618 = %scan3A_137 to %scan3A_139 step %scan3A_140 iter_args(%scan3A_619 = %scan3A_136) -> (i32)  : i32 {
      %mul3A_620 = arith.constant 2 : i32
      %mul3A_621 = arith.muli %mul3A_620, %scan3A_618 : i32
      %dma_wait3A_622 = arith.constant 0 : i32
      %dma_wait3A_623 = arith.constant 0 : i32
      %dma_wait3A_624 = tpu.memref_slice %arg3[%scan3A_134, %scan3A_135, %dma_wait3A_622, %dma_wait3A_623] : memref<2x32x125x80xi32, #tpu.memory_space<hbm>> -> memref<1x1x16x80xi32, #tpu.memory_space<hbm>>
      %dma_wait3A_625 = tpu.memref_squeeze %dma_wait3A_624 : memref<1x1x16x80xi32, #tpu.memory_space<hbm>> -> memref<16x80xi32, #tpu.memory_space<hbm>>
      %dma_wait3A_626 = arith.constant 0 : i32
      %dma_wait3A_627 = arith.constant 0 : i32
      %dma_wait3A_628 = tpu.memref_slice %arg3[%scan3A_134, %scan3A_135, %dma_wait3A_626, %dma_wait3A_627] : memref<2x32x125x80xi32, #tpu.memory_space<hbm>> -> memref<1x1x16x80xi32, #tpu.memory_space<hbm>>
      %dma_wait3A_629 = tpu.memref_squeeze %dma_wait3A_628 : memref<1x1x16x80xi32, #tpu.memory_space<hbm>> -> memref<16x80xi32, #tpu.memory_space<hbm>>
      tpu.wait_dma2 semaphore(%arg23 : memref<!tpu.dma_semaphore, #tpu.memory_space<semaphore_mem>>) src(%dma_wait3A_629 : memref<16x80xi32, #tpu.memory_space<hbm>>) dst(%arg7 : memref<80x16xf32, #tpu.memory_space<vmem>>)
      %mul3A_630 = arith.constant 5 : i32
      %mul3A_631 = arith.muli %mul3A_621, %mul3A_630 : i32
      %add3A_632 = arith.constant 0 : i32
      %add3A_633 = arith.addi %mul3A_631, %add3A_632 : i32
      %dma_start3A_634 = arith.constant 0 : i32
      %dma_start3A_635 = tpu.memref_slice %arg6[%add3A_633, %dma_start3A_634] : memref<125x80xi32, #tpu.memory_space<vmem>> -> memref<1x80xi32, #tpu.memory_space<vmem>>
      %dma_start3A_636 = tpu.memref_squeeze %dma_start3A_635 : memref<1x80xi32, #tpu.memory_space<vmem>> -> memref<80xi32, #tpu.memory_space<vmem>>
      %dma_start3A_637 = arith.constant 0 : i32
      %dma_start3A_638 = arith.constant 0 : i32
      %dma_start3A_639 = tpu.memref_slice %arg21[%dma_start3A_637, %dma_start3A_638] : memref<10240x16xf32, #tpu.memory_space<vmem_shared>> -> memref<10240x16xf32, #tpu.memory_space<vmem_shared>>
      tpu.enqueue_indirect_dma source(%arg7 : memref<80x16xf32, #tpu.memory_space<vmem>>) target(%dma_start3A_639 : memref<10240x16xf32, #tpu.memory_space<vmem_shared>>) offsets(%dma_start3A_636 : memref<80xi32, #tpu.memory_space<vmem>>) semaphore(%arg25 : memref<!tpu.dma_semaphore, #tpu.memory_space<semaphore_mem>>) {add = true}
      %dma_wait3A_640 = arith.constant 0 : i32
      %dma_wait3A_641 = arith.constant 0 : i32
      %dma_wait3A_642 = tpu.memref_slice %arg3[%scan3A_134, %scan3A_135, %dma_wait3A_640, %dma_wait3A_641] : memref<2x32x125x80xi32, #tpu.memory_space<hbm>> -> memref<1x1x16x80xi32, #tpu.memory_space<hbm>>
      %dma_wait3A_643 = tpu.memref_squeeze %dma_wait3A_642 : memref<1x1x16x80xi32, #tpu.memory_space<hbm>> -> memref<16x80xi32, #tpu.memory_space<hbm>>
      %dma_wait3A_644 = arith.constant 0 : i32
      %dma_wait3A_645 = arith.constant 0 : i32
      %dma_wait3A_646 = tpu.memref_slice %arg3[%scan3A_134, %scan3A_135, %dma_wait3A_644, %dma_wait3A_645] : memref<2x32x125x80xi32, #tpu.memory_space<hbm>> -> memref<1x1x16x80xi32, #tpu.memory_space<hbm>>
      %dma_wait3A_647 = tpu.memref_squeeze %dma_wait3A_646 : memref<1x1x16x80xi32, #tpu.memory_space<hbm>> -> memref<16x80xi32, #tpu.memory_space<hbm>>
      tpu.wait_dma2 semaphore(%arg23 : memref<!tpu.dma_semaphore, #tpu.memory_space<semaphore_mem>>) src(%dma_wait3A_647 : memref<16x80xi32, #tpu.memory_space<hbm>>) dst(%arg8 : memref<80x16xf32, #tpu.memory_space<vmem>>)
      %mul3A_648 = arith.constant 5 : i32
      %mul3A_649 = arith.muli %mul3A_621, %mul3A_648 : i32
      %add3A_650 = arith.constant 1 : i32
      %add3A_651 = arith.addi %mul3A_649, %add3A_650 : i32
      %dma_start3A_652 = arith.constant 0 : i32
      %dma_start3A_653 = tpu.memref_slice %arg6[%add3A_651, %dma_start3A_652] : memref<125x80xi32, #tpu.memory_space<vmem>> -> memref<1x80xi32, #tpu.memory_space<vmem>>
      %dma_start3A_654 = tpu.memref_squeeze %dma_start3A_653 : memref<1x80xi32, #tpu.memory_space<vmem>> -> memref<80xi32, #tpu.memory_space<vmem>>
      %dma_start3A_655 = arith.constant 0 : i32
      %dma_start3A_656 = arith.constant 0 : i32
      %dma_start3A_657 = tpu.memref_slice %arg21[%dma_start3A_655, %dma_start3A_656] : memref<10240x16xf32, #tpu.memory_space<vmem_shared>> -> memref<10240x16xf32, #tpu.memory_space<vmem_shared>>
      tpu.enqueue_indirect_dma source(%arg8 : memref<80x16xf32, #tpu.memory_space<vmem>>) target(%dma_start3A_657 : memref<10240x16xf32, #tpu.memory_space<vmem_shared>>) offsets(%dma_start3A_654 : memref<80xi32, #tpu.memory_space<vmem>>) semaphore(%arg25 : memref<!tpu.dma_semaphore, #tpu.memory_space<semaphore_mem>>) {add = true}
      %dma_wait3A_658 = arith.constant 0 : i32
      %dma_wait3A_659 = arith.constant 0 : i32
      %dma_wait3A_660 = tpu.memref_slice %arg3[%scan3A_134, %scan3A_135, %dma_wait3A_658, %dma_wait3A_659] : memref<2x32x125x80xi32, #tpu.memory_space<hbm>> -> memref<1x1x16x80xi32, #tpu.memory_space<hbm>>
      %dma_wait3A_661 = tpu.memref_squeeze %dma_wait3A_660 : memref<1x1x16x80xi32, #tpu.memory_space<hbm>> -> memref<16x80xi32, #tpu.memory_space<hbm>>
      %dma_wait3A_662 = arith.constant 0 : i32
      %dma_wait3A_663 = arith.constant 0 : i32
      %dma_wait3A_664 = tpu.memref_slice %arg3[%scan3A_134, %scan3A_135, %dma_wait3A_662, %dma_wait3A_663] : memref<2x32x125x80xi32, #tpu.memory_space<hbm>> -> memref<1x1x16x80xi32, #tpu.memory_space<hbm>>
      %dma_wait3A_665 = tpu.memref_squeeze %dma_wait3A_664 : memref<1x1x16x80xi32, #tpu.memory_space<hbm>> -> memref<16x80xi32, #tpu.memory_space<hbm>>
      tpu.wait_dma2 semaphore(%arg23 : memref<!tpu.dma_semaphore, #tpu.memory_space<semaphore_mem>>) src(%dma_wait3A_665 : memref<16x80xi32, #tpu.memory_space<hbm>>) dst(%arg9 : memref<80x16xf32, #tpu.memory_space<vmem>>)
      %mul3A_666 = arith.constant 5 : i32
      %mul3A_667 = arith.muli %mul3A_621, %mul3A_666 : i32
      %add3A_668 = arith.constant 2 : i32
      %add3A_669 = arith.addi %mul3A_667, %add3A_668 : i32
      %dma_start3A_670 = arith.constant 0 : i32
      %dma_start3A_671 = tpu.memref_slice %arg6[%add3A_669, %dma_start3A_670] : memref<125x80xi32, #tpu.memory_space<vmem>> -> memref<1x80xi32, #tpu.memory_space<vmem>>
      %dma_start3A_672 = tpu.memref_squeeze %dma_start3A_671 : memref<1x80xi32, #tpu.memory_space<vmem>> -> memref<80xi32, #tpu.memory_space<vmem>>
      %dma_start3A_673 = arith.constant 0 : i32
      %dma_start3A_674 = arith.constant 0 : i32
      %dma_start3A_675 = tpu.memref_slice %arg21[%dma_start3A_673, %dma_start3A_674] : memref<10240x16xf32, #tpu.memory_space<vmem_shared>> -> memref<10240x16xf32, #tpu.memory_space<vmem_shared>>
      tpu.enqueue_indirect_dma source(%arg9 : memref<80x16xf32, #tpu.memory_space<vmem>>) target(%dma_start3A_675 : memref<10240x16xf32, #tpu.memory_space<vmem_shared>>) offsets(%dma_start3A_672 : memref<80xi32, #tpu.memory_space<vmem>>) semaphore(%arg25 : memref<!tpu.dma_semaphore, #tpu.memory_space<semaphore_mem>>) {add = true}
      %dma_wait3A_676 = arith.constant 0 : i32
      %dma_wait3A_677 = arith.constant 0 : i32
      %dma_wait3A_678 = tpu.memref_slice %arg3[%scan3A_134, %scan3A_135, %dma_wait3A_676, %dma_wait3A_677] : memref<2x32x125x80xi32, #tpu.memory_space<hbm>> -> memref<1x1x16x80xi32, #tpu.memory_space<hbm>>
      %dma_wait3A_679 = tpu.memref_squeeze %dma_wait3A_678 : memref<1x1x16x80xi32, #tpu.memory_space<hbm>> -> memref<16x80xi32, #tpu.memory_space<hbm>>
      %dma_wait3A_680 = arith.constant 0 : i32
      %dma_wait3A_681 = arith.constant 0 : i32
      %dma_wait3A_682 = tpu.memref_slice %arg3[%scan3A_134, %scan3A_135, %dma_wait3A_680, %dma_wait3A_681] : memref<2x32x125x80xi32, #tpu.memory_space<hbm>> -> memref<1x1x16x80xi32, #tpu.memory_space<hbm>>
      %dma_wait3A_683 = tpu.memref_squeeze %dma_wait3A_682 : memref<1x1x16x80xi32, #tpu.memory_space<hbm>> -> memref<16x80xi32, #tpu.memory_space<hbm>>
      tpu.wait_dma2 semaphore(%arg23 : memref<!tpu.dma_semaphore, #tpu.memory_space<semaphore_mem>>) src(%dma_wait3A_683 : memref<16x80xi32, #tpu.memory_space<hbm>>) dst(%arg10 : memref<80x16xf32, #tpu.memory_space<vmem>>)
      %mul3A_684 = arith.constant 5 : i32
      %mul3A_685 = arith.muli %mul3A_621, %mul3A_684 : i32
      %add3A_686 = arith.constant 3 : i32
      %add3A_687 = arith.addi %mul3A_685, %add3A_686 : i32
      %dma_start3A_688 = arith.constant 0 : i32
      %dma_start3A_689 = tpu.memref_slice %arg6[%add3A_687, %dma_start3A_688] : memref<125x80xi32, #tpu.memory_space<vmem>> -> memref<1x80xi32, #tpu.memory_space<vmem>>
      %dma_start3A_690 = tpu.memref_squeeze %dma_start3A_689 : memref<1x80xi32, #tpu.memory_space<vmem>> -> memref<80xi32, #tpu.memory_space<vmem>>
      %dma_start3A_691 = arith.constant 0 : i32
      %dma_start3A_692 = arith.constant 0 : i32
      %dma_start3A_693 = tpu.memref_slice %arg21[%dma_start3A_691, %dma_start3A_692] : memref<10240x16xf32, #tpu.memory_space<vmem_shared>> -> memref<10240x16xf32, #tpu.memory_space<vmem_shared>>
      tpu.enqueue_indirect_dma source(%arg10 : memref<80x16xf32, #tpu.memory_space<vmem>>) target(%dma_start3A_693 : memref<10240x16xf32, #tpu.memory_space<vmem_shared>>) offsets(%dma_start3A_690 : memref<80xi32, #tpu.memory_space<vmem>>) semaphore(%arg25 : memref<!tpu.dma_semaphore, #tpu.memory_space<semaphore_mem>>) {add = true}
      %dma_wait3A_694 = arith.constant 0 : i32
      %dma_wait3A_695 = arith.constant 0 : i32
      %dma_wait3A_696 = tpu.memref_slice %arg3[%scan3A_134, %scan3A_135, %dma_wait3A_694, %dma_wait3A_695] : memref<2x32x125x80xi32, #tpu.memory_space<hbm>> -> memref<1x1x16x80xi32, #tpu.memory_space<hbm>>
      %dma_wait3A_697 = tpu.memref_squeeze %dma_wait3A_696 : memref<1x1x16x80xi32, #tpu.memory_space<hbm>> -> memref<16x80xi32, #tpu.memory_space<hbm>>
      %dma_wait3A_698 = arith.constant 0 : i32
      %dma_wait3A_699 = arith.constant 0 : i32
      %dma_wait3A_700 = tpu.memref_slice %arg3[%scan3A_134, %scan3A_135, %dma_wait3A_698, %dma_wait3A_699] : memref<2x32x125x80xi32, #tpu.memory_space<hbm>> -> memref<1x1x16x80xi32, #tpu.memory_space<hbm>>
      %dma_wait3A_701 = tpu.memref_squeeze %dma_wait3A_700 : memref<1x1x16x80xi32, #tpu.memory_space<hbm>> -> memref<16x80xi32, #tpu.memory_space<hbm>>
      tpu.wait_dma2 semaphore(%arg23 : memref<!tpu.dma_semaphore, #tpu.memory_space<semaphore_mem>>) src(%dma_wait3A_701 : memref<16x80xi32, #tpu.memory_space<hbm>>) dst(%arg11 : memref<80x16xf32, #tpu.memory_space<vmem>>)
      %mul3A_702 = arith.constant 5 : i32
      %mul3A_703 = arith.muli %mul3A_621, %mul3A_702 : i32
      %add3A_704 = arith.constant 4 : i32
      %add3A_705 = arith.addi %mul3A_703, %add3A_704 : i32
      %dma_start3A_706 = arith.constant 0 : i32
      %dma_start3A_707 = tpu.memref_slice %arg6[%add3A_705, %dma_start3A_706] : memref<125x80xi32, #tpu.memory_space<vmem>> -> memref<1x80xi32, #tpu.memory_space<vmem>>
      %dma_start3A_708 = tpu.memref_squeeze %dma_start3A_707 : memref<1x80xi32, #tpu.memory_space<vmem>> -> memref<80xi32, #tpu.memory_space<vmem>>
      %dma_start3A_709 = arith.constant 0 : i32
      %dma_start3A_710 = arith.constant 0 : i32
      %dma_start3A_711 = tpu.memref_slice %arg21[%dma_start3A_709, %dma_start3A_710] : memref<10240x16xf32, #tpu.memory_space<vmem_shared>> -> memref<10240x16xf32, #tpu.memory_space<vmem_shared>>
      tpu.enqueue_indirect_dma source(%arg11 : memref<80x16xf32, #tpu.memory_space<vmem>>) target(%dma_start3A_711 : memref<10240x16xf32, #tpu.memory_space<vmem_shared>>) offsets(%dma_start3A_708 : memref<80xi32, #tpu.memory_space<vmem>>) semaphore(%arg25 : memref<!tpu.dma_semaphore, #tpu.memory_space<semaphore_mem>>) {add = true}
      %dma_wait3A_712 = arith.constant 0 : i32
      %dma_wait3A_713 = arith.constant 0 : i32
      %dma_wait3A_714 = tpu.memref_slice %arg3[%scan3A_134, %scan3A_135, %dma_wait3A_712, %dma_wait3A_713] : memref<2x32x125x80xi32, #tpu.memory_space<hbm>> -> memref<1x1x16x80xi32, #tpu.memory_space<hbm>>
      %dma_wait3A_715 = tpu.memref_squeeze %dma_wait3A_714 : memref<1x1x16x80xi32, #tpu.memory_space<hbm>> -> memref<16x80xi32, #tpu.memory_space<hbm>>
      %dma_wait3A_716 = arith.constant 0 : i32
      %dma_wait3A_717 = arith.constant 0 : i32
      %dma_wait3A_718 = tpu.memref_slice %arg3[%scan3A_134, %scan3A_135, %dma_wait3A_716, %dma_wait3A_717] : memref<2x32x125x80xi32, #tpu.memory_space<hbm>> -> memref<1x1x16x80xi32, #tpu.memory_space<hbm>>
      %dma_wait3A_719 = tpu.memref_squeeze %dma_wait3A_718 : memref<1x1x16x80xi32, #tpu.memory_space<hbm>> -> memref<16x80xi32, #tpu.memory_space<hbm>>
      tpu.wait_dma2 semaphore(%arg25 : memref<!tpu.dma_semaphore, #tpu.memory_space<semaphore_mem>>) src(%dma_wait3A_719 : memref<16x80xi32, #tpu.memory_space<hbm>>) dst(%arg7 : memref<80x16xf32, #tpu.memory_space<vmem>>)
      %dma_wait3A_720 = arith.constant 0 : i32
      %dma_wait3A_721 = arith.constant 0 : i32
      %dma_wait3A_722 = tpu.memref_slice %arg3[%scan3A_134, %scan3A_135, %dma_wait3A_720, %dma_wait3A_721] : memref<2x32x125x80xi32, #tpu.memory_space<hbm>> -> memref<1x1x16x80xi32, #tpu.memory_space<hbm>>
      %dma_wait3A_723 = tpu.memref_squeeze %dma_wait3A_722 : memref<1x1x16x80xi32, #tpu.memory_space<hbm>> -> memref<16x80xi32, #tpu.memory_space<hbm>>
      %dma_wait3A_724 = arith.constant 0 : i32
      %dma_wait3A_725 = arith.constant 0 : i32
      %dma_wait3A_726 = tpu.memref_slice %arg3[%scan3A_134, %scan3A_135, %dma_wait3A_724, %dma_wait3A_725] : memref<2x32x125x80xi32, #tpu.memory_space<hbm>> -> memref<1x1x16x80xi32, #tpu.memory_space<hbm>>
      %dma_wait3A_727 = tpu.memref_squeeze %dma_wait3A_726 : memref<1x1x16x80xi32, #tpu.memory_space<hbm>> -> memref<16x80xi32, #tpu.memory_space<hbm>>
      tpu.wait_dma2 semaphore(%arg25 : memref<!tpu.dma_semaphore, #tpu.memory_space<semaphore_mem>>) src(%dma_wait3A_727 : memref<16x80xi32, #tpu.memory_space<hbm>>) dst(%arg8 : memref<80x16xf32, #tpu.memory_space<vmem>>)
      %dma_wait3A_728 = arith.constant 0 : i32
      %dma_wait3A_729 = arith.constant 0 : i32
      %dma_wait3A_730 = tpu.memref_slice %arg3[%scan3A_134, %scan3A_135, %dma_wait3A_728, %dma_wait3A_729] : memref<2x32x125x80xi32, #tpu.memory_space<hbm>> -> memref<1x1x16x80xi32, #tpu.memory_space<hbm>>
      %dma_wait3A_731 = tpu.memref_squeeze %dma_wait3A_730 : memref<1x1x16x80xi32, #tpu.memory_space<hbm>> -> memref<16x80xi32, #tpu.memory_space<hbm>>
      %dma_wait3A_732 = arith.constant 0 : i32
      %dma_wait3A_733 = arith.constant 0 : i32
      %dma_wait3A_734 = tpu.memref_slice %arg3[%scan3A_134, %scan3A_135, %dma_wait3A_732, %dma_wait3A_733] : memref<2x32x125x80xi32, #tpu.memory_space<hbm>> -> memref<1x1x16x80xi32, #tpu.memory_space<hbm>>
      %dma_wait3A_735 = tpu.memref_squeeze %dma_wait3A_734 : memref<1x1x16x80xi32, #tpu.memory_space<hbm>> -> memref<16x80xi32, #tpu.memory_space<hbm>>
      tpu.wait_dma2 semaphore(%arg25 : memref<!tpu.dma_semaphore, #tpu.memory_space<semaphore_mem>>) src(%dma_wait3A_735 : memref<16x80xi32, #tpu.memory_space<hbm>>) dst(%arg9 : memref<80x16xf32, #tpu.memory_space<vmem>>)
      %dma_wait3A_736 = arith.constant 0 : i32
      %dma_wait3A_737 = arith.constant 0 : i32
      %dma_wait3A_738 = tpu.memref_slice %arg3[%scan3A_134, %scan3A_135, %dma_wait3A_736, %dma_wait3A_737] : memref<2x32x125x80xi32, #tpu.memory_space<hbm>> -> memref<1x1x16x80xi32, #tpu.memory_space<hbm>>
      %dma_wait3A_739 = tpu.memref_squeeze %dma_wait3A_738 : memref<1x1x16x80xi32, #tpu.memory_space<hbm>> -> memref<16x80xi32, #tpu.memory_space<hbm>>
      %dma_wait3A_740 = arith.constant 0 : i32
      %dma_wait3A_741 = arith.constant 0 : i32
      %dma_wait3A_742 = tpu.memref_slice %arg3[%scan3A_134, %scan3A_135, %dma_wait3A_740, %dma_wait3A_741] : memref<2x32x125x80xi32, #tpu.memory_space<hbm>> -> memref<1x1x16x80xi32, #tpu.memory_space<hbm>>
      %dma_wait3A_743 = tpu.memref_squeeze %dma_wait3A_742 : memref<1x1x16x80xi32, #tpu.memory_space<hbm>> -> memref<16x80xi32, #tpu.memory_space<hbm>>
      tpu.wait_dma2 semaphore(%arg25 : memref<!tpu.dma_semaphore, #tpu.memory_space<semaphore_mem>>) src(%dma_wait3A_743 : memref<16x80xi32, #tpu.memory_space<hbm>>) dst(%arg10 : memref<80x16xf32, #tpu.memory_space<vmem>>)
      %dma_wait3A_744 = arith.constant 0 : i32
      %dma_wait3A_745 = arith.constant 0 : i32
      %dma_wait3A_746 = tpu.memref_slice %arg3[%scan3A_134, %scan3A_135, %dma_wait3A_744, %dma_wait3A_745] : memref<2x32x125x80xi32, #tpu.memory_space<hbm>> -> memref<1x1x16x80xi32, #tpu.memory_space<hbm>>
      %dma_wait3A_747 = tpu.memref_squeeze %dma_wait3A_746 : memref<1x1x16x80xi32, #tpu.memory_space<hbm>> -> memref<16x80xi32, #tpu.memory_space<hbm>>
      %dma_wait3A_748 = arith.constant 0 : i32
      %dma_wait3A_749 = arith.constant 0 : i32
      %dma_wait3A_750 = tpu.memref_slice %arg3[%scan3A_134, %scan3A_135, %dma_wait3A_748, %dma_wait3A_749] : memref<2x32x125x80xi32, #tpu.memory_space<hbm>> -> memref<1x1x16x80xi32, #tpu.memory_space<hbm>>
      %dma_wait3A_751 = tpu.memref_squeeze %dma_wait3A_750 : memref<1x1x16x80xi32, #tpu.memory_space<hbm>> -> memref<16x80xi32, #tpu.memory_space<hbm>>
      tpu.wait_dma2 semaphore(%arg25 : memref<!tpu.dma_semaphore, #tpu.memory_space<semaphore_mem>>) src(%dma_wait3A_751 : memref<16x80xi32, #tpu.memory_space<hbm>>) dst(%arg11 : memref<80x16xf32, #tpu.memory_space<vmem>>)
      %add3A_752 = arith.constant 2 : i32
      %add3A_753 = arith.addi %mul3A_621, %add3A_752 : i32
      %mul3A_754 = arith.constant 5 : i32
      %mul3A_755 = arith.muli %add3A_753, %mul3A_754 : i32
      %add3A_756 = arith.constant 0 : i32
      %add3A_757 = arith.addi %mul3A_755, %add3A_756 : i32
      %dma_start3A_758 = arith.constant 0 : i32
      %dma_start3A_759 = tpu.memref_slice %arg5[%add3A_757, %dma_start3A_758] : memref<125x80xi32, #tpu.memory_space<vmem>> -> memref<1x80xi32, #tpu.memory_space<vmem>>
      %dma_start3A_760 = tpu.memref_squeeze %dma_start3A_759 : memref<1x80xi32, #tpu.memory_space<vmem>> -> memref<80xi32, #tpu.memory_space<vmem>>
      %dma_start3A_761 = arith.constant 0 : i32
      %dma_start3A_762 = arith.constant 0 : i32
      %dma_start3A_763 = tpu.memref_slice %arg22[%dma_start3A_761, %dma_start3A_762] : memref<10240x16xf32, #tpu.memory_space<vmem_shared>> -> memref<10240x16xf32, #tpu.memory_space<vmem_shared>>
      tpu.enqueue_indirect_dma source(%dma_start3A_763 : memref<10240x16xf32, #tpu.memory_space<vmem_shared>>) target(%arg7 : memref<80x16xf32, #tpu.memory_space<vmem>>) offsets(%dma_start3A_760 : memref<80xi32, #tpu.memory_space<vmem>>) semaphore(%arg23 : memref<!tpu.dma_semaphore, #tpu.memory_space<semaphore_mem>>)
      %mul3A_764 = arith.constant 5 : i32
      %mul3A_765 = arith.muli %add3A_753, %mul3A_764 : i32
      %add3A_766 = arith.constant 1 : i32
      %add3A_767 = arith.addi %mul3A_765, %add3A_766 : i32
      %dma_start3A_768 = arith.constant 0 : i32
      %dma_start3A_769 = tpu.memref_slice %arg5[%add3A_767, %dma_start3A_768] : memref<125x80xi32, #tpu.memory_space<vmem>> -> memref<1x80xi32, #tpu.memory_space<vmem>>
      %dma_start3A_770 = tpu.memref_squeeze %dma_start3A_769 : memref<1x80xi32, #tpu.memory_space<vmem>> -> memref<80xi32, #tpu.memory_space<vmem>>
      %dma_start3A_771 = arith.constant 0 : i32
      %dma_start3A_772 = arith.constant 0 : i32
      %dma_start3A_773 = tpu.memref_slice %arg22[%dma_start3A_771, %dma_start3A_772] : memref<10240x16xf32, #tpu.memory_space<vmem_shared>> -> memref<10240x16xf32, #tpu.memory_space<vmem_shared>>
      tpu.enqueue_indirect_dma source(%dma_start3A_773 : memref<10240x16xf32, #tpu.memory_space<vmem_shared>>) target(%arg8 : memref<80x16xf32, #tpu.memory_space<vmem>>) offsets(%dma_start3A_770 : memref<80xi32, #tpu.memory_space<vmem>>) semaphore(%arg23 : memref<!tpu.dma_semaphore, #tpu.memory_space<semaphore_mem>>)
      %mul3A_774 = arith.constant 5 : i32
      %mul3A_775 = arith.muli %add3A_753, %mul3A_774 : i32
      %add3A_776 = arith.constant 2 : i32
      %add3A_777 = arith.addi %mul3A_775, %add3A_776 : i32
      %dma_start3A_778 = arith.constant 0 : i32
      %dma_start3A_779 = tpu.memref_slice %arg5[%add3A_777, %dma_start3A_778] : memref<125x80xi32, #tpu.memory_space<vmem>> -> memref<1x80xi32, #tpu.memory_space<vmem>>
      %dma_start3A_780 = tpu.memref_squeeze %dma_start3A_779 : memref<1x80xi32, #tpu.memory_space<vmem>> -> memref<80xi32, #tpu.memory_space<vmem>>
      %dma_start3A_781 = arith.constant 0 : i32
      %dma_start3A_782 = arith.constant 0 : i32
      %dma_start3A_783 = tpu.memref_slice %arg22[%dma_start3A_781, %dma_start3A_782] : memref<10240x16xf32, #tpu.memory_space<vmem_shared>> -> memref<10240x16xf32, #tpu.memory_space<vmem_shared>>
      tpu.enqueue_indirect_dma source(%dma_start3A_783 : memref<10240x16xf32, #tpu.memory_space<vmem_shared>>) target(%arg9 : memref<80x16xf32, #tpu.memory_space<vmem>>) offsets(%dma_start3A_780 : memref<80xi32, #tpu.memory_space<vmem>>) semaphore(%arg23 : memref<!tpu.dma_semaphore, #tpu.memory_space<semaphore_mem>>)
      %mul3A_784 = arith.constant 5 : i32
      %mul3A_785 = arith.muli %add3A_753, %mul3A_784 : i32
      %add3A_786 = arith.constant 3 : i32
      %add3A_787 = arith.addi %mul3A_785, %add3A_786 : i32
      %dma_start3A_788 = arith.constant 0 : i32
      %dma_start3A_789 = tpu.memref_slice %arg5[%add3A_787, %dma_start3A_788] : memref<125x80xi32, #tpu.memory_space<vmem>> -> memref<1x80xi32, #tpu.memory_space<vmem>>
      %dma_start3A_790 = tpu.memref_squeeze %dma_start3A_789 : memref<1x80xi32, #tpu.memory_space<vmem>> -> memref<80xi32, #tpu.memory_space<vmem>>
      %dma_start3A_791 = arith.constant 0 : i32
      %dma_start3A_792 = arith.constant 0 : i32
      %dma_start3A_793 = tpu.memref_slice %arg22[%dma_start3A_791, %dma_start3A_792] : memref<10240x16xf32, #tpu.memory_space<vmem_shared>> -> memref<10240x16xf32, #tpu.memory_space<vmem_shared>>
      tpu.enqueue_indirect_dma source(%dma_start3A_793 : memref<10240x16xf32, #tpu.memory_space<vmem_shared>>) target(%arg10 : memref<80x16xf32, #tpu.memory_space<vmem>>) offsets(%dma_start3A_790 : memref<80xi32, #tpu.memory_space<vmem>>) semaphore(%arg23 : memref<!tpu.dma_semaphore, #tpu.memory_space<semaphore_mem>>)
      %mul3A_794 = arith.constant 5 : i32
      %mul3A_795 = arith.muli %add3A_753, %mul3A_794 : i32
      %add3A_796 = arith.constant 4 : i32
      %add3A_797 = arith.addi %mul3A_795, %add3A_796 : i32
      %dma_start3A_798 = arith.constant 0 : i32
      %dma_start3A_799 = tpu.memref_slice %arg5[%add3A_797, %dma_start3A_798] : memref<125x80xi32, #tpu.memory_space<vmem>> -> memref<1x80xi32, #tpu.memory_space<vmem>>
      %dma_start3A_800 = tpu.memref_squeeze %dma_start3A_799 : memref<1x80xi32, #tpu.memory_space<vmem>> -> memref<80xi32, #tpu.memory_space<vmem>>
      %dma_start3A_801 = arith.constant 0 : i32
      %dma_start3A_802 = arith.constant 0 : i32
      %dma_start3A_803 = tpu.memref_slice %arg22[%dma_start3A_801, %dma_start3A_802] : memref<10240x16xf32, #tpu.memory_space<vmem_shared>> -> memref<10240x16xf32, #tpu.memory_space<vmem_shared>>
      tpu.enqueue_indirect_dma source(%dma_start3A_803 : memref<10240x16xf32, #tpu.memory_space<vmem_shared>>) target(%arg11 : memref<80x16xf32, #tpu.memory_space<vmem>>) offsets(%dma_start3A_800 : memref<80xi32, #tpu.memory_space<vmem>>) semaphore(%arg23 : memref<!tpu.dma_semaphore, #tpu.memory_space<semaphore_mem>>)
      %add3A_804 = arith.constant 1 : i32
      %add3A_805 = arith.addi %mul3A_621, %add3A_804 : i32
      %dma_wait3A_806 = arith.constant 0 : i32
      %dma_wait3A_807 = arith.constant 0 : i32
      %dma_wait3A_808 = tpu.memref_slice %arg3[%scan3A_134, %scan3A_135, %dma_wait3A_806, %dma_wait3A_807] : memref<2x32x125x80xi32, #tpu.memory_space<hbm>> -> memref<1x1x16x80xi32, #tpu.memory_space<hbm>>
      %dma_wait3A_809 = tpu.memref_squeeze %dma_wait3A_808 : memref<1x1x16x80xi32, #tpu.memory_space<hbm>> -> memref<16x80xi32, #tpu.memory_space<hbm>>
      %dma_wait3A_810 = arith.constant 0 : i32
      %dma_wait3A_811 = arith.constant 0 : i32
      %dma_wait3A_812 = tpu.memref_slice %arg3[%scan3A_134, %scan3A_135, %dma_wait3A_810, %dma_wait3A_811] : memref<2x32x125x80xi32, #tpu.memory_space<hbm>> -> memref<1x1x16x80xi32, #tpu.memory_space<hbm>>
      %dma_wait3A_813 = tpu.memref_squeeze %dma_wait3A_812 : memref<1x1x16x80xi32, #tpu.memory_space<hbm>> -> memref<16x80xi32, #tpu.memory_space<hbm>>
      tpu.wait_dma2 semaphore(%arg24 : memref<!tpu.dma_semaphore, #tpu.memory_space<semaphore_mem>>) src(%dma_wait3A_813 : memref<16x80xi32, #tpu.memory_space<hbm>>) dst(%arg12 : memref<80x16xf32, #tpu.memory_space<vmem>>)
      %mul3A_814 = arith.constant 5 : i32
      %mul3A_815 = arith.muli %add3A_805, %mul3A_814 : i32
      %add3A_816 = arith.constant 0 : i32
      %add3A_817 = arith.addi %mul3A_815, %add3A_816 : i32
      %dma_start3A_818 = arith.constant 0 : i32
      %dma_start3A_819 = tpu.memref_slice %arg6[%add3A_817, %dma_start3A_818] : memref<125x80xi32, #tpu.memory_space<vmem>> -> memref<1x80xi32, #tpu.memory_space<vmem>>
      %dma_start3A_820 = tpu.memref_squeeze %dma_start3A_819 : memref<1x80xi32, #tpu.memory_space<vmem>> -> memref<80xi32, #tpu.memory_space<vmem>>
      %dma_start3A_821 = arith.constant 0 : i32
      %dma_start3A_822 = arith.constant 0 : i32
      %dma_start3A_823 = tpu.memref_slice %arg21[%dma_start3A_821, %dma_start3A_822] : memref<10240x16xf32, #tpu.memory_space<vmem_shared>> -> memref<10240x16xf32, #tpu.memory_space<vmem_shared>>
      tpu.enqueue_indirect_dma source(%arg12 : memref<80x16xf32, #tpu.memory_space<vmem>>) target(%dma_start3A_823 : memref<10240x16xf32, #tpu.memory_space<vmem_shared>>) offsets(%dma_start3A_820 : memref<80xi32, #tpu.memory_space<vmem>>) semaphore(%arg26 : memref<!tpu.dma_semaphore, #tpu.memory_space<semaphore_mem>>) {add = true}
      %dma_wait3A_824 = arith.constant 0 : i32
      %dma_wait3A_825 = arith.constant 0 : i32
      %dma_wait3A_826 = tpu.memref_slice %arg3[%scan3A_134, %scan3A_135, %dma_wait3A_824, %dma_wait3A_825] : memref<2x32x125x80xi32, #tpu.memory_space<hbm>> -> memref<1x1x16x80xi32, #tpu.memory_space<hbm>>
      %dma_wait3A_827 = tpu.memref_squeeze %dma_wait3A_826 : memref<1x1x16x80xi32, #tpu.memory_space<hbm>> -> memref<16x80xi32, #tpu.memory_space<hbm>>
      %dma_wait3A_828 = arith.constant 0 : i32
      %dma_wait3A_829 = arith.constant 0 : i32
      %dma_wait3A_830 = tpu.memref_slice %arg3[%scan3A_134, %scan3A_135, %dma_wait3A_828, %dma_wait3A_829] : memref<2x32x125x80xi32, #tpu.memory_space<hbm>> -> memref<1x1x16x80xi32, #tpu.memory_space<hbm>>
      %dma_wait3A_831 = tpu.memref_squeeze %dma_wait3A_830 : memref<1x1x16x80xi32, #tpu.memory_space<hbm>> -> memref<16x80xi32, #tpu.memory_space<hbm>>
      tpu.wait_dma2 semaphore(%arg24 : memref<!tpu.dma_semaphore, #tpu.memory_space<semaphore_mem>>) src(%dma_wait3A_831 : memref<16x80xi32, #tpu.memory_space<hbm>>) dst(%arg13 : memref<80x16xf32, #tpu.memory_space<vmem>>)
      %mul3A_832 = arith.constant 5 : i32
      %mul3A_833 = arith.muli %add3A_805, %mul3A_832 : i32
      %add3A_834 = arith.constant 1 : i32
      %add3A_835 = arith.addi %mul3A_833, %add3A_834 : i32
      %dma_start3A_836 = arith.constant 0 : i32
      %dma_start3A_837 = tpu.memref_slice %arg6[%add3A_835, %dma_start3A_836] : memref<125x80xi32, #tpu.memory_space<vmem>> -> memref<1x80xi32, #tpu.memory_space<vmem>>
      %dma_start3A_838 = tpu.memref_squeeze %dma_start3A_837 : memref<1x80xi32, #tpu.memory_space<vmem>> -> memref<80xi32, #tpu.memory_space<vmem>>
      %dma_start3A_839 = arith.constant 0 : i32
      %dma_start3A_840 = arith.constant 0 : i32
      %dma_start3A_841 = tpu.memref_slice %arg21[%dma_start3A_839, %dma_start3A_840] : memref<10240x16xf32, #tpu.memory_space<vmem_shared>> -> memref<10240x16xf32, #tpu.memory_space<vmem_shared>>
      tpu.enqueue_indirect_dma source(%arg13 : memref<80x16xf32, #tpu.memory_space<vmem>>) target(%dma_start3A_841 : memref<10240x16xf32, #tpu.memory_space<vmem_shared>>) offsets(%dma_start3A_838 : memref<80xi32, #tpu.memory_space<vmem>>) semaphore(%arg26 : memref<!tpu.dma_semaphore, #tpu.memory_space<semaphore_mem>>) {add = true}
      %dma_wait3A_842 = arith.constant 0 : i32
      %dma_wait3A_843 = arith.constant 0 : i32
      %dma_wait3A_844 = tpu.memref_slice %arg3[%scan3A_134, %scan3A_135, %dma_wait3A_842, %dma_wait3A_843] : memref<2x32x125x80xi32, #tpu.memory_space<hbm>> -> memref<1x1x16x80xi32, #tpu.memory_space<hbm>>
      %dma_wait3A_845 = tpu.memref_squeeze %dma_wait3A_844 : memref<1x1x16x80xi32, #tpu.memory_space<hbm>> -> memref<16x80xi32, #tpu.memory_space<hbm>>
      %dma_wait3A_846 = arith.constant 0 : i32
      %dma_wait3A_847 = arith.constant 0 : i32
      %dma_wait3A_848 = tpu.memref_slice %arg3[%scan3A_134, %scan3A_135, %dma_wait3A_846, %dma_wait3A_847] : memref<2x32x125x80xi32, #tpu.memory_space<hbm>> -> memref<1x1x16x80xi32, #tpu.memory_space<hbm>>
      %dma_wait3A_849 = tpu.memref_squeeze %dma_wait3A_848 : memref<1x1x16x80xi32, #tpu.memory_space<hbm>> -> memref<16x80xi32, #tpu.memory_space<hbm>>
      tpu.wait_dma2 semaphore(%arg24 : memref<!tpu.dma_semaphore, #tpu.memory_space<semaphore_mem>>) src(%dma_wait3A_849 : memref<16x80xi32, #tpu.memory_space<hbm>>) dst(%arg14 : memref<80x16xf32, #tpu.memory_space<vmem>>)
      %mul3A_850 = arith.constant 5 : i32
      %mul3A_851 = arith.muli %add3A_805, %mul3A_850 : i32
      %add3A_852 = arith.constant 2 : i32
      %add3A_853 = arith.addi %mul3A_851, %add3A_852 : i32
      %dma_start3A_854 = arith.constant 0 : i32
      %dma_start3A_855 = tpu.memref_slice %arg6[%add3A_853, %dma_start3A_854] : memref<125x80xi32, #tpu.memory_space<vmem>> -> memref<1x80xi32, #tpu.memory_space<vmem>>
      %dma_start3A_856 = tpu.memref_squeeze %dma_start3A_855 : memref<1x80xi32, #tpu.memory_space<vmem>> -> memref<80xi32, #tpu.memory_space<vmem>>
      %dma_start3A_857 = arith.constant 0 : i32
      %dma_start3A_858 = arith.constant 0 : i32
      %dma_start3A_859 = tpu.memref_slice %arg21[%dma_start3A_857, %dma_start3A_858] : memref<10240x16xf32, #tpu.memory_space<vmem_shared>> -> memref<10240x16xf32, #tpu.memory_space<vmem_shared>>
      tpu.enqueue_indirect_dma source(%arg14 : memref<80x16xf32, #tpu.memory_space<vmem>>) target(%dma_start3A_859 : memref<10240x16xf32, #tpu.memory_space<vmem_shared>>) offsets(%dma_start3A_856 : memref<80xi32, #tpu.memory_space<vmem>>) semaphore(%arg26 : memref<!tpu.dma_semaphore, #tpu.memory_space<semaphore_mem>>) {add = true}
      %dma_wait3A_860 = arith.constant 0 : i32
      %dma_wait3A_861 = arith.constant 0 : i32
      %dma_wait3A_862 = tpu.memref_slice %arg3[%scan3A_134, %scan3A_135, %dma_wait3A_860, %dma_wait3A_861] : memref<2x32x125x80xi32, #tpu.memory_space<hbm>> -> memref<1x1x16x80xi32, #tpu.memory_space<hbm>>
      %dma_wait3A_863 = tpu.memref_squeeze %dma_wait3A_862 : memref<1x1x16x80xi32, #tpu.memory_space<hbm>> -> memref<16x80xi32, #tpu.memory_space<hbm>>
      %dma_wait3A_864 = arith.constant 0 : i32
      %dma_wait3A_865 = arith.constant 0 : i32
      %dma_wait3A_866 = tpu.memref_slice %arg3[%scan3A_134, %scan3A_135, %dma_wait3A_864, %dma_wait3A_865] : memref<2x32x125x80xi32, #tpu.memory_space<hbm>> -> memref<1x1x16x80xi32, #tpu.memory_space<hbm>>
      %dma_wait3A_867 = tpu.memref_squeeze %dma_wait3A_866 : memref<1x1x16x80xi32, #tpu.memory_space<hbm>> -> memref<16x80xi32, #tpu.memory_space<hbm>>
      tpu.wait_dma2 semaphore(%arg24 : memref<!tpu.dma_semaphore, #tpu.memory_space<semaphore_mem>>) src(%dma_wait3A_867 : memref<16x80xi32, #tpu.memory_space<hbm>>) dst(%arg15 : memref<80x16xf32, #tpu.memory_space<vmem>>)
      %mul3A_868 = arith.constant 5 : i32
      %mul3A_869 = arith.muli %add3A_805, %mul3A_868 : i32
      %add3A_870 = arith.constant 3 : i32
      %add3A_871 = arith.addi %mul3A_869, %add3A_870 : i32
      %dma_start3A_872 = arith.constant 0 : i32
      %dma_start3A_873 = tpu.memref_slice %arg6[%add3A_871, %dma_start3A_872] : memref<125x80xi32, #tpu.memory_space<vmem>> -> memref<1x80xi32, #tpu.memory_space<vmem>>
      %dma_start3A_874 = tpu.memref_squeeze %dma_start3A_873 : memref<1x80xi32, #tpu.memory_space<vmem>> -> memref<80xi32, #tpu.memory_space<vmem>>
      %dma_start3A_875 = arith.constant 0 : i32
      %dma_start3A_876 = arith.constant 0 : i32
      %dma_start3A_877 = tpu.memref_slice %arg21[%dma_start3A_875, %dma_start3A_876] : memref<10240x16xf32, #tpu.memory_space<vmem_shared>> -> memref<10240x16xf32, #tpu.memory_space<vmem_shared>>
      tpu.enqueue_indirect_dma source(%arg15 : memref<80x16xf32, #tpu.memory_space<vmem>>) target(%dma_start3A_877 : memref<10240x16xf32, #tpu.memory_space<vmem_shared>>) offsets(%dma_start3A_874 : memref<80xi32, #tpu.memory_space<vmem>>) semaphore(%arg26 : memref<!tpu.dma_semaphore, #tpu.memory_space<semaphore_mem>>) {add = true}
      %dma_wait3A_878 = arith.constant 0 : i32
      %dma_wait3A_879 = arith.constant 0 : i32
      %dma_wait3A_880 = tpu.memref_slice %arg3[%scan3A_134, %scan3A_135, %dma_wait3A_878, %dma_wait3A_879] : memref<2x32x125x80xi32, #tpu.memory_space<hbm>> -> memref<1x1x16x80xi32, #tpu.memory_space<hbm>>
      %dma_wait3A_881 = tpu.memref_squeeze %dma_wait3A_880 : memref<1x1x16x80xi32, #tpu.memory_space<hbm>> -> memref<16x80xi32, #tpu.memory_space<hbm>>
      %dma_wait3A_882 = arith.constant 0 : i32
      %dma_wait3A_883 = arith.constant 0 : i32
      %dma_wait3A_884 = tpu.memref_slice %arg3[%scan3A_134, %scan3A_135, %dma_wait3A_882, %dma_wait3A_883] : memref<2x32x125x80xi32, #tpu.memory_space<hbm>> -> memref<1x1x16x80xi32, #tpu.memory_space<hbm>>
      %dma_wait3A_885 = tpu.memref_squeeze %dma_wait3A_884 : memref<1x1x16x80xi32, #tpu.memory_space<hbm>> -> memref<16x80xi32, #tpu.memory_space<hbm>>
      tpu.wait_dma2 semaphore(%arg24 : memref<!tpu.dma_semaphore, #tpu.memory_space<semaphore_mem>>) src(%dma_wait3A_885 : memref<16x80xi32, #tpu.memory_space<hbm>>) dst(%arg16 : memref<80x16xf32, #tpu.memory_space<vmem>>)
      %mul3A_886 = arith.constant 5 : i32
      %mul3A_887 = arith.muli %add3A_805, %mul3A_886 : i32
      %add3A_888 = arith.constant 4 : i32
      %add3A_889 = arith.addi %mul3A_887, %add3A_888 : i32
      %dma_start3A_890 = arith.constant 0 : i32
      %dma_start3A_891 = tpu.memref_slice %arg6[%add3A_889, %dma_start3A_890] : memref<125x80xi32, #tpu.memory_space<vmem>> -> memref<1x80xi32, #tpu.memory_space<vmem>>
      %dma_start3A_892 = tpu.memref_squeeze %dma_start3A_891 : memref<1x80xi32, #tpu.memory_space<vmem>> -> memref<80xi32, #tpu.memory_space<vmem>>
      %dma_start3A_893 = arith.constant 0 : i32
      %dma_start3A_894 = arith.constant 0 : i32
      %dma_start3A_895 = tpu.memref_slice %arg21[%dma_start3A_893, %dma_start3A_894] : memref<10240x16xf32, #tpu.memory_space<vmem_shared>> -> memref<10240x16xf32, #tpu.memory_space<vmem_shared>>
      tpu.enqueue_indirect_dma source(%arg16 : memref<80x16xf32, #tpu.memory_space<vmem>>) target(%dma_start3A_895 : memref<10240x16xf32, #tpu.memory_space<vmem_shared>>) offsets(%dma_start3A_892 : memref<80xi32, #tpu.memory_space<vmem>>) semaphore(%arg26 : memref<!tpu.dma_semaphore, #tpu.memory_space<semaphore_mem>>) {add = true}
      %dma_wait3A_896 = arith.constant 0 : i32
      %dma_wait3A_897 = arith.constant 0 : i32
      %dma_wait3A_898 = tpu.memref_slice %arg3[%scan3A_134, %scan3A_135, %dma_wait3A_896, %dma_wait3A_897] : memref<2x32x125x80xi32, #tpu.memory_space<hbm>> -> memref<1x1x16x80xi32, #tpu.memory_space<hbm>>
      %dma_wait3A_899 = tpu.memref_squeeze %dma_wait3A_898 : memref<1x1x16x80xi32, #tpu.memory_space<hbm>> -> memref<16x80xi32, #tpu.memory_space<hbm>>
      %dma_wait3A_900 = arith.constant 0 : i32
      %dma_wait3A_901 = arith.constant 0 : i32
      %dma_wait3A_902 = tpu.memref_slice %arg3[%scan3A_134, %scan3A_135, %dma_wait3A_900, %dma_wait3A_901] : memref<2x32x125x80xi32, #tpu.memory_space<hbm>> -> memref<1x1x16x80xi32, #tpu.memory_space<hbm>>
      %dma_wait3A_903 = tpu.memref_squeeze %dma_wait3A_902 : memref<1x1x16x80xi32, #tpu.memory_space<hbm>> -> memref<16x80xi32, #tpu.memory_space<hbm>>
      tpu.wait_dma2 semaphore(%arg26 : memref<!tpu.dma_semaphore, #tpu.memory_space<semaphore_mem>>) src(%dma_wait3A_903 : memref<16x80xi32, #tpu.memory_space<hbm>>) dst(%arg12 : memref<80x16xf32, #tpu.memory_space<vmem>>)
      %dma_wait3A_904 = arith.constant 0 : i32
      %dma_wait3A_905 = arith.constant 0 : i32
      %dma_wait3A_906 = tpu.memref_slice %arg3[%scan3A_134, %scan3A_135, %dma_wait3A_904, %dma_wait3A_905] : memref<2x32x125x80xi32, #tpu.memory_space<hbm>> -> memref<1x1x16x80xi32, #tpu.memory_space<hbm>>
      %dma_wait3A_907 = tpu.memref_squeeze %dma_wait3A_906 : memref<1x1x16x80xi32, #tpu.memory_space<hbm>> -> memref<16x80xi32, #tpu.memory_space<hbm>>
      %dma_wait3A_908 = arith.constant 0 : i32
      %dma_wait3A_909 = arith.constant 0 : i32
      %dma_wait3A_910 = tpu.memref_slice %arg3[%scan3A_134, %scan3A_135, %dma_wait3A_908, %dma_wait3A_909] : memref<2x32x125x80xi32, #tpu.memory_space<hbm>> -> memref<1x1x16x80xi32, #tpu.memory_space<hbm>>
      %dma_wait3A_911 = tpu.memref_squeeze %dma_wait3A_910 : memref<1x1x16x80xi32, #tpu.memory_space<hbm>> -> memref<16x80xi32, #tpu.memory_space<hbm>>
      tpu.wait_dma2 semaphore(%arg26 : memref<!tpu.dma_semaphore, #tpu.memory_space<semaphore_mem>>) src(%dma_wait3A_911 : memref<16x80xi32, #tpu.memory_space<hbm>>) dst(%arg13 : memref<80x16xf32, #tpu.memory_space<vmem>>)
      %dma_wait3A_912 = arith.constant 0 : i32
      %dma_wait3A_913 = arith.constant 0 : i32
      %dma_wait3A_914 = tpu.memref_slice %arg3[%scan3A_134, %scan3A_135, %dma_wait3A_912, %dma_wait3A_913] : memref<2x32x125x80xi32, #tpu.memory_space<hbm>> -> memref<1x1x16x80xi32, #tpu.memory_space<hbm>>
      %dma_wait3A_915 = tpu.memref_squeeze %dma_wait3A_914 : memref<1x1x16x80xi32, #tpu.memory_space<hbm>> -> memref<16x80xi32, #tpu.memory_space<hbm>>
      %dma_wait3A_916 = arith.constant 0 : i32
      %dma_wait3A_917 = arith.constant 0 : i32
      %dma_wait3A_918 = tpu.memref_slice %arg3[%scan3A_134, %scan3A_135, %dma_wait3A_916, %dma_wait3A_917] : memref<2x32x125x80xi32, #tpu.memory_space<hbm>> -> memref<1x1x16x80xi32, #tpu.memory_space<hbm>>
      %dma_wait3A_919 = tpu.memref_squeeze %dma_wait3A_918 : memref<1x1x16x80xi32, #tpu.memory_space<hbm>> -> memref<16x80xi32, #tpu.memory_space<hbm>>
      tpu.wait_dma2 semaphore(%arg26 : memref<!tpu.dma_semaphore, #tpu.memory_space<semaphore_mem>>) src(%dma_wait3A_919 : memref<16x80xi32, #tpu.memory_space<hbm>>) dst(%arg14 : memref<80x16xf32, #tpu.memory_space<vmem>>)
      %dma_wait3A_920 = arith.constant 0 : i32
      %dma_wait3A_921 = arith.constant 0 : i32
      %dma_wait3A_922 = tpu.memref_slice %arg3[%scan3A_134, %scan3A_135, %dma_wait3A_920, %dma_wait3A_921] : memref<2x32x125x80xi32, #tpu.memory_space<hbm>> -> memref<1x1x16x80xi32, #tpu.memory_space<hbm>>
      %dma_wait3A_923 = tpu.memref_squeeze %dma_wait3A_922 : memref<1x1x16x80xi32, #tpu.memory_space<hbm>> -> memref<16x80xi32, #tpu.memory_space<hbm>>
      %dma_wait3A_924 = arith.constant 0 : i32
      %dma_wait3A_925 = arith.constant 0 : i32
      %dma_wait3A_926 = tpu.memref_slice %arg3[%scan3A_134, %scan3A_135, %dma_wait3A_924, %dma_wait3A_925] : memref<2x32x125x80xi32, #tpu.memory_space<hbm>> -> memref<1x1x16x80xi32, #tpu.memory_space<hbm>>
      %dma_wait3A_927 = tpu.memref_squeeze %dma_wait3A_926 : memref<1x1x16x80xi32, #tpu.memory_space<hbm>> -> memref<16x80xi32, #tpu.memory_space<hbm>>
      tpu.wait_dma2 semaphore(%arg26 : memref<!tpu.dma_semaphore, #tpu.memory_space<semaphore_mem>>) src(%dma_wait3A_927 : memref<16x80xi32, #tpu.memory_space<hbm>>) dst(%arg15 : memref<80x16xf32, #tpu.memory_space<vmem>>)
      %dma_wait3A_928 = arith.constant 0 : i32
      %dma_wait3A_929 = arith.constant 0 : i32
      %dma_wait3A_930 = tpu.memref_slice %arg3[%scan3A_134, %scan3A_135, %dma_wait3A_928, %dma_wait3A_929] : memref<2x32x125x80xi32, #tpu.memory_space<hbm>> -> memref<1x1x16x80xi32, #tpu.memory_space<hbm>>
      %dma_wait3A_931 = tpu.memref_squeeze %dma_wait3A_930 : memref<1x1x16x80xi32, #tpu.memory_space<hbm>> -> memref<16x80xi32, #tpu.memory_space<hbm>>
      %dma_wait3A_932 = arith.constant 0 : i32
      %dma_wait3A_933 = arith.constant 0 : i32
      %dma_wait3A_934 = tpu.memref_slice %arg3[%scan3A_134, %scan3A_135, %dma_wait3A_932, %dma_wait3A_933] : memref<2x32x125x80xi32, #tpu.memory_space<hbm>> -> memref<1x1x16x80xi32, #tpu.memory_space<hbm>>
      %dma_wait3A_935 = tpu.memref_squeeze %dma_wait3A_934 : memref<1x1x16x80xi32, #tpu.memory_space<hbm>> -> memref<16x80xi32, #tpu.memory_space<hbm>>
      tpu.wait_dma2 semaphore(%arg26 : memref<!tpu.dma_semaphore, #tpu.memory_space<semaphore_mem>>) src(%dma_wait3A_935 : memref<16x80xi32, #tpu.memory_space<hbm>>) dst(%arg16 : memref<80x16xf32, #tpu.memory_space<vmem>>)
      %add3A_936 = arith.constant 2 : i32
      %add3A_937 = arith.addi %add3A_805, %add3A_936 : i32
      %mul3A_938 = arith.constant 5 : i32
      %mul3A_939 = arith.muli %add3A_937, %mul3A_938 : i32
      %add3A_940 = arith.constant 0 : i32
      %add3A_941 = arith.addi %mul3A_939, %add3A_940 : i32
      %dma_start3A_942 = arith.constant 0 : i32
      %dma_start3A_943 = tpu.memref_slice %arg5[%add3A_941, %dma_start3A_942] : memref<125x80xi32, #tpu.memory_space<vmem>> -> memref<1x80xi32, #tpu.memory_space<vmem>>
      %dma_start3A_944 = tpu.memref_squeeze %dma_start3A_943 : memref<1x80xi32, #tpu.memory_space<vmem>> -> memref<80xi32, #tpu.memory_space<vmem>>
      %dma_start3A_945 = arith.constant 0 : i32
      %dma_start3A_946 = arith.constant 0 : i32
      %dma_start3A_947 = tpu.memref_slice %arg22[%dma_start3A_945, %dma_start3A_946] : memref<10240x16xf32, #tpu.memory_space<vmem_shared>> -> memref<10240x16xf32, #tpu.memory_space<vmem_shared>>
      tpu.enqueue_indirect_dma source(%dma_start3A_947 : memref<10240x16xf32, #tpu.memory_space<vmem_shared>>) target(%arg12 : memref<80x16xf32, #tpu.memory_space<vmem>>) offsets(%dma_start3A_944 : memref<80xi32, #tpu.memory_space<vmem>>) semaphore(%arg24 : memref<!tpu.dma_semaphore, #tpu.memory_space<semaphore_mem>>)
      %mul3A_948 = arith.constant 5 : i32
      %mul3A_949 = arith.muli %add3A_937, %mul3A_948 : i32
      %add3A_950 = arith.constant 1 : i32
      %add3A_951 = arith.addi %mul3A_949, %add3A_950 : i32
      %dma_start3A_952 = arith.constant 0 : i32
      %dma_start3A_953 = tpu.memref_slice %arg5[%add3A_951, %dma_start3A_952] : memref<125x80xi32, #tpu.memory_space<vmem>> -> memref<1x80xi32, #tpu.memory_space<vmem>>
      %dma_start3A_954 = tpu.memref_squeeze %dma_start3A_953 : memref<1x80xi32, #tpu.memory_space<vmem>> -> memref<80xi32, #tpu.memory_space<vmem>>
      %dma_start3A_955 = arith.constant 0 : i32
      %dma_start3A_956 = arith.constant 0 : i32
      %dma_start3A_957 = tpu.memref_slice %arg22[%dma_start3A_955, %dma_start3A_956] : memref<10240x16xf32, #tpu.memory_space<vmem_shared>> -> memref<10240x16xf32, #tpu.memory_space<vmem_shared>>
      tpu.enqueue_indirect_dma source(%dma_start3A_957 : memref<10240x16xf32, #tpu.memory_space<vmem_shared>>) target(%arg13 : memref<80x16xf32, #tpu.memory_space<vmem>>) offsets(%dma_start3A_954 : memref<80xi32, #tpu.memory_space<vmem>>) semaphore(%arg24 : memref<!tpu.dma_semaphore, #tpu.memory_space<semaphore_mem>>)
      %mul3A_958 = arith.constant 5 : i32
      %mul3A_959 = arith.muli %add3A_937, %mul3A_958 : i32
      %add3A_960 = arith.constant 2 : i32
      %add3A_961 = arith.addi %mul3A_959, %add3A_960 : i32
      %dma_start3A_962 = arith.constant 0 : i32
      %dma_start3A_963 = tpu.memref_slice %arg5[%add3A_961, %dma_start3A_962] : memref<125x80xi32, #tpu.memory_space<vmem>> -> memref<1x80xi32, #tpu.memory_space<vmem>>
      %dma_start3A_964 = tpu.memref_squeeze %dma_start3A_963 : memref<1x80xi32, #tpu.memory_space<vmem>> -> memref<80xi32, #tpu.memory_space<vmem>>
      %dma_start3A_965 = arith.constant 0 : i32
      %dma_start3A_966 = arith.constant 0 : i32
      %dma_start3A_967 = tpu.memref_slice %arg22[%dma_start3A_965, %dma_start3A_966] : memref<10240x16xf32, #tpu.memory_space<vmem_shared>> -> memref<10240x16xf32, #tpu.memory_space<vmem_shared>>
      tpu.enqueue_indirect_dma source(%dma_start3A_967 : memref<10240x16xf32, #tpu.memory_space<vmem_shared>>) target(%arg14 : memref<80x16xf32, #tpu.memory_space<vmem>>) offsets(%dma_start3A_964 : memref<80xi32, #tpu.memory_space<vmem>>) semaphore(%arg24 : memref<!tpu.dma_semaphore, #tpu.memory_space<semaphore_mem>>)
      %mul3A_968 = arith.constant 5 : i32
      %mul3A_969 = arith.muli %add3A_937, %mul3A_968 : i32
      %add3A_970 = arith.constant 3 : i32
      %add3A_971 = arith.addi %mul3A_969, %add3A_970 : i32
      %dma_start3A_972 = arith.constant 0 : i32
      %dma_start3A_973 = tpu.memref_slice %arg5[%add3A_971, %dma_start3A_972] : memref<125x80xi32, #tpu.memory_space<vmem>> -> memref<1x80xi32, #tpu.memory_space<vmem>>
      %dma_start3A_974 = tpu.memref_squeeze %dma_start3A_973 : memref<1x80xi32, #tpu.memory_space<vmem>> -> memref<80xi32, #tpu.memory_space<vmem>>
      %dma_start3A_975 = arith.constant 0 : i32
      %dma_start3A_976 = arith.constant 0 : i32
      %dma_start3A_977 = tpu.memref_slice %arg22[%dma_start3A_975, %dma_start3A_976] : memref<10240x16xf32, #tpu.memory_space<vmem_shared>> -> memref<10240x16xf32, #tpu.memory_space<vmem_shared>>
      tpu.enqueue_indirect_dma source(%dma_start3A_977 : memref<10240x16xf32, #tpu.memory_space<vmem_shared>>) target(%arg15 : memref<80x16xf32, #tpu.memory_space<vmem>>) offsets(%dma_start3A_974 : memref<80xi32, #tpu.memory_space<vmem>>) semaphore(%arg24 : memref<!tpu.dma_semaphore, #tpu.memory_space<semaphore_mem>>)
      %mul3A_978 = arith.constant 5 : i32
      %mul3A_979 = arith.muli %add3A_937, %mul3A_978 : i32
      %add3A_980 = arith.constant 4 : i32
      %add3A_981 = arith.addi %mul3A_979, %add3A_980 : i32
      %dma_start3A_982 = arith.constant 0 : i32
      %dma_start3A_983 = tpu.memref_slice %arg5[%add3A_981, %dma_start3A_982] : memref<125x80xi32, #tpu.memory_space<vmem>> -> memref<1x80xi32, #tpu.memory_space<vmem>>
      %dma_start3A_984 = tpu.memref_squeeze %dma_start3A_983 : memref<1x80xi32, #tpu.memory_space<vmem>> -> memref<80xi32, #tpu.memory_space<vmem>>
      %dma_start3A_985 = arith.constant 0 : i32
      %dma_start3A_986 = arith.constant 0 : i32
      %dma_start3A_987 = tpu.memref_slice %arg22[%dma_start3A_985, %dma_start3A_986] : memref<10240x16xf32, #tpu.memory_space<vmem_shared>> -> memref<10240x16xf32, #tpu.memory_space<vmem_shared>>
      tpu.enqueue_indirect_dma source(%dma_start3A_987 : memref<10240x16xf32, #tpu.memory_space<vmem_shared>>) target(%arg16 : memref<80x16xf32, #tpu.memory_space<vmem>>) offsets(%dma_start3A_984 : memref<80xi32, #tpu.memory_space<vmem>>) semaphore(%arg24 : memref<!tpu.dma_semaphore, #tpu.memory_space<semaphore_mem>>)
      %scan3A_988 = arith.constant 0 : i32
      scf.yield %scan3A_988 : i32
    }
    %scan3A_142 = arith.constant 11 : i32
    %dma_wait3A = arith.constant 0 : i32
    %dma_wait3A_143 = arith.constant 0 : i32
    %dma_wait3A_144 = arith.constant 0 : i32
    %dma_wait3A_145 = arith.constant 0 : i32
    %dma_wait3A_146 = tpu.memref_slice %arg3[%dma_wait3A, %dma_wait3A_143, %dma_wait3A_144, %dma_wait3A_145] : memref<2x32x125x80xi32, #tpu.memory_space<hbm>> -> memref<1x1x16x80xi32, #tpu.memory_space<hbm>>
    %dma_wait3A_147 = tpu.memref_squeeze %dma_wait3A_146 : memref<1x1x16x80xi32, #tpu.memory_space<hbm>> -> memref<16x80xi32, #tpu.memory_space<hbm>>
    %dma_wait3A_148 = arith.constant 0 : i32
    %dma_wait3A_149 = arith.constant 0 : i32
    %dma_wait3A_150 = tpu.memref_slice %arg3[%dma_wait3A, %dma_wait3A_143, %dma_wait3A_148, %dma_wait3A_149] : memref<2x32x125x80xi32, #tpu.memory_space<hbm>> -> memref<1x1x16x80xi32, #tpu.memory_space<hbm>>
    %dma_wait3A_151 = tpu.memref_squeeze %dma_wait3A_150 : memref<1x1x16x80xi32, #tpu.memory_space<hbm>> -> memref<16x80xi32, #tpu.memory_space<hbm>>
    tpu.wait_dma2 semaphore(%arg23 : memref<!tpu.dma_semaphore, #tpu.memory_space<semaphore_mem>>) src(%dma_wait3A_151 : memref<16x80xi32, #tpu.memory_space<hbm>>) dst(%arg7 : memref<80x16xf32, #tpu.memory_space<vmem>>)
    %dma_start3A_152 = arith.constant 110 : i32
    %dma_start3A_153 = arith.constant 0 : i32
    %dma_start3A_154 = tpu.memref_slice %arg6[%dma_start3A_152, %dma_start3A_153] : memref<125x80xi32, #tpu.memory_space<vmem>> -> memref<1x80xi32, #tpu.memory_space<vmem>>
    %dma_start3A_155 = tpu.memref_squeeze %dma_start3A_154 : memref<1x80xi32, #tpu.memory_space<vmem>> -> memref<80xi32, #tpu.memory_space<vmem>>
    %dma_start3A_156 = arith.constant 0 : i32
    %dma_start3A_157 = arith.constant 0 : i32
    %dma_start3A_158 = tpu.memref_slice %arg21[%dma_start3A_156, %dma_start3A_157] : memref<10240x16xf32, #tpu.memory_space<vmem_shared>> -> memref<10240x16xf32, #tpu.memory_space<vmem_shared>>
    tpu.enqueue_indirect_dma source(%arg7 : memref<80x16xf32, #tpu.memory_space<vmem>>) target(%dma_start3A_158 : memref<10240x16xf32, #tpu.memory_space<vmem_shared>>) offsets(%dma_start3A_155 : memref<80xi32, #tpu.memory_space<vmem>>) semaphore(%arg25 : memref<!tpu.dma_semaphore, #tpu.memory_space<semaphore_mem>>) {add = true}
    %dma_wait3A_159 = arith.constant 0 : i32
    %dma_wait3A_160 = arith.constant 0 : i32
    %dma_wait3A_161 = arith.constant 0 : i32
    %dma_wait3A_162 = arith.constant 0 : i32
    %dma_wait3A_163 = tpu.memref_slice %arg3[%dma_wait3A_159, %dma_wait3A_160, %dma_wait3A_161, %dma_wait3A_162] : memref<2x32x125x80xi32, #tpu.memory_space<hbm>> -> memref<1x1x16x80xi32, #tpu.memory_space<hbm>>
    %dma_wait3A_164 = tpu.memref_squeeze %dma_wait3A_163 : memref<1x1x16x80xi32, #tpu.memory_space<hbm>> -> memref<16x80xi32, #tpu.memory_space<hbm>>
    %dma_wait3A_165 = arith.constant 0 : i32
    %dma_wait3A_166 = arith.constant 0 : i32
    %dma_wait3A_167 = tpu.memref_slice %arg3[%dma_wait3A_159, %dma_wait3A_160, %dma_wait3A_165, %dma_wait3A_166] : memref<2x32x125x80xi32, #tpu.memory_space<hbm>> -> memref<1x1x16x80xi32, #tpu.memory_space<hbm>>
    %dma_wait3A_168 = tpu.memref_squeeze %dma_wait3A_167 : memref<1x1x16x80xi32, #tpu.memory_space<hbm>> -> memref<16x80xi32, #tpu.memory_space<hbm>>
    tpu.wait_dma2 semaphore(%arg23 : memref<!tpu.dma_semaphore, #tpu.memory_space<semaphore_mem>>) src(%dma_wait3A_168 : memref<16x80xi32, #tpu.memory_space<hbm>>) dst(%arg8 : memref<80x16xf32, #tpu.memory_space<vmem>>)
    %dma_start3A_169 = arith.constant 111 : i32
    %dma_start3A_170 = arith.constant 0 : i32
    %dma_start3A_171 = tpu.memref_slice %arg6[%dma_start3A_169, %dma_start3A_170] : memref<125x80xi32, #tpu.memory_space<vmem>> -> memref<1x80xi32, #tpu.memory_space<vmem>>
    %dma_start3A_172 = tpu.memref_squeeze %dma_start3A_171 : memref<1x80xi32, #tpu.memory_space<vmem>> -> memref<80xi32, #tpu.memory_space<vmem>>
    %dma_start3A_173 = arith.constant 0 : i32
    %dma_start3A_174 = arith.constant 0 : i32
    %dma_start3A_175 = tpu.memref_slice %arg21[%dma_start3A_173, %dma_start3A_174] : memref<10240x16xf32, #tpu.memory_space<vmem_shared>> -> memref<10240x16xf32, #tpu.memory_space<vmem_shared>>
    tpu.enqueue_indirect_dma source(%arg8 : memref<80x16xf32, #tpu.memory_space<vmem>>) target(%dma_start3A_175 : memref<10240x16xf32, #tpu.memory_space<vmem_shared>>) offsets(%dma_start3A_172 : memref<80xi32, #tpu.memory_space<vmem>>) semaphore(%arg25 : memref<!tpu.dma_semaphore, #tpu.memory_space<semaphore_mem>>) {add = true}
    %dma_wait3A_176 = arith.constant 0 : i32
    %dma_wait3A_177 = arith.constant 0 : i32
    %dma_wait3A_178 = arith.constant 0 : i32
    %dma_wait3A_179 = arith.constant 0 : i32
    %dma_wait3A_180 = tpu.memref_slice %arg3[%dma_wait3A_176, %dma_wait3A_177, %dma_wait3A_178, %dma_wait3A_179] : memref<2x32x125x80xi32, #tpu.memory_space<hbm>> -> memref<1x1x16x80xi32, #tpu.memory_space<hbm>>
    %dma_wait3A_181 = tpu.memref_squeeze %dma_wait3A_180 : memref<1x1x16x80xi32, #tpu.memory_space<hbm>> -> memref<16x80xi32, #tpu.memory_space<hbm>>
    %dma_wait3A_182 = arith.constant 0 : i32
    %dma_wait3A_183 = arith.constant 0 : i32
    %dma_wait3A_184 = tpu.memref_slice %arg3[%dma_wait3A_176, %dma_wait3A_177, %dma_wait3A_182, %dma_wait3A_183] : memref<2x32x125x80xi32, #tpu.memory_space<hbm>> -> memref<1x1x16x80xi32, #tpu.memory_space<hbm>>
    %dma_wait3A_185 = tpu.memref_squeeze %dma_wait3A_184 : memref<1x1x16x80xi32, #tpu.memory_space<hbm>> -> memref<16x80xi32, #tpu.memory_space<hbm>>
    tpu.wait_dma2 semaphore(%arg23 : memref<!tpu.dma_semaphore, #tpu.memory_space<semaphore_mem>>) src(%dma_wait3A_185 : memref<16x80xi32, #tpu.memory_space<hbm>>) dst(%arg9 : memref<80x16xf32, #tpu.memory_space<vmem>>)
    %dma_start3A_186 = arith.constant 112 : i32
    %dma_start3A_187 = arith.constant 0 : i32
    %dma_start3A_188 = tpu.memref_slice %arg6[%dma_start3A_186, %dma_start3A_187] : memref<125x80xi32, #tpu.memory_space<vmem>> -> memref<1x80xi32, #tpu.memory_space<vmem>>
    %dma_start3A_189 = tpu.memref_squeeze %dma_start3A_188 : memref<1x80xi32, #tpu.memory_space<vmem>> -> memref<80xi32, #tpu.memory_space<vmem>>
    %dma_start3A_190 = arith.constant 0 : i32
    %dma_start3A_191 = arith.constant 0 : i32
    %dma_start3A_192 = tpu.memref_slice %arg21[%dma_start3A_190, %dma_start3A_191] : memref<10240x16xf32, #tpu.memory_space<vmem_shared>> -> memref<10240x16xf32, #tpu.memory_space<vmem_shared>>
    tpu.enqueue_indirect_dma source(%arg9 : memref<80x16xf32, #tpu.memory_space<vmem>>) target(%dma_start3A_192 : memref<10240x16xf32, #tpu.memory_space<vmem_shared>>) offsets(%dma_start3A_189 : memref<80xi32, #tpu.memory_space<vmem>>) semaphore(%arg25 : memref<!tpu.dma_semaphore, #tpu.memory_space<semaphore_mem>>) {add = true}
    %dma_wait3A_193 = arith.constant 0 : i32
    %dma_wait3A_194 = arith.constant 0 : i32
    %dma_wait3A_195 = arith.constant 0 : i32
    %dma_wait3A_196 = arith.constant 0 : i32
    %dma_wait3A_197 = tpu.memref_slice %arg3[%dma_wait3A_193, %dma_wait3A_194, %dma_wait3A_195, %dma_wait3A_196] : memref<2x32x125x80xi32, #tpu.memory_space<hbm>> -> memref<1x1x16x80xi32, #tpu.memory_space<hbm>>
    %dma_wait3A_198 = tpu.memref_squeeze %dma_wait3A_197 : memref<1x1x16x80xi32, #tpu.memory_space<hbm>> -> memref<16x80xi32, #tpu.memory_space<hbm>>
    %dma_wait3A_199 = arith.constant 0 : i32
    %dma_wait3A_200 = arith.constant 0 : i32
    %dma_wait3A_201 = tpu.memref_slice %arg3[%dma_wait3A_193, %dma_wait3A_194, %dma_wait3A_199, %dma_wait3A_200] : memref<2x32x125x80xi32, #tpu.memory_space<hbm>> -> memref<1x1x16x80xi32, #tpu.memory_space<hbm>>
    %dma_wait3A_202 = tpu.memref_squeeze %dma_wait3A_201 : memref<1x1x16x80xi32, #tpu.memory_space<hbm>> -> memref<16x80xi32, #tpu.memory_space<hbm>>
    tpu.wait_dma2 semaphore(%arg23 : memref<!tpu.dma_semaphore, #tpu.memory_space<semaphore_mem>>) src(%dma_wait3A_202 : memref<16x80xi32, #tpu.memory_space<hbm>>) dst(%arg10 : memref<80x16xf32, #tpu.memory_space<vmem>>)
    %dma_start3A_203 = arith.constant 113 : i32
    %dma_start3A_204 = arith.constant 0 : i32
    %dma_start3A_205 = tpu.memref_slice %arg6[%dma_start3A_203, %dma_start3A_204] : memref<125x80xi32, #tpu.memory_space<vmem>> -> memref<1x80xi32, #tpu.memory_space<vmem>>
    %dma_start3A_206 = tpu.memref_squeeze %dma_start3A_205 : memref<1x80xi32, #tpu.memory_space<vmem>> -> memref<80xi32, #tpu.memory_space<vmem>>
    %dma_start3A_207 = arith.constant 0 : i32
    %dma_start3A_208 = arith.constant 0 : i32
    %dma_start3A_209 = tpu.memref_slice %arg21[%dma_start3A_207, %dma_start3A_208] : memref<10240x16xf32, #tpu.memory_space<vmem_shared>> -> memref<10240x16xf32, #tpu.memory_space<vmem_shared>>
    tpu.enqueue_indirect_dma source(%arg10 : memref<80x16xf32, #tpu.memory_space<vmem>>) target(%dma_start3A_209 : memref<10240x16xf32, #tpu.memory_space<vmem_shared>>) offsets(%dma_start3A_206 : memref<80xi32, #tpu.memory_space<vmem>>) semaphore(%arg25 : memref<!tpu.dma_semaphore, #tpu.memory_space<semaphore_mem>>) {add = true}
    %dma_wait3A_210 = arith.constant 0 : i32
    %dma_wait3A_211 = arith.constant 0 : i32
    %dma_wait3A_212 = arith.constant 0 : i32
    %dma_wait3A_213 = arith.constant 0 : i32
    %dma_wait3A_214 = tpu.memref_slice %arg3[%dma_wait3A_210, %dma_wait3A_211, %dma_wait3A_212, %dma_wait3A_213] : memref<2x32x125x80xi32, #tpu.memory_space<hbm>> -> memref<1x1x16x80xi32, #tpu.memory_space<hbm>>
    %dma_wait3A_215 = tpu.memref_squeeze %dma_wait3A_214 : memref<1x1x16x80xi32, #tpu.memory_space<hbm>> -> memref<16x80xi32, #tpu.memory_space<hbm>>
    %dma_wait3A_216 = arith.constant 0 : i32
    %dma_wait3A_217 = arith.constant 0 : i32
    %dma_wait3A_218 = tpu.memref_slice %arg3[%dma_wait3A_210, %dma_wait3A_211, %dma_wait3A_216, %dma_wait3A_217] : memref<2x32x125x80xi32, #tpu.memory_space<hbm>> -> memref<1x1x16x80xi32, #tpu.memory_space<hbm>>
    %dma_wait3A_219 = tpu.memref_squeeze %dma_wait3A_218 : memref<1x1x16x80xi32, #tpu.memory_space<hbm>> -> memref<16x80xi32, #tpu.memory_space<hbm>>
    tpu.wait_dma2 semaphore(%arg23 : memref<!tpu.dma_semaphore, #tpu.memory_space<semaphore_mem>>) src(%dma_wait3A_219 : memref<16x80xi32, #tpu.memory_space<hbm>>) dst(%arg11 : memref<80x16xf32, #tpu.memory_space<vmem>>)
    %dma_start3A_220 = arith.constant 114 : i32
    %dma_start3A_221 = arith.constant 0 : i32
    %dma_start3A_222 = tpu.memref_slice %arg6[%dma_start3A_220, %dma_start3A_221] : memref<125x80xi32, #tpu.memory_space<vmem>> -> memref<1x80xi32, #tpu.memory_space<vmem>>
    %dma_start3A_223 = tpu.memref_squeeze %dma_start3A_222 : memref<1x80xi32, #tpu.memory_space<vmem>> -> memref<80xi32, #tpu.memory_space<vmem>>
    %dma_start3A_224 = arith.constant 0 : i32
    %dma_start3A_225 = arith.constant 0 : i32
    %dma_start3A_226 = tpu.memref_slice %arg21[%dma_start3A_224, %dma_start3A_225] : memref<10240x16xf32, #tpu.memory_space<vmem_shared>> -> memref<10240x16xf32, #tpu.memory_space<vmem_shared>>
    tpu.enqueue_indirect_dma source(%arg11 : memref<80x16xf32, #tpu.memory_space<vmem>>) target(%dma_start3A_226 : memref<10240x16xf32, #tpu.memory_space<vmem_shared>>) offsets(%dma_start3A_223 : memref<80xi32, #tpu.memory_space<vmem>>) semaphore(%arg25 : memref<!tpu.dma_semaphore, #tpu.memory_space<semaphore_mem>>) {add = true}
    %dma_wait3A_227 = arith.constant 0 : i32
    %dma_wait3A_228 = arith.constant 0 : i32
    %dma_wait3A_229 = arith.constant 0 : i32
    %dma_wait3A_230 = arith.constant 0 : i32
    %dma_wait3A_231 = tpu.memref_slice %arg3[%dma_wait3A_227, %dma_wait3A_228, %dma_wait3A_229, %dma_wait3A_230] : memref<2x32x125x80xi32, #tpu.memory_space<hbm>> -> memref<1x1x16x80xi32, #tpu.memory_space<hbm>>
    %dma_wait3A_232 = tpu.memref_squeeze %dma_wait3A_231 : memref<1x1x16x80xi32, #tpu.memory_space<hbm>> -> memref<16x80xi32, #tpu.memory_space<hbm>>
    %dma_wait3A_233 = arith.constant 0 : i32
    %dma_wait3A_234 = arith.constant 0 : i32
    %dma_wait3A_235 = tpu.memref_slice %arg3[%dma_wait3A_227, %dma_wait3A_228, %dma_wait3A_233, %dma_wait3A_234] : memref<2x32x125x80xi32, #tpu.memory_space<hbm>> -> memref<1x1x16x80xi32, #tpu.memory_space<hbm>>
    %dma_wait3A_236 = tpu.memref_squeeze %dma_wait3A_235 : memref<1x1x16x80xi32, #tpu.memory_space<hbm>> -> memref<16x80xi32, #tpu.memory_space<hbm>>
    tpu.wait_dma2 semaphore(%arg25 : memref<!tpu.dma_semaphore, #tpu.memory_space<semaphore_mem>>) src(%dma_wait3A_236 : memref<16x80xi32, #tpu.memory_space<hbm>>) dst(%arg7 : memref<80x16xf32, #tpu.memory_space<vmem>>)
    %dma_wait3A_237 = arith.constant 0 : i32
    %dma_wait3A_238 = arith.constant 0 : i32
    %dma_wait3A_239 = arith.constant 0 : i32
    %dma_wait3A_240 = arith.constant 0 : i32
    %dma_wait3A_241 = tpu.memref_slice %arg3[%dma_wait3A_237, %dma_wait3A_238, %dma_wait3A_239, %dma_wait3A_240] : memref<2x32x125x80xi32, #tpu.memory_space<hbm>> -> memref<1x1x16x80xi32, #tpu.memory_space<hbm>>
    %dma_wait3A_242 = tpu.memref_squeeze %dma_wait3A_241 : memref<1x1x16x80xi32, #tpu.memory_space<hbm>> -> memref<16x80xi32, #tpu.memory_space<hbm>>
    %dma_wait3A_243 = arith.constant 0 : i32
    %dma_wait3A_244 = arith.constant 0 : i32
    %dma_wait3A_245 = tpu.memref_slice %arg3[%dma_wait3A_237, %dma_wait3A_238, %dma_wait3A_243, %dma_wait3A_244] : memref<2x32x125x80xi32, #tpu.memory_space<hbm>> -> memref<1x1x16x80xi32, #tpu.memory_space<hbm>>
    %dma_wait3A_246 = tpu.memref_squeeze %dma_wait3A_245 : memref<1x1x16x80xi32, #tpu.memory_space<hbm>> -> memref<16x80xi32, #tpu.memory_space<hbm>>
    tpu.wait_dma2 semaphore(%arg25 : memref<!tpu.dma_semaphore, #tpu.memory_space<semaphore_mem>>) src(%dma_wait3A_246 : memref<16x80xi32, #tpu.memory_space<hbm>>) dst(%arg8 : memref<80x16xf32, #tpu.memory_space<vmem>>)
    %dma_wait3A_247 = arith.constant 0 : i32
    %dma_wait3A_248 = arith.constant 0 : i32
    %dma_wait3A_249 = arith.constant 0 : i32
    %dma_wait3A_250 = arith.constant 0 : i32
    %dma_wait3A_251 = tpu.memref_slice %arg3[%dma_wait3A_247, %dma_wait3A_248, %dma_wait3A_249, %dma_wait3A_250] : memref<2x32x125x80xi32, #tpu.memory_space<hbm>> -> memref<1x1x16x80xi32, #tpu.memory_space<hbm>>
    %dma_wait3A_252 = tpu.memref_squeeze %dma_wait3A_251 : memref<1x1x16x80xi32, #tpu.memory_space<hbm>> -> memref<16x80xi32, #tpu.memory_space<hbm>>
    %dma_wait3A_253 = arith.constant 0 : i32
    %dma_wait3A_254 = arith.constant 0 : i32
    %dma_wait3A_255 = tpu.memref_slice %arg3[%dma_wait3A_247, %dma_wait3A_248, %dma_wait3A_253, %dma_wait3A_254] : memref<2x32x125x80xi32, #tpu.memory_space<hbm>> -> memref<1x1x16x80xi32, #tpu.memory_space<hbm>>
    %dma_wait3A_256 = tpu.memref_squeeze %dma_wait3A_255 : memref<1x1x16x80xi32, #tpu.memory_space<hbm>> -> memref<16x80xi32, #tpu.memory_space<hbm>>
    tpu.wait_dma2 semaphore(%arg25 : memref<!tpu.dma_semaphore, #tpu.memory_space<semaphore_mem>>) src(%dma_wait3A_256 : memref<16x80xi32, #tpu.memory_space<hbm>>) dst(%arg9 : memref<80x16xf32, #tpu.memory_space<vmem>>)
    %dma_wait3A_257 = arith.constant 0 : i32
    %dma_wait3A_258 = arith.constant 0 : i32
    %dma_wait3A_259 = arith.constant 0 : i32
    %dma_wait3A_260 = arith.constant 0 : i32
    %dma_wait3A_261 = tpu.memref_slice %arg3[%dma_wait3A_257, %dma_wait3A_258, %dma_wait3A_259, %dma_wait3A_260] : memref<2x32x125x80xi32, #tpu.memory_space<hbm>> -> memref<1x1x16x80xi32, #tpu.memory_space<hbm>>
    %dma_wait3A_262 = tpu.memref_squeeze %dma_wait3A_261 : memref<1x1x16x80xi32, #tpu.memory_space<hbm>> -> memref<16x80xi32, #tpu.memory_space<hbm>>
    %dma_wait3A_263 = arith.constant 0 : i32
    %dma_wait3A_264 = arith.constant 0 : i32
    %dma_wait3A_265 = tpu.memref_slice %arg3[%dma_wait3A_257, %dma_wait3A_258, %dma_wait3A_263, %dma_wait3A_264] : memref<2x32x125x80xi32, #tpu.memory_space<hbm>> -> memref<1x1x16x80xi32, #tpu.memory_space<hbm>>
    %dma_wait3A_266 = tpu.memref_squeeze %dma_wait3A_265 : memref<1x1x16x80xi32, #tpu.memory_space<hbm>> -> memref<16x80xi32, #tpu.memory_space<hbm>>
    tpu.wait_dma2 semaphore(%arg25 : memref<!tpu.dma_semaphore, #tpu.memory_space<semaphore_mem>>) src(%dma_wait3A_266 : memref<16x80xi32, #tpu.memory_space<hbm>>) dst(%arg10 : memref<80x16xf32, #tpu.memory_space<vmem>>)
    %dma_wait3A_267 = arith.constant 0 : i32
    %dma_wait3A_268 = arith.constant 0 : i32
    %dma_wait3A_269 = arith.constant 0 : i32
    %dma_wait3A_270 = arith.constant 0 : i32
    %dma_wait3A_271 = tpu.memref_slice %arg3[%dma_wait3A_267, %dma_wait3A_268, %dma_wait3A_269, %dma_wait3A_270] : memref<2x32x125x80xi32, #tpu.memory_space<hbm>> -> memref<1x1x16x80xi32, #tpu.memory_space<hbm>>
    %dma_wait3A_272 = tpu.memref_squeeze %dma_wait3A_271 : memref<1x1x16x80xi32, #tpu.memory_space<hbm>> -> memref<16x80xi32, #tpu.memory_space<hbm>>
    %dma_wait3A_273 = arith.constant 0 : i32
    %dma_wait3A_274 = arith.constant 0 : i32
    %dma_wait3A_275 = tpu.memref_slice %arg3[%dma_wait3A_267, %dma_wait3A_268, %dma_wait3A_273, %dma_wait3A_274] : memref<2x32x125x80xi32, #tpu.memory_space<hbm>> -> memref<1x1x16x80xi32, #tpu.memory_space<hbm>>
    %dma_wait3A_276 = tpu.memref_squeeze %dma_wait3A_275 : memref<1x1x16x80xi32, #tpu.memory_space<hbm>> -> memref<16x80xi32, #tpu.memory_space<hbm>>
    tpu.wait_dma2 semaphore(%arg25 : memref<!tpu.dma_semaphore, #tpu.memory_space<semaphore_mem>>) src(%dma_wait3A_276 : memref<16x80xi32, #tpu.memory_space<hbm>>) dst(%arg11 : memref<80x16xf32, #tpu.memory_space<vmem>>)
    %dma_start3A_277 = arith.constant 120 : i32
    %dma_start3A_278 = arith.constant 0 : i32
    %dma_start3A_279 = tpu.memref_slice %arg5[%dma_start3A_277, %dma_start3A_278] : memref<125x80xi32, #tpu.memory_space<vmem>> -> memref<1x80xi32, #tpu.memory_space<vmem>>
    %dma_start3A_280 = tpu.memref_squeeze %dma_start3A_279 : memref<1x80xi32, #tpu.memory_space<vmem>> -> memref<80xi32, #tpu.memory_space<vmem>>
    %dma_start3A_281 = arith.constant 0 : i32
    %dma_start3A_282 = arith.constant 0 : i32
    %dma_start3A_283 = tpu.memref_slice %arg22[%dma_start3A_281, %dma_start3A_282] : memref<10240x16xf32, #tpu.memory_space<vmem_shared>> -> memref<10240x16xf32, #tpu.memory_space<vmem_shared>>
    tpu.enqueue_indirect_dma source(%dma_start3A_283 : memref<10240x16xf32, #tpu.memory_space<vmem_shared>>) target(%arg7 : memref<80x16xf32, #tpu.memory_space<vmem>>) offsets(%dma_start3A_280 : memref<80xi32, #tpu.memory_space<vmem>>) semaphore(%arg23 : memref<!tpu.dma_semaphore, #tpu.memory_space<semaphore_mem>>)
    %dma_start3A_284 = arith.constant 121 : i32
    %dma_start3A_285 = arith.constant 0 : i32
    %dma_start3A_286 = tpu.memref_slice %arg5[%dma_start3A_284, %dma_start3A_285] : memref<125x80xi32, #tpu.memory_space<vmem>> -> memref<1x80xi32, #tpu.memory_space<vmem>>
    %dma_start3A_287 = tpu.memref_squeeze %dma_start3A_286 : memref<1x80xi32, #tpu.memory_space<vmem>> -> memref<80xi32, #tpu.memory_space<vmem>>
    %dma_start3A_288 = arith.constant 0 : i32
    %dma_start3A_289 = arith.constant 0 : i32
    %dma_start3A_290 = tpu.memref_slice %arg22[%dma_start3A_288, %dma_start3A_289] : memref<10240x16xf32, #tpu.memory_space<vmem_shared>> -> memref<10240x16xf32, #tpu.memory_space<vmem_shared>>
    tpu.enqueue_indirect_dma source(%dma_start3A_290 : memref<10240x16xf32, #tpu.memory_space<vmem_shared>>) target(%arg8 : memref<80x16xf32, #tpu.memory_space<vmem>>) offsets(%dma_start3A_287 : memref<80xi32, #tpu.memory_space<vmem>>) semaphore(%arg23 : memref<!tpu.dma_semaphore, #tpu.memory_space<semaphore_mem>>)
    %dma_start3A_291 = arith.constant 122 : i32
    %dma_start3A_292 = arith.constant 0 : i32
    %dma_start3A_293 = tpu.memref_slice %arg5[%dma_start3A_291, %dma_start3A_292] : memref<125x80xi32, #tpu.memory_space<vmem>> -> memref<1x80xi32, #tpu.memory_space<vmem>>
    %dma_start3A_294 = tpu.memref_squeeze %dma_start3A_293 : memref<1x80xi32, #tpu.memory_space<vmem>> -> memref<80xi32, #tpu.memory_space<vmem>>
    %dma_start3A_295 = arith.constant 0 : i32
    %dma_start3A_296 = arith.constant 0 : i32
    %dma_start3A_297 = tpu.memref_slice %arg22[%dma_start3A_295, %dma_start3A_296] : memref<10240x16xf32, #tpu.memory_space<vmem_shared>> -> memref<10240x16xf32, #tpu.memory_space<vmem_shared>>
    tpu.enqueue_indirect_dma source(%dma_start3A_297 : memref<10240x16xf32, #tpu.memory_space<vmem_shared>>) target(%arg9 : memref<80x16xf32, #tpu.memory_space<vmem>>) offsets(%dma_start3A_294 : memref<80xi32, #tpu.memory_space<vmem>>) semaphore(%arg23 : memref<!tpu.dma_semaphore, #tpu.memory_space<semaphore_mem>>)
    %dma_start3A_298 = arith.constant 123 : i32
    %dma_start3A_299 = arith.constant 0 : i32
    %dma_start3A_300 = tpu.memref_slice %arg5[%dma_start3A_298, %dma_start3A_299] : memref<125x80xi32, #tpu.memory_space<vmem>> -> memref<1x80xi32, #tpu.memory_space<vmem>>
    %dma_start3A_301 = tpu.memref_squeeze %dma_start3A_300 : memref<1x80xi32, #tpu.memory_space<vmem>> -> memref<80xi32, #tpu.memory_space<vmem>>
    %dma_start3A_302 = arith.constant 0 : i32
    %dma_start3A_303 = arith.constant 0 : i32
    %dma_start3A_304 = tpu.memref_slice %arg22[%dma_start3A_302, %dma_start3A_303] : memref<10240x16xf32, #tpu.memory_space<vmem_shared>> -> memref<10240x16xf32, #tpu.memory_space<vmem_shared>>
    tpu.enqueue_indirect_dma source(%dma_start3A_304 : memref<10240x16xf32, #tpu.memory_space<vmem_shared>>) target(%arg10 : memref<80x16xf32, #tpu.memory_space<vmem>>) offsets(%dma_start3A_301 : memref<80xi32, #tpu.memory_space<vmem>>) semaphore(%arg23 : memref<!tpu.dma_semaphore, #tpu.memory_space<semaphore_mem>>)
    %dma_start3A_305 = arith.constant 124 : i32
    %dma_start3A_306 = arith.constant 0 : i32
    %dma_start3A_307 = tpu.memref_slice %arg5[%dma_start3A_305, %dma_start3A_306] : memref<125x80xi32, #tpu.memory_space<vmem>> -> memref<1x80xi32, #tpu.memory_space<vmem>>
    %dma_start3A_308 = tpu.memref_squeeze %dma_start3A_307 : memref<1x80xi32, #tpu.memory_space<vmem>> -> memref<80xi32, #tpu.memory_space<vmem>>
    %dma_start3A_309 = arith.constant 0 : i32
    %dma_start3A_310 = arith.constant 0 : i32
    %dma_start3A_311 = tpu.memref_slice %arg22[%dma_start3A_309, %dma_start3A_310] : memref<10240x16xf32, #tpu.memory_space<vmem_shared>> -> memref<10240x16xf32, #tpu.memory_space<vmem_shared>>
    tpu.enqueue_indirect_dma source(%dma_start3A_311 : memref<10240x16xf32, #tpu.memory_space<vmem_shared>>) target(%arg11 : memref<80x16xf32, #tpu.memory_space<vmem>>) offsets(%dma_start3A_308 : memref<80xi32, #tpu.memory_space<vmem>>) semaphore(%arg23 : memref<!tpu.dma_semaphore, #tpu.memory_space<semaphore_mem>>)
    %dma_wait3A_312 = arith.constant 0 : i32
    %dma_wait3A_313 = arith.constant 0 : i32
    %dma_wait3A_314 = arith.constant 0 : i32
    %dma_wait3A_315 = arith.constant 0 : i32
    %dma_wait3A_316 = tpu.memref_slice %arg3[%dma_wait3A_312, %dma_wait3A_313, %dma_wait3A_314, %dma_wait3A_315] : memref<2x32x125x80xi32, #tpu.memory_space<hbm>> -> memref<1x1x16x80xi32, #tpu.memory_space<hbm>>
    %dma_wait3A_317 = tpu.memref_squeeze %dma_wait3A_316 : memref<1x1x16x80xi32, #tpu.memory_space<hbm>> -> memref<16x80xi32, #tpu.memory_space<hbm>>
    %dma_wait3A_318 = arith.constant 0 : i32
    %dma_wait3A_319 = arith.constant 0 : i32
    %dma_wait3A_320 = tpu.memref_slice %arg3[%dma_wait3A_312, %dma_wait3A_313, %dma_wait3A_318, %dma_wait3A_319] : memref<2x32x125x80xi32, #tpu.memory_space<hbm>> -> memref<1x1x16x80xi32, #tpu.memory_space<hbm>>
    %dma_wait3A_321 = tpu.memref_squeeze %dma_wait3A_320 : memref<1x1x16x80xi32, #tpu.memory_space<hbm>> -> memref<16x80xi32, #tpu.memory_space<hbm>>
    tpu.wait_dma2 semaphore(%arg24 : memref<!tpu.dma_semaphore, #tpu.memory_space<semaphore_mem>>) src(%dma_wait3A_321 : memref<16x80xi32, #tpu.memory_space<hbm>>) dst(%arg12 : memref<80x16xf32, #tpu.memory_space<vmem>>)
    %dma_start3A_322 = arith.constant 115 : i32
    %dma_start3A_323 = arith.constant 0 : i32
    %dma_start3A_324 = tpu.memref_slice %arg6[%dma_start3A_322, %dma_start3A_323] : memref<125x80xi32, #tpu.memory_space<vmem>> -> memref<1x80xi32, #tpu.memory_space<vmem>>
    %dma_start3A_325 = tpu.memref_squeeze %dma_start3A_324 : memref<1x80xi32, #tpu.memory_space<vmem>> -> memref<80xi32, #tpu.memory_space<vmem>>
    %dma_start3A_326 = arith.constant 0 : i32
    %dma_start3A_327 = arith.constant 0 : i32
    %dma_start3A_328 = tpu.memref_slice %arg21[%dma_start3A_326, %dma_start3A_327] : memref<10240x16xf32, #tpu.memory_space<vmem_shared>> -> memref<10240x16xf32, #tpu.memory_space<vmem_shared>>
    tpu.enqueue_indirect_dma source(%arg12 : memref<80x16xf32, #tpu.memory_space<vmem>>) target(%dma_start3A_328 : memref<10240x16xf32, #tpu.memory_space<vmem_shared>>) offsets(%dma_start3A_325 : memref<80xi32, #tpu.memory_space<vmem>>) semaphore(%arg26 : memref<!tpu.dma_semaphore, #tpu.memory_space<semaphore_mem>>) {add = true}
    %dma_wait3A_329 = arith.constant 0 : i32
    %dma_wait3A_330 = arith.constant 0 : i32
    %dma_wait3A_331 = arith.constant 0 : i32
    %dma_wait3A_332 = arith.constant 0 : i32
    %dma_wait3A_333 = tpu.memref_slice %arg3[%dma_wait3A_329, %dma_wait3A_330, %dma_wait3A_331, %dma_wait3A_332] : memref<2x32x125x80xi32, #tpu.memory_space<hbm>> -> memref<1x1x16x80xi32, #tpu.memory_space<hbm>>
    %dma_wait3A_334 = tpu.memref_squeeze %dma_wait3A_333 : memref<1x1x16x80xi32, #tpu.memory_space<hbm>> -> memref<16x80xi32, #tpu.memory_space<hbm>>
    %dma_wait3A_335 = arith.constant 0 : i32
    %dma_wait3A_336 = arith.constant 0 : i32
    %dma_wait3A_337 = tpu.memref_slice %arg3[%dma_wait3A_329, %dma_wait3A_330, %dma_wait3A_335, %dma_wait3A_336] : memref<2x32x125x80xi32, #tpu.memory_space<hbm>> -> memref<1x1x16x80xi32, #tpu.memory_space<hbm>>
    %dma_wait3A_338 = tpu.memref_squeeze %dma_wait3A_337 : memref<1x1x16x80xi32, #tpu.memory_space<hbm>> -> memref<16x80xi32, #tpu.memory_space<hbm>>
    tpu.wait_dma2 semaphore(%arg24 : memref<!tpu.dma_semaphore, #tpu.memory_space<semaphore_mem>>) src(%dma_wait3A_338 : memref<16x80xi32, #tpu.memory_space<hbm>>) dst(%arg13 : memref<80x16xf32, #tpu.memory_space<vmem>>)
    %dma_start3A_339 = arith.constant 116 : i32
    %dma_start3A_340 = arith.constant 0 : i32
    %dma_start3A_341 = tpu.memref_slice %arg6[%dma_start3A_339, %dma_start3A_340] : memref<125x80xi32, #tpu.memory_space<vmem>> -> memref<1x80xi32, #tpu.memory_space<vmem>>
    %dma_start3A_342 = tpu.memref_squeeze %dma_start3A_341 : memref<1x80xi32, #tpu.memory_space<vmem>> -> memref<80xi32, #tpu.memory_space<vmem>>
    %dma_start3A_343 = arith.constant 0 : i32
    %dma_start3A_344 = arith.constant 0 : i32
    %dma_start3A_345 = tpu.memref_slice %arg21[%dma_start3A_343, %dma_start3A_344] : memref<10240x16xf32, #tpu.memory_space<vmem_shared>> -> memref<10240x16xf32, #tpu.memory_space<vmem_shared>>
    tpu.enqueue_indirect_dma source(%arg13 : memref<80x16xf32, #tpu.memory_space<vmem>>) target(%dma_start3A_345 : memref<10240x16xf32, #tpu.memory_space<vmem_shared>>) offsets(%dma_start3A_342 : memref<80xi32, #tpu.memory_space<vmem>>) semaphore(%arg26 : memref<!tpu.dma_semaphore, #tpu.memory_space<semaphore_mem>>) {add = true}
    %dma_wait3A_346 = arith.constant 0 : i32
    %dma_wait3A_347 = arith.constant 0 : i32
    %dma_wait3A_348 = arith.constant 0 : i32
    %dma_wait3A_349 = arith.constant 0 : i32
    %dma_wait3A_350 = tpu.memref_slice %arg3[%dma_wait3A_346, %dma_wait3A_347, %dma_wait3A_348, %dma_wait3A_349] : memref<2x32x125x80xi32, #tpu.memory_space<hbm>> -> memref<1x1x16x80xi32, #tpu.memory_space<hbm>>
    %dma_wait3A_351 = tpu.memref_squeeze %dma_wait3A_350 : memref<1x1x16x80xi32, #tpu.memory_space<hbm>> -> memref<16x80xi32, #tpu.memory_space<hbm>>
    %dma_wait3A_352 = arith.constant 0 : i32
    %dma_wait3A_353 = arith.constant 0 : i32
    %dma_wait3A_354 = tpu.memref_slice %arg3[%dma_wait3A_346, %dma_wait3A_347, %dma_wait3A_352, %dma_wait3A_353] : memref<2x32x125x80xi32, #tpu.memory_space<hbm>> -> memref<1x1x16x80xi32, #tpu.memory_space<hbm>>
    %dma_wait3A_355 = tpu.memref_squeeze %dma_wait3A_354 : memref<1x1x16x80xi32, #tpu.memory_space<hbm>> -> memref<16x80xi32, #tpu.memory_space<hbm>>
    tpu.wait_dma2 semaphore(%arg24 : memref<!tpu.dma_semaphore, #tpu.memory_space<semaphore_mem>>) src(%dma_wait3A_355 : memref<16x80xi32, #tpu.memory_space<hbm>>) dst(%arg14 : memref<80x16xf32, #tpu.memory_space<vmem>>)
    %dma_start3A_356 = arith.constant 117 : i32
    %dma_start3A_357 = arith.constant 0 : i32
    %dma_start3A_358 = tpu.memref_slice %arg6[%dma_start3A_356, %dma_start3A_357] : memref<125x80xi32, #tpu.memory_space<vmem>> -> memref<1x80xi32, #tpu.memory_space<vmem>>
    %dma_start3A_359 = tpu.memref_squeeze %dma_start3A_358 : memref<1x80xi32, #tpu.memory_space<vmem>> -> memref<80xi32, #tpu.memory_space<vmem>>
    %dma_start3A_360 = arith.constant 0 : i32
    %dma_start3A_361 = arith.constant 0 : i32
    %dma_start3A_362 = tpu.memref_slice %arg21[%dma_start3A_360, %dma_start3A_361] : memref<10240x16xf32, #tpu.memory_space<vmem_shared>> -> memref<10240x16xf32, #tpu.memory_space<vmem_shared>>
    tpu.enqueue_indirect_dma source(%arg14 : memref<80x16xf32, #tpu.memory_space<vmem>>) target(%dma_start3A_362 : memref<10240x16xf32, #tpu.memory_space<vmem_shared>>) offsets(%dma_start3A_359 : memref<80xi32, #tpu.memory_space<vmem>>) semaphore(%arg26 : memref<!tpu.dma_semaphore, #tpu.memory_space<semaphore_mem>>) {add = true}
    %dma_wait3A_363 = arith.constant 0 : i32
    %dma_wait3A_364 = arith.constant 0 : i32
    %dma_wait3A_365 = arith.constant 0 : i32
    %dma_wait3A_366 = arith.constant 0 : i32
    %dma_wait3A_367 = tpu.memref_slice %arg3[%dma_wait3A_363, %dma_wait3A_364, %dma_wait3A_365, %dma_wait3A_366] : memref<2x32x125x80xi32, #tpu.memory_space<hbm>> -> memref<1x1x16x80xi32, #tpu.memory_space<hbm>>
    %dma_wait3A_368 = tpu.memref_squeeze %dma_wait3A_367 : memref<1x1x16x80xi32, #tpu.memory_space<hbm>> -> memref<16x80xi32, #tpu.memory_space<hbm>>
    %dma_wait3A_369 = arith.constant 0 : i32
    %dma_wait3A_370 = arith.constant 0 : i32
    %dma_wait3A_371 = tpu.memref_slice %arg3[%dma_wait3A_363, %dma_wait3A_364, %dma_wait3A_369, %dma_wait3A_370] : memref<2x32x125x80xi32, #tpu.memory_space<hbm>> -> memref<1x1x16x80xi32, #tpu.memory_space<hbm>>
    %dma_wait3A_372 = tpu.memref_squeeze %dma_wait3A_371 : memref<1x1x16x80xi32, #tpu.memory_space<hbm>> -> memref<16x80xi32, #tpu.memory_space<hbm>>
    tpu.wait_dma2 semaphore(%arg24 : memref<!tpu.dma_semaphore, #tpu.memory_space<semaphore_mem>>) src(%dma_wait3A_372 : memref<16x80xi32, #tpu.memory_space<hbm>>) dst(%arg15 : memref<80x16xf32, #tpu.memory_space<vmem>>)
    %dma_start3A_373 = arith.constant 118 : i32
    %dma_start3A_374 = arith.constant 0 : i32
    %dma_start3A_375 = tpu.memref_slice %arg6[%dma_start3A_373, %dma_start3A_374] : memref<125x80xi32, #tpu.memory_space<vmem>> -> memref<1x80xi32, #tpu.memory_space<vmem>>
    %dma_start3A_376 = tpu.memref_squeeze %dma_start3A_375 : memref<1x80xi32, #tpu.memory_space<vmem>> -> memref<80xi32, #tpu.memory_space<vmem>>
    %dma_start3A_377 = arith.constant 0 : i32
    %dma_start3A_378 = arith.constant 0 : i32
    %dma_start3A_379 = tpu.memref_slice %arg21[%dma_start3A_377, %dma_start3A_378] : memref<10240x16xf32, #tpu.memory_space<vmem_shared>> -> memref<10240x16xf32, #tpu.memory_space<vmem_shared>>
    tpu.enqueue_indirect_dma source(%arg15 : memref<80x16xf32, #tpu.memory_space<vmem>>) target(%dma_start3A_379 : memref<10240x16xf32, #tpu.memory_space<vmem_shared>>) offsets(%dma_start3A_376 : memref<80xi32, #tpu.memory_space<vmem>>) semaphore(%arg26 : memref<!tpu.dma_semaphore, #tpu.memory_space<semaphore_mem>>) {add = true}
    %dma_wait3A_380 = arith.constant 0 : i32
    %dma_wait3A_381 = arith.constant 0 : i32
    %dma_wait3A_382 = arith.constant 0 : i32
    %dma_wait3A_383 = arith.constant 0 : i32
    %dma_wait3A_384 = tpu.memref_slice %arg3[%dma_wait3A_380, %dma_wait3A_381, %dma_wait3A_382, %dma_wait3A_383] : memref<2x32x125x80xi32, #tpu.memory_space<hbm>> -> memref<1x1x16x80xi32, #tpu.memory_space<hbm>>
    %dma_wait3A_385 = tpu.memref_squeeze %dma_wait3A_384 : memref<1x1x16x80xi32, #tpu.memory_space<hbm>> -> memref<16x80xi32, #tpu.memory_space<hbm>>
    %dma_wait3A_386 = arith.constant 0 : i32
    %dma_wait3A_387 = arith.constant 0 : i32
    %dma_wait3A_388 = tpu.memref_slice %arg3[%dma_wait3A_380, %dma_wait3A_381, %dma_wait3A_386, %dma_wait3A_387] : memref<2x32x125x80xi32, #tpu.memory_space<hbm>> -> memref<1x1x16x80xi32, #tpu.memory_space<hbm>>
    %dma_wait3A_389 = tpu.memref_squeeze %dma_wait3A_388 : memref<1x1x16x80xi32, #tpu.memory_space<hbm>> -> memref<16x80xi32, #tpu.memory_space<hbm>>
    tpu.wait_dma2 semaphore(%arg24 : memref<!tpu.dma_semaphore, #tpu.memory_space<semaphore_mem>>) src(%dma_wait3A_389 : memref<16x80xi32, #tpu.memory_space<hbm>>) dst(%arg16 : memref<80x16xf32, #tpu.memory_space<vmem>>)
    %dma_start3A_390 = arith.constant 119 : i32
    %dma_start3A_391 = arith.constant 0 : i32
    %dma_start3A_392 = tpu.memref_slice %arg6[%dma_start3A_390, %dma_start3A_391] : memref<125x80xi32, #tpu.memory_space<vmem>> -> memref<1x80xi32, #tpu.memory_space<vmem>>
    %dma_start3A_393 = tpu.memref_squeeze %dma_start3A_392 : memref<1x80xi32, #tpu.memory_space<vmem>> -> memref<80xi32, #tpu.memory_space<vmem>>
    %dma_start3A_394 = arith.constant 0 : i32
    %dma_start3A_395 = arith.constant 0 : i32
    %dma_start3A_396 = tpu.memref_slice %arg21[%dma_start3A_394, %dma_start3A_395] : memref<10240x16xf32, #tpu.memory_space<vmem_shared>> -> memref<10240x16xf32, #tpu.memory_space<vmem_shared>>
    tpu.enqueue_indirect_dma source(%arg16 : memref<80x16xf32, #tpu.memory_space<vmem>>) target(%dma_start3A_396 : memref<10240x16xf32, #tpu.memory_space<vmem_shared>>) offsets(%dma_start3A_393 : memref<80xi32, #tpu.memory_space<vmem>>) semaphore(%arg26 : memref<!tpu.dma_semaphore, #tpu.memory_space<semaphore_mem>>) {add = true}
    %dma_wait3A_397 = arith.constant 0 : i32
    %dma_wait3A_398 = arith.constant 0 : i32
    %dma_wait3A_399 = arith.constant 0 : i32
    %dma_wait3A_400 = arith.constant 0 : i32
    %dma_wait3A_401 = tpu.memref_slice %arg3[%dma_wait3A_397, %dma_wait3A_398, %dma_wait3A_399, %dma_wait3A_400] : memref<2x32x125x80xi32, #tpu.memory_space<hbm>> -> memref<1x1x16x80xi32, #tpu.memory_space<hbm>>
    %dma_wait3A_402 = tpu.memref_squeeze %dma_wait3A_401 : memref<1x1x16x80xi32, #tpu.memory_space<hbm>> -> memref<16x80xi32, #tpu.memory_space<hbm>>
    %dma_wait3A_403 = arith.constant 0 : i32
    %dma_wait3A_404 = arith.constant 0 : i32
    %dma_wait3A_405 = tpu.memref_slice %arg3[%dma_wait3A_397, %dma_wait3A_398, %dma_wait3A_403, %dma_wait3A_404] : memref<2x32x125x80xi32, #tpu.memory_space<hbm>> -> memref<1x1x16x80xi32, #tpu.memory_space<hbm>>
    %dma_wait3A_406 = tpu.memref_squeeze %dma_wait3A_405 : memref<1x1x16x80xi32, #tpu.memory_space<hbm>> -> memref<16x80xi32, #tpu.memory_space<hbm>>
    tpu.wait_dma2 semaphore(%arg26 : memref<!tpu.dma_semaphore, #tpu.memory_space<semaphore_mem>>) src(%dma_wait3A_406 : memref<16x80xi32, #tpu.memory_space<hbm>>) dst(%arg12 : memref<80x16xf32, #tpu.memory_space<vmem>>)
    %dma_wait3A_407 = arith.constant 0 : i32
    %dma_wait3A_408 = arith.constant 0 : i32
    %dma_wait3A_409 = arith.constant 0 : i32
    %dma_wait3A_410 = arith.constant 0 : i32
    %dma_wait3A_411 = tpu.memref_slice %arg3[%dma_wait3A_407, %dma_wait3A_408, %dma_wait3A_409, %dma_wait3A_410] : memref<2x32x125x80xi32, #tpu.memory_space<hbm>> -> memref<1x1x16x80xi32, #tpu.memory_space<hbm>>
    %dma_wait3A_412 = tpu.memref_squeeze %dma_wait3A_411 : memref<1x1x16x80xi32, #tpu.memory_space<hbm>> -> memref<16x80xi32, #tpu.memory_space<hbm>>
    %dma_wait3A_413 = arith.constant 0 : i32
    %dma_wait3A_414 = arith.constant 0 : i32
    %dma_wait3A_415 = tpu.memref_slice %arg3[%dma_wait3A_407, %dma_wait3A_408, %dma_wait3A_413, %dma_wait3A_414] : memref<2x32x125x80xi32, #tpu.memory_space<hbm>> -> memref<1x1x16x80xi32, #tpu.memory_space<hbm>>
    %dma_wait3A_416 = tpu.memref_squeeze %dma_wait3A_415 : memref<1x1x16x80xi32, #tpu.memory_space<hbm>> -> memref<16x80xi32, #tpu.memory_space<hbm>>
    tpu.wait_dma2 semaphore(%arg26 : memref<!tpu.dma_semaphore, #tpu.memory_space<semaphore_mem>>) src(%dma_wait3A_416 : memref<16x80xi32, #tpu.memory_space<hbm>>) dst(%arg13 : memref<80x16xf32, #tpu.memory_space<vmem>>)
    %dma_wait3A_417 = arith.constant 0 : i32
    %dma_wait3A_418 = arith.constant 0 : i32
    %dma_wait3A_419 = arith.constant 0 : i32
    %dma_wait3A_420 = arith.constant 0 : i32
    %dma_wait3A_421 = tpu.memref_slice %arg3[%dma_wait3A_417, %dma_wait3A_418, %dma_wait3A_419, %dma_wait3A_420] : memref<2x32x125x80xi32, #tpu.memory_space<hbm>> -> memref<1x1x16x80xi32, #tpu.memory_space<hbm>>
    %dma_wait3A_422 = tpu.memref_squeeze %dma_wait3A_421 : memref<1x1x16x80xi32, #tpu.memory_space<hbm>> -> memref<16x80xi32, #tpu.memory_space<hbm>>
    %dma_wait3A_423 = arith.constant 0 : i32
    %dma_wait3A_424 = arith.constant 0 : i32
    %dma_wait3A_425 = tpu.memref_slice %arg3[%dma_wait3A_417, %dma_wait3A_418, %dma_wait3A_423, %dma_wait3A_424] : memref<2x32x125x80xi32, #tpu.memory_space<hbm>> -> memref<1x1x16x80xi32, #tpu.memory_space<hbm>>
    %dma_wait3A_426 = tpu.memref_squeeze %dma_wait3A_425 : memref<1x1x16x80xi32, #tpu.memory_space<hbm>> -> memref<16x80xi32, #tpu.memory_space<hbm>>
    tpu.wait_dma2 semaphore(%arg26 : memref<!tpu.dma_semaphore, #tpu.memory_space<semaphore_mem>>) src(%dma_wait3A_426 : memref<16x80xi32, #tpu.memory_space<hbm>>) dst(%arg14 : memref<80x16xf32, #tpu.memory_space<vmem>>)
    %dma_wait3A_427 = arith.constant 0 : i32
    %dma_wait3A_428 = arith.constant 0 : i32
    %dma_wait3A_429 = arith.constant 0 : i32
    %dma_wait3A_430 = arith.constant 0 : i32
    %dma_wait3A_431 = tpu.memref_slice %arg3[%dma_wait3A_427, %dma_wait3A_428, %dma_wait3A_429, %dma_wait3A_430] : memref<2x32x125x80xi32, #tpu.memory_space<hbm>> -> memref<1x1x16x80xi32, #tpu.memory_space<hbm>>
    %dma_wait3A_432 = tpu.memref_squeeze %dma_wait3A_431 : memref<1x1x16x80xi32, #tpu.memory_space<hbm>> -> memref<16x80xi32, #tpu.memory_space<hbm>>
    %dma_wait3A_433 = arith.constant 0 : i32
    %dma_wait3A_434 = arith.constant 0 : i32
    %dma_wait3A_435 = tpu.memref_slice %arg3[%dma_wait3A_427, %dma_wait3A_428, %dma_wait3A_433, %dma_wait3A_434] : memref<2x32x125x80xi32, #tpu.memory_space<hbm>> -> memref<1x1x16x80xi32, #tpu.memory_space<hbm>>
    %dma_wait3A_436 = tpu.memref_squeeze %dma_wait3A_435 : memref<1x1x16x80xi32, #tpu.memory_space<hbm>> -> memref<16x80xi32, #tpu.memory_space<hbm>>
    tpu.wait_dma2 semaphore(%arg26 : memref<!tpu.dma_semaphore, #tpu.memory_space<semaphore_mem>>) src(%dma_wait3A_436 : memref<16x80xi32, #tpu.memory_space<hbm>>) dst(%arg15 : memref<80x16xf32, #tpu.memory_space<vmem>>)
    %dma_wait3A_437 = arith.constant 0 : i32
    %dma_wait3A_438 = arith.constant 0 : i32
    %dma_wait3A_439 = arith.constant 0 : i32
    %dma_wait3A_440 = arith.constant 0 : i32
    %dma_wait3A_441 = tpu.memref_slice %arg3[%dma_wait3A_437, %dma_wait3A_438, %dma_wait3A_439, %dma_wait3A_440] : memref<2x32x125x80xi32, #tpu.memory_space<hbm>> -> memref<1x1x16x80xi32, #tpu.memory_space<hbm>>
    %dma_wait3A_442 = tpu.memref_squeeze %dma_wait3A_441 : memref<1x1x16x80xi32, #tpu.memory_space<hbm>> -> memref<16x80xi32, #tpu.memory_space<hbm>>
    %dma_wait3A_443 = arith.constant 0 : i32
    %dma_wait3A_444 = arith.constant 0 : i32
    %dma_wait3A_445 = tpu.memref_slice %arg3[%dma_wait3A_437, %dma_wait3A_438, %dma_wait3A_443, %dma_wait3A_444] : memref<2x32x125x80xi32, #tpu.memory_space<hbm>> -> memref<1x1x16x80xi32, #tpu.memory_space<hbm>>
    %dma_wait3A_446 = tpu.memref_squeeze %dma_wait3A_445 : memref<1x1x16x80xi32, #tpu.memory_space<hbm>> -> memref<16x80xi32, #tpu.memory_space<hbm>>
    tpu.wait_dma2 semaphore(%arg26 : memref<!tpu.dma_semaphore, #tpu.memory_space<semaphore_mem>>) src(%dma_wait3A_446 : memref<16x80xi32, #tpu.memory_space<hbm>>) dst(%arg16 : memref<80x16xf32, #tpu.memory_space<vmem>>)
    %dma_wait3A_447 = arith.constant 0 : i32
    %dma_wait3A_448 = arith.constant 0 : i32
    %dma_wait3A_449 = arith.constant 0 : i32
    %dma_wait3A_450 = arith.constant 0 : i32
    %dma_wait3A_451 = tpu.memref_slice %arg3[%dma_wait3A_447, %dma_wait3A_448, %dma_wait3A_449, %dma_wait3A_450] : memref<2x32x125x80xi32, #tpu.memory_space<hbm>> -> memref<1x1x16x80xi32, #tpu.memory_space<hbm>>
    %dma_wait3A_452 = tpu.memref_squeeze %dma_wait3A_451 : memref<1x1x16x80xi32, #tpu.memory_space<hbm>> -> memref<16x80xi32, #tpu.memory_space<hbm>>
    %dma_wait3A_453 = arith.constant 0 : i32
    %dma_wait3A_454 = arith.constant 0 : i32
    %dma_wait3A_455 = tpu.memref_slice %arg3[%dma_wait3A_447, %dma_wait3A_448, %dma_wait3A_453, %dma_wait3A_454] : memref<2x32x125x80xi32, #tpu.memory_space<hbm>> -> memref<1x1x16x80xi32, #tpu.memory_space<hbm>>
    %dma_wait3A_456 = tpu.memref_squeeze %dma_wait3A_455 : memref<1x1x16x80xi32, #tpu.memory_space<hbm>> -> memref<16x80xi32, #tpu.memory_space<hbm>>
    tpu.wait_dma2 semaphore(%arg23 : memref<!tpu.dma_semaphore, #tpu.memory_space<semaphore_mem>>) src(%dma_wait3A_456 : memref<16x80xi32, #tpu.memory_space<hbm>>) dst(%arg7 : memref<80x16xf32, #tpu.memory_space<vmem>>)
    %dma_start3A_457 = arith.constant 120 : i32
    %dma_start3A_458 = arith.constant 0 : i32
    %dma_start3A_459 = tpu.memref_slice %arg6[%dma_start3A_457, %dma_start3A_458] : memref<125x80xi32, #tpu.memory_space<vmem>> -> memref<1x80xi32, #tpu.memory_space<vmem>>
    %dma_start3A_460 = tpu.memref_squeeze %dma_start3A_459 : memref<1x80xi32, #tpu.memory_space<vmem>> -> memref<80xi32, #tpu.memory_space<vmem>>
    %dma_start3A_461 = arith.constant 0 : i32
    %dma_start3A_462 = arith.constant 0 : i32
    %dma_start3A_463 = tpu.memref_slice %arg21[%dma_start3A_461, %dma_start3A_462] : memref<10240x16xf32, #tpu.memory_space<vmem_shared>> -> memref<10240x16xf32, #tpu.memory_space<vmem_shared>>
    tpu.enqueue_indirect_dma source(%arg7 : memref<80x16xf32, #tpu.memory_space<vmem>>) target(%dma_start3A_463 : memref<10240x16xf32, #tpu.memory_space<vmem_shared>>) offsets(%dma_start3A_460 : memref<80xi32, #tpu.memory_space<vmem>>) semaphore(%arg25 : memref<!tpu.dma_semaphore, #tpu.memory_space<semaphore_mem>>) {add = true}
    %dma_wait3A_464 = arith.constant 0 : i32
    %dma_wait3A_465 = arith.constant 0 : i32
    %dma_wait3A_466 = arith.constant 0 : i32
    %dma_wait3A_467 = arith.constant 0 : i32
    %dma_wait3A_468 = tpu.memref_slice %arg3[%dma_wait3A_464, %dma_wait3A_465, %dma_wait3A_466, %dma_wait3A_467] : memref<2x32x125x80xi32, #tpu.memory_space<hbm>> -> memref<1x1x16x80xi32, #tpu.memory_space<hbm>>
    %dma_wait3A_469 = tpu.memref_squeeze %dma_wait3A_468 : memref<1x1x16x80xi32, #tpu.memory_space<hbm>> -> memref<16x80xi32, #tpu.memory_space<hbm>>
    %dma_wait3A_470 = arith.constant 0 : i32
    %dma_wait3A_471 = arith.constant 0 : i32
    %dma_wait3A_472 = tpu.memref_slice %arg3[%dma_wait3A_464, %dma_wait3A_465, %dma_wait3A_470, %dma_wait3A_471] : memref<2x32x125x80xi32, #tpu.memory_space<hbm>> -> memref<1x1x16x80xi32, #tpu.memory_space<hbm>>
    %dma_wait3A_473 = tpu.memref_squeeze %dma_wait3A_472 : memref<1x1x16x80xi32, #tpu.memory_space<hbm>> -> memref<16x80xi32, #tpu.memory_space<hbm>>
    tpu.wait_dma2 semaphore(%arg23 : memref<!tpu.dma_semaphore, #tpu.memory_space<semaphore_mem>>) src(%dma_wait3A_473 : memref<16x80xi32, #tpu.memory_space<hbm>>) dst(%arg8 : memref<80x16xf32, #tpu.memory_space<vmem>>)
    %dma_start3A_474 = arith.constant 121 : i32
    %dma_start3A_475 = arith.constant 0 : i32
    %dma_start3A_476 = tpu.memref_slice %arg6[%dma_start3A_474, %dma_start3A_475] : memref<125x80xi32, #tpu.memory_space<vmem>> -> memref<1x80xi32, #tpu.memory_space<vmem>>
    %dma_start3A_477 = tpu.memref_squeeze %dma_start3A_476 : memref<1x80xi32, #tpu.memory_space<vmem>> -> memref<80xi32, #tpu.memory_space<vmem>>
    %dma_start3A_478 = arith.constant 0 : i32
    %dma_start3A_479 = arith.constant 0 : i32
    %dma_start3A_480 = tpu.memref_slice %arg21[%dma_start3A_478, %dma_start3A_479] : memref<10240x16xf32, #tpu.memory_space<vmem_shared>> -> memref<10240x16xf32, #tpu.memory_space<vmem_shared>>
    tpu.enqueue_indirect_dma source(%arg8 : memref<80x16xf32, #tpu.memory_space<vmem>>) target(%dma_start3A_480 : memref<10240x16xf32, #tpu.memory_space<vmem_shared>>) offsets(%dma_start3A_477 : memref<80xi32, #tpu.memory_space<vmem>>) semaphore(%arg25 : memref<!tpu.dma_semaphore, #tpu.memory_space<semaphore_mem>>) {add = true}
    %dma_wait3A_481 = arith.constant 0 : i32
    %dma_wait3A_482 = arith.constant 0 : i32
    %dma_wait3A_483 = arith.constant 0 : i32
    %dma_wait3A_484 = arith.constant 0 : i32
    %dma_wait3A_485 = tpu.memref_slice %arg3[%dma_wait3A_481, %dma_wait3A_482, %dma_wait3A_483, %dma_wait3A_484] : memref<2x32x125x80xi32, #tpu.memory_space<hbm>> -> memref<1x1x16x80xi32, #tpu.memory_space<hbm>>
    %dma_wait3A_486 = tpu.memref_squeeze %dma_wait3A_485 : memref<1x1x16x80xi32, #tpu.memory_space<hbm>> -> memref<16x80xi32, #tpu.memory_space<hbm>>
    %dma_wait3A_487 = arith.constant 0 : i32
    %dma_wait3A_488 = arith.constant 0 : i32
    %dma_wait3A_489 = tpu.memref_slice %arg3[%dma_wait3A_481, %dma_wait3A_482, %dma_wait3A_487, %dma_wait3A_488] : memref<2x32x125x80xi32, #tpu.memory_space<hbm>> -> memref<1x1x16x80xi32, #tpu.memory_space<hbm>>
    %dma_wait3A_490 = tpu.memref_squeeze %dma_wait3A_489 : memref<1x1x16x80xi32, #tpu.memory_space<hbm>> -> memref<16x80xi32, #tpu.memory_space<hbm>>
    tpu.wait_dma2 semaphore(%arg23 : memref<!tpu.dma_semaphore, #tpu.memory_space<semaphore_mem>>) src(%dma_wait3A_490 : memref<16x80xi32, #tpu.memory_space<hbm>>) dst(%arg9 : memref<80x16xf32, #tpu.memory_space<vmem>>)
    %dma_start3A_491 = arith.constant 122 : i32
    %dma_start3A_492 = arith.constant 0 : i32
    %dma_start3A_493 = tpu.memref_slice %arg6[%dma_start3A_491, %dma_start3A_492] : memref<125x80xi32, #tpu.memory_space<vmem>> -> memref<1x80xi32, #tpu.memory_space<vmem>>
    %dma_start3A_494 = tpu.memref_squeeze %dma_start3A_493 : memref<1x80xi32, #tpu.memory_space<vmem>> -> memref<80xi32, #tpu.memory_space<vmem>>
    %dma_start3A_495 = arith.constant 0 : i32
    %dma_start3A_496 = arith.constant 0 : i32
    %dma_start3A_497 = tpu.memref_slice %arg21[%dma_start3A_495, %dma_start3A_496] : memref<10240x16xf32, #tpu.memory_space<vmem_shared>> -> memref<10240x16xf32, #tpu.memory_space<vmem_shared>>
    tpu.enqueue_indirect_dma source(%arg9 : memref<80x16xf32, #tpu.memory_space<vmem>>) target(%dma_start3A_497 : memref<10240x16xf32, #tpu.memory_space<vmem_shared>>) offsets(%dma_start3A_494 : memref<80xi32, #tpu.memory_space<vmem>>) semaphore(%arg25 : memref<!tpu.dma_semaphore, #tpu.memory_space<semaphore_mem>>) {add = true}
    %dma_wait3A_498 = arith.constant 0 : i32
    %dma_wait3A_499 = arith.constant 0 : i32
    %dma_wait3A_500 = arith.constant 0 : i32
    %dma_wait3A_501 = arith.constant 0 : i32
    %dma_wait3A_502 = tpu.memref_slice %arg3[%dma_wait3A_498, %dma_wait3A_499, %dma_wait3A_500, %dma_wait3A_501] : memref<2x32x125x80xi32, #tpu.memory_space<hbm>> -> memref<1x1x16x80xi32, #tpu.memory_space<hbm>>
    %dma_wait3A_503 = tpu.memref_squeeze %dma_wait3A_502 : memref<1x1x16x80xi32, #tpu.memory_space<hbm>> -> memref<16x80xi32, #tpu.memory_space<hbm>>
    %dma_wait3A_504 = arith.constant 0 : i32
    %dma_wait3A_505 = arith.constant 0 : i32
    %dma_wait3A_506 = tpu.memref_slice %arg3[%dma_wait3A_498, %dma_wait3A_499, %dma_wait3A_504, %dma_wait3A_505] : memref<2x32x125x80xi32, #tpu.memory_space<hbm>> -> memref<1x1x16x80xi32, #tpu.memory_space<hbm>>
    %dma_wait3A_507 = tpu.memref_squeeze %dma_wait3A_506 : memref<1x1x16x80xi32, #tpu.memory_space<hbm>> -> memref<16x80xi32, #tpu.memory_space<hbm>>
    tpu.wait_dma2 semaphore(%arg23 : memref<!tpu.dma_semaphore, #tpu.memory_space<semaphore_mem>>) src(%dma_wait3A_507 : memref<16x80xi32, #tpu.memory_space<hbm>>) dst(%arg10 : memref<80x16xf32, #tpu.memory_space<vmem>>)
    %dma_start3A_508 = arith.constant 123 : i32
    %dma_start3A_509 = arith.constant 0 : i32
    %dma_start3A_510 = tpu.memref_slice %arg6[%dma_start3A_508, %dma_start3A_509] : memref<125x80xi32, #tpu.memory_space<vmem>> -> memref<1x80xi32, #tpu.memory_space<vmem>>
    %dma_start3A_511 = tpu.memref_squeeze %dma_start3A_510 : memref<1x80xi32, #tpu.memory_space<vmem>> -> memref<80xi32, #tpu.memory_space<vmem>>
    %dma_start3A_512 = arith.constant 0 : i32
    %dma_start3A_513 = arith.constant 0 : i32
    %dma_start3A_514 = tpu.memref_slice %arg21[%dma_start3A_512, %dma_start3A_513] : memref<10240x16xf32, #tpu.memory_space<vmem_shared>> -> memref<10240x16xf32, #tpu.memory_space<vmem_shared>>
    tpu.enqueue_indirect_dma source(%arg10 : memref<80x16xf32, #tpu.memory_space<vmem>>) target(%dma_start3A_514 : memref<10240x16xf32, #tpu.memory_space<vmem_shared>>) offsets(%dma_start3A_511 : memref<80xi32, #tpu.memory_space<vmem>>) semaphore(%arg25 : memref<!tpu.dma_semaphore, #tpu.memory_space<semaphore_mem>>) {add = true}
    %dma_wait3A_515 = arith.constant 0 : i32
    %dma_wait3A_516 = arith.constant 0 : i32
    %dma_wait3A_517 = arith.constant 0 : i32
    %dma_wait3A_518 = arith.constant 0 : i32
    %dma_wait3A_519 = tpu.memref_slice %arg3[%dma_wait3A_515, %dma_wait3A_516, %dma_wait3A_517, %dma_wait3A_518] : memref<2x32x125x80xi32, #tpu.memory_space<hbm>> -> memref<1x1x16x80xi32, #tpu.memory_space<hbm>>
    %dma_wait3A_520 = tpu.memref_squeeze %dma_wait3A_519 : memref<1x1x16x80xi32, #tpu.memory_space<hbm>> -> memref<16x80xi32, #tpu.memory_space<hbm>>
    %dma_wait3A_521 = arith.constant 0 : i32
    %dma_wait3A_522 = arith.constant 0 : i32
    %dma_wait3A_523 = tpu.memref_slice %arg3[%dma_wait3A_515, %dma_wait3A_516, %dma_wait3A_521, %dma_wait3A_522] : memref<2x32x125x80xi32, #tpu.memory_space<hbm>> -> memref<1x1x16x80xi32, #tpu.memory_space<hbm>>
    %dma_wait3A_524 = tpu.memref_squeeze %dma_wait3A_523 : memref<1x1x16x80xi32, #tpu.memory_space<hbm>> -> memref<16x80xi32, #tpu.memory_space<hbm>>
    tpu.wait_dma2 semaphore(%arg23 : memref<!tpu.dma_semaphore, #tpu.memory_space<semaphore_mem>>) src(%dma_wait3A_524 : memref<16x80xi32, #tpu.memory_space<hbm>>) dst(%arg11 : memref<80x16xf32, #tpu.memory_space<vmem>>)
    %dma_start3A_525 = arith.constant 124 : i32
    %dma_start3A_526 = arith.constant 0 : i32
    %dma_start3A_527 = tpu.memref_slice %arg6[%dma_start3A_525, %dma_start3A_526] : memref<125x80xi32, #tpu.memory_space<vmem>> -> memref<1x80xi32, #tpu.memory_space<vmem>>
    %dma_start3A_528 = tpu.memref_squeeze %dma_start3A_527 : memref<1x80xi32, #tpu.memory_space<vmem>> -> memref<80xi32, #tpu.memory_space<vmem>>
    %dma_start3A_529 = arith.constant 0 : i32
    %dma_start3A_530 = arith.constant 0 : i32
    %dma_start3A_531 = tpu.memref_slice %arg21[%dma_start3A_529, %dma_start3A_530] : memref<10240x16xf32, #tpu.memory_space<vmem_shared>> -> memref<10240x16xf32, #tpu.memory_space<vmem_shared>>
    tpu.enqueue_indirect_dma source(%arg11 : memref<80x16xf32, #tpu.memory_space<vmem>>) target(%dma_start3A_531 : memref<10240x16xf32, #tpu.memory_space<vmem_shared>>) offsets(%dma_start3A_528 : memref<80xi32, #tpu.memory_space<vmem>>) semaphore(%arg25 : memref<!tpu.dma_semaphore, #tpu.memory_space<semaphore_mem>>) {add = true}
    %dma_wait3A_532 = arith.constant 0 : i32
    %dma_wait3A_533 = arith.constant 0 : i32
    %dma_wait3A_534 = arith.constant 0 : i32
    %dma_wait3A_535 = arith.constant 0 : i32
    %dma_wait3A_536 = tpu.memref_slice %arg3[%dma_wait3A_532, %dma_wait3A_533, %dma_wait3A_534, %dma_wait3A_535] : memref<2x32x125x80xi32, #tpu.memory_space<hbm>> -> memref<1x1x16x80xi32, #tpu.memory_space<hbm>>
    %dma_wait3A_537 = tpu.memref_squeeze %dma_wait3A_536 : memref<1x1x16x80xi32, #tpu.memory_space<hbm>> -> memref<16x80xi32, #tpu.memory_space<hbm>>
    %dma_wait3A_538 = arith.constant 0 : i32
    %dma_wait3A_539 = arith.constant 0 : i32
    %dma_wait3A_540 = tpu.memref_slice %arg3[%dma_wait3A_532, %dma_wait3A_533, %dma_wait3A_538, %dma_wait3A_539] : memref<2x32x125x80xi32, #tpu.memory_space<hbm>> -> memref<1x1x16x80xi32, #tpu.memory_space<hbm>>
    %dma_wait3A_541 = tpu.memref_squeeze %dma_wait3A_540 : memref<1x1x16x80xi32, #tpu.memory_space<hbm>> -> memref<16x80xi32, #tpu.memory_space<hbm>>
    tpu.wait_dma2 semaphore(%arg25 : memref<!tpu.dma_semaphore, #tpu.memory_space<semaphore_mem>>) src(%dma_wait3A_541 : memref<16x80xi32, #tpu.memory_space<hbm>>) dst(%arg7 : memref<80x16xf32, #tpu.memory_space<vmem>>)
    %dma_wait3A_542 = arith.constant 0 : i32
    %dma_wait3A_543 = arith.constant 0 : i32
    %dma_wait3A_544 = arith.constant 0 : i32
    %dma_wait3A_545 = arith.constant 0 : i32
    %dma_wait3A_546 = tpu.memref_slice %arg3[%dma_wait3A_542, %dma_wait3A_543, %dma_wait3A_544, %dma_wait3A_545] : memref<2x32x125x80xi32, #tpu.memory_space<hbm>> -> memref<1x1x16x80xi32, #tpu.memory_space<hbm>>
    %dma_wait3A_547 = tpu.memref_squeeze %dma_wait3A_546 : memref<1x1x16x80xi32, #tpu.memory_space<hbm>> -> memref<16x80xi32, #tpu.memory_space<hbm>>
    %dma_wait3A_548 = arith.constant 0 : i32
    %dma_wait3A_549 = arith.constant 0 : i32
    %dma_wait3A_550 = tpu.memref_slice %arg3[%dma_wait3A_542, %dma_wait3A_543, %dma_wait3A_548, %dma_wait3A_549] : memref<2x32x125x80xi32, #tpu.memory_space<hbm>> -> memref<1x1x16x80xi32, #tpu.memory_space<hbm>>
    %dma_wait3A_551 = tpu.memref_squeeze %dma_wait3A_550 : memref<1x1x16x80xi32, #tpu.memory_space<hbm>> -> memref<16x80xi32, #tpu.memory_space<hbm>>
    tpu.wait_dma2 semaphore(%arg25 : memref<!tpu.dma_semaphore, #tpu.memory_space<semaphore_mem>>) src(%dma_wait3A_551 : memref<16x80xi32, #tpu.memory_space<hbm>>) dst(%arg8 : memref<80x16xf32, #tpu.memory_space<vmem>>)
    %dma_wait3A_552 = arith.constant 0 : i32
    %dma_wait3A_553 = arith.constant 0 : i32
    %dma_wait3A_554 = arith.constant 0 : i32
    %dma_wait3A_555 = arith.constant 0 : i32
    %dma_wait3A_556 = tpu.memref_slice %arg3[%dma_wait3A_552, %dma_wait3A_553, %dma_wait3A_554, %dma_wait3A_555] : memref<2x32x125x80xi32, #tpu.memory_space<hbm>> -> memref<1x1x16x80xi32, #tpu.memory_space<hbm>>
    %dma_wait3A_557 = tpu.memref_squeeze %dma_wait3A_556 : memref<1x1x16x80xi32, #tpu.memory_space<hbm>> -> memref<16x80xi32, #tpu.memory_space<hbm>>
    %dma_wait3A_558 = arith.constant 0 : i32
    %dma_wait3A_559 = arith.constant 0 : i32
    %dma_wait3A_560 = tpu.memref_slice %arg3[%dma_wait3A_552, %dma_wait3A_553, %dma_wait3A_558, %dma_wait3A_559] : memref<2x32x125x80xi32, #tpu.memory_space<hbm>> -> memref<1x1x16x80xi32, #tpu.memory_space<hbm>>
    %dma_wait3A_561 = tpu.memref_squeeze %dma_wait3A_560 : memref<1x1x16x80xi32, #tpu.memory_space<hbm>> -> memref<16x80xi32, #tpu.memory_space<hbm>>
    tpu.wait_dma2 semaphore(%arg25 : memref<!tpu.dma_semaphore, #tpu.memory_space<semaphore_mem>>) src(%dma_wait3A_561 : memref<16x80xi32, #tpu.memory_space<hbm>>) dst(%arg9 : memref<80x16xf32, #tpu.memory_space<vmem>>)
    %dma_wait3A_562 = arith.constant 0 : i32
    %dma_wait3A_563 = arith.constant 0 : i32
    %dma_wait3A_564 = arith.constant 0 : i32
    %dma_wait3A_565 = arith.constant 0 : i32
    %dma_wait3A_566 = tpu.memref_slice %arg3[%dma_wait3A_562, %dma_wait3A_563, %dma_wait3A_564, %dma_wait3A_565] : memref<2x32x125x80xi32, #tpu.memory_space<hbm>> -> memref<1x1x16x80xi32, #tpu.memory_space<hbm>>
    %dma_wait3A_567 = tpu.memref_squeeze %dma_wait3A_566 : memref<1x1x16x80xi32, #tpu.memory_space<hbm>> -> memref<16x80xi32, #tpu.memory_space<hbm>>
    %dma_wait3A_568 = arith.constant 0 : i32
    %dma_wait3A_569 = arith.constant 0 : i32
    %dma_wait3A_570 = tpu.memref_slice %arg3[%dma_wait3A_562, %dma_wait3A_563, %dma_wait3A_568, %dma_wait3A_569] : memref<2x32x125x80xi32, #tpu.memory_space<hbm>> -> memref<1x1x16x80xi32, #tpu.memory_space<hbm>>
    %dma_wait3A_571 = tpu.memref_squeeze %dma_wait3A_570 : memref<1x1x16x80xi32, #tpu.memory_space<hbm>> -> memref<16x80xi32, #tpu.memory_space<hbm>>
    tpu.wait_dma2 semaphore(%arg25 : memref<!tpu.dma_semaphore, #tpu.memory_space<semaphore_mem>>) src(%dma_wait3A_571 : memref<16x80xi32, #tpu.memory_space<hbm>>) dst(%arg10 : memref<80x16xf32, #tpu.memory_space<vmem>>)
    %dma_wait3A_572 = arith.constant 0 : i32
    %dma_wait3A_573 = arith.constant 0 : i32
    %dma_wait3A_574 = arith.constant 0 : i32
    %dma_wait3A_575 = arith.constant 0 : i32
    %dma_wait3A_576 = tpu.memref_slice %arg3[%dma_wait3A_572, %dma_wait3A_573, %dma_wait3A_574, %dma_wait3A_575] : memref<2x32x125x80xi32, #tpu.memory_space<hbm>> -> memref<1x1x16x80xi32, #tpu.memory_space<hbm>>
    %dma_wait3A_577 = tpu.memref_squeeze %dma_wait3A_576 : memref<1x1x16x80xi32, #tpu.memory_space<hbm>> -> memref<16x80xi32, #tpu.memory_space<hbm>>
    %dma_wait3A_578 = arith.constant 0 : i32
    %dma_wait3A_579 = arith.constant 0 : i32
    %dma_wait3A_580 = tpu.memref_slice %arg3[%dma_wait3A_572, %dma_wait3A_573, %dma_wait3A_578, %dma_wait3A_579] : memref<2x32x125x80xi32, #tpu.memory_space<hbm>> -> memref<1x1x16x80xi32, #tpu.memory_space<hbm>>
    %dma_wait3A_581 = tpu.memref_squeeze %dma_wait3A_580 : memref<1x1x16x80xi32, #tpu.memory_space<hbm>> -> memref<16x80xi32, #tpu.memory_space<hbm>>
    tpu.wait_dma2 semaphore(%arg25 : memref<!tpu.dma_semaphore, #tpu.memory_space<semaphore_mem>>) src(%dma_wait3A_581 : memref<16x80xi32, #tpu.memory_space<hbm>>) dst(%arg11 : memref<80x16xf32, #tpu.memory_space<vmem>>)
    %barrier3A_582 = arith.constant 0 : index
    tpu.barrier barrier_id(%barrier3A_582)
    %mul3A_583 = arith.constant 640 : i32
    %mul3A_584 = arith.muli %arg1, %mul3A_583 : i32
    "tpu.region"() ({
      %run_scoped3A_618 = tpu.sem_alloc : memref<!tpu.dma_semaphore, #tpu.memory_space<semaphore_mem>>
      %dma_start3A_619 = arith.constant 0 : i32
      %dma_start3A_620 = tpu.memref_slice %arg21[%mul3A_584, %dma_start3A_619] : memref<10240x16xf32, #tpu.memory_space<vmem_shared>> -> memref<640x16xf32, #tpu.memory_space<vmem_shared>>
      %dma_start3A_621 = arith.constant 0 : i32
      %dma_start3A_622 = tpu.memref_slice %arg21[%mul3A_584, %dma_start3A_621] : memref<10240x16xf32, #tpu.memory_space<vmem_shared>> -> memref<640x16xf32, #tpu.memory_space<vmem_shared>>
      tpu.enqueue_dma source(%dma_start3A_622 : memref<640x16xf32, #tpu.memory_space<vmem_shared>>) target(%arg17 : memref<640x16xf32, #tpu.memory_space<vmem>>) target_semaphore(%run_scoped3A_618 : memref<!tpu.dma_semaphore, #tpu.memory_space<semaphore_mem>>)
      %dma_wait3A_623 = arith.constant 0 : i32
      %dma_wait3A_624 = tpu.memref_slice %arg21[%mul3A_584, %dma_wait3A_623] : memref<10240x16xf32, #tpu.memory_space<vmem_shared>> -> memref<640x16xf32, #tpu.memory_space<vmem_shared>>
      %dma_wait3A_625 = arith.constant 0 : i32
      %dma_wait3A_626 = tpu.memref_slice %arg21[%mul3A_584, %dma_wait3A_625] : memref<10240x16xf32, #tpu.memory_space<vmem_shared>> -> memref<640x16xf32, #tpu.memory_space<vmem_shared>>
      tpu.wait_dma2 semaphore(%run_scoped3A_618 : memref<!tpu.dma_semaphore, #tpu.memory_space<semaphore_mem>>) src(%dma_wait3A_626 : memref<640x16xf32, #tpu.memory_space<vmem_shared>>) dst(%arg17 : memref<640x16xf32, #tpu.memory_space<vmem>>)
      tpu.yield
    }) : () -> ()
    %scan3A_585 = arith.constant 0 : i32
    %scan3A_586 = arith.constant 0 : i32
    %scan3A_587 = arith.constant 80 : i32
    %scan3A_588 = arith.addi %scan3A_586, %scan3A_587 : i32
    %scan3A_589 = arith.constant 1 : i32
    %scan3A_590 = scf.for %scan3A_618 = %scan3A_586 to %scan3A_588 step %scan3A_589 iter_args(%scan3A_619 = %scan3A_585) -> (i32)  : i32 {
      %mul3A_620 = arith.constant 8 : i32
      %mul3A_621 = arith.muli %scan3A_618, %mul3A_620 : i32
      %add3A_622 = arith.constant 0 : i32
      %add3A_623 = arith.addi %mul3A_621, %add3A_622 : i32
      %get3A = arith.index_cast %add3A_623 : i32 to index
      %get3A_624 = arith.constant 0 : index
      %get3A_625 = tpu.vector_load %arg17[%get3A, %get3A_624] {strides = array<i32>} : memref<640x16xf32, #tpu.memory_space<vmem>>, vector<16xf32>,
      %swap3A = arith.index_cast %scan3A_618 : i32 to index
      %swap3A_626 = arith.constant 0 : index
      %swap3A_627 = tpu.vector_load %arg18[%swap3A, %swap3A_626] {strides = array<i32>} : memref<80x128xf32, #tpu.memory_space<vmem>>, vector<16xf32>,
      tpu.vector_store %arg18[%swap3A, %swap3A_626], %get3A_625 {strides = array<i32>} : memref<80x128xf32, #tpu.memory_space<vmem>>, vector<16xf32>,
      %mul3A_628 = arith.constant 8 : i32
      %mul3A_629 = arith.muli %scan3A_618, %mul3A_628 : i32
      %add3A_630 = arith.constant 1 : i32
      %add3A_631 = arith.addi %mul3A_629, %add3A_630 : i32
      %get3A_632 = arith.index_cast %add3A_631 : i32 to index
      %get3A_633 = arith.constant 0 : index
      %get3A_634 = tpu.vector_load %arg17[%get3A_632, %get3A_633] {strides = array<i32>} : memref<640x16xf32, #tpu.memory_space<vmem>>, vector<16xf32>,
      %swap3A_635 = arith.index_cast %scan3A_618 : i32 to index
      %swap3A_636 = arith.constant 16 : index
      %swap3A_637 = tpu.vector_load %arg18[%swap3A_635, %swap3A_636] {strides = array<i32>} : memref<80x128xf32, #tpu.memory_space<vmem>>, vector<16xf32>,
      tpu.vector_store %arg18[%swap3A_635, %swap3A_636], %get3A_634 {strides = array<i32>} : memref<80x128xf32, #tpu.memory_space<vmem>>, vector<16xf32>,
      %mul3A_638 = arith.constant 8 : i32
      %mul3A_639 = arith.muli %scan3A_618, %mul3A_638 : i32
      %add3A_640 = arith.constant 2 : i32
      %add3A_641 = arith.addi %mul3A_639, %add3A_640 : i32
      %get3A_642 = arith.index_cast %add3A_641 : i32 to index
      %get3A_643 = arith.constant 0 : index
      %get3A_644 = tpu.vector_load %arg17[%get3A_642, %get3A_643] {strides = array<i32>} : memref<640x16xf32, #tpu.memory_space<vmem>>, vector<16xf32>,
      %swap3A_645 = arith.index_cast %scan3A_618 : i32 to index
      %swap3A_646 = arith.constant 32 : index
      %swap3A_647 = tpu.vector_load %arg18[%swap3A_645, %swap3A_646] {strides = array<i32>} : memref<80x128xf32, #tpu.memory_space<vmem>>, vector<16xf32>,
      tpu.vector_store %arg18[%swap3A_645, %swap3A_646], %get3A_644 {strides = array<i32>} : memref<80x128xf32, #tpu.memory_space<vmem>>, vector<16xf32>,
      %mul3A_648 = arith.constant 8 : i32
      %mul3A_649 = arith.muli %scan3A_618, %mul3A_648 : i32
      %add3A_650 = arith.constant 3 : i32
      %add3A_651 = arith.addi %mul3A_649, %add3A_650 : i32
      %get3A_652 = arith.index_cast %add3A_651 : i32 to index
      %get3A_653 = arith.constant 0 : index
      %get3A_654 = tpu.vector_load %arg17[%get3A_652, %get3A_653] {strides = array<i32>} : memref<640x16xf32, #tpu.memory_space<vmem>>, vector<16xf32>,
      %swap3A_655 = arith.index_cast %scan3A_618 : i32 to index
      %swap3A_656 = arith.constant 48 : index
      %swap3A_657 = tpu.vector_load %arg18[%swap3A_655, %swap3A_656] {strides = array<i32>} : memref<80x128xf32, #tpu.memory_space<vmem>>, vector<16xf32>,
      tpu.vector_store %arg18[%swap3A_655, %swap3A_656], %get3A_654 {strides = array<i32>} : memref<80x128xf32, #tpu.memory_space<vmem>>, vector<16xf32>,
      %mul3A_658 = arith.constant 8 : i32
      %mul3A_659 = arith.muli %scan3A_618, %mul3A_658 : i32
      %add3A_660 = arith.constant 4 : i32
      %add3A_661 = arith.addi %mul3A_659, %add3A_660 : i32
      %get3A_662 = arith.index_cast %add3A_661 : i32 to index
      %get3A_663 = arith.constant 0 : index
      %get3A_664 = tpu.vector_load %arg17[%get3A_662, %get3A_663] {strides = array<i32>} : memref<640x16xf32, #tpu.memory_space<vmem>>, vector<16xf32>,
      %swap3A_665 = arith.index_cast %scan3A_618 : i32 to index
      %swap3A_666 = arith.constant 64 : index
      %swap3A_667 = tpu.vector_load %arg18[%swap3A_665, %swap3A_666] {strides = array<i32>} : memref<80x128xf32, #tpu.memory_space<vmem>>, vector<16xf32>,
      tpu.vector_store %arg18[%swap3A_665, %swap3A_666], %get3A_664 {strides = array<i32>} : memref<80x128xf32, #tpu.memory_space<vmem>>, vector<16xf32>,
      %mul3A_668 = arith.constant 8 : i32
      %mul3A_669 = arith.muli %scan3A_618, %mul3A_668 : i32
      %add3A_670 = arith.constant 5 : i32
      %add3A_671 = arith.addi %mul3A_669, %add3A_670 : i32
      %get3A_672 = arith.index_cast %add3A_671 : i32 to index
      %get3A_673 = arith.constant 0 : index
      %get3A_674 = tpu.vector_load %arg17[%get3A_672, %get3A_673] {strides = array<i32>} : memref<640x16xf32, #tpu.memory_space<vmem>>, vector<16xf32>,
      %swap3A_675 = arith.index_cast %scan3A_618 : i32 to index
      %swap3A_676 = arith.constant 80 : index
      %swap3A_677 = tpu.vector_load %arg18[%swap3A_675, %swap3A_676] {strides = array<i32>} : memref<80x128xf32, #tpu.memory_space<vmem>>, vector<16xf32>,
      tpu.vector_store %arg18[%swap3A_675, %swap3A_676], %get3A_674 {strides = array<i32>} : memref<80x128xf32, #tpu.memory_space<vmem>>, vector<16xf32>,
      %mul3A_678 = arith.constant 8 : i32
      %mul3A_679 = arith.muli %scan3A_618, %mul3A_678 : i32
      %add3A_680 = arith.constant 6 : i32
      %add3A_681 = arith.addi %mul3A_679, %add3A_680 : i32
      %get3A_682 = arith.index_cast %add3A_681 : i32 to index
      %get3A_683 = arith.constant 0 : index
      %get3A_684 = tpu.vector_load %arg17[%get3A_682, %get3A_683] {strides = array<i32>} : memref<640x16xf32, #tpu.memory_space<vmem>>, vector<16xf32>,
      %swap3A_685 = arith.index_cast %scan3A_618 : i32 to index
      %swap3A_686 = arith.constant 96 : index
      %swap3A_687 = tpu.vector_load %arg18[%swap3A_685, %swap3A_686] {strides = array<i32>} : memref<80x128xf32, #tpu.memory_space<vmem>>, vector<16xf32>,
      tpu.vector_store %arg18[%swap3A_685, %swap3A_686], %get3A_684 {strides = array<i32>} : memref<80x128xf32, #tpu.memory_space<vmem>>, vector<16xf32>,
      %mul3A_688 = arith.constant 8 : i32
      %mul3A_689 = arith.muli %scan3A_618, %mul3A_688 : i32
      %add3A_690 = arith.constant 7 : i32
      %add3A_691 = arith.addi %mul3A_689, %add3A_690 : i32
      %get3A_692 = arith.index_cast %add3A_691 : i32 to index
      %get3A_693 = arith.constant 0 : index
      %get3A_694 = tpu.vector_load %arg17[%get3A_692, %get3A_693] {strides = array<i32>} : memref<640x16xf32, #tpu.memory_space<vmem>>, vector<16xf32>,
      %swap3A_695 = arith.index_cast %scan3A_618 : i32 to index
      %swap3A_696 = arith.constant 112 : index
      %swap3A_697 = tpu.vector_load %arg18[%swap3A_695, %swap3A_696] {strides = array<i32>} : memref<80x128xf32, #tpu.memory_space<vmem>>, vector<16xf32>,
      tpu.vector_store %arg18[%swap3A_695, %swap3A_696], %get3A_694 {strides = array<i32>} : memref<80x128xf32, #tpu.memory_space<vmem>>, vector<16xf32>,
      %scan3A_698 = arith.constant 0 : i32
      scf.yield %scan3A_698 : i32
    }
    %scan3A_591 = arith.constant 80 : i32
    %mul3A_592 = arith.constant 640 : i32
    %mul3A_593 = arith.muli %arg1, %mul3A_592 : i32
    %jit3A_594 = arith.constant 8 : i32
    %div3A_595 = arith.divsi %mul3A_593, %jit3A_594 : i32
    %sign3A_596 = arith.constant 0 : i32
    %sign3A_597 = arith.cmpi sgt, %mul3A_593, %sign3A_596 : i32
    %sign3A_598 = arith.extui %sign3A_597 : i1 to i32
    %sign3A_599 = arith.constant 0 : i32
    %sign3A_600 = arith.cmpi slt, %mul3A_593, %sign3A_599 : i32
    %sign3A_601 = arith.extui %sign3A_600 : i1 to i32
    %sign3A_602 = arith.subi %sign3A_598, %sign3A_601 : i32
    %sign3A_603 = arith.constant 0 : i32
    %sign3A_604 = arith.cmpi sgt, %jit3A_594, %sign3A_603 : i32
    %sign3A_605 = arith.extui %sign3A_604 : i1 to i32
    %sign3A_606 = arith.constant 0 : i32
    %sign3A_607 = arith.cmpi slt, %jit3A_594, %sign3A_606 : i32
    %sign3A_608 = arith.extui %sign3A_607 : i1 to i32
    %sign3A_609 = arith.subi %sign3A_605, %sign3A_608 : i32
    %ne3A_610 = arith.cmpi ne, %sign3A_602, %sign3A_609 : i32
    %rem3A_611 = arith.remsi %mul3A_593, %jit3A_594 : i32
    %ne3A_612 = arith.constant 0 : i32
    %ne3A_613 = arith.cmpi ne, %rem3A_611, %ne3A_612 : i32
    %and3A_614 = arith.andi %ne3A_610, %ne3A_613 : i1
    %sub3A_615 = arith.constant 1 : i32
    %sub3A_616 = arith.subi %div3A_595, %sub3A_615 : i32
    %select_n3A_617 = arith.select %and3A_614, %sub3A_616, %div3A_595 : i32
    "tpu.region"() ({
      %run_scoped3A_618 = tpu.sem_alloc : memref<!tpu.dma_semaphore, #tpu.memory_space<semaphore_mem>>
      %dma_start3A_619 = arith.constant 0 : i32
      %dma_start3A_620 = tpu.memref_slice %arg4[%arg0, %select_n3A_617, %dma_start3A_619] : memref<2x1280x128xf32, #tpu.memory_space<hbm>> -> memref<1x80x128xf32, #tpu.memory_space<hbm>>
      %dma_start3A_621 = tpu.memref_squeeze %dma_start3A_620 : memref<1x80x128xf32, #tpu.memory_space<hbm>> -> memref<80x128xf32, #tpu.memory_space<hbm>>
      %dma_start3A_622 = arith.constant 0 : i32
      %dma_start3A_623 = tpu.memref_slice %arg4[%arg0, %select_n3A_617, %dma_start3A_622] : memref<2x1280x128xf32, #tpu.memory_space<hbm>> -> memref<1x80x128xf32, #tpu.memory_space<hbm>>
      %dma_start3A_624 = tpu.memref_squeeze %dma_start3A_623 : memref<1x80x128xf32, #tpu.memory_space<hbm>> -> memref<80x128xf32, #tpu.memory_space<hbm>>
      tpu.enqueue_dma source(%arg18 : memref<80x128xf32, #tpu.memory_space<vmem>>) target(%dma_start3A_624 : memref<80x128xf32, #tpu.memory_space<hbm>>) target_semaphore(%run_scoped3A_618 : memref<!tpu.dma_semaphore, #tpu.memory_space<semaphore_mem>>)
      %dma_wait3A_625 = arith.constant 0 : i32
      %dma_wait3A_626 = tpu.memref_slice %arg4[%arg0, %select_n3A_617, %dma_wait3A_625] : memref<2x1280x128xf32, #tpu.memory_space<hbm>> -> memref<1x80x128xf32, #tpu.memory_space<hbm>>
      %dma_wait3A_627 = tpu.memref_squeeze %dma_wait3A_626 : memref<1x80x128xf32, #tpu.memory_space<hbm>> -> memref<80x128xf32, #tpu.memory_space<hbm>>
      %dma_wait3A_628 = arith.constant 0 : i32
      %dma_wait3A_629 = tpu.memref_slice %arg4[%arg0, %select_n3A_617, %dma_wait3A_628] : memref<2x1280x128xf32, #tpu.memory_space<hbm>> -> memref<1x80x128xf32, #tpu.memory_space<hbm>>
      %dma_wait3A_630 = tpu.memref_squeeze %dma_wait3A_629 : memref<1x80x128xf32, #tpu.memory_space<hbm>> -> memref<80x128xf32, #tpu.memory_space<hbm>>
      tpu.wait_dma2 semaphore(%run_scoped3A_618 : memref<!tpu.dma_semaphore, #tpu.memory_space<semaphore_mem>>) src(%arg18 : memref<80x128xf32, #tpu.memory_space<vmem>>) dst(%dma_wait3A_630 : memref<80x128xf32, #tpu.memory_space<hbm>>)
      tpu.yield
    }) : () -> ()
    return
  }
}

#map = affine_map<(d0, d1) -> (0, 0)>
#map1 = affine_map<(d0, d1) -> (0, 0, 0, 0)>
#map2 = affine_map<(d0, d1) -> (0, 0, 0)>
module attributes {stable_mosaic.version = 14 : i64} {
  func.func @seg_kernel(%arg0: i32, %arg1: i32, %arg2: memref<16x10240xf32, #tpu.memory_space<hbm>>, %arg3: memref<2x32x125x80xi32, #tpu.memory_space<hbm>>, %arg4: memref<2x1280x128xf32, #tpu.memory_space<hbm>>, %arg5: memref<125x80xi32, #tpu.memory_space<vmem>>, %arg6: memref<125x80xi32, #tpu.memory_space<vmem>>, %arg7: memref<80x16xf32, #tpu.memory_space<vmem>>, %arg8: memref<80x16xf32, #tpu.memory_space<vmem>>, %arg9: memref<80x16xf32, #tpu.memory_space<vmem>>, %arg10: memref<80x16xf32, #tpu.memory_space<vmem>>, %arg11: memref<80x16xf32, #tpu.memory_space<vmem>>, %arg12: memref<80x16xf32, #tpu.memory_space<vmem>>, %arg13: memref<80x16xf32, #tpu.memory_space<vmem>>, %arg14: memref<80x16xf32, #tpu.memory_space<vmem>>, %arg15: memref<80x16xf32, #tpu.memory_space<vmem>>, %arg16: memref<80x16xf32, #tpu.memory_space<vmem>>, %arg17: memref<640x16xf32, #tpu.memory_space<vmem>>, %arg18: memref<80x128xf32, #tpu.memory_space<vmem>>, %arg19: memref<80x128xf32, #tpu.memory_space<vmem>>, %arg20: memref<16x641xf32, #tpu.memory_space<vmem>>, %arg21: memref<10240x16xf32, #tpu.memory_space<vmem_shared>>, %arg22: memref<10240x16xf32, #tpu.memory_space<vmem_shared>>, %arg23: memref<!tpu.dma_semaphore, #tpu.memory_space<semaphore_mem>>, %arg24: memref<!tpu.dma_semaphore, #tpu.memory_space<semaphore_mem>>, %arg25: memref<!tpu.dma_semaphore, #tpu.memory_space<semaphore_mem>>, %arg26: memref<!tpu.dma_semaphore, #tpu.memory_space<semaphore_mem>>) attributes {dimension_semantics = [#tpu.dimension_semantics<core_parallel>, #tpu.dimension_semantics<subcore_parallel>], iteration_bounds = array<i64: 2, 16>, scalar_prefetch = 0 : i64, scratch_operands = 22 : i64, tpu.core_type = #tpu.core_type<sc_vector_subcore>, window_params = [{transform_indices = #map}, {transform_indices = #map1}, {transform_indices = #map2}]} {
    %mul3A = arith.constant 16 : i32
    %mul3A_0 = arith.muli %arg0, %mul3A : i32
    %add3A = arith.addi %mul3A_0, %arg1 : i32
    %scan3A = arith.constant 0 : i32
    %scan3A_1 = arith.constant 0 : i32
    %scan3A_2 = arith.constant 640 : i32
    %scan3A_3 = arith.addi %scan3A_1, %scan3A_2 : i32
    %scan3A_4 = arith.constant 1 : i32
    %scan3A_5 = scf.for %scan3A_566 = %scan3A_1 to %scan3A_3 step %scan3A_4 iter_args(%scan3A_567 = %scan3A) -> (i32)  : i32 {
      %broadcast_in_dim3A = arith.constant 0.000000e+00 : f32
      %broadcast_in_dim3A_568 = vector.broadcast %broadcast_in_dim3A : f32 to vector<16xf32>
      %swap3A = arith.index_cast %scan3A_566 : i32 to index
      %swap3A_569 = arith.constant 0 : index
      %swap3A_570 = tpu.vector_load %arg17[%swap3A, %swap3A_569] {strides = array<i32>} : memref<640x16xf32, #tpu.memory_space<vmem>>, vector<16xf32>,
      tpu.vector_store %arg17[%swap3A, %swap3A_569], %broadcast_in_dim3A_568 {strides = array<i32>} : memref<640x16xf32, #tpu.memory_space<vmem>>, vector<16xf32>,
      %scan3A_571 = arith.constant 0 : i32
      scf.yield %scan3A_571 : i32
    }
    %scan3A_6 = arith.constant 640 : i32
    %mul3A_7 = arith.constant 640 : i32
    %mul3A_8 = arith.muli %arg1, %mul3A_7 : i32
    "tpu.region"() ({
      %run_scoped3A_566 = tpu.sem_alloc : memref<!tpu.dma_semaphore, #tpu.memory_space<semaphore_mem>>
      %dma_start3A_567 = arith.constant 0 : i32
      %dma_start3A_568 = tpu.memref_slice %arg21[%mul3A_8, %dma_start3A_567] : memref<10240x16xf32, #tpu.memory_space<vmem_shared>> -> memref<640x16xf32, #tpu.memory_space<vmem_shared>>
      %dma_start3A_569 = arith.constant 0 : i32
      %dma_start3A_570 = tpu.memref_slice %arg21[%mul3A_8, %dma_start3A_569] : memref<10240x16xf32, #tpu.memory_space<vmem_shared>> -> memref<640x16xf32, #tpu.memory_space<vmem_shared>>
      tpu.enqueue_dma source(%arg17 : memref<640x16xf32, #tpu.memory_space<vmem>>) target(%dma_start3A_570 : memref<640x16xf32, #tpu.memory_space<vmem_shared>>) target_semaphore(%run_scoped3A_566 : memref<!tpu.dma_semaphore, #tpu.memory_space<semaphore_mem>>)
      %dma_wait3A_571 = arith.constant 0 : i32
      %dma_wait3A_572 = tpu.memref_slice %arg21[%mul3A_8, %dma_wait3A_571] : memref<10240x16xf32, #tpu.memory_space<vmem_shared>> -> memref<640x16xf32, #tpu.memory_space<vmem_shared>>
      %dma_wait3A_573 = arith.constant 0 : i32
      %dma_wait3A_574 = tpu.memref_slice %arg21[%mul3A_8, %dma_wait3A_573] : memref<10240x16xf32, #tpu.memory_space<vmem_shared>> -> memref<640x16xf32, #tpu.memory_space<vmem_shared>>
      tpu.wait_dma2 semaphore(%run_scoped3A_566 : memref<!tpu.dma_semaphore, #tpu.memory_space<semaphore_mem>>) src(%arg17 : memref<640x16xf32, #tpu.memory_space<vmem>>) dst(%dma_wait3A_574 : memref<640x16xf32, #tpu.memory_space<vmem_shared>>)
      tpu.yield
    }) : () -> ()
    %mul3A_9 = arith.constant 640 : i32
    %mul3A_10 = arith.muli %arg1, %mul3A_9 : i32
    "tpu.region"() ({
      %run_scoped3A_566 = tpu.sem_alloc : memref<!tpu.dma_semaphore, #tpu.memory_space<semaphore_mem>>
      %dma_start3A_567 = arith.constant 0 : i32
      %dma_start3A_568 = arith.constant 0 : i32
      %dma_start3A_569 = tpu.memref_slice %arg20[%dma_start3A_567, %dma_start3A_568] : memref<16x641xf32, #tpu.memory_space<vmem>> -> memref<16x640xf32, #tpu.memory_space<vmem>>
      %dma_start3A_570 = arith.constant 0 : i32
      %dma_start3A_571 = tpu.memref_slice %arg2[%dma_start3A_570, %mul3A_10] : memref<16x10240xf32, #tpu.memory_space<hbm>> -> memref<16x640xf32, #tpu.memory_space<hbm>>
      %dma_start3A_572 = arith.constant 0 : i32
      %dma_start3A_573 = arith.constant 0 : i32
      %dma_start3A_574 = tpu.memref_slice %arg20[%dma_start3A_572, %dma_start3A_573] : memref<16x641xf32, #tpu.memory_space<vmem>> -> memref<16x640xf32, #tpu.memory_space<vmem>>
      %dma_start3A_575 = arith.constant 0 : i32
      %dma_start3A_576 = tpu.memref_slice %arg2[%dma_start3A_575, %mul3A_10] : memref<16x10240xf32, #tpu.memory_space<hbm>> -> memref<16x640xf32, #tpu.memory_space<hbm>>
      tpu.enqueue_dma source(%dma_start3A_576 : memref<16x640xf32, #tpu.memory_space<hbm>>) target(%dma_start3A_574 : memref<16x640xf32, #tpu.memory_space<vmem>>) target_semaphore(%run_scoped3A_566 : memref<!tpu.dma_semaphore, #tpu.memory_space<semaphore_mem>>)
      %dma_wait3A_577 = arith.constant 0 : i32
      %dma_wait3A_578 = arith.constant 0 : i32
      %dma_wait3A_579 = tpu.memref_slice %arg20[%dma_wait3A_577, %dma_wait3A_578] : memref<16x641xf32, #tpu.memory_space<vmem>> -> memref<16x640xf32, #tpu.memory_space<vmem>>
      %dma_wait3A_580 = arith.constant 0 : i32
      %dma_wait3A_581 = tpu.memref_slice %arg2[%dma_wait3A_580, %mul3A_10] : memref<16x10240xf32, #tpu.memory_space<hbm>> -> memref<16x640xf32, #tpu.memory_space<hbm>>
      %dma_wait3A_582 = arith.constant 0 : i32
      %dma_wait3A_583 = arith.constant 0 : i32
      %dma_wait3A_584 = tpu.memref_slice %arg20[%dma_wait3A_582, %dma_wait3A_583] : memref<16x641xf32, #tpu.memory_space<vmem>> -> memref<16x640xf32, #tpu.memory_space<vmem>>
      %dma_wait3A_585 = arith.constant 0 : i32
      %dma_wait3A_586 = tpu.memref_slice %arg2[%dma_wait3A_585, %mul3A_10] : memref<16x10240xf32, #tpu.memory_space<hbm>> -> memref<16x640xf32, #tpu.memory_space<hbm>>
      tpu.wait_dma2 semaphore(%run_scoped3A_566 : memref<!tpu.dma_semaphore, #tpu.memory_space<semaphore_mem>>) src(%dma_wait3A_586 : memref<16x640xf32, #tpu.memory_space<hbm>>) dst(%dma_wait3A_584 : memref<16x640xf32, #tpu.memory_space<vmem>>)
      tpu.yield
    }) : () -> ()
    %iota3A = tpu.iota {dimensions = array<i32: 0>} : vector<16xi32>
    %scan3A_11 = arith.constant 0 : i32
    %scan3A_12 = arith.constant 0 : i32
    %scan3A_13 = arith.constant 640 : i32
    %scan3A_14 = arith.addi %scan3A_12, %scan3A_13 : i32
    %scan3A_15 = arith.constant 1 : i32
    %scan3A_16 = scf.for %scan3A_566 = %scan3A_12 to %scan3A_14 step %scan3A_15 iter_args(%scan3A_567 = %scan3A_11) -> (i32)  : i32 {
      %broadcast_in_dim3A = vector.broadcast %scan3A_566 : i32 to vector<16xi32>
      %gather3A = tpu.vector_load_idx %arg20[%iota3A, %broadcast_in_dim3A] : memref<16x641xf32, #tpu.memory_space<vmem>>[vector<16xi32>, vector<16xi32>], vector<16xf32>,
      %swap3A = arith.index_cast %scan3A_566 : i32 to index
      %swap3A_568 = arith.constant 0 : index
      %swap3A_569 = tpu.vector_load %arg17[%swap3A, %swap3A_568] {strides = array<i32>} : memref<640x16xf32, #tpu.memory_space<vmem>>, vector<16xf32>,
      tpu.vector_store %arg17[%swap3A, %swap3A_568], %gather3A {strides = array<i32>} : memref<640x16xf32, #tpu.memory_space<vmem>>, vector<16xf32>,
      %scan3A_570 = arith.constant 0 : i32
      scf.yield %scan3A_570 : i32
    }
    %scan3A_17 = arith.constant 640 : i32
    %mul3A_18 = arith.constant 640 : i32
    %mul3A_19 = arith.muli %arg1, %mul3A_18 : i32
    "tpu.region"() ({
      %run_scoped3A_566 = tpu.sem_alloc : memref<!tpu.dma_semaphore, #tpu.memory_space<semaphore_mem>>
      %dma_start3A_567 = arith.constant 0 : i32
      %dma_start3A_568 = tpu.memref_slice %arg22[%mul3A_19, %dma_start3A_567] : memref<10240x16xf32, #tpu.memory_space<vmem_shared>> -> memref<640x16xf32, #tpu.memory_space<vmem_shared>>
      %dma_start3A_569 = arith.constant 0 : i32
      %dma_start3A_570 = tpu.memref_slice %arg22[%mul3A_19, %dma_start3A_569] : memref<10240x16xf32, #tpu.memory_space<vmem_shared>> -> memref<640x16xf32, #tpu.memory_space<vmem_shared>>
      tpu.enqueue_dma source(%arg17 : memref<640x16xf32, #tpu.memory_space<vmem>>) target(%dma_start3A_570 : memref<640x16xf32, #tpu.memory_space<vmem_shared>>) target_semaphore(%run_scoped3A_566 : memref<!tpu.dma_semaphore, #tpu.memory_space<semaphore_mem>>)
      %dma_wait3A_571 = arith.constant 0 : i32
      %dma_wait3A_572 = tpu.memref_slice %arg22[%mul3A_19, %dma_wait3A_571] : memref<10240x16xf32, #tpu.memory_space<vmem_shared>> -> memref<640x16xf32, #tpu.memory_space<vmem_shared>>
      %dma_wait3A_573 = arith.constant 0 : i32
      %dma_wait3A_574 = tpu.memref_slice %arg22[%mul3A_19, %dma_wait3A_573] : memref<10240x16xf32, #tpu.memory_space<vmem_shared>> -> memref<640x16xf32, #tpu.memory_space<vmem_shared>>
      tpu.wait_dma2 semaphore(%run_scoped3A_566 : memref<!tpu.dma_semaphore, #tpu.memory_space<semaphore_mem>>) src(%arg17 : memref<640x16xf32, #tpu.memory_space<vmem>>) dst(%dma_wait3A_574 : memref<640x16xf32, #tpu.memory_space<vmem_shared>>)
      tpu.yield
    }) : () -> ()
    %run_scoped3A = arith.constant 1 : i32
    "tpu.region"() ({
      %run_scoped3A_566 = tpu.sem_alloc : memref<!tpu.dma_semaphore, #tpu.memory_space<semaphore_mem>>
      %dma_start3A_567 = arith.constant 0 : i32
      %dma_start3A_568 = arith.constant 0 : i32
      %dma_start3A_569 = tpu.memref_slice %arg3[%run_scoped3A, %add3A, %dma_start3A_567, %dma_start3A_568] : memref<2x32x125x80xi32, #tpu.memory_space<hbm>> -> memref<1x1x125x80xi32, #tpu.memory_space<hbm>>
      %dma_start3A_570 = tpu.memref_squeeze %dma_start3A_569 : memref<1x1x125x80xi32, #tpu.memory_space<hbm>> -> memref<125x80xi32, #tpu.memory_space<hbm>>
      %dma_start3A_571 = arith.constant 0 : i32
      %dma_start3A_572 = arith.constant 0 : i32
      %dma_start3A_573 = tpu.memref_slice %arg3[%run_scoped3A, %add3A, %dma_start3A_571, %dma_start3A_572] : memref<2x32x125x80xi32, #tpu.memory_space<hbm>> -> memref<1x1x125x80xi32, #tpu.memory_space<hbm>>
      %dma_start3A_574 = tpu.memref_squeeze %dma_start3A_573 : memref<1x1x125x80xi32, #tpu.memory_space<hbm>> -> memref<125x80xi32, #tpu.memory_space<hbm>>
      tpu.enqueue_dma source(%dma_start3A_574 : memref<125x80xi32, #tpu.memory_space<hbm>>) target(%arg5 : memref<125x80xi32, #tpu.memory_space<vmem>>) target_semaphore(%run_scoped3A_566 : memref<!tpu.dma_semaphore, #tpu.memory_space<semaphore_mem>>)
      %dma_wait3A_575 = arith.constant 0 : i32
      %dma_wait3A_576 = arith.constant 0 : i32
      %dma_wait3A_577 = tpu.memref_slice %arg3[%run_scoped3A, %add3A, %dma_wait3A_575, %dma_wait3A_576] : memref<2x32x125x80xi32, #tpu.memory_space<hbm>> -> memref<1x1x125x80xi32, #tpu.memory_space<hbm>>
      %dma_wait3A_578 = tpu.memref_squeeze %dma_wait3A_577 : memref<1x1x125x80xi32, #tpu.memory_space<hbm>> -> memref<125x80xi32, #tpu.memory_space<hbm>>
      %dma_wait3A_579 = arith.constant 0 : i32
      %dma_wait3A_580 = arith.constant 0 : i32
      %dma_wait3A_581 = tpu.memref_slice %arg3[%run_scoped3A, %add3A, %dma_wait3A_579, %dma_wait3A_580] : memref<2x32x125x80xi32, #tpu.memory_space<hbm>> -> memref<1x1x125x80xi32, #tpu.memory_space<hbm>>
      %dma_wait3A_582 = tpu.memref_squeeze %dma_wait3A_581 : memref<1x1x125x80xi32, #tpu.memory_space<hbm>> -> memref<125x80xi32, #tpu.memory_space<hbm>>
      tpu.wait_dma2 semaphore(%run_scoped3A_566 : memref<!tpu.dma_semaphore, #tpu.memory_space<semaphore_mem>>) src(%dma_wait3A_582 : memref<125x80xi32, #tpu.memory_space<hbm>>) dst(%arg5 : memref<125x80xi32, #tpu.memory_space<vmem>>)
      tpu.yield
    }) : () -> ()
    %run_scoped3A_20 = arith.constant 0 : i32
    "tpu.region"() ({
      %run_scoped3A_566 = tpu.sem_alloc : memref<!tpu.dma_semaphore, #tpu.memory_space<semaphore_mem>>
      %dma_start3A_567 = arith.constant 0 : i32
      %dma_start3A_568 = arith.constant 0 : i32
      %dma_start3A_569 = tpu.memref_slice %arg3[%run_scoped3A_20, %add3A, %dma_start3A_567, %dma_start3A_568] : memref<2x32x125x80xi32, #tpu.memory_space<hbm>> -> memref<1x1x125x80xi32, #tpu.memory_space<hbm>>
      %dma_start3A_570 = tpu.memref_squeeze %dma_start3A_569 : memref<1x1x125x80xi32, #tpu.memory_space<hbm>> -> memref<125x80xi32, #tpu.memory_space<hbm>>
      %dma_start3A_571 = arith.constant 0 : i32
      %dma_start3A_572 = arith.constant 0 : i32
      %dma_start3A_573 = tpu.memref_slice %arg3[%run_scoped3A_20, %add3A, %dma_start3A_571, %dma_start3A_572] : memref<2x32x125x80xi32, #tpu.memory_space<hbm>> -> memref<1x1x125x80xi32, #tpu.memory_space<hbm>>
      %dma_start3A_574 = tpu.memref_squeeze %dma_start3A_573 : memref<1x1x125x80xi32, #tpu.memory_space<hbm>> -> memref<125x80xi32, #tpu.memory_space<hbm>>
      tpu.enqueue_dma source(%dma_start3A_574 : memref<125x80xi32, #tpu.memory_space<hbm>>) target(%arg6 : memref<125x80xi32, #tpu.memory_space<vmem>>) target_semaphore(%run_scoped3A_566 : memref<!tpu.dma_semaphore, #tpu.memory_space<semaphore_mem>>)
      %dma_wait3A_575 = arith.constant 0 : i32
      %dma_wait3A_576 = arith.constant 0 : i32
      %dma_wait3A_577 = tpu.memref_slice %arg3[%run_scoped3A_20, %add3A, %dma_wait3A_575, %dma_wait3A_576] : memref<2x32x125x80xi32, #tpu.memory_space<hbm>> -> memref<1x1x125x80xi32, #tpu.memory_space<hbm>>
      %dma_wait3A_578 = tpu.memref_squeeze %dma_wait3A_577 : memref<1x1x125x80xi32, #tpu.memory_space<hbm>> -> memref<125x80xi32, #tpu.memory_space<hbm>>
      %dma_wait3A_579 = arith.constant 0 : i32
      %dma_wait3A_580 = arith.constant 0 : i32
      %dma_wait3A_581 = tpu.memref_slice %arg3[%run_scoped3A_20, %add3A, %dma_wait3A_579, %dma_wait3A_580] : memref<2x32x125x80xi32, #tpu.memory_space<hbm>> -> memref<1x1x125x80xi32, #tpu.memory_space<hbm>>
      %dma_wait3A_582 = tpu.memref_squeeze %dma_wait3A_581 : memref<1x1x125x80xi32, #tpu.memory_space<hbm>> -> memref<125x80xi32, #tpu.memory_space<hbm>>
      tpu.wait_dma2 semaphore(%run_scoped3A_566 : memref<!tpu.dma_semaphore, #tpu.memory_space<semaphore_mem>>) src(%dma_wait3A_582 : memref<125x80xi32, #tpu.memory_space<hbm>>) dst(%arg6 : memref<125x80xi32, #tpu.memory_space<vmem>>)
      tpu.yield
    }) : () -> ()
    %barrier3A = arith.constant 0 : index
    tpu.barrier barrier_id(%barrier3A)
    %dma_start3A = arith.constant 0 : i32
    %dma_start3A_21 = arith.constant 0 : i32
    %dma_start3A_22 = tpu.memref_slice %arg5[%dma_start3A, %dma_start3A_21] : memref<125x80xi32, #tpu.memory_space<vmem>> -> memref<1x80xi32, #tpu.memory_space<vmem>>
    %dma_start3A_23 = tpu.memref_squeeze %dma_start3A_22 : memref<1x80xi32, #tpu.memory_space<vmem>> -> memref<80xi32, #tpu.memory_space<vmem>>
    %dma_start3A_24 = arith.constant 0 : i32
    %dma_start3A_25 = arith.constant 0 : i32
    %dma_start3A_26 = tpu.memref_slice %arg22[%dma_start3A_24, %dma_start3A_25] : memref<10240x16xf32, #tpu.memory_space<vmem_shared>> -> memref<10240x16xf32, #tpu.memory_space<vmem_shared>>
    tpu.enqueue_indirect_dma source(%dma_start3A_26 : memref<10240x16xf32, #tpu.memory_space<vmem_shared>>) target(%arg7 : memref<80x16xf32, #tpu.memory_space<vmem>>) offsets(%dma_start3A_23 : memref<80xi32, #tpu.memory_space<vmem>>) semaphore(%arg23 : memref<!tpu.dma_semaphore, #tpu.memory_space<semaphore_mem>>)
    %dma_start3A_27 = arith.constant 1 : i32
    %dma_start3A_28 = arith.constant 0 : i32
    %dma_start3A_29 = tpu.memref_slice %arg5[%dma_start3A_27, %dma_start3A_28] : memref<125x80xi32, #tpu.memory_space<vmem>> -> memref<1x80xi32, #tpu.memory_space<vmem>>
    %dma_start3A_30 = tpu.memref_squeeze %dma_start3A_29 : memref<1x80xi32, #tpu.memory_space<vmem>> -> memref<80xi32, #tpu.memory_space<vmem>>
    %dma_start3A_31 = arith.constant 0 : i32
    %dma_start3A_32 = arith.constant 0 : i32
    %dma_start3A_33 = tpu.memref_slice %arg22[%dma_start3A_31, %dma_start3A_32] : memref<10240x16xf32, #tpu.memory_space<vmem_shared>> -> memref<10240x16xf32, #tpu.memory_space<vmem_shared>>
    tpu.enqueue_indirect_dma source(%dma_start3A_33 : memref<10240x16xf32, #tpu.memory_space<vmem_shared>>) target(%arg8 : memref<80x16xf32, #tpu.memory_space<vmem>>) offsets(%dma_start3A_30 : memref<80xi32, #tpu.memory_space<vmem>>) semaphore(%arg23 : memref<!tpu.dma_semaphore, #tpu.memory_space<semaphore_mem>>)
    %dma_start3A_34 = arith.constant 2 : i32
    %dma_start3A_35 = arith.constant 0 : i32
    %dma_start3A_36 = tpu.memref_slice %arg5[%dma_start3A_34, %dma_start3A_35] : memref<125x80xi32, #tpu.memory_space<vmem>> -> memref<1x80xi32, #tpu.memory_space<vmem>>
    %dma_start3A_37 = tpu.memref_squeeze %dma_start3A_36 : memref<1x80xi32, #tpu.memory_space<vmem>> -> memref<80xi32, #tpu.memory_space<vmem>>
    %dma_start3A_38 = arith.constant 0 : i32
    %dma_start3A_39 = arith.constant 0 : i32
    %dma_start3A_40 = tpu.memref_slice %arg22[%dma_start3A_38, %dma_start3A_39] : memref<10240x16xf32, #tpu.memory_space<vmem_shared>> -> memref<10240x16xf32, #tpu.memory_space<vmem_shared>>
    tpu.enqueue_indirect_dma source(%dma_start3A_40 : memref<10240x16xf32, #tpu.memory_space<vmem_shared>>) target(%arg9 : memref<80x16xf32, #tpu.memory_space<vmem>>) offsets(%dma_start3A_37 : memref<80xi32, #tpu.memory_space<vmem>>) semaphore(%arg23 : memref<!tpu.dma_semaphore, #tpu.memory_space<semaphore_mem>>)
    %dma_start3A_41 = arith.constant 3 : i32
    %dma_start3A_42 = arith.constant 0 : i32
    %dma_start3A_43 = tpu.memref_slice %arg5[%dma_start3A_41, %dma_start3A_42] : memref<125x80xi32, #tpu.memory_space<vmem>> -> memref<1x80xi32, #tpu.memory_space<vmem>>
    %dma_start3A_44 = tpu.memref_squeeze %dma_start3A_43 : memref<1x80xi32, #tpu.memory_space<vmem>> -> memref<80xi32, #tpu.memory_space<vmem>>
    %dma_start3A_45 = arith.constant 0 : i32
    %dma_start3A_46 = arith.constant 0 : i32
    %dma_start3A_47 = tpu.memref_slice %arg22[%dma_start3A_45, %dma_start3A_46] : memref<10240x16xf32, #tpu.memory_space<vmem_shared>> -> memref<10240x16xf32, #tpu.memory_space<vmem_shared>>
    tpu.enqueue_indirect_dma source(%dma_start3A_47 : memref<10240x16xf32, #tpu.memory_space<vmem_shared>>) target(%arg10 : memref<80x16xf32, #tpu.memory_space<vmem>>) offsets(%dma_start3A_44 : memref<80xi32, #tpu.memory_space<vmem>>) semaphore(%arg23 : memref<!tpu.dma_semaphore, #tpu.memory_space<semaphore_mem>>)
    %dma_start3A_48 = arith.constant 4 : i32
    %dma_start3A_49 = arith.constant 0 : i32
    %dma_start3A_50 = tpu.memref_slice %arg5[%dma_start3A_48, %dma_start3A_49] : memref<125x80xi32, #tpu.memory_space<vmem>> -> memref<1x80xi32, #tpu.memory_space<vmem>>
    %dma_start3A_51 = tpu.memref_squeeze %dma_start3A_50 : memref<1x80xi32, #tpu.memory_space<vmem>> -> memref<80xi32, #tpu.memory_space<vmem>>
    %dma_start3A_52 = arith.constant 0 : i32
    %dma_start3A_53 = arith.constant 0 : i32
    %dma_start3A_54 = tpu.memref_slice %arg22[%dma_start3A_52, %dma_start3A_53] : memref<10240x16xf32, #tpu.memory_space<vmem_shared>> -> memref<10240x16xf32, #tpu.memory_space<vmem_shared>>
    tpu.enqueue_indirect_dma source(%dma_start3A_54 : memref<10240x16xf32, #tpu.memory_space<vmem_shared>>) target(%arg11 : memref<80x16xf32, #tpu.memory_space<vmem>>) offsets(%dma_start3A_51 : memref<80xi32, #tpu.memory_space<vmem>>) semaphore(%arg23 : memref<!tpu.dma_semaphore, #tpu.memory_space<semaphore_mem>>)
    %dma_start3A_55 = arith.constant 5 : i32
    %dma_start3A_56 = arith.constant 0 : i32
    %dma_start3A_57 = tpu.memref_slice %arg5[%dma_start3A_55, %dma_start3A_56] : memref<125x80xi32, #tpu.memory_space<vmem>> -> memref<1x80xi32, #tpu.memory_space<vmem>>
    %dma_start3A_58 = tpu.memref_squeeze %dma_start3A_57 : memref<1x80xi32, #tpu.memory_space<vmem>> -> memref<80xi32, #tpu.memory_space<vmem>>
    %dma_start3A_59 = arith.constant 0 : i32
    %dma_start3A_60 = arith.constant 0 : i32
    %dma_start3A_61 = tpu.memref_slice %arg22[%dma_start3A_59, %dma_start3A_60] : memref<10240x16xf32, #tpu.memory_space<vmem_shared>> -> memref<10240x16xf32, #tpu.memory_space<vmem_shared>>
    tpu.enqueue_indirect_dma source(%dma_start3A_61 : memref<10240x16xf32, #tpu.memory_space<vmem_shared>>) target(%arg12 : memref<80x16xf32, #tpu.memory_space<vmem>>) offsets(%dma_start3A_58 : memref<80xi32, #tpu.memory_space<vmem>>) semaphore(%arg24 : memref<!tpu.dma_semaphore, #tpu.memory_space<semaphore_mem>>)
    %dma_start3A_62 = arith.constant 6 : i32
    %dma_start3A_63 = arith.constant 0 : i32
    %dma_start3A_64 = tpu.memref_slice %arg5[%dma_start3A_62, %dma_start3A_63] : memref<125x80xi32, #tpu.memory_space<vmem>> -> memref<1x80xi32, #tpu.memory_space<vmem>>
    %dma_start3A_65 = tpu.memref_squeeze %dma_start3A_64 : memref<1x80xi32, #tpu.memory_space<vmem>> -> memref<80xi32, #tpu.memory_space<vmem>>
    %dma_start3A_66 = arith.constant 0 : i32
    %dma_start3A_67 = arith.constant 0 : i32
    %dma_start3A_68 = tpu.memref_slice %arg22[%dma_start3A_66, %dma_start3A_67] : memref<10240x16xf32, #tpu.memory_space<vmem_shared>> -> memref<10240x16xf32, #tpu.memory_space<vmem_shared>>
    tpu.enqueue_indirect_dma source(%dma_start3A_68 : memref<10240x16xf32, #tpu.memory_space<vmem_shared>>) target(%arg13 : memref<80x16xf32, #tpu.memory_space<vmem>>) offsets(%dma_start3A_65 : memref<80xi32, #tpu.memory_space<vmem>>) semaphore(%arg24 : memref<!tpu.dma_semaphore, #tpu.memory_space<semaphore_mem>>)
    %dma_start3A_69 = arith.constant 7 : i32
    %dma_start3A_70 = arith.constant 0 : i32
    %dma_start3A_71 = tpu.memref_slice %arg5[%dma_start3A_69, %dma_start3A_70] : memref<125x80xi32, #tpu.memory_space<vmem>> -> memref<1x80xi32, #tpu.memory_space<vmem>>
    %dma_start3A_72 = tpu.memref_squeeze %dma_start3A_71 : memref<1x80xi32, #tpu.memory_space<vmem>> -> memref<80xi32, #tpu.memory_space<vmem>>
    %dma_start3A_73 = arith.constant 0 : i32
    %dma_start3A_74 = arith.constant 0 : i32
    %dma_start3A_75 = tpu.memref_slice %arg22[%dma_start3A_73, %dma_start3A_74] : memref<10240x16xf32, #tpu.memory_space<vmem_shared>> -> memref<10240x16xf32, #tpu.memory_space<vmem_shared>>
    tpu.enqueue_indirect_dma source(%dma_start3A_75 : memref<10240x16xf32, #tpu.memory_space<vmem_shared>>) target(%arg14 : memref<80x16xf32, #tpu.memory_space<vmem>>) offsets(%dma_start3A_72 : memref<80xi32, #tpu.memory_space<vmem>>) semaphore(%arg24 : memref<!tpu.dma_semaphore, #tpu.memory_space<semaphore_mem>>)
    %dma_start3A_76 = arith.constant 8 : i32
    %dma_start3A_77 = arith.constant 0 : i32
    %dma_start3A_78 = tpu.memref_slice %arg5[%dma_start3A_76, %dma_start3A_77] : memref<125x80xi32, #tpu.memory_space<vmem>> -> memref<1x80xi32, #tpu.memory_space<vmem>>
    %dma_start3A_79 = tpu.memref_squeeze %dma_start3A_78 : memref<1x80xi32, #tpu.memory_space<vmem>> -> memref<80xi32, #tpu.memory_space<vmem>>
    %dma_start3A_80 = arith.constant 0 : i32
    %dma_start3A_81 = arith.constant 0 : i32
    %dma_start3A_82 = tpu.memref_slice %arg22[%dma_start3A_80, %dma_start3A_81] : memref<10240x16xf32, #tpu.memory_space<vmem_shared>> -> memref<10240x16xf32, #tpu.memory_space<vmem_shared>>
    tpu.enqueue_indirect_dma source(%dma_start3A_82 : memref<10240x16xf32, #tpu.memory_space<vmem_shared>>) target(%arg15 : memref<80x16xf32, #tpu.memory_space<vmem>>) offsets(%dma_start3A_79 : memref<80xi32, #tpu.memory_space<vmem>>) semaphore(%arg24 : memref<!tpu.dma_semaphore, #tpu.memory_space<semaphore_mem>>)
    %dma_start3A_83 = arith.constant 9 : i32
    %dma_start3A_84 = arith.constant 0 : i32
    %dma_start3A_85 = tpu.memref_slice %arg5[%dma_start3A_83, %dma_start3A_84] : memref<125x80xi32, #tpu.memory_space<vmem>> -> memref<1x80xi32, #tpu.memory_space<vmem>>
    %dma_start3A_86 = tpu.memref_squeeze %dma_start3A_85 : memref<1x80xi32, #tpu.memory_space<vmem>> -> memref<80xi32, #tpu.memory_space<vmem>>
    %dma_start3A_87 = arith.constant 0 : i32
    %dma_start3A_88 = arith.constant 0 : i32
    %dma_start3A_89 = tpu.memref_slice %arg22[%dma_start3A_87, %dma_start3A_88] : memref<10240x16xf32, #tpu.memory_space<vmem_shared>> -> memref<10240x16xf32, #tpu.memory_space<vmem_shared>>
    tpu.enqueue_indirect_dma source(%dma_start3A_89 : memref<10240x16xf32, #tpu.memory_space<vmem_shared>>) target(%arg16 : memref<80x16xf32, #tpu.memory_space<vmem>>) offsets(%dma_start3A_86 : memref<80xi32, #tpu.memory_space<vmem>>) semaphore(%arg24 : memref<!tpu.dma_semaphore, #tpu.memory_space<semaphore_mem>>)
    %scan3A_90 = arith.constant 0 : i32
    %scan3A_91 = arith.constant 0 : i32
    %scan3A_92 = arith.constant 0 : i32
    %scan3A_93 = arith.constant 0 : i32
    %scan3A_94 = arith.constant 11 : i32
    %scan3A_95 = arith.addi %scan3A_93, %scan3A_94 : i32
    %scan3A_96 = arith.constant 1 : i32
    %scan3A_97 = scf.for %scan3A_566 = %scan3A_93 to %scan3A_95 step %scan3A_96 iter_args(%scan3A_567 = %scan3A_92) -> (i32)  : i32 {
      %mul3A_568 = arith.constant 2 : i32
      %mul3A_569 = arith.muli %mul3A_568, %scan3A_566 : i32
      %dma_wait3A_570 = arith.constant 0 : i32
      %dma_wait3A_571 = arith.constant 0 : i32
      %dma_wait3A_572 = tpu.memref_slice %arg3[%scan3A_90, %scan3A_91, %dma_wait3A_570, %dma_wait3A_571] : memref<2x32x125x80xi32, #tpu.memory_space<hbm>> -> memref<1x1x16x80xi32, #tpu.memory_space<hbm>>
      %dma_wait3A_573 = tpu.memref_squeeze %dma_wait3A_572 : memref<1x1x16x80xi32, #tpu.memory_space<hbm>> -> memref<16x80xi32, #tpu.memory_space<hbm>>
      %dma_wait3A_574 = arith.constant 0 : i32
      %dma_wait3A_575 = arith.constant 0 : i32
      %dma_wait3A_576 = tpu.memref_slice %arg3[%scan3A_90, %scan3A_91, %dma_wait3A_574, %dma_wait3A_575] : memref<2x32x125x80xi32, #tpu.memory_space<hbm>> -> memref<1x1x16x80xi32, #tpu.memory_space<hbm>>
      %dma_wait3A_577 = tpu.memref_squeeze %dma_wait3A_576 : memref<1x1x16x80xi32, #tpu.memory_space<hbm>> -> memref<16x80xi32, #tpu.memory_space<hbm>>
      tpu.wait_dma2 semaphore(%arg23 : memref<!tpu.dma_semaphore, #tpu.memory_space<semaphore_mem>>) src(%dma_wait3A_577 : memref<16x80xi32, #tpu.memory_space<hbm>>) dst(%arg7 : memref<80x16xf32, #tpu.memory_space<vmem>>)
      %mul3A_578 = arith.constant 5 : i32
      %mul3A_579 = arith.muli %mul3A_569, %mul3A_578 : i32
      %add3A_580 = arith.constant 0 : i32
      %add3A_581 = arith.addi %mul3A_579, %add3A_580 : i32
      %dma_start3A_582 = arith.constant 0 : i32
      %dma_start3A_583 = tpu.memref_slice %arg6[%add3A_581, %dma_start3A_582] : memref<125x80xi32, #tpu.memory_space<vmem>> -> memref<1x80xi32, #tpu.memory_space<vmem>>
      %dma_start3A_584 = tpu.memref_squeeze %dma_start3A_583 : memref<1x80xi32, #tpu.memory_space<vmem>> -> memref<80xi32, #tpu.memory_space<vmem>>
      %dma_start3A_585 = arith.constant 0 : i32
      %dma_start3A_586 = arith.constant 0 : i32
      %dma_start3A_587 = tpu.memref_slice %arg21[%dma_start3A_585, %dma_start3A_586] : memref<10240x16xf32, #tpu.memory_space<vmem_shared>> -> memref<10240x16xf32, #tpu.memory_space<vmem_shared>>
      tpu.enqueue_indirect_dma source(%arg7 : memref<80x16xf32, #tpu.memory_space<vmem>>) target(%dma_start3A_587 : memref<10240x16xf32, #tpu.memory_space<vmem_shared>>) offsets(%dma_start3A_584 : memref<80xi32, #tpu.memory_space<vmem>>) semaphore(%arg25 : memref<!tpu.dma_semaphore, #tpu.memory_space<semaphore_mem>>) {add = true}
      %dma_wait3A_588 = arith.constant 0 : i32
      %dma_wait3A_589 = arith.constant 0 : i32
      %dma_wait3A_590 = tpu.memref_slice %arg3[%scan3A_90, %scan3A_91, %dma_wait3A_588, %dma_wait3A_589] : memref<2x32x125x80xi32, #tpu.memory_space<hbm>> -> memref<1x1x16x80xi32, #tpu.memory_space<hbm>>
      %dma_wait3A_591 = tpu.memref_squeeze %dma_wait3A_590 : memref<1x1x16x80xi32, #tpu.memory_space<hbm>> -> memref<16x80xi32, #tpu.memory_space<hbm>>
      %dma_wait3A_592 = arith.constant 0 : i32
      %dma_wait3A_593 = arith.constant 0 : i32
      %dma_wait3A_594 = tpu.memref_slice %arg3[%scan3A_90, %scan3A_91, %dma_wait3A_592, %dma_wait3A_593] : memref<2x32x125x80xi32, #tpu.memory_space<hbm>> -> memref<1x1x16x80xi32, #tpu.memory_space<hbm>>
      %dma_wait3A_595 = tpu.memref_squeeze %dma_wait3A_594 : memref<1x1x16x80xi32, #tpu.memory_space<hbm>> -> memref<16x80xi32, #tpu.memory_space<hbm>>
      tpu.wait_dma2 semaphore(%arg23 : memref<!tpu.dma_semaphore, #tpu.memory_space<semaphore_mem>>) src(%dma_wait3A_595 : memref<16x80xi32, #tpu.memory_space<hbm>>) dst(%arg8 : memref<80x16xf32, #tpu.memory_space<vmem>>)
      %mul3A_596 = arith.constant 5 : i32
      %mul3A_597 = arith.muli %mul3A_569, %mul3A_596 : i32
      %add3A_598 = arith.constant 1 : i32
      %add3A_599 = arith.addi %mul3A_597, %add3A_598 : i32
      %dma_start3A_600 = arith.constant 0 : i32
      %dma_start3A_601 = tpu.memref_slice %arg6[%add3A_599, %dma_start3A_600] : memref<125x80xi32, #tpu.memory_space<vmem>> -> memref<1x80xi32, #tpu.memory_space<vmem>>
      %dma_start3A_602 = tpu.memref_squeeze %dma_start3A_601 : memref<1x80xi32, #tpu.memory_space<vmem>> -> memref<80xi32, #tpu.memory_space<vmem>>
      %dma_start3A_603 = arith.constant 0 : i32
      %dma_start3A_604 = arith.constant 0 : i32
      %dma_start3A_605 = tpu.memref_slice %arg21[%dma_start3A_603, %dma_start3A_604] : memref<10240x16xf32, #tpu.memory_space<vmem_shared>> -> memref<10240x16xf32, #tpu.memory_space<vmem_shared>>
      tpu.enqueue_indirect_dma source(%arg8 : memref<80x16xf32, #tpu.memory_space<vmem>>) target(%dma_start3A_605 : memref<10240x16xf32, #tpu.memory_space<vmem_shared>>) offsets(%dma_start3A_602 : memref<80xi32, #tpu.memory_space<vmem>>) semaphore(%arg25 : memref<!tpu.dma_semaphore, #tpu.memory_space<semaphore_mem>>) {add = true}
      %dma_wait3A_606 = arith.constant 0 : i32
      %dma_wait3A_607 = arith.constant 0 : i32
      %dma_wait3A_608 = tpu.memref_slice %arg3[%scan3A_90, %scan3A_91, %dma_wait3A_606, %dma_wait3A_607] : memref<2x32x125x80xi32, #tpu.memory_space<hbm>> -> memref<1x1x16x80xi32, #tpu.memory_space<hbm>>
      %dma_wait3A_609 = tpu.memref_squeeze %dma_wait3A_608 : memref<1x1x16x80xi32, #tpu.memory_space<hbm>> -> memref<16x80xi32, #tpu.memory_space<hbm>>
      %dma_wait3A_610 = arith.constant 0 : i32
      %dma_wait3A_611 = arith.constant 0 : i32
      %dma_wait3A_612 = tpu.memref_slice %arg3[%scan3A_90, %scan3A_91, %dma_wait3A_610, %dma_wait3A_611] : memref<2x32x125x80xi32, #tpu.memory_space<hbm>> -> memref<1x1x16x80xi32, #tpu.memory_space<hbm>>
      %dma_wait3A_613 = tpu.memref_squeeze %dma_wait3A_612 : memref<1x1x16x80xi32, #tpu.memory_space<hbm>> -> memref<16x80xi32, #tpu.memory_space<hbm>>
      tpu.wait_dma2 semaphore(%arg23 : memref<!tpu.dma_semaphore, #tpu.memory_space<semaphore_mem>>) src(%dma_wait3A_613 : memref<16x80xi32, #tpu.memory_space<hbm>>) dst(%arg9 : memref<80x16xf32, #tpu.memory_space<vmem>>)
      %mul3A_614 = arith.constant 5 : i32
      %mul3A_615 = arith.muli %mul3A_569, %mul3A_614 : i32
      %add3A_616 = arith.constant 2 : i32
      %add3A_617 = arith.addi %mul3A_615, %add3A_616 : i32
      %dma_start3A_618 = arith.constant 0 : i32
      %dma_start3A_619 = tpu.memref_slice %arg6[%add3A_617, %dma_start3A_618] : memref<125x80xi32, #tpu.memory_space<vmem>> -> memref<1x80xi32, #tpu.memory_space<vmem>>
      %dma_start3A_620 = tpu.memref_squeeze %dma_start3A_619 : memref<1x80xi32, #tpu.memory_space<vmem>> -> memref<80xi32, #tpu.memory_space<vmem>>
      %dma_start3A_621 = arith.constant 0 : i32
      %dma_start3A_622 = arith.constant 0 : i32
      %dma_start3A_623 = tpu.memref_slice %arg21[%dma_start3A_621, %dma_start3A_622] : memref<10240x16xf32, #tpu.memory_space<vmem_shared>> -> memref<10240x16xf32, #tpu.memory_space<vmem_shared>>
      tpu.enqueue_indirect_dma source(%arg9 : memref<80x16xf32, #tpu.memory_space<vmem>>) target(%dma_start3A_623 : memref<10240x16xf32, #tpu.memory_space<vmem_shared>>) offsets(%dma_start3A_620 : memref<80xi32, #tpu.memory_space<vmem>>) semaphore(%arg25 : memref<!tpu.dma_semaphore, #tpu.memory_space<semaphore_mem>>) {add = true}
      %dma_wait3A_624 = arith.constant 0 : i32
      %dma_wait3A_625 = arith.constant 0 : i32
      %dma_wait3A_626 = tpu.memref_slice %arg3[%scan3A_90, %scan3A_91, %dma_wait3A_624, %dma_wait3A_625] : memref<2x32x125x80xi32, #tpu.memory_space<hbm>> -> memref<1x1x16x80xi32, #tpu.memory_space<hbm>>
      %dma_wait3A_627 = tpu.memref_squeeze %dma_wait3A_626 : memref<1x1x16x80xi32, #tpu.memory_space<hbm>> -> memref<16x80xi32, #tpu.memory_space<hbm>>
      %dma_wait3A_628 = arith.constant 0 : i32
      %dma_wait3A_629 = arith.constant 0 : i32
      %dma_wait3A_630 = tpu.memref_slice %arg3[%scan3A_90, %scan3A_91, %dma_wait3A_628, %dma_wait3A_629] : memref<2x32x125x80xi32, #tpu.memory_space<hbm>> -> memref<1x1x16x80xi32, #tpu.memory_space<hbm>>
      %dma_wait3A_631 = tpu.memref_squeeze %dma_wait3A_630 : memref<1x1x16x80xi32, #tpu.memory_space<hbm>> -> memref<16x80xi32, #tpu.memory_space<hbm>>
      tpu.wait_dma2 semaphore(%arg23 : memref<!tpu.dma_semaphore, #tpu.memory_space<semaphore_mem>>) src(%dma_wait3A_631 : memref<16x80xi32, #tpu.memory_space<hbm>>) dst(%arg10 : memref<80x16xf32, #tpu.memory_space<vmem>>)
      %mul3A_632 = arith.constant 5 : i32
      %mul3A_633 = arith.muli %mul3A_569, %mul3A_632 : i32
      %add3A_634 = arith.constant 3 : i32
      %add3A_635 = arith.addi %mul3A_633, %add3A_634 : i32
      %dma_start3A_636 = arith.constant 0 : i32
      %dma_start3A_637 = tpu.memref_slice %arg6[%add3A_635, %dma_start3A_636] : memref<125x80xi32, #tpu.memory_space<vmem>> -> memref<1x80xi32, #tpu.memory_space<vmem>>
      %dma_start3A_638 = tpu.memref_squeeze %dma_start3A_637 : memref<1x80xi32, #tpu.memory_space<vmem>> -> memref<80xi32, #tpu.memory_space<vmem>>
      %dma_start3A_639 = arith.constant 0 : i32
      %dma_start3A_640 = arith.constant 0 : i32
      %dma_start3A_641 = tpu.memref_slice %arg21[%dma_start3A_639, %dma_start3A_640] : memref<10240x16xf32, #tpu.memory_space<vmem_shared>> -> memref<10240x16xf32, #tpu.memory_space<vmem_shared>>
      tpu.enqueue_indirect_dma source(%arg10 : memref<80x16xf32, #tpu.memory_space<vmem>>) target(%dma_start3A_641 : memref<10240x16xf32, #tpu.memory_space<vmem_shared>>) offsets(%dma_start3A_638 : memref<80xi32, #tpu.memory_space<vmem>>) semaphore(%arg25 : memref<!tpu.dma_semaphore, #tpu.memory_space<semaphore_mem>>) {add = true}
      %dma_wait3A_642 = arith.constant 0 : i32
      %dma_wait3A_643 = arith.constant 0 : i32
      %dma_wait3A_644 = tpu.memref_slice %arg3[%scan3A_90, %scan3A_91, %dma_wait3A_642, %dma_wait3A_643] : memref<2x32x125x80xi32, #tpu.memory_space<hbm>> -> memref<1x1x16x80xi32, #tpu.memory_space<hbm>>
      %dma_wait3A_645 = tpu.memref_squeeze %dma_wait3A_644 : memref<1x1x16x80xi32, #tpu.memory_space<hbm>> -> memref<16x80xi32, #tpu.memory_space<hbm>>
      %dma_wait3A_646 = arith.constant 0 : i32
      %dma_wait3A_647 = arith.constant 0 : i32
      %dma_wait3A_648 = tpu.memref_slice %arg3[%scan3A_90, %scan3A_91, %dma_wait3A_646, %dma_wait3A_647] : memref<2x32x125x80xi32, #tpu.memory_space<hbm>> -> memref<1x1x16x80xi32, #tpu.memory_space<hbm>>
      %dma_wait3A_649 = tpu.memref_squeeze %dma_wait3A_648 : memref<1x1x16x80xi32, #tpu.memory_space<hbm>> -> memref<16x80xi32, #tpu.memory_space<hbm>>
      tpu.wait_dma2 semaphore(%arg23 : memref<!tpu.dma_semaphore, #tpu.memory_space<semaphore_mem>>) src(%dma_wait3A_649 : memref<16x80xi32, #tpu.memory_space<hbm>>) dst(%arg11 : memref<80x16xf32, #tpu.memory_space<vmem>>)
      %mul3A_650 = arith.constant 5 : i32
      %mul3A_651 = arith.muli %mul3A_569, %mul3A_650 : i32
      %add3A_652 = arith.constant 4 : i32
      %add3A_653 = arith.addi %mul3A_651, %add3A_652 : i32
      %dma_start3A_654 = arith.constant 0 : i32
      %dma_start3A_655 = tpu.memref_slice %arg6[%add3A_653, %dma_start3A_654] : memref<125x80xi32, #tpu.memory_space<vmem>> -> memref<1x80xi32, #tpu.memory_space<vmem>>
      %dma_start3A_656 = tpu.memref_squeeze %dma_start3A_655 : memref<1x80xi32, #tpu.memory_space<vmem>> -> memref<80xi32, #tpu.memory_space<vmem>>
      %dma_start3A_657 = arith.constant 0 : i32
      %dma_start3A_658 = arith.constant 0 : i32
      %dma_start3A_659 = tpu.memref_slice %arg21[%dma_start3A_657, %dma_start3A_658] : memref<10240x16xf32, #tpu.memory_space<vmem_shared>> -> memref<10240x16xf32, #tpu.memory_space<vmem_shared>>
      tpu.enqueue_indirect_dma source(%arg11 : memref<80x16xf32, #tpu.memory_space<vmem>>) target(%dma_start3A_659 : memref<10240x16xf32, #tpu.memory_space<vmem_shared>>) offsets(%dma_start3A_656 : memref<80xi32, #tpu.memory_space<vmem>>) semaphore(%arg25 : memref<!tpu.dma_semaphore, #tpu.memory_space<semaphore_mem>>) {add = true}
      %dma_wait3A_660 = arith.constant 0 : i32
      %dma_wait3A_661 = arith.constant 0 : i32
      %dma_wait3A_662 = tpu.memref_slice %arg3[%scan3A_90, %scan3A_91, %dma_wait3A_660, %dma_wait3A_661] : memref<2x32x125x80xi32, #tpu.memory_space<hbm>> -> memref<1x1x16x80xi32, #tpu.memory_space<hbm>>
      %dma_wait3A_663 = tpu.memref_squeeze %dma_wait3A_662 : memref<1x1x16x80xi32, #tpu.memory_space<hbm>> -> memref<16x80xi32, #tpu.memory_space<hbm>>
      %dma_wait3A_664 = arith.constant 0 : i32
      %dma_wait3A_665 = arith.constant 0 : i32
      %dma_wait3A_666 = tpu.memref_slice %arg3[%scan3A_90, %scan3A_91, %dma_wait3A_664, %dma_wait3A_665] : memref<2x32x125x80xi32, #tpu.memory_space<hbm>> -> memref<1x1x16x80xi32, #tpu.memory_space<hbm>>
      %dma_wait3A_667 = tpu.memref_squeeze %dma_wait3A_666 : memref<1x1x16x80xi32, #tpu.memory_space<hbm>> -> memref<16x80xi32, #tpu.memory_space<hbm>>
      tpu.wait_dma2 semaphore(%arg25 : memref<!tpu.dma_semaphore, #tpu.memory_space<semaphore_mem>>) src(%dma_wait3A_667 : memref<16x80xi32, #tpu.memory_space<hbm>>) dst(%arg7 : memref<80x16xf32, #tpu.memory_space<vmem>>)
      %dma_wait3A_668 = arith.constant 0 : i32
      %dma_wait3A_669 = arith.constant 0 : i32
      %dma_wait3A_670 = tpu.memref_slice %arg3[%scan3A_90, %scan3A_91, %dma_wait3A_668, %dma_wait3A_669] : memref<2x32x125x80xi32, #tpu.memory_space<hbm>> -> memref<1x1x16x80xi32, #tpu.memory_space<hbm>>
      %dma_wait3A_671 = tpu.memref_squeeze %dma_wait3A_670 : memref<1x1x16x80xi32, #tpu.memory_space<hbm>> -> memref<16x80xi32, #tpu.memory_space<hbm>>
      %dma_wait3A_672 = arith.constant 0 : i32
      %dma_wait3A_673 = arith.constant 0 : i32
      %dma_wait3A_674 = tpu.memref_slice %arg3[%scan3A_90, %scan3A_91, %dma_wait3A_672, %dma_wait3A_673] : memref<2x32x125x80xi32, #tpu.memory_space<hbm>> -> memref<1x1x16x80xi32, #tpu.memory_space<hbm>>
      %dma_wait3A_675 = tpu.memref_squeeze %dma_wait3A_674 : memref<1x1x16x80xi32, #tpu.memory_space<hbm>> -> memref<16x80xi32, #tpu.memory_space<hbm>>
      tpu.wait_dma2 semaphore(%arg25 : memref<!tpu.dma_semaphore, #tpu.memory_space<semaphore_mem>>) src(%dma_wait3A_675 : memref<16x80xi32, #tpu.memory_space<hbm>>) dst(%arg8 : memref<80x16xf32, #tpu.memory_space<vmem>>)
      %dma_wait3A_676 = arith.constant 0 : i32
      %dma_wait3A_677 = arith.constant 0 : i32
      %dma_wait3A_678 = tpu.memref_slice %arg3[%scan3A_90, %scan3A_91, %dma_wait3A_676, %dma_wait3A_677] : memref<2x32x125x80xi32, #tpu.memory_space<hbm>> -> memref<1x1x16x80xi32, #tpu.memory_space<hbm>>
      %dma_wait3A_679 = tpu.memref_squeeze %dma_wait3A_678 : memref<1x1x16x80xi32, #tpu.memory_space<hbm>> -> memref<16x80xi32, #tpu.memory_space<hbm>>
      %dma_wait3A_680 = arith.constant 0 : i32
      %dma_wait3A_681 = arith.constant 0 : i32
      %dma_wait3A_682 = tpu.memref_slice %arg3[%scan3A_90, %scan3A_91, %dma_wait3A_680, %dma_wait3A_681] : memref<2x32x125x80xi32, #tpu.memory_space<hbm>> -> memref<1x1x16x80xi32, #tpu.memory_space<hbm>>
      %dma_wait3A_683 = tpu.memref_squeeze %dma_wait3A_682 : memref<1x1x16x80xi32, #tpu.memory_space<hbm>> -> memref<16x80xi32, #tpu.memory_space<hbm>>
      tpu.wait_dma2 semaphore(%arg25 : memref<!tpu.dma_semaphore, #tpu.memory_space<semaphore_mem>>) src(%dma_wait3A_683 : memref<16x80xi32, #tpu.memory_space<hbm>>) dst(%arg9 : memref<80x16xf32, #tpu.memory_space<vmem>>)
      %dma_wait3A_684 = arith.constant 0 : i32
      %dma_wait3A_685 = arith.constant 0 : i32
      %dma_wait3A_686 = tpu.memref_slice %arg3[%scan3A_90, %scan3A_91, %dma_wait3A_684, %dma_wait3A_685] : memref<2x32x125x80xi32, #tpu.memory_space<hbm>> -> memref<1x1x16x80xi32, #tpu.memory_space<hbm>>
      %dma_wait3A_687 = tpu.memref_squeeze %dma_wait3A_686 : memref<1x1x16x80xi32, #tpu.memory_space<hbm>> -> memref<16x80xi32, #tpu.memory_space<hbm>>
      %dma_wait3A_688 = arith.constant 0 : i32
      %dma_wait3A_689 = arith.constant 0 : i32
      %dma_wait3A_690 = tpu.memref_slice %arg3[%scan3A_90, %scan3A_91, %dma_wait3A_688, %dma_wait3A_689] : memref<2x32x125x80xi32, #tpu.memory_space<hbm>> -> memref<1x1x16x80xi32, #tpu.memory_space<hbm>>
      %dma_wait3A_691 = tpu.memref_squeeze %dma_wait3A_690 : memref<1x1x16x80xi32, #tpu.memory_space<hbm>> -> memref<16x80xi32, #tpu.memory_space<hbm>>
      tpu.wait_dma2 semaphore(%arg25 : memref<!tpu.dma_semaphore, #tpu.memory_space<semaphore_mem>>) src(%dma_wait3A_691 : memref<16x80xi32, #tpu.memory_space<hbm>>) dst(%arg10 : memref<80x16xf32, #tpu.memory_space<vmem>>)
      %dma_wait3A_692 = arith.constant 0 : i32
      %dma_wait3A_693 = arith.constant 0 : i32
      %dma_wait3A_694 = tpu.memref_slice %arg3[%scan3A_90, %scan3A_91, %dma_wait3A_692, %dma_wait3A_693] : memref<2x32x125x80xi32, #tpu.memory_space<hbm>> -> memref<1x1x16x80xi32, #tpu.memory_space<hbm>>
      %dma_wait3A_695 = tpu.memref_squeeze %dma_wait3A_694 : memref<1x1x16x80xi32, #tpu.memory_space<hbm>> -> memref<16x80xi32, #tpu.memory_space<hbm>>
      %dma_wait3A_696 = arith.constant 0 : i32
      %dma_wait3A_697 = arith.constant 0 : i32
      %dma_wait3A_698 = tpu.memref_slice %arg3[%scan3A_90, %scan3A_91, %dma_wait3A_696, %dma_wait3A_697] : memref<2x32x125x80xi32, #tpu.memory_space<hbm>> -> memref<1x1x16x80xi32, #tpu.memory_space<hbm>>
      %dma_wait3A_699 = tpu.memref_squeeze %dma_wait3A_698 : memref<1x1x16x80xi32, #tpu.memory_space<hbm>> -> memref<16x80xi32, #tpu.memory_space<hbm>>
      tpu.wait_dma2 semaphore(%arg25 : memref<!tpu.dma_semaphore, #tpu.memory_space<semaphore_mem>>) src(%dma_wait3A_699 : memref<16x80xi32, #tpu.memory_space<hbm>>) dst(%arg11 : memref<80x16xf32, #tpu.memory_space<vmem>>)
      %add3A_700 = arith.constant 2 : i32
      %add3A_701 = arith.addi %mul3A_569, %add3A_700 : i32
      %mul3A_702 = arith.constant 5 : i32
      %mul3A_703 = arith.muli %add3A_701, %mul3A_702 : i32
      %add3A_704 = arith.constant 0 : i32
      %add3A_705 = arith.addi %mul3A_703, %add3A_704 : i32
      %dma_start3A_706 = arith.constant 0 : i32
      %dma_start3A_707 = tpu.memref_slice %arg5[%add3A_705, %dma_start3A_706] : memref<125x80xi32, #tpu.memory_space<vmem>> -> memref<1x80xi32, #tpu.memory_space<vmem>>
      %dma_start3A_708 = tpu.memref_squeeze %dma_start3A_707 : memref<1x80xi32, #tpu.memory_space<vmem>> -> memref<80xi32, #tpu.memory_space<vmem>>
      %dma_start3A_709 = arith.constant 0 : i32
      %dma_start3A_710 = arith.constant 0 : i32
      %dma_start3A_711 = tpu.memref_slice %arg22[%dma_start3A_709, %dma_start3A_710] : memref<10240x16xf32, #tpu.memory_space<vmem_shared>> -> memref<10240x16xf32, #tpu.memory_space<vmem_shared>>
      tpu.enqueue_indirect_dma source(%dma_start3A_711 : memref<10240x16xf32, #tpu.memory_space<vmem_shared>>) target(%arg7 : memref<80x16xf32, #tpu.memory_space<vmem>>) offsets(%dma_start3A_708 : memref<80xi32, #tpu.memory_space<vmem>>) semaphore(%arg23 : memref<!tpu.dma_semaphore, #tpu.memory_space<semaphore_mem>>)
      %mul3A_712 = arith.constant 5 : i32
      %mul3A_713 = arith.muli %add3A_701, %mul3A_712 : i32
      %add3A_714 = arith.constant 1 : i32
      %add3A_715 = arith.addi %mul3A_713, %add3A_714 : i32
      %dma_start3A_716 = arith.constant 0 : i32
      %dma_start3A_717 = tpu.memref_slice %arg5[%add3A_715, %dma_start3A_716] : memref<125x80xi32, #tpu.memory_space<vmem>> -> memref<1x80xi32, #tpu.memory_space<vmem>>
      %dma_start3A_718 = tpu.memref_squeeze %dma_start3A_717 : memref<1x80xi32, #tpu.memory_space<vmem>> -> memref<80xi32, #tpu.memory_space<vmem>>
      %dma_start3A_719 = arith.constant 0 : i32
      %dma_start3A_720 = arith.constant 0 : i32
      %dma_start3A_721 = tpu.memref_slice %arg22[%dma_start3A_719, %dma_start3A_720] : memref<10240x16xf32, #tpu.memory_space<vmem_shared>> -> memref<10240x16xf32, #tpu.memory_space<vmem_shared>>
      tpu.enqueue_indirect_dma source(%dma_start3A_721 : memref<10240x16xf32, #tpu.memory_space<vmem_shared>>) target(%arg8 : memref<80x16xf32, #tpu.memory_space<vmem>>) offsets(%dma_start3A_718 : memref<80xi32, #tpu.memory_space<vmem>>) semaphore(%arg23 : memref<!tpu.dma_semaphore, #tpu.memory_space<semaphore_mem>>)
      %mul3A_722 = arith.constant 5 : i32
      %mul3A_723 = arith.muli %add3A_701, %mul3A_722 : i32
      %add3A_724 = arith.constant 2 : i32
      %add3A_725 = arith.addi %mul3A_723, %add3A_724 : i32
      %dma_start3A_726 = arith.constant 0 : i32
      %dma_start3A_727 = tpu.memref_slice %arg5[%add3A_725, %dma_start3A_726] : memref<125x80xi32, #tpu.memory_space<vmem>> -> memref<1x80xi32, #tpu.memory_space<vmem>>
      %dma_start3A_728 = tpu.memref_squeeze %dma_start3A_727 : memref<1x80xi32, #tpu.memory_space<vmem>> -> memref<80xi32, #tpu.memory_space<vmem>>
      %dma_start3A_729 = arith.constant 0 : i32
      %dma_start3A_730 = arith.constant 0 : i32
      %dma_start3A_731 = tpu.memref_slice %arg22[%dma_start3A_729, %dma_start3A_730] : memref<10240x16xf32, #tpu.memory_space<vmem_shared>> -> memref<10240x16xf32, #tpu.memory_space<vmem_shared>>
      tpu.enqueue_indirect_dma source(%dma_start3A_731 : memref<10240x16xf32, #tpu.memory_space<vmem_shared>>) target(%arg9 : memref<80x16xf32, #tpu.memory_space<vmem>>) offsets(%dma_start3A_728 : memref<80xi32, #tpu.memory_space<vmem>>) semaphore(%arg23 : memref<!tpu.dma_semaphore, #tpu.memory_space<semaphore_mem>>)
      %mul3A_732 = arith.constant 5 : i32
      %mul3A_733 = arith.muli %add3A_701, %mul3A_732 : i32
      %add3A_734 = arith.constant 3 : i32
      %add3A_735 = arith.addi %mul3A_733, %add3A_734 : i32
      %dma_start3A_736 = arith.constant 0 : i32
      %dma_start3A_737 = tpu.memref_slice %arg5[%add3A_735, %dma_start3A_736] : memref<125x80xi32, #tpu.memory_space<vmem>> -> memref<1x80xi32, #tpu.memory_space<vmem>>
      %dma_start3A_738 = tpu.memref_squeeze %dma_start3A_737 : memref<1x80xi32, #tpu.memory_space<vmem>> -> memref<80xi32, #tpu.memory_space<vmem>>
      %dma_start3A_739 = arith.constant 0 : i32
      %dma_start3A_740 = arith.constant 0 : i32
      %dma_start3A_741 = tpu.memref_slice %arg22[%dma_start3A_739, %dma_start3A_740] : memref<10240x16xf32, #tpu.memory_space<vmem_shared>> -> memref<10240x16xf32, #tpu.memory_space<vmem_shared>>
      tpu.enqueue_indirect_dma source(%dma_start3A_741 : memref<10240x16xf32, #tpu.memory_space<vmem_shared>>) target(%arg10 : memref<80x16xf32, #tpu.memory_space<vmem>>) offsets(%dma_start3A_738 : memref<80xi32, #tpu.memory_space<vmem>>) semaphore(%arg23 : memref<!tpu.dma_semaphore, #tpu.memory_space<semaphore_mem>>)
      %mul3A_742 = arith.constant 5 : i32
      %mul3A_743 = arith.muli %add3A_701, %mul3A_742 : i32
      %add3A_744 = arith.constant 4 : i32
      %add3A_745 = arith.addi %mul3A_743, %add3A_744 : i32
      %dma_start3A_746 = arith.constant 0 : i32
      %dma_start3A_747 = tpu.memref_slice %arg5[%add3A_745, %dma_start3A_746] : memref<125x80xi32, #tpu.memory_space<vmem>> -> memref<1x80xi32, #tpu.memory_space<vmem>>
      %dma_start3A_748 = tpu.memref_squeeze %dma_start3A_747 : memref<1x80xi32, #tpu.memory_space<vmem>> -> memref<80xi32, #tpu.memory_space<vmem>>
      %dma_start3A_749 = arith.constant 0 : i32
      %dma_start3A_750 = arith.constant 0 : i32
      %dma_start3A_751 = tpu.memref_slice %arg22[%dma_start3A_749, %dma_start3A_750] : memref<10240x16xf32, #tpu.memory_space<vmem_shared>> -> memref<10240x16xf32, #tpu.memory_space<vmem_shared>>
      tpu.enqueue_indirect_dma source(%dma_start3A_751 : memref<10240x16xf32, #tpu.memory_space<vmem_shared>>) target(%arg11 : memref<80x16xf32, #tpu.memory_space<vmem>>) offsets(%dma_start3A_748 : memref<80xi32, #tpu.memory_space<vmem>>) semaphore(%arg23 : memref<!tpu.dma_semaphore, #tpu.memory_space<semaphore_mem>>)
      %add3A_752 = arith.constant 1 : i32
      %add3A_753 = arith.addi %mul3A_569, %add3A_752 : i32
      %dma_wait3A_754 = arith.constant 0 : i32
      %dma_wait3A_755 = arith.constant 0 : i32
      %dma_wait3A_756 = tpu.memref_slice %arg3[%scan3A_90, %scan3A_91, %dma_wait3A_754, %dma_wait3A_755] : memref<2x32x125x80xi32, #tpu.memory_space<hbm>> -> memref<1x1x16x80xi32, #tpu.memory_space<hbm>>
      %dma_wait3A_757 = tpu.memref_squeeze %dma_wait3A_756 : memref<1x1x16x80xi32, #tpu.memory_space<hbm>> -> memref<16x80xi32, #tpu.memory_space<hbm>>
      %dma_wait3A_758 = arith.constant 0 : i32
      %dma_wait3A_759 = arith.constant 0 : i32
      %dma_wait3A_760 = tpu.memref_slice %arg3[%scan3A_90, %scan3A_91, %dma_wait3A_758, %dma_wait3A_759] : memref<2x32x125x80xi32, #tpu.memory_space<hbm>> -> memref<1x1x16x80xi32, #tpu.memory_space<hbm>>
      %dma_wait3A_761 = tpu.memref_squeeze %dma_wait3A_760 : memref<1x1x16x80xi32, #tpu.memory_space<hbm>> -> memref<16x80xi32, #tpu.memory_space<hbm>>
      tpu.wait_dma2 semaphore(%arg24 : memref<!tpu.dma_semaphore, #tpu.memory_space<semaphore_mem>>) src(%dma_wait3A_761 : memref<16x80xi32, #tpu.memory_space<hbm>>) dst(%arg12 : memref<80x16xf32, #tpu.memory_space<vmem>>)
      %mul3A_762 = arith.constant 5 : i32
      %mul3A_763 = arith.muli %add3A_753, %mul3A_762 : i32
      %add3A_764 = arith.constant 0 : i32
      %add3A_765 = arith.addi %mul3A_763, %add3A_764 : i32
      %dma_start3A_766 = arith.constant 0 : i32
      %dma_start3A_767 = tpu.memref_slice %arg6[%add3A_765, %dma_start3A_766] : memref<125x80xi32, #tpu.memory_space<vmem>> -> memref<1x80xi32, #tpu.memory_space<vmem>>
      %dma_start3A_768 = tpu.memref_squeeze %dma_start3A_767 : memref<1x80xi32, #tpu.memory_space<vmem>> -> memref<80xi32, #tpu.memory_space<vmem>>
      %dma_start3A_769 = arith.constant 0 : i32
      %dma_start3A_770 = arith.constant 0 : i32
      %dma_start3A_771 = tpu.memref_slice %arg21[%dma_start3A_769, %dma_start3A_770] : memref<10240x16xf32, #tpu.memory_space<vmem_shared>> -> memref<10240x16xf32, #tpu.memory_space<vmem_shared>>
      tpu.enqueue_indirect_dma source(%arg12 : memref<80x16xf32, #tpu.memory_space<vmem>>) target(%dma_start3A_771 : memref<10240x16xf32, #tpu.memory_space<vmem_shared>>) offsets(%dma_start3A_768 : memref<80xi32, #tpu.memory_space<vmem>>) semaphore(%arg26 : memref<!tpu.dma_semaphore, #tpu.memory_space<semaphore_mem>>) {add = true}
      %dma_wait3A_772 = arith.constant 0 : i32
      %dma_wait3A_773 = arith.constant 0 : i32
      %dma_wait3A_774 = tpu.memref_slice %arg3[%scan3A_90, %scan3A_91, %dma_wait3A_772, %dma_wait3A_773] : memref<2x32x125x80xi32, #tpu.memory_space<hbm>> -> memref<1x1x16x80xi32, #tpu.memory_space<hbm>>
      %dma_wait3A_775 = tpu.memref_squeeze %dma_wait3A_774 : memref<1x1x16x80xi32, #tpu.memory_space<hbm>> -> memref<16x80xi32, #tpu.memory_space<hbm>>
      %dma_wait3A_776 = arith.constant 0 : i32
      %dma_wait3A_777 = arith.constant 0 : i32
      %dma_wait3A_778 = tpu.memref_slice %arg3[%scan3A_90, %scan3A_91, %dma_wait3A_776, %dma_wait3A_777] : memref<2x32x125x80xi32, #tpu.memory_space<hbm>> -> memref<1x1x16x80xi32, #tpu.memory_space<hbm>>
      %dma_wait3A_779 = tpu.memref_squeeze %dma_wait3A_778 : memref<1x1x16x80xi32, #tpu.memory_space<hbm>> -> memref<16x80xi32, #tpu.memory_space<hbm>>
      tpu.wait_dma2 semaphore(%arg24 : memref<!tpu.dma_semaphore, #tpu.memory_space<semaphore_mem>>) src(%dma_wait3A_779 : memref<16x80xi32, #tpu.memory_space<hbm>>) dst(%arg13 : memref<80x16xf32, #tpu.memory_space<vmem>>)
      %mul3A_780 = arith.constant 5 : i32
      %mul3A_781 = arith.muli %add3A_753, %mul3A_780 : i32
      %add3A_782 = arith.constant 1 : i32
      %add3A_783 = arith.addi %mul3A_781, %add3A_782 : i32
      %dma_start3A_784 = arith.constant 0 : i32
      %dma_start3A_785 = tpu.memref_slice %arg6[%add3A_783, %dma_start3A_784] : memref<125x80xi32, #tpu.memory_space<vmem>> -> memref<1x80xi32, #tpu.memory_space<vmem>>
      %dma_start3A_786 = tpu.memref_squeeze %dma_start3A_785 : memref<1x80xi32, #tpu.memory_space<vmem>> -> memref<80xi32, #tpu.memory_space<vmem>>
      %dma_start3A_787 = arith.constant 0 : i32
      %dma_start3A_788 = arith.constant 0 : i32
      %dma_start3A_789 = tpu.memref_slice %arg21[%dma_start3A_787, %dma_start3A_788] : memref<10240x16xf32, #tpu.memory_space<vmem_shared>> -> memref<10240x16xf32, #tpu.memory_space<vmem_shared>>
      tpu.enqueue_indirect_dma source(%arg13 : memref<80x16xf32, #tpu.memory_space<vmem>>) target(%dma_start3A_789 : memref<10240x16xf32, #tpu.memory_space<vmem_shared>>) offsets(%dma_start3A_786 : memref<80xi32, #tpu.memory_space<vmem>>) semaphore(%arg26 : memref<!tpu.dma_semaphore, #tpu.memory_space<semaphore_mem>>) {add = true}
      %dma_wait3A_790 = arith.constant 0 : i32
      %dma_wait3A_791 = arith.constant 0 : i32
      %dma_wait3A_792 = tpu.memref_slice %arg3[%scan3A_90, %scan3A_91, %dma_wait3A_790, %dma_wait3A_791] : memref<2x32x125x80xi32, #tpu.memory_space<hbm>> -> memref<1x1x16x80xi32, #tpu.memory_space<hbm>>
      %dma_wait3A_793 = tpu.memref_squeeze %dma_wait3A_792 : memref<1x1x16x80xi32, #tpu.memory_space<hbm>> -> memref<16x80xi32, #tpu.memory_space<hbm>>
      %dma_wait3A_794 = arith.constant 0 : i32
      %dma_wait3A_795 = arith.constant 0 : i32
      %dma_wait3A_796 = tpu.memref_slice %arg3[%scan3A_90, %scan3A_91, %dma_wait3A_794, %dma_wait3A_795] : memref<2x32x125x80xi32, #tpu.memory_space<hbm>> -> memref<1x1x16x80xi32, #tpu.memory_space<hbm>>
      %dma_wait3A_797 = tpu.memref_squeeze %dma_wait3A_796 : memref<1x1x16x80xi32, #tpu.memory_space<hbm>> -> memref<16x80xi32, #tpu.memory_space<hbm>>
      tpu.wait_dma2 semaphore(%arg24 : memref<!tpu.dma_semaphore, #tpu.memory_space<semaphore_mem>>) src(%dma_wait3A_797 : memref<16x80xi32, #tpu.memory_space<hbm>>) dst(%arg14 : memref<80x16xf32, #tpu.memory_space<vmem>>)
      %mul3A_798 = arith.constant 5 : i32
      %mul3A_799 = arith.muli %add3A_753, %mul3A_798 : i32
      %add3A_800 = arith.constant 2 : i32
      %add3A_801 = arith.addi %mul3A_799, %add3A_800 : i32
      %dma_start3A_802 = arith.constant 0 : i32
      %dma_start3A_803 = tpu.memref_slice %arg6[%add3A_801, %dma_start3A_802] : memref<125x80xi32, #tpu.memory_space<vmem>> -> memref<1x80xi32, #tpu.memory_space<vmem>>
      %dma_start3A_804 = tpu.memref_squeeze %dma_start3A_803 : memref<1x80xi32, #tpu.memory_space<vmem>> -> memref<80xi32, #tpu.memory_space<vmem>>
      %dma_start3A_805 = arith.constant 0 : i32
      %dma_start3A_806 = arith.constant 0 : i32
      %dma_start3A_807 = tpu.memref_slice %arg21[%dma_start3A_805, %dma_start3A_806] : memref<10240x16xf32, #tpu.memory_space<vmem_shared>> -> memref<10240x16xf32, #tpu.memory_space<vmem_shared>>
      tpu.enqueue_indirect_dma source(%arg14 : memref<80x16xf32, #tpu.memory_space<vmem>>) target(%dma_start3A_807 : memref<10240x16xf32, #tpu.memory_space<vmem_shared>>) offsets(%dma_start3A_804 : memref<80xi32, #tpu.memory_space<vmem>>) semaphore(%arg26 : memref<!tpu.dma_semaphore, #tpu.memory_space<semaphore_mem>>) {add = true}
      %dma_wait3A_808 = arith.constant 0 : i32
      %dma_wait3A_809 = arith.constant 0 : i32
      %dma_wait3A_810 = tpu.memref_slice %arg3[%scan3A_90, %scan3A_91, %dma_wait3A_808, %dma_wait3A_809] : memref<2x32x125x80xi32, #tpu.memory_space<hbm>> -> memref<1x1x16x80xi32, #tpu.memory_space<hbm>>
      %dma_wait3A_811 = tpu.memref_squeeze %dma_wait3A_810 : memref<1x1x16x80xi32, #tpu.memory_space<hbm>> -> memref<16x80xi32, #tpu.memory_space<hbm>>
      %dma_wait3A_812 = arith.constant 0 : i32
      %dma_wait3A_813 = arith.constant 0 : i32
      %dma_wait3A_814 = tpu.memref_slice %arg3[%scan3A_90, %scan3A_91, %dma_wait3A_812, %dma_wait3A_813] : memref<2x32x125x80xi32, #tpu.memory_space<hbm>> -> memref<1x1x16x80xi32, #tpu.memory_space<hbm>>
      %dma_wait3A_815 = tpu.memref_squeeze %dma_wait3A_814 : memref<1x1x16x80xi32, #tpu.memory_space<hbm>> -> memref<16x80xi32, #tpu.memory_space<hbm>>
      tpu.wait_dma2 semaphore(%arg24 : memref<!tpu.dma_semaphore, #tpu.memory_space<semaphore_mem>>) src(%dma_wait3A_815 : memref<16x80xi32, #tpu.memory_space<hbm>>) dst(%arg15 : memref<80x16xf32, #tpu.memory_space<vmem>>)
      %mul3A_816 = arith.constant 5 : i32
      %mul3A_817 = arith.muli %add3A_753, %mul3A_816 : i32
      %add3A_818 = arith.constant 3 : i32
      %add3A_819 = arith.addi %mul3A_817, %add3A_818 : i32
      %dma_start3A_820 = arith.constant 0 : i32
      %dma_start3A_821 = tpu.memref_slice %arg6[%add3A_819, %dma_start3A_820] : memref<125x80xi32, #tpu.memory_space<vmem>> -> memref<1x80xi32, #tpu.memory_space<vmem>>
      %dma_start3A_822 = tpu.memref_squeeze %dma_start3A_821 : memref<1x80xi32, #tpu.memory_space<vmem>> -> memref<80xi32, #tpu.memory_space<vmem>>
      %dma_start3A_823 = arith.constant 0 : i32
      %dma_start3A_824 = arith.constant 0 : i32
      %dma_start3A_825 = tpu.memref_slice %arg21[%dma_start3A_823, %dma_start3A_824] : memref<10240x16xf32, #tpu.memory_space<vmem_shared>> -> memref<10240x16xf32, #tpu.memory_space<vmem_shared>>
      tpu.enqueue_indirect_dma source(%arg15 : memref<80x16xf32, #tpu.memory_space<vmem>>) target(%dma_start3A_825 : memref<10240x16xf32, #tpu.memory_space<vmem_shared>>) offsets(%dma_start3A_822 : memref<80xi32, #tpu.memory_space<vmem>>) semaphore(%arg26 : memref<!tpu.dma_semaphore, #tpu.memory_space<semaphore_mem>>) {add = true}
      %dma_wait3A_826 = arith.constant 0 : i32
      %dma_wait3A_827 = arith.constant 0 : i32
      %dma_wait3A_828 = tpu.memref_slice %arg3[%scan3A_90, %scan3A_91, %dma_wait3A_826, %dma_wait3A_827] : memref<2x32x125x80xi32, #tpu.memory_space<hbm>> -> memref<1x1x16x80xi32, #tpu.memory_space<hbm>>
      %dma_wait3A_829 = tpu.memref_squeeze %dma_wait3A_828 : memref<1x1x16x80xi32, #tpu.memory_space<hbm>> -> memref<16x80xi32, #tpu.memory_space<hbm>>
      %dma_wait3A_830 = arith.constant 0 : i32
      %dma_wait3A_831 = arith.constant 0 : i32
      %dma_wait3A_832 = tpu.memref_slice %arg3[%scan3A_90, %scan3A_91, %dma_wait3A_830, %dma_wait3A_831] : memref<2x32x125x80xi32, #tpu.memory_space<hbm>> -> memref<1x1x16x80xi32, #tpu.memory_space<hbm>>
      %dma_wait3A_833 = tpu.memref_squeeze %dma_wait3A_832 : memref<1x1x16x80xi32, #tpu.memory_space<hbm>> -> memref<16x80xi32, #tpu.memory_space<hbm>>
      tpu.wait_dma2 semaphore(%arg24 : memref<!tpu.dma_semaphore, #tpu.memory_space<semaphore_mem>>) src(%dma_wait3A_833 : memref<16x80xi32, #tpu.memory_space<hbm>>) dst(%arg16 : memref<80x16xf32, #tpu.memory_space<vmem>>)
      %mul3A_834 = arith.constant 5 : i32
      %mul3A_835 = arith.muli %add3A_753, %mul3A_834 : i32
      %add3A_836 = arith.constant 4 : i32
      %add3A_837 = arith.addi %mul3A_835, %add3A_836 : i32
      %dma_start3A_838 = arith.constant 0 : i32
      %dma_start3A_839 = tpu.memref_slice %arg6[%add3A_837, %dma_start3A_838] : memref<125x80xi32, #tpu.memory_space<vmem>> -> memref<1x80xi32, #tpu.memory_space<vmem>>
      %dma_start3A_840 = tpu.memref_squeeze %dma_start3A_839 : memref<1x80xi32, #tpu.memory_space<vmem>> -> memref<80xi32, #tpu.memory_space<vmem>>
      %dma_start3A_841 = arith.constant 0 : i32
      %dma_start3A_842 = arith.constant 0 : i32
      %dma_start3A_843 = tpu.memref_slice %arg21[%dma_start3A_841, %dma_start3A_842] : memref<10240x16xf32, #tpu.memory_space<vmem_shared>> -> memref<10240x16xf32, #tpu.memory_space<vmem_shared>>
      tpu.enqueue_indirect_dma source(%arg16 : memref<80x16xf32, #tpu.memory_space<vmem>>) target(%dma_start3A_843 : memref<10240x16xf32, #tpu.memory_space<vmem_shared>>) offsets(%dma_start3A_840 : memref<80xi32, #tpu.memory_space<vmem>>) semaphore(%arg26 : memref<!tpu.dma_semaphore, #tpu.memory_space<semaphore_mem>>) {add = true}
      %dma_wait3A_844 = arith.constant 0 : i32
      %dma_wait3A_845 = arith.constant 0 : i32
      %dma_wait3A_846 = tpu.memref_slice %arg3[%scan3A_90, %scan3A_91, %dma_wait3A_844, %dma_wait3A_845] : memref<2x32x125x80xi32, #tpu.memory_space<hbm>> -> memref<1x1x16x80xi32, #tpu.memory_space<hbm>>
      %dma_wait3A_847 = tpu.memref_squeeze %dma_wait3A_846 : memref<1x1x16x80xi32, #tpu.memory_space<hbm>> -> memref<16x80xi32, #tpu.memory_space<hbm>>
      %dma_wait3A_848 = arith.constant 0 : i32
      %dma_wait3A_849 = arith.constant 0 : i32
      %dma_wait3A_850 = tpu.memref_slice %arg3[%scan3A_90, %scan3A_91, %dma_wait3A_848, %dma_wait3A_849] : memref<2x32x125x80xi32, #tpu.memory_space<hbm>> -> memref<1x1x16x80xi32, #tpu.memory_space<hbm>>
      %dma_wait3A_851 = tpu.memref_squeeze %dma_wait3A_850 : memref<1x1x16x80xi32, #tpu.memory_space<hbm>> -> memref<16x80xi32, #tpu.memory_space<hbm>>
      tpu.wait_dma2 semaphore(%arg26 : memref<!tpu.dma_semaphore, #tpu.memory_space<semaphore_mem>>) src(%dma_wait3A_851 : memref<16x80xi32, #tpu.memory_space<hbm>>) dst(%arg12 : memref<80x16xf32, #tpu.memory_space<vmem>>)
      %dma_wait3A_852 = arith.constant 0 : i32
      %dma_wait3A_853 = arith.constant 0 : i32
      %dma_wait3A_854 = tpu.memref_slice %arg3[%scan3A_90, %scan3A_91, %dma_wait3A_852, %dma_wait3A_853] : memref<2x32x125x80xi32, #tpu.memory_space<hbm>> -> memref<1x1x16x80xi32, #tpu.memory_space<hbm>>
      %dma_wait3A_855 = tpu.memref_squeeze %dma_wait3A_854 : memref<1x1x16x80xi32, #tpu.memory_space<hbm>> -> memref<16x80xi32, #tpu.memory_space<hbm>>
      %dma_wait3A_856 = arith.constant 0 : i32
      %dma_wait3A_857 = arith.constant 0 : i32
      %dma_wait3A_858 = tpu.memref_slice %arg3[%scan3A_90, %scan3A_91, %dma_wait3A_856, %dma_wait3A_857] : memref<2x32x125x80xi32, #tpu.memory_space<hbm>> -> memref<1x1x16x80xi32, #tpu.memory_space<hbm>>
      %dma_wait3A_859 = tpu.memref_squeeze %dma_wait3A_858 : memref<1x1x16x80xi32, #tpu.memory_space<hbm>> -> memref<16x80xi32, #tpu.memory_space<hbm>>
      tpu.wait_dma2 semaphore(%arg26 : memref<!tpu.dma_semaphore, #tpu.memory_space<semaphore_mem>>) src(%dma_wait3A_859 : memref<16x80xi32, #tpu.memory_space<hbm>>) dst(%arg13 : memref<80x16xf32, #tpu.memory_space<vmem>>)
      %dma_wait3A_860 = arith.constant 0 : i32
      %dma_wait3A_861 = arith.constant 0 : i32
      %dma_wait3A_862 = tpu.memref_slice %arg3[%scan3A_90, %scan3A_91, %dma_wait3A_860, %dma_wait3A_861] : memref<2x32x125x80xi32, #tpu.memory_space<hbm>> -> memref<1x1x16x80xi32, #tpu.memory_space<hbm>>
      %dma_wait3A_863 = tpu.memref_squeeze %dma_wait3A_862 : memref<1x1x16x80xi32, #tpu.memory_space<hbm>> -> memref<16x80xi32, #tpu.memory_space<hbm>>
      %dma_wait3A_864 = arith.constant 0 : i32
      %dma_wait3A_865 = arith.constant 0 : i32
      %dma_wait3A_866 = tpu.memref_slice %arg3[%scan3A_90, %scan3A_91, %dma_wait3A_864, %dma_wait3A_865] : memref<2x32x125x80xi32, #tpu.memory_space<hbm>> -> memref<1x1x16x80xi32, #tpu.memory_space<hbm>>
      %dma_wait3A_867 = tpu.memref_squeeze %dma_wait3A_866 : memref<1x1x16x80xi32, #tpu.memory_space<hbm>> -> memref<16x80xi32, #tpu.memory_space<hbm>>
      tpu.wait_dma2 semaphore(%arg26 : memref<!tpu.dma_semaphore, #tpu.memory_space<semaphore_mem>>) src(%dma_wait3A_867 : memref<16x80xi32, #tpu.memory_space<hbm>>) dst(%arg14 : memref<80x16xf32, #tpu.memory_space<vmem>>)
      %dma_wait3A_868 = arith.constant 0 : i32
      %dma_wait3A_869 = arith.constant 0 : i32
      %dma_wait3A_870 = tpu.memref_slice %arg3[%scan3A_90, %scan3A_91, %dma_wait3A_868, %dma_wait3A_869] : memref<2x32x125x80xi32, #tpu.memory_space<hbm>> -> memref<1x1x16x80xi32, #tpu.memory_space<hbm>>
      %dma_wait3A_871 = tpu.memref_squeeze %dma_wait3A_870 : memref<1x1x16x80xi32, #tpu.memory_space<hbm>> -> memref<16x80xi32, #tpu.memory_space<hbm>>
      %dma_wait3A_872 = arith.constant 0 : i32
      %dma_wait3A_873 = arith.constant 0 : i32
      %dma_wait3A_874 = tpu.memref_slice %arg3[%scan3A_90, %scan3A_91, %dma_wait3A_872, %dma_wait3A_873] : memref<2x32x125x80xi32, #tpu.memory_space<hbm>> -> memref<1x1x16x80xi32, #tpu.memory_space<hbm>>
      %dma_wait3A_875 = tpu.memref_squeeze %dma_wait3A_874 : memref<1x1x16x80xi32, #tpu.memory_space<hbm>> -> memref<16x80xi32, #tpu.memory_space<hbm>>
      tpu.wait_dma2 semaphore(%arg26 : memref<!tpu.dma_semaphore, #tpu.memory_space<semaphore_mem>>) src(%dma_wait3A_875 : memref<16x80xi32, #tpu.memory_space<hbm>>) dst(%arg15 : memref<80x16xf32, #tpu.memory_space<vmem>>)
      %dma_wait3A_876 = arith.constant 0 : i32
      %dma_wait3A_877 = arith.constant 0 : i32
      %dma_wait3A_878 = tpu.memref_slice %arg3[%scan3A_90, %scan3A_91, %dma_wait3A_876, %dma_wait3A_877] : memref<2x32x125x80xi32, #tpu.memory_space<hbm>> -> memref<1x1x16x80xi32, #tpu.memory_space<hbm>>
      %dma_wait3A_879 = tpu.memref_squeeze %dma_wait3A_878 : memref<1x1x16x80xi32, #tpu.memory_space<hbm>> -> memref<16x80xi32, #tpu.memory_space<hbm>>
      %dma_wait3A_880 = arith.constant 0 : i32
      %dma_wait3A_881 = arith.constant 0 : i32
      %dma_wait3A_882 = tpu.memref_slice %arg3[%scan3A_90, %scan3A_91, %dma_wait3A_880, %dma_wait3A_881] : memref<2x32x125x80xi32, #tpu.memory_space<hbm>> -> memref<1x1x16x80xi32, #tpu.memory_space<hbm>>
      %dma_wait3A_883 = tpu.memref_squeeze %dma_wait3A_882 : memref<1x1x16x80xi32, #tpu.memory_space<hbm>> -> memref<16x80xi32, #tpu.memory_space<hbm>>
      tpu.wait_dma2 semaphore(%arg26 : memref<!tpu.dma_semaphore, #tpu.memory_space<semaphore_mem>>) src(%dma_wait3A_883 : memref<16x80xi32, #tpu.memory_space<hbm>>) dst(%arg16 : memref<80x16xf32, #tpu.memory_space<vmem>>)
      %add3A_884 = arith.constant 2 : i32
      %add3A_885 = arith.addi %add3A_753, %add3A_884 : i32
      %mul3A_886 = arith.constant 5 : i32
      %mul3A_887 = arith.muli %add3A_885, %mul3A_886 : i32
      %add3A_888 = arith.constant 0 : i32
      %add3A_889 = arith.addi %mul3A_887, %add3A_888 : i32
      %dma_start3A_890 = arith.constant 0 : i32
      %dma_start3A_891 = tpu.memref_slice %arg5[%add3A_889, %dma_start3A_890] : memref<125x80xi32, #tpu.memory_space<vmem>> -> memref<1x80xi32, #tpu.memory_space<vmem>>
      %dma_start3A_892 = tpu.memref_squeeze %dma_start3A_891 : memref<1x80xi32, #tpu.memory_space<vmem>> -> memref<80xi32, #tpu.memory_space<vmem>>
      %dma_start3A_893 = arith.constant 0 : i32
      %dma_start3A_894 = arith.constant 0 : i32
      %dma_start3A_895 = tpu.memref_slice %arg22[%dma_start3A_893, %dma_start3A_894] : memref<10240x16xf32, #tpu.memory_space<vmem_shared>> -> memref<10240x16xf32, #tpu.memory_space<vmem_shared>>
      tpu.enqueue_indirect_dma source(%dma_start3A_895 : memref<10240x16xf32, #tpu.memory_space<vmem_shared>>) target(%arg12 : memref<80x16xf32, #tpu.memory_space<vmem>>) offsets(%dma_start3A_892 : memref<80xi32, #tpu.memory_space<vmem>>) semaphore(%arg24 : memref<!tpu.dma_semaphore, #tpu.memory_space<semaphore_mem>>)
      %mul3A_896 = arith.constant 5 : i32
      %mul3A_897 = arith.muli %add3A_885, %mul3A_896 : i32
      %add3A_898 = arith.constant 1 : i32
      %add3A_899 = arith.addi %mul3A_897, %add3A_898 : i32
      %dma_start3A_900 = arith.constant 0 : i32
      %dma_start3A_901 = tpu.memref_slice %arg5[%add3A_899, %dma_start3A_900] : memref<125x80xi32, #tpu.memory_space<vmem>> -> memref<1x80xi32, #tpu.memory_space<vmem>>
      %dma_start3A_902 = tpu.memref_squeeze %dma_start3A_901 : memref<1x80xi32, #tpu.memory_space<vmem>> -> memref<80xi32, #tpu.memory_space<vmem>>
      %dma_start3A_903 = arith.constant 0 : i32
      %dma_start3A_904 = arith.constant 0 : i32
      %dma_start3A_905 = tpu.memref_slice %arg22[%dma_start3A_903, %dma_start3A_904] : memref<10240x16xf32, #tpu.memory_space<vmem_shared>> -> memref<10240x16xf32, #tpu.memory_space<vmem_shared>>
      tpu.enqueue_indirect_dma source(%dma_start3A_905 : memref<10240x16xf32, #tpu.memory_space<vmem_shared>>) target(%arg13 : memref<80x16xf32, #tpu.memory_space<vmem>>) offsets(%dma_start3A_902 : memref<80xi32, #tpu.memory_space<vmem>>) semaphore(%arg24 : memref<!tpu.dma_semaphore, #tpu.memory_space<semaphore_mem>>)
      %mul3A_906 = arith.constant 5 : i32
      %mul3A_907 = arith.muli %add3A_885, %mul3A_906 : i32
      %add3A_908 = arith.constant 2 : i32
      %add3A_909 = arith.addi %mul3A_907, %add3A_908 : i32
      %dma_start3A_910 = arith.constant 0 : i32
      %dma_start3A_911 = tpu.memref_slice %arg5[%add3A_909, %dma_start3A_910] : memref<125x80xi32, #tpu.memory_space<vmem>> -> memref<1x80xi32, #tpu.memory_space<vmem>>
      %dma_start3A_912 = tpu.memref_squeeze %dma_start3A_911 : memref<1x80xi32, #tpu.memory_space<vmem>> -> memref<80xi32, #tpu.memory_space<vmem>>
      %dma_start3A_913 = arith.constant 0 : i32
      %dma_start3A_914 = arith.constant 0 : i32
      %dma_start3A_915 = tpu.memref_slice %arg22[%dma_start3A_913, %dma_start3A_914] : memref<10240x16xf32, #tpu.memory_space<vmem_shared>> -> memref<10240x16xf32, #tpu.memory_space<vmem_shared>>
      tpu.enqueue_indirect_dma source(%dma_start3A_915 : memref<10240x16xf32, #tpu.memory_space<vmem_shared>>) target(%arg14 : memref<80x16xf32, #tpu.memory_space<vmem>>) offsets(%dma_start3A_912 : memref<80xi32, #tpu.memory_space<vmem>>) semaphore(%arg24 : memref<!tpu.dma_semaphore, #tpu.memory_space<semaphore_mem>>)
      %mul3A_916 = arith.constant 5 : i32
      %mul3A_917 = arith.muli %add3A_885, %mul3A_916 : i32
      %add3A_918 = arith.constant 3 : i32
      %add3A_919 = arith.addi %mul3A_917, %add3A_918 : i32
      %dma_start3A_920 = arith.constant 0 : i32
      %dma_start3A_921 = tpu.memref_slice %arg5[%add3A_919, %dma_start3A_920] : memref<125x80xi32, #tpu.memory_space<vmem>> -> memref<1x80xi32, #tpu.memory_space<vmem>>
      %dma_start3A_922 = tpu.memref_squeeze %dma_start3A_921 : memref<1x80xi32, #tpu.memory_space<vmem>> -> memref<80xi32, #tpu.memory_space<vmem>>
      %dma_start3A_923 = arith.constant 0 : i32
      %dma_start3A_924 = arith.constant 0 : i32
      %dma_start3A_925 = tpu.memref_slice %arg22[%dma_start3A_923, %dma_start3A_924] : memref<10240x16xf32, #tpu.memory_space<vmem_shared>> -> memref<10240x16xf32, #tpu.memory_space<vmem_shared>>
      tpu.enqueue_indirect_dma source(%dma_start3A_925 : memref<10240x16xf32, #tpu.memory_space<vmem_shared>>) target(%arg15 : memref<80x16xf32, #tpu.memory_space<vmem>>) offsets(%dma_start3A_922 : memref<80xi32, #tpu.memory_space<vmem>>) semaphore(%arg24 : memref<!tpu.dma_semaphore, #tpu.memory_space<semaphore_mem>>)
      %mul3A_926 = arith.constant 5 : i32
      %mul3A_927 = arith.muli %add3A_885, %mul3A_926 : i32
      %add3A_928 = arith.constant 4 : i32
      %add3A_929 = arith.addi %mul3A_927, %add3A_928 : i32
      %dma_start3A_930 = arith.constant 0 : i32
      %dma_start3A_931 = tpu.memref_slice %arg5[%add3A_929, %dma_start3A_930] : memref<125x80xi32, #tpu.memory_space<vmem>> -> memref<1x80xi32, #tpu.memory_space<vmem>>
      %dma_start3A_932 = tpu.memref_squeeze %dma_start3A_931 : memref<1x80xi32, #tpu.memory_space<vmem>> -> memref<80xi32, #tpu.memory_space<vmem>>
      %dma_start3A_933 = arith.constant 0 : i32
      %dma_start3A_934 = arith.constant 0 : i32
      %dma_start3A_935 = tpu.memref_slice %arg22[%dma_start3A_933, %dma_start3A_934] : memref<10240x16xf32, #tpu.memory_space<vmem_shared>> -> memref<10240x16xf32, #tpu.memory_space<vmem_shared>>
      tpu.enqueue_indirect_dma source(%dma_start3A_935 : memref<10240x16xf32, #tpu.memory_space<vmem_shared>>) target(%arg16 : memref<80x16xf32, #tpu.memory_space<vmem>>) offsets(%dma_start3A_932 : memref<80xi32, #tpu.memory_space<vmem>>) semaphore(%arg24 : memref<!tpu.dma_semaphore, #tpu.memory_space<semaphore_mem>>)
      %scan3A_936 = arith.constant 0 : i32
      scf.yield %scan3A_936 : i32
    }
    %scan3A_98 = arith.constant 11 : i32
    %dma_wait3A = arith.constant 0 : i32
    %dma_wait3A_99 = arith.constant 0 : i32
    %dma_wait3A_100 = arith.constant 0 : i32
    %dma_wait3A_101 = arith.constant 0 : i32
    %dma_wait3A_102 = tpu.memref_slice %arg3[%dma_wait3A, %dma_wait3A_99, %dma_wait3A_100, %dma_wait3A_101] : memref<2x32x125x80xi32, #tpu.memory_space<hbm>> -> memref<1x1x16x80xi32, #tpu.memory_space<hbm>>
    %dma_wait3A_103 = tpu.memref_squeeze %dma_wait3A_102 : memref<1x1x16x80xi32, #tpu.memory_space<hbm>> -> memref<16x80xi32, #tpu.memory_space<hbm>>
    %dma_wait3A_104 = arith.constant 0 : i32
    %dma_wait3A_105 = arith.constant 0 : i32
    %dma_wait3A_106 = tpu.memref_slice %arg3[%dma_wait3A, %dma_wait3A_99, %dma_wait3A_104, %dma_wait3A_105] : memref<2x32x125x80xi32, #tpu.memory_space<hbm>> -> memref<1x1x16x80xi32, #tpu.memory_space<hbm>>
    %dma_wait3A_107 = tpu.memref_squeeze %dma_wait3A_106 : memref<1x1x16x80xi32, #tpu.memory_space<hbm>> -> memref<16x80xi32, #tpu.memory_space<hbm>>
    tpu.wait_dma2 semaphore(%arg23 : memref<!tpu.dma_semaphore, #tpu.memory_space<semaphore_mem>>) src(%dma_wait3A_107 : memref<16x80xi32, #tpu.memory_space<hbm>>) dst(%arg7 : memref<80x16xf32, #tpu.memory_space<vmem>>)
    %dma_start3A_108 = arith.constant 110 : i32
    %dma_start3A_109 = arith.constant 0 : i32
    %dma_start3A_110 = tpu.memref_slice %arg6[%dma_start3A_108, %dma_start3A_109] : memref<125x80xi32, #tpu.memory_space<vmem>> -> memref<1x80xi32, #tpu.memory_space<vmem>>
    %dma_start3A_111 = tpu.memref_squeeze %dma_start3A_110 : memref<1x80xi32, #tpu.memory_space<vmem>> -> memref<80xi32, #tpu.memory_space<vmem>>
    %dma_start3A_112 = arith.constant 0 : i32
    %dma_start3A_113 = arith.constant 0 : i32
    %dma_start3A_114 = tpu.memref_slice %arg21[%dma_start3A_112, %dma_start3A_113] : memref<10240x16xf32, #tpu.memory_space<vmem_shared>> -> memref<10240x16xf32, #tpu.memory_space<vmem_shared>>
    tpu.enqueue_indirect_dma source(%arg7 : memref<80x16xf32, #tpu.memory_space<vmem>>) target(%dma_start3A_114 : memref<10240x16xf32, #tpu.memory_space<vmem_shared>>) offsets(%dma_start3A_111 : memref<80xi32, #tpu.memory_space<vmem>>) semaphore(%arg25 : memref<!tpu.dma_semaphore, #tpu.memory_space<semaphore_mem>>) {add = true}
    %dma_wait3A_115 = arith.constant 0 : i32
    %dma_wait3A_116 = arith.constant 0 : i32
    %dma_wait3A_117 = arith.constant 0 : i32
    %dma_wait3A_118 = arith.constant 0 : i32
    %dma_wait3A_119 = tpu.memref_slice %arg3[%dma_wait3A_115, %dma_wait3A_116, %dma_wait3A_117, %dma_wait3A_118] : memref<2x32x125x80xi32, #tpu.memory_space<hbm>> -> memref<1x1x16x80xi32, #tpu.memory_space<hbm>>
    %dma_wait3A_120 = tpu.memref_squeeze %dma_wait3A_119 : memref<1x1x16x80xi32, #tpu.memory_space<hbm>> -> memref<16x80xi32, #tpu.memory_space<hbm>>
    %dma_wait3A_121 = arith.constant 0 : i32
    %dma_wait3A_122 = arith.constant 0 : i32
    %dma_wait3A_123 = tpu.memref_slice %arg3[%dma_wait3A_115, %dma_wait3A_116, %dma_wait3A_121, %dma_wait3A_122] : memref<2x32x125x80xi32, #tpu.memory_space<hbm>> -> memref<1x1x16x80xi32, #tpu.memory_space<hbm>>
    %dma_wait3A_124 = tpu.memref_squeeze %dma_wait3A_123 : memref<1x1x16x80xi32, #tpu.memory_space<hbm>> -> memref<16x80xi32, #tpu.memory_space<hbm>>
    tpu.wait_dma2 semaphore(%arg23 : memref<!tpu.dma_semaphore, #tpu.memory_space<semaphore_mem>>) src(%dma_wait3A_124 : memref<16x80xi32, #tpu.memory_space<hbm>>) dst(%arg8 : memref<80x16xf32, #tpu.memory_space<vmem>>)
    %dma_start3A_125 = arith.constant 111 : i32
    %dma_start3A_126 = arith.constant 0 : i32
    %dma_start3A_127 = tpu.memref_slice %arg6[%dma_start3A_125, %dma_start3A_126] : memref<125x80xi32, #tpu.memory_space<vmem>> -> memref<1x80xi32, #tpu.memory_space<vmem>>
    %dma_start3A_128 = tpu.memref_squeeze %dma_start3A_127 : memref<1x80xi32, #tpu.memory_space<vmem>> -> memref<80xi32, #tpu.memory_space<vmem>>
    %dma_start3A_129 = arith.constant 0 : i32
    %dma_start3A_130 = arith.constant 0 : i32
    %dma_start3A_131 = tpu.memref_slice %arg21[%dma_start3A_129, %dma_start3A_130] : memref<10240x16xf32, #tpu.memory_space<vmem_shared>> -> memref<10240x16xf32, #tpu.memory_space<vmem_shared>>
    tpu.enqueue_indirect_dma source(%arg8 : memref<80x16xf32, #tpu.memory_space<vmem>>) target(%dma_start3A_131 : memref<10240x16xf32, #tpu.memory_space<vmem_shared>>) offsets(%dma_start3A_128 : memref<80xi32, #tpu.memory_space<vmem>>) semaphore(%arg25 : memref<!tpu.dma_semaphore, #tpu.memory_space<semaphore_mem>>) {add = true}
    %dma_wait3A_132 = arith.constant 0 : i32
    %dma_wait3A_133 = arith.constant 0 : i32
    %dma_wait3A_134 = arith.constant 0 : i32
    %dma_wait3A_135 = arith.constant 0 : i32
    %dma_wait3A_136 = tpu.memref_slice %arg3[%dma_wait3A_132, %dma_wait3A_133, %dma_wait3A_134, %dma_wait3A_135] : memref<2x32x125x80xi32, #tpu.memory_space<hbm>> -> memref<1x1x16x80xi32, #tpu.memory_space<hbm>>
    %dma_wait3A_137 = tpu.memref_squeeze %dma_wait3A_136 : memref<1x1x16x80xi32, #tpu.memory_space<hbm>> -> memref<16x80xi32, #tpu.memory_space<hbm>>
    %dma_wait3A_138 = arith.constant 0 : i32
    %dma_wait3A_139 = arith.constant 0 : i32
    %dma_wait3A_140 = tpu.memref_slice %arg3[%dma_wait3A_132, %dma_wait3A_133, %dma_wait3A_138, %dma_wait3A_139] : memref<2x32x125x80xi32, #tpu.memory_space<hbm>> -> memref<1x1x16x80xi32, #tpu.memory_space<hbm>>
    %dma_wait3A_141 = tpu.memref_squeeze %dma_wait3A_140 : memref<1x1x16x80xi32, #tpu.memory_space<hbm>> -> memref<16x80xi32, #tpu.memory_space<hbm>>
    tpu.wait_dma2 semaphore(%arg23 : memref<!tpu.dma_semaphore, #tpu.memory_space<semaphore_mem>>) src(%dma_wait3A_141 : memref<16x80xi32, #tpu.memory_space<hbm>>) dst(%arg9 : memref<80x16xf32, #tpu.memory_space<vmem>>)
    %dma_start3A_142 = arith.constant 112 : i32
    %dma_start3A_143 = arith.constant 0 : i32
    %dma_start3A_144 = tpu.memref_slice %arg6[%dma_start3A_142, %dma_start3A_143] : memref<125x80xi32, #tpu.memory_space<vmem>> -> memref<1x80xi32, #tpu.memory_space<vmem>>
    %dma_start3A_145 = tpu.memref_squeeze %dma_start3A_144 : memref<1x80xi32, #tpu.memory_space<vmem>> -> memref<80xi32, #tpu.memory_space<vmem>>
    %dma_start3A_146 = arith.constant 0 : i32
    %dma_start3A_147 = arith.constant 0 : i32
    %dma_start3A_148 = tpu.memref_slice %arg21[%dma_start3A_146, %dma_start3A_147] : memref<10240x16xf32, #tpu.memory_space<vmem_shared>> -> memref<10240x16xf32, #tpu.memory_space<vmem_shared>>
    tpu.enqueue_indirect_dma source(%arg9 : memref<80x16xf32, #tpu.memory_space<vmem>>) target(%dma_start3A_148 : memref<10240x16xf32, #tpu.memory_space<vmem_shared>>) offsets(%dma_start3A_145 : memref<80xi32, #tpu.memory_space<vmem>>) semaphore(%arg25 : memref<!tpu.dma_semaphore, #tpu.memory_space<semaphore_mem>>) {add = true}
    %dma_wait3A_149 = arith.constant 0 : i32
    %dma_wait3A_150 = arith.constant 0 : i32
    %dma_wait3A_151 = arith.constant 0 : i32
    %dma_wait3A_152 = arith.constant 0 : i32
    %dma_wait3A_153 = tpu.memref_slice %arg3[%dma_wait3A_149, %dma_wait3A_150, %dma_wait3A_151, %dma_wait3A_152] : memref<2x32x125x80xi32, #tpu.memory_space<hbm>> -> memref<1x1x16x80xi32, #tpu.memory_space<hbm>>
    %dma_wait3A_154 = tpu.memref_squeeze %dma_wait3A_153 : memref<1x1x16x80xi32, #tpu.memory_space<hbm>> -> memref<16x80xi32, #tpu.memory_space<hbm>>
    %dma_wait3A_155 = arith.constant 0 : i32
    %dma_wait3A_156 = arith.constant 0 : i32
    %dma_wait3A_157 = tpu.memref_slice %arg3[%dma_wait3A_149, %dma_wait3A_150, %dma_wait3A_155, %dma_wait3A_156] : memref<2x32x125x80xi32, #tpu.memory_space<hbm>> -> memref<1x1x16x80xi32, #tpu.memory_space<hbm>>
    %dma_wait3A_158 = tpu.memref_squeeze %dma_wait3A_157 : memref<1x1x16x80xi32, #tpu.memory_space<hbm>> -> memref<16x80xi32, #tpu.memory_space<hbm>>
    tpu.wait_dma2 semaphore(%arg23 : memref<!tpu.dma_semaphore, #tpu.memory_space<semaphore_mem>>) src(%dma_wait3A_158 : memref<16x80xi32, #tpu.memory_space<hbm>>) dst(%arg10 : memref<80x16xf32, #tpu.memory_space<vmem>>)
    %dma_start3A_159 = arith.constant 113 : i32
    %dma_start3A_160 = arith.constant 0 : i32
    %dma_start3A_161 = tpu.memref_slice %arg6[%dma_start3A_159, %dma_start3A_160] : memref<125x80xi32, #tpu.memory_space<vmem>> -> memref<1x80xi32, #tpu.memory_space<vmem>>
    %dma_start3A_162 = tpu.memref_squeeze %dma_start3A_161 : memref<1x80xi32, #tpu.memory_space<vmem>> -> memref<80xi32, #tpu.memory_space<vmem>>
    %dma_start3A_163 = arith.constant 0 : i32
    %dma_start3A_164 = arith.constant 0 : i32
    %dma_start3A_165 = tpu.memref_slice %arg21[%dma_start3A_163, %dma_start3A_164] : memref<10240x16xf32, #tpu.memory_space<vmem_shared>> -> memref<10240x16xf32, #tpu.memory_space<vmem_shared>>
    tpu.enqueue_indirect_dma source(%arg10 : memref<80x16xf32, #tpu.memory_space<vmem>>) target(%dma_start3A_165 : memref<10240x16xf32, #tpu.memory_space<vmem_shared>>) offsets(%dma_start3A_162 : memref<80xi32, #tpu.memory_space<vmem>>) semaphore(%arg25 : memref<!tpu.dma_semaphore, #tpu.memory_space<semaphore_mem>>) {add = true}
    %dma_wait3A_166 = arith.constant 0 : i32
    %dma_wait3A_167 = arith.constant 0 : i32
    %dma_wait3A_168 = arith.constant 0 : i32
    %dma_wait3A_169 = arith.constant 0 : i32
    %dma_wait3A_170 = tpu.memref_slice %arg3[%dma_wait3A_166, %dma_wait3A_167, %dma_wait3A_168, %dma_wait3A_169] : memref<2x32x125x80xi32, #tpu.memory_space<hbm>> -> memref<1x1x16x80xi32, #tpu.memory_space<hbm>>
    %dma_wait3A_171 = tpu.memref_squeeze %dma_wait3A_170 : memref<1x1x16x80xi32, #tpu.memory_space<hbm>> -> memref<16x80xi32, #tpu.memory_space<hbm>>
    %dma_wait3A_172 = arith.constant 0 : i32
    %dma_wait3A_173 = arith.constant 0 : i32
    %dma_wait3A_174 = tpu.memref_slice %arg3[%dma_wait3A_166, %dma_wait3A_167, %dma_wait3A_172, %dma_wait3A_173] : memref<2x32x125x80xi32, #tpu.memory_space<hbm>> -> memref<1x1x16x80xi32, #tpu.memory_space<hbm>>
    %dma_wait3A_175 = tpu.memref_squeeze %dma_wait3A_174 : memref<1x1x16x80xi32, #tpu.memory_space<hbm>> -> memref<16x80xi32, #tpu.memory_space<hbm>>
    tpu.wait_dma2 semaphore(%arg23 : memref<!tpu.dma_semaphore, #tpu.memory_space<semaphore_mem>>) src(%dma_wait3A_175 : memref<16x80xi32, #tpu.memory_space<hbm>>) dst(%arg11 : memref<80x16xf32, #tpu.memory_space<vmem>>)
    %dma_start3A_176 = arith.constant 114 : i32
    %dma_start3A_177 = arith.constant 0 : i32
    %dma_start3A_178 = tpu.memref_slice %arg6[%dma_start3A_176, %dma_start3A_177] : memref<125x80xi32, #tpu.memory_space<vmem>> -> memref<1x80xi32, #tpu.memory_space<vmem>>
    %dma_start3A_179 = tpu.memref_squeeze %dma_start3A_178 : memref<1x80xi32, #tpu.memory_space<vmem>> -> memref<80xi32, #tpu.memory_space<vmem>>
    %dma_start3A_180 = arith.constant 0 : i32
    %dma_start3A_181 = arith.constant 0 : i32
    %dma_start3A_182 = tpu.memref_slice %arg21[%dma_start3A_180, %dma_start3A_181] : memref<10240x16xf32, #tpu.memory_space<vmem_shared>> -> memref<10240x16xf32, #tpu.memory_space<vmem_shared>>
    tpu.enqueue_indirect_dma source(%arg11 : memref<80x16xf32, #tpu.memory_space<vmem>>) target(%dma_start3A_182 : memref<10240x16xf32, #tpu.memory_space<vmem_shared>>) offsets(%dma_start3A_179 : memref<80xi32, #tpu.memory_space<vmem>>) semaphore(%arg25 : memref<!tpu.dma_semaphore, #tpu.memory_space<semaphore_mem>>) {add = true}
    %dma_wait3A_183 = arith.constant 0 : i32
    %dma_wait3A_184 = arith.constant 0 : i32
    %dma_wait3A_185 = arith.constant 0 : i32
    %dma_wait3A_186 = arith.constant 0 : i32
    %dma_wait3A_187 = tpu.memref_slice %arg3[%dma_wait3A_183, %dma_wait3A_184, %dma_wait3A_185, %dma_wait3A_186] : memref<2x32x125x80xi32, #tpu.memory_space<hbm>> -> memref<1x1x16x80xi32, #tpu.memory_space<hbm>>
    %dma_wait3A_188 = tpu.memref_squeeze %dma_wait3A_187 : memref<1x1x16x80xi32, #tpu.memory_space<hbm>> -> memref<16x80xi32, #tpu.memory_space<hbm>>
    %dma_wait3A_189 = arith.constant 0 : i32
    %dma_wait3A_190 = arith.constant 0 : i32
    %dma_wait3A_191 = tpu.memref_slice %arg3[%dma_wait3A_183, %dma_wait3A_184, %dma_wait3A_189, %dma_wait3A_190] : memref<2x32x125x80xi32, #tpu.memory_space<hbm>> -> memref<1x1x16x80xi32, #tpu.memory_space<hbm>>
    %dma_wait3A_192 = tpu.memref_squeeze %dma_wait3A_191 : memref<1x1x16x80xi32, #tpu.memory_space<hbm>> -> memref<16x80xi32, #tpu.memory_space<hbm>>
    tpu.wait_dma2 semaphore(%arg25 : memref<!tpu.dma_semaphore, #tpu.memory_space<semaphore_mem>>) src(%dma_wait3A_192 : memref<16x80xi32, #tpu.memory_space<hbm>>) dst(%arg7 : memref<80x16xf32, #tpu.memory_space<vmem>>)
    %dma_wait3A_193 = arith.constant 0 : i32
    %dma_wait3A_194 = arith.constant 0 : i32
    %dma_wait3A_195 = arith.constant 0 : i32
    %dma_wait3A_196 = arith.constant 0 : i32
    %dma_wait3A_197 = tpu.memref_slice %arg3[%dma_wait3A_193, %dma_wait3A_194, %dma_wait3A_195, %dma_wait3A_196] : memref<2x32x125x80xi32, #tpu.memory_space<hbm>> -> memref<1x1x16x80xi32, #tpu.memory_space<hbm>>
    %dma_wait3A_198 = tpu.memref_squeeze %dma_wait3A_197 : memref<1x1x16x80xi32, #tpu.memory_space<hbm>> -> memref<16x80xi32, #tpu.memory_space<hbm>>
    %dma_wait3A_199 = arith.constant 0 : i32
    %dma_wait3A_200 = arith.constant 0 : i32
    %dma_wait3A_201 = tpu.memref_slice %arg3[%dma_wait3A_193, %dma_wait3A_194, %dma_wait3A_199, %dma_wait3A_200] : memref<2x32x125x80xi32, #tpu.memory_space<hbm>> -> memref<1x1x16x80xi32, #tpu.memory_space<hbm>>
    %dma_wait3A_202 = tpu.memref_squeeze %dma_wait3A_201 : memref<1x1x16x80xi32, #tpu.memory_space<hbm>> -> memref<16x80xi32, #tpu.memory_space<hbm>>
    tpu.wait_dma2 semaphore(%arg25 : memref<!tpu.dma_semaphore, #tpu.memory_space<semaphore_mem>>) src(%dma_wait3A_202 : memref<16x80xi32, #tpu.memory_space<hbm>>) dst(%arg8 : memref<80x16xf32, #tpu.memory_space<vmem>>)
    %dma_wait3A_203 = arith.constant 0 : i32
    %dma_wait3A_204 = arith.constant 0 : i32
    %dma_wait3A_205 = arith.constant 0 : i32
    %dma_wait3A_206 = arith.constant 0 : i32
    %dma_wait3A_207 = tpu.memref_slice %arg3[%dma_wait3A_203, %dma_wait3A_204, %dma_wait3A_205, %dma_wait3A_206] : memref<2x32x125x80xi32, #tpu.memory_space<hbm>> -> memref<1x1x16x80xi32, #tpu.memory_space<hbm>>
    %dma_wait3A_208 = tpu.memref_squeeze %dma_wait3A_207 : memref<1x1x16x80xi32, #tpu.memory_space<hbm>> -> memref<16x80xi32, #tpu.memory_space<hbm>>
    %dma_wait3A_209 = arith.constant 0 : i32
    %dma_wait3A_210 = arith.constant 0 : i32
    %dma_wait3A_211 = tpu.memref_slice %arg3[%dma_wait3A_203, %dma_wait3A_204, %dma_wait3A_209, %dma_wait3A_210] : memref<2x32x125x80xi32, #tpu.memory_space<hbm>> -> memref<1x1x16x80xi32, #tpu.memory_space<hbm>>
    %dma_wait3A_212 = tpu.memref_squeeze %dma_wait3A_211 : memref<1x1x16x80xi32, #tpu.memory_space<hbm>> -> memref<16x80xi32, #tpu.memory_space<hbm>>
    tpu.wait_dma2 semaphore(%arg25 : memref<!tpu.dma_semaphore, #tpu.memory_space<semaphore_mem>>) src(%dma_wait3A_212 : memref<16x80xi32, #tpu.memory_space<hbm>>) dst(%arg9 : memref<80x16xf32, #tpu.memory_space<vmem>>)
    %dma_wait3A_213 = arith.constant 0 : i32
    %dma_wait3A_214 = arith.constant 0 : i32
    %dma_wait3A_215 = arith.constant 0 : i32
    %dma_wait3A_216 = arith.constant 0 : i32
    %dma_wait3A_217 = tpu.memref_slice %arg3[%dma_wait3A_213, %dma_wait3A_214, %dma_wait3A_215, %dma_wait3A_216] : memref<2x32x125x80xi32, #tpu.memory_space<hbm>> -> memref<1x1x16x80xi32, #tpu.memory_space<hbm>>
    %dma_wait3A_218 = tpu.memref_squeeze %dma_wait3A_217 : memref<1x1x16x80xi32, #tpu.memory_space<hbm>> -> memref<16x80xi32, #tpu.memory_space<hbm>>
    %dma_wait3A_219 = arith.constant 0 : i32
    %dma_wait3A_220 = arith.constant 0 : i32
    %dma_wait3A_221 = tpu.memref_slice %arg3[%dma_wait3A_213, %dma_wait3A_214, %dma_wait3A_219, %dma_wait3A_220] : memref<2x32x125x80xi32, #tpu.memory_space<hbm>> -> memref<1x1x16x80xi32, #tpu.memory_space<hbm>>
    %dma_wait3A_222 = tpu.memref_squeeze %dma_wait3A_221 : memref<1x1x16x80xi32, #tpu.memory_space<hbm>> -> memref<16x80xi32, #tpu.memory_space<hbm>>
    tpu.wait_dma2 semaphore(%arg25 : memref<!tpu.dma_semaphore, #tpu.memory_space<semaphore_mem>>) src(%dma_wait3A_222 : memref<16x80xi32, #tpu.memory_space<hbm>>) dst(%arg10 : memref<80x16xf32, #tpu.memory_space<vmem>>)
    %dma_wait3A_223 = arith.constant 0 : i32
    %dma_wait3A_224 = arith.constant 0 : i32
    %dma_wait3A_225 = arith.constant 0 : i32
    %dma_wait3A_226 = arith.constant 0 : i32
    %dma_wait3A_227 = tpu.memref_slice %arg3[%dma_wait3A_223, %dma_wait3A_224, %dma_wait3A_225, %dma_wait3A_226] : memref<2x32x125x80xi32, #tpu.memory_space<hbm>> -> memref<1x1x16x80xi32, #tpu.memory_space<hbm>>
    %dma_wait3A_228 = tpu.memref_squeeze %dma_wait3A_227 : memref<1x1x16x80xi32, #tpu.memory_space<hbm>> -> memref<16x80xi32, #tpu.memory_space<hbm>>
    %dma_wait3A_229 = arith.constant 0 : i32
    %dma_wait3A_230 = arith.constant 0 : i32
    %dma_wait3A_231 = tpu.memref_slice %arg3[%dma_wait3A_223, %dma_wait3A_224, %dma_wait3A_229, %dma_wait3A_230] : memref<2x32x125x80xi32, #tpu.memory_space<hbm>> -> memref<1x1x16x80xi32, #tpu.memory_space<hbm>>
    %dma_wait3A_232 = tpu.memref_squeeze %dma_wait3A_231 : memref<1x1x16x80xi32, #tpu.memory_space<hbm>> -> memref<16x80xi32, #tpu.memory_space<hbm>>
    tpu.wait_dma2 semaphore(%arg25 : memref<!tpu.dma_semaphore, #tpu.memory_space<semaphore_mem>>) src(%dma_wait3A_232 : memref<16x80xi32, #tpu.memory_space<hbm>>) dst(%arg11 : memref<80x16xf32, #tpu.memory_space<vmem>>)
    %dma_start3A_233 = arith.constant 120 : i32
    %dma_start3A_234 = arith.constant 0 : i32
    %dma_start3A_235 = tpu.memref_slice %arg5[%dma_start3A_233, %dma_start3A_234] : memref<125x80xi32, #tpu.memory_space<vmem>> -> memref<1x80xi32, #tpu.memory_space<vmem>>
    %dma_start3A_236 = tpu.memref_squeeze %dma_start3A_235 : memref<1x80xi32, #tpu.memory_space<vmem>> -> memref<80xi32, #tpu.memory_space<vmem>>
    %dma_start3A_237 = arith.constant 0 : i32
    %dma_start3A_238 = arith.constant 0 : i32
    %dma_start3A_239 = tpu.memref_slice %arg22[%dma_start3A_237, %dma_start3A_238] : memref<10240x16xf32, #tpu.memory_space<vmem_shared>> -> memref<10240x16xf32, #tpu.memory_space<vmem_shared>>
    tpu.enqueue_indirect_dma source(%dma_start3A_239 : memref<10240x16xf32, #tpu.memory_space<vmem_shared>>) target(%arg7 : memref<80x16xf32, #tpu.memory_space<vmem>>) offsets(%dma_start3A_236 : memref<80xi32, #tpu.memory_space<vmem>>) semaphore(%arg23 : memref<!tpu.dma_semaphore, #tpu.memory_space<semaphore_mem>>)
    %dma_start3A_240 = arith.constant 121 : i32
    %dma_start3A_241 = arith.constant 0 : i32
    %dma_start3A_242 = tpu.memref_slice %arg5[%dma_start3A_240, %dma_start3A_241] : memref<125x80xi32, #tpu.memory_space<vmem>> -> memref<1x80xi32, #tpu.memory_space<vmem>>
    %dma_start3A_243 = tpu.memref_squeeze %dma_start3A_242 : memref<1x80xi32, #tpu.memory_space<vmem>> -> memref<80xi32, #tpu.memory_space<vmem>>
    %dma_start3A_244 = arith.constant 0 : i32
    %dma_start3A_245 = arith.constant 0 : i32
    %dma_start3A_246 = tpu.memref_slice %arg22[%dma_start3A_244, %dma_start3A_245] : memref<10240x16xf32, #tpu.memory_space<vmem_shared>> -> memref<10240x16xf32, #tpu.memory_space<vmem_shared>>
    tpu.enqueue_indirect_dma source(%dma_start3A_246 : memref<10240x16xf32, #tpu.memory_space<vmem_shared>>) target(%arg8 : memref<80x16xf32, #tpu.memory_space<vmem>>) offsets(%dma_start3A_243 : memref<80xi32, #tpu.memory_space<vmem>>) semaphore(%arg23 : memref<!tpu.dma_semaphore, #tpu.memory_space<semaphore_mem>>)
    %dma_start3A_247 = arith.constant 122 : i32
    %dma_start3A_248 = arith.constant 0 : i32
    %dma_start3A_249 = tpu.memref_slice %arg5[%dma_start3A_247, %dma_start3A_248] : memref<125x80xi32, #tpu.memory_space<vmem>> -> memref<1x80xi32, #tpu.memory_space<vmem>>
    %dma_start3A_250 = tpu.memref_squeeze %dma_start3A_249 : memref<1x80xi32, #tpu.memory_space<vmem>> -> memref<80xi32, #tpu.memory_space<vmem>>
    %dma_start3A_251 = arith.constant 0 : i32
    %dma_start3A_252 = arith.constant 0 : i32
    %dma_start3A_253 = tpu.memref_slice %arg22[%dma_start3A_251, %dma_start3A_252] : memref<10240x16xf32, #tpu.memory_space<vmem_shared>> -> memref<10240x16xf32, #tpu.memory_space<vmem_shared>>
    tpu.enqueue_indirect_dma source(%dma_start3A_253 : memref<10240x16xf32, #tpu.memory_space<vmem_shared>>) target(%arg9 : memref<80x16xf32, #tpu.memory_space<vmem>>) offsets(%dma_start3A_250 : memref<80xi32, #tpu.memory_space<vmem>>) semaphore(%arg23 : memref<!tpu.dma_semaphore, #tpu.memory_space<semaphore_mem>>)
    %dma_start3A_254 = arith.constant 123 : i32
    %dma_start3A_255 = arith.constant 0 : i32
    %dma_start3A_256 = tpu.memref_slice %arg5[%dma_start3A_254, %dma_start3A_255] : memref<125x80xi32, #tpu.memory_space<vmem>> -> memref<1x80xi32, #tpu.memory_space<vmem>>
    %dma_start3A_257 = tpu.memref_squeeze %dma_start3A_256 : memref<1x80xi32, #tpu.memory_space<vmem>> -> memref<80xi32, #tpu.memory_space<vmem>>
    %dma_start3A_258 = arith.constant 0 : i32
    %dma_start3A_259 = arith.constant 0 : i32
    %dma_start3A_260 = tpu.memref_slice %arg22[%dma_start3A_258, %dma_start3A_259] : memref<10240x16xf32, #tpu.memory_space<vmem_shared>> -> memref<10240x16xf32, #tpu.memory_space<vmem_shared>>
    tpu.enqueue_indirect_dma source(%dma_start3A_260 : memref<10240x16xf32, #tpu.memory_space<vmem_shared>>) target(%arg10 : memref<80x16xf32, #tpu.memory_space<vmem>>) offsets(%dma_start3A_257 : memref<80xi32, #tpu.memory_space<vmem>>) semaphore(%arg23 : memref<!tpu.dma_semaphore, #tpu.memory_space<semaphore_mem>>)
    %dma_start3A_261 = arith.constant 124 : i32
    %dma_start3A_262 = arith.constant 0 : i32
    %dma_start3A_263 = tpu.memref_slice %arg5[%dma_start3A_261, %dma_start3A_262] : memref<125x80xi32, #tpu.memory_space<vmem>> -> memref<1x80xi32, #tpu.memory_space<vmem>>
    %dma_start3A_264 = tpu.memref_squeeze %dma_start3A_263 : memref<1x80xi32, #tpu.memory_space<vmem>> -> memref<80xi32, #tpu.memory_space<vmem>>
    %dma_start3A_265 = arith.constant 0 : i32
    %dma_start3A_266 = arith.constant 0 : i32
    %dma_start3A_267 = tpu.memref_slice %arg22[%dma_start3A_265, %dma_start3A_266] : memref<10240x16xf32, #tpu.memory_space<vmem_shared>> -> memref<10240x16xf32, #tpu.memory_space<vmem_shared>>
    tpu.enqueue_indirect_dma source(%dma_start3A_267 : memref<10240x16xf32, #tpu.memory_space<vmem_shared>>) target(%arg11 : memref<80x16xf32, #tpu.memory_space<vmem>>) offsets(%dma_start3A_264 : memref<80xi32, #tpu.memory_space<vmem>>) semaphore(%arg23 : memref<!tpu.dma_semaphore, #tpu.memory_space<semaphore_mem>>)
    %dma_wait3A_268 = arith.constant 0 : i32
    %dma_wait3A_269 = arith.constant 0 : i32
    %dma_wait3A_270 = arith.constant 0 : i32
    %dma_wait3A_271 = arith.constant 0 : i32
    %dma_wait3A_272 = tpu.memref_slice %arg3[%dma_wait3A_268, %dma_wait3A_269, %dma_wait3A_270, %dma_wait3A_271] : memref<2x32x125x80xi32, #tpu.memory_space<hbm>> -> memref<1x1x16x80xi32, #tpu.memory_space<hbm>>
    %dma_wait3A_273 = tpu.memref_squeeze %dma_wait3A_272 : memref<1x1x16x80xi32, #tpu.memory_space<hbm>> -> memref<16x80xi32, #tpu.memory_space<hbm>>
    %dma_wait3A_274 = arith.constant 0 : i32
    %dma_wait3A_275 = arith.constant 0 : i32
    %dma_wait3A_276 = tpu.memref_slice %arg3[%dma_wait3A_268, %dma_wait3A_269, %dma_wait3A_274, %dma_wait3A_275] : memref<2x32x125x80xi32, #tpu.memory_space<hbm>> -> memref<1x1x16x80xi32, #tpu.memory_space<hbm>>
    %dma_wait3A_277 = tpu.memref_squeeze %dma_wait3A_276 : memref<1x1x16x80xi32, #tpu.memory_space<hbm>> -> memref<16x80xi32, #tpu.memory_space<hbm>>
    tpu.wait_dma2 semaphore(%arg24 : memref<!tpu.dma_semaphore, #tpu.memory_space<semaphore_mem>>) src(%dma_wait3A_277 : memref<16x80xi32, #tpu.memory_space<hbm>>) dst(%arg12 : memref<80x16xf32, #tpu.memory_space<vmem>>)
    %dma_start3A_278 = arith.constant 115 : i32
    %dma_start3A_279 = arith.constant 0 : i32
    %dma_start3A_280 = tpu.memref_slice %arg6[%dma_start3A_278, %dma_start3A_279] : memref<125x80xi32, #tpu.memory_space<vmem>> -> memref<1x80xi32, #tpu.memory_space<vmem>>
    %dma_start3A_281 = tpu.memref_squeeze %dma_start3A_280 : memref<1x80xi32, #tpu.memory_space<vmem>> -> memref<80xi32, #tpu.memory_space<vmem>>
    %dma_start3A_282 = arith.constant 0 : i32
    %dma_start3A_283 = arith.constant 0 : i32
    %dma_start3A_284 = tpu.memref_slice %arg21[%dma_start3A_282, %dma_start3A_283] : memref<10240x16xf32, #tpu.memory_space<vmem_shared>> -> memref<10240x16xf32, #tpu.memory_space<vmem_shared>>
    tpu.enqueue_indirect_dma source(%arg12 : memref<80x16xf32, #tpu.memory_space<vmem>>) target(%dma_start3A_284 : memref<10240x16xf32, #tpu.memory_space<vmem_shared>>) offsets(%dma_start3A_281 : memref<80xi32, #tpu.memory_space<vmem>>) semaphore(%arg26 : memref<!tpu.dma_semaphore, #tpu.memory_space<semaphore_mem>>) {add = true}
    %dma_wait3A_285 = arith.constant 0 : i32
    %dma_wait3A_286 = arith.constant 0 : i32
    %dma_wait3A_287 = arith.constant 0 : i32
    %dma_wait3A_288 = arith.constant 0 : i32
    %dma_wait3A_289 = tpu.memref_slice %arg3[%dma_wait3A_285, %dma_wait3A_286, %dma_wait3A_287, %dma_wait3A_288] : memref<2x32x125x80xi32, #tpu.memory_space<hbm>> -> memref<1x1x16x80xi32, #tpu.memory_space<hbm>>
    %dma_wait3A_290 = tpu.memref_squeeze %dma_wait3A_289 : memref<1x1x16x80xi32, #tpu.memory_space<hbm>> -> memref<16x80xi32, #tpu.memory_space<hbm>>
    %dma_wait3A_291 = arith.constant 0 : i32
    %dma_wait3A_292 = arith.constant 0 : i32
    %dma_wait3A_293 = tpu.memref_slice %arg3[%dma_wait3A_285, %dma_wait3A_286, %dma_wait3A_291, %dma_wait3A_292] : memref<2x32x125x80xi32, #tpu.memory_space<hbm>> -> memref<1x1x16x80xi32, #tpu.memory_space<hbm>>
    %dma_wait3A_294 = tpu.memref_squeeze %dma_wait3A_293 : memref<1x1x16x80xi32, #tpu.memory_space<hbm>> -> memref<16x80xi32, #tpu.memory_space<hbm>>
    tpu.wait_dma2 semaphore(%arg24 : memref<!tpu.dma_semaphore, #tpu.memory_space<semaphore_mem>>) src(%dma_wait3A_294 : memref<16x80xi32, #tpu.memory_space<hbm>>) dst(%arg13 : memref<80x16xf32, #tpu.memory_space<vmem>>)
    %dma_start3A_295 = arith.constant 116 : i32
    %dma_start3A_296 = arith.constant 0 : i32
    %dma_start3A_297 = tpu.memref_slice %arg6[%dma_start3A_295, %dma_start3A_296] : memref<125x80xi32, #tpu.memory_space<vmem>> -> memref<1x80xi32, #tpu.memory_space<vmem>>
    %dma_start3A_298 = tpu.memref_squeeze %dma_start3A_297 : memref<1x80xi32, #tpu.memory_space<vmem>> -> memref<80xi32, #tpu.memory_space<vmem>>
    %dma_start3A_299 = arith.constant 0 : i32
    %dma_start3A_300 = arith.constant 0 : i32
    %dma_start3A_301 = tpu.memref_slice %arg21[%dma_start3A_299, %dma_start3A_300] : memref<10240x16xf32, #tpu.memory_space<vmem_shared>> -> memref<10240x16xf32, #tpu.memory_space<vmem_shared>>
    tpu.enqueue_indirect_dma source(%arg13 : memref<80x16xf32, #tpu.memory_space<vmem>>) target(%dma_start3A_301 : memref<10240x16xf32, #tpu.memory_space<vmem_shared>>) offsets(%dma_start3A_298 : memref<80xi32, #tpu.memory_space<vmem>>) semaphore(%arg26 : memref<!tpu.dma_semaphore, #tpu.memory_space<semaphore_mem>>) {add = true}
    %dma_wait3A_302 = arith.constant 0 : i32
    %dma_wait3A_303 = arith.constant 0 : i32
    %dma_wait3A_304 = arith.constant 0 : i32
    %dma_wait3A_305 = arith.constant 0 : i32
    %dma_wait3A_306 = tpu.memref_slice %arg3[%dma_wait3A_302, %dma_wait3A_303, %dma_wait3A_304, %dma_wait3A_305] : memref<2x32x125x80xi32, #tpu.memory_space<hbm>> -> memref<1x1x16x80xi32, #tpu.memory_space<hbm>>
    %dma_wait3A_307 = tpu.memref_squeeze %dma_wait3A_306 : memref<1x1x16x80xi32, #tpu.memory_space<hbm>> -> memref<16x80xi32, #tpu.memory_space<hbm>>
    %dma_wait3A_308 = arith.constant 0 : i32
    %dma_wait3A_309 = arith.constant 0 : i32
    %dma_wait3A_310 = tpu.memref_slice %arg3[%dma_wait3A_302, %dma_wait3A_303, %dma_wait3A_308, %dma_wait3A_309] : memref<2x32x125x80xi32, #tpu.memory_space<hbm>> -> memref<1x1x16x80xi32, #tpu.memory_space<hbm>>
    %dma_wait3A_311 = tpu.memref_squeeze %dma_wait3A_310 : memref<1x1x16x80xi32, #tpu.memory_space<hbm>> -> memref<16x80xi32, #tpu.memory_space<hbm>>
    tpu.wait_dma2 semaphore(%arg24 : memref<!tpu.dma_semaphore, #tpu.memory_space<semaphore_mem>>) src(%dma_wait3A_311 : memref<16x80xi32, #tpu.memory_space<hbm>>) dst(%arg14 : memref<80x16xf32, #tpu.memory_space<vmem>>)
    %dma_start3A_312 = arith.constant 117 : i32
    %dma_start3A_313 = arith.constant 0 : i32
    %dma_start3A_314 = tpu.memref_slice %arg6[%dma_start3A_312, %dma_start3A_313] : memref<125x80xi32, #tpu.memory_space<vmem>> -> memref<1x80xi32, #tpu.memory_space<vmem>>
    %dma_start3A_315 = tpu.memref_squeeze %dma_start3A_314 : memref<1x80xi32, #tpu.memory_space<vmem>> -> memref<80xi32, #tpu.memory_space<vmem>>
    %dma_start3A_316 = arith.constant 0 : i32
    %dma_start3A_317 = arith.constant 0 : i32
    %dma_start3A_318 = tpu.memref_slice %arg21[%dma_start3A_316, %dma_start3A_317] : memref<10240x16xf32, #tpu.memory_space<vmem_shared>> -> memref<10240x16xf32, #tpu.memory_space<vmem_shared>>
    tpu.enqueue_indirect_dma source(%arg14 : memref<80x16xf32, #tpu.memory_space<vmem>>) target(%dma_start3A_318 : memref<10240x16xf32, #tpu.memory_space<vmem_shared>>) offsets(%dma_start3A_315 : memref<80xi32, #tpu.memory_space<vmem>>) semaphore(%arg26 : memref<!tpu.dma_semaphore, #tpu.memory_space<semaphore_mem>>) {add = true}
    %dma_wait3A_319 = arith.constant 0 : i32
    %dma_wait3A_320 = arith.constant 0 : i32
    %dma_wait3A_321 = arith.constant 0 : i32
    %dma_wait3A_322 = arith.constant 0 : i32
    %dma_wait3A_323 = tpu.memref_slice %arg3[%dma_wait3A_319, %dma_wait3A_320, %dma_wait3A_321, %dma_wait3A_322] : memref<2x32x125x80xi32, #tpu.memory_space<hbm>> -> memref<1x1x16x80xi32, #tpu.memory_space<hbm>>
    %dma_wait3A_324 = tpu.memref_squeeze %dma_wait3A_323 : memref<1x1x16x80xi32, #tpu.memory_space<hbm>> -> memref<16x80xi32, #tpu.memory_space<hbm>>
    %dma_wait3A_325 = arith.constant 0 : i32
    %dma_wait3A_326 = arith.constant 0 : i32
    %dma_wait3A_327 = tpu.memref_slice %arg3[%dma_wait3A_319, %dma_wait3A_320, %dma_wait3A_325, %dma_wait3A_326] : memref<2x32x125x80xi32, #tpu.memory_space<hbm>> -> memref<1x1x16x80xi32, #tpu.memory_space<hbm>>
    %dma_wait3A_328 = tpu.memref_squeeze %dma_wait3A_327 : memref<1x1x16x80xi32, #tpu.memory_space<hbm>> -> memref<16x80xi32, #tpu.memory_space<hbm>>
    tpu.wait_dma2 semaphore(%arg24 : memref<!tpu.dma_semaphore, #tpu.memory_space<semaphore_mem>>) src(%dma_wait3A_328 : memref<16x80xi32, #tpu.memory_space<hbm>>) dst(%arg15 : memref<80x16xf32, #tpu.memory_space<vmem>>)
    %dma_start3A_329 = arith.constant 118 : i32
    %dma_start3A_330 = arith.constant 0 : i32
    %dma_start3A_331 = tpu.memref_slice %arg6[%dma_start3A_329, %dma_start3A_330] : memref<125x80xi32, #tpu.memory_space<vmem>> -> memref<1x80xi32, #tpu.memory_space<vmem>>
    %dma_start3A_332 = tpu.memref_squeeze %dma_start3A_331 : memref<1x80xi32, #tpu.memory_space<vmem>> -> memref<80xi32, #tpu.memory_space<vmem>>
    %dma_start3A_333 = arith.constant 0 : i32
    %dma_start3A_334 = arith.constant 0 : i32
    %dma_start3A_335 = tpu.memref_slice %arg21[%dma_start3A_333, %dma_start3A_334] : memref<10240x16xf32, #tpu.memory_space<vmem_shared>> -> memref<10240x16xf32, #tpu.memory_space<vmem_shared>>
    tpu.enqueue_indirect_dma source(%arg15 : memref<80x16xf32, #tpu.memory_space<vmem>>) target(%dma_start3A_335 : memref<10240x16xf32, #tpu.memory_space<vmem_shared>>) offsets(%dma_start3A_332 : memref<80xi32, #tpu.memory_space<vmem>>) semaphore(%arg26 : memref<!tpu.dma_semaphore, #tpu.memory_space<semaphore_mem>>) {add = true}
    %dma_wait3A_336 = arith.constant 0 : i32
    %dma_wait3A_337 = arith.constant 0 : i32
    %dma_wait3A_338 = arith.constant 0 : i32
    %dma_wait3A_339 = arith.constant 0 : i32
    %dma_wait3A_340 = tpu.memref_slice %arg3[%dma_wait3A_336, %dma_wait3A_337, %dma_wait3A_338, %dma_wait3A_339] : memref<2x32x125x80xi32, #tpu.memory_space<hbm>> -> memref<1x1x16x80xi32, #tpu.memory_space<hbm>>
    %dma_wait3A_341 = tpu.memref_squeeze %dma_wait3A_340 : memref<1x1x16x80xi32, #tpu.memory_space<hbm>> -> memref<16x80xi32, #tpu.memory_space<hbm>>
    %dma_wait3A_342 = arith.constant 0 : i32
    %dma_wait3A_343 = arith.constant 0 : i32
    %dma_wait3A_344 = tpu.memref_slice %arg3[%dma_wait3A_336, %dma_wait3A_337, %dma_wait3A_342, %dma_wait3A_343] : memref<2x32x125x80xi32, #tpu.memory_space<hbm>> -> memref<1x1x16x80xi32, #tpu.memory_space<hbm>>
    %dma_wait3A_345 = tpu.memref_squeeze %dma_wait3A_344 : memref<1x1x16x80xi32, #tpu.memory_space<hbm>> -> memref<16x80xi32, #tpu.memory_space<hbm>>
    tpu.wait_dma2 semaphore(%arg24 : memref<!tpu.dma_semaphore, #tpu.memory_space<semaphore_mem>>) src(%dma_wait3A_345 : memref<16x80xi32, #tpu.memory_space<hbm>>) dst(%arg16 : memref<80x16xf32, #tpu.memory_space<vmem>>)
    %dma_start3A_346 = arith.constant 119 : i32
    %dma_start3A_347 = arith.constant 0 : i32
    %dma_start3A_348 = tpu.memref_slice %arg6[%dma_start3A_346, %dma_start3A_347] : memref<125x80xi32, #tpu.memory_space<vmem>> -> memref<1x80xi32, #tpu.memory_space<vmem>>
    %dma_start3A_349 = tpu.memref_squeeze %dma_start3A_348 : memref<1x80xi32, #tpu.memory_space<vmem>> -> memref<80xi32, #tpu.memory_space<vmem>>
    %dma_start3A_350 = arith.constant 0 : i32
    %dma_start3A_351 = arith.constant 0 : i32
    %dma_start3A_352 = tpu.memref_slice %arg21[%dma_start3A_350, %dma_start3A_351] : memref<10240x16xf32, #tpu.memory_space<vmem_shared>> -> memref<10240x16xf32, #tpu.memory_space<vmem_shared>>
    tpu.enqueue_indirect_dma source(%arg16 : memref<80x16xf32, #tpu.memory_space<vmem>>) target(%dma_start3A_352 : memref<10240x16xf32, #tpu.memory_space<vmem_shared>>) offsets(%dma_start3A_349 : memref<80xi32, #tpu.memory_space<vmem>>) semaphore(%arg26 : memref<!tpu.dma_semaphore, #tpu.memory_space<semaphore_mem>>) {add = true}
    %dma_wait3A_353 = arith.constant 0 : i32
    %dma_wait3A_354 = arith.constant 0 : i32
    %dma_wait3A_355 = arith.constant 0 : i32
    %dma_wait3A_356 = arith.constant 0 : i32
    %dma_wait3A_357 = tpu.memref_slice %arg3[%dma_wait3A_353, %dma_wait3A_354, %dma_wait3A_355, %dma_wait3A_356] : memref<2x32x125x80xi32, #tpu.memory_space<hbm>> -> memref<1x1x16x80xi32, #tpu.memory_space<hbm>>
    %dma_wait3A_358 = tpu.memref_squeeze %dma_wait3A_357 : memref<1x1x16x80xi32, #tpu.memory_space<hbm>> -> memref<16x80xi32, #tpu.memory_space<hbm>>
    %dma_wait3A_359 = arith.constant 0 : i32
    %dma_wait3A_360 = arith.constant 0 : i32
    %dma_wait3A_361 = tpu.memref_slice %arg3[%dma_wait3A_353, %dma_wait3A_354, %dma_wait3A_359, %dma_wait3A_360] : memref<2x32x125x80xi32, #tpu.memory_space<hbm>> -> memref<1x1x16x80xi32, #tpu.memory_space<hbm>>
    %dma_wait3A_362 = tpu.memref_squeeze %dma_wait3A_361 : memref<1x1x16x80xi32, #tpu.memory_space<hbm>> -> memref<16x80xi32, #tpu.memory_space<hbm>>
    tpu.wait_dma2 semaphore(%arg26 : memref<!tpu.dma_semaphore, #tpu.memory_space<semaphore_mem>>) src(%dma_wait3A_362 : memref<16x80xi32, #tpu.memory_space<hbm>>) dst(%arg12 : memref<80x16xf32, #tpu.memory_space<vmem>>)
    %dma_wait3A_363 = arith.constant 0 : i32
    %dma_wait3A_364 = arith.constant 0 : i32
    %dma_wait3A_365 = arith.constant 0 : i32
    %dma_wait3A_366 = arith.constant 0 : i32
    %dma_wait3A_367 = tpu.memref_slice %arg3[%dma_wait3A_363, %dma_wait3A_364, %dma_wait3A_365, %dma_wait3A_366] : memref<2x32x125x80xi32, #tpu.memory_space<hbm>> -> memref<1x1x16x80xi32, #tpu.memory_space<hbm>>
    %dma_wait3A_368 = tpu.memref_squeeze %dma_wait3A_367 : memref<1x1x16x80xi32, #tpu.memory_space<hbm>> -> memref<16x80xi32, #tpu.memory_space<hbm>>
    %dma_wait3A_369 = arith.constant 0 : i32
    %dma_wait3A_370 = arith.constant 0 : i32
    %dma_wait3A_371 = tpu.memref_slice %arg3[%dma_wait3A_363, %dma_wait3A_364, %dma_wait3A_369, %dma_wait3A_370] : memref<2x32x125x80xi32, #tpu.memory_space<hbm>> -> memref<1x1x16x80xi32, #tpu.memory_space<hbm>>
    %dma_wait3A_372 = tpu.memref_squeeze %dma_wait3A_371 : memref<1x1x16x80xi32, #tpu.memory_space<hbm>> -> memref<16x80xi32, #tpu.memory_space<hbm>>
    tpu.wait_dma2 semaphore(%arg26 : memref<!tpu.dma_semaphore, #tpu.memory_space<semaphore_mem>>) src(%dma_wait3A_372 : memref<16x80xi32, #tpu.memory_space<hbm>>) dst(%arg13 : memref<80x16xf32, #tpu.memory_space<vmem>>)
    %dma_wait3A_373 = arith.constant 0 : i32
    %dma_wait3A_374 = arith.constant 0 : i32
    %dma_wait3A_375 = arith.constant 0 : i32
    %dma_wait3A_376 = arith.constant 0 : i32
    %dma_wait3A_377 = tpu.memref_slice %arg3[%dma_wait3A_373, %dma_wait3A_374, %dma_wait3A_375, %dma_wait3A_376] : memref<2x32x125x80xi32, #tpu.memory_space<hbm>> -> memref<1x1x16x80xi32, #tpu.memory_space<hbm>>
    %dma_wait3A_378 = tpu.memref_squeeze %dma_wait3A_377 : memref<1x1x16x80xi32, #tpu.memory_space<hbm>> -> memref<16x80xi32, #tpu.memory_space<hbm>>
    %dma_wait3A_379 = arith.constant 0 : i32
    %dma_wait3A_380 = arith.constant 0 : i32
    %dma_wait3A_381 = tpu.memref_slice %arg3[%dma_wait3A_373, %dma_wait3A_374, %dma_wait3A_379, %dma_wait3A_380] : memref<2x32x125x80xi32, #tpu.memory_space<hbm>> -> memref<1x1x16x80xi32, #tpu.memory_space<hbm>>
    %dma_wait3A_382 = tpu.memref_squeeze %dma_wait3A_381 : memref<1x1x16x80xi32, #tpu.memory_space<hbm>> -> memref<16x80xi32, #tpu.memory_space<hbm>>
    tpu.wait_dma2 semaphore(%arg26 : memref<!tpu.dma_semaphore, #tpu.memory_space<semaphore_mem>>) src(%dma_wait3A_382 : memref<16x80xi32, #tpu.memory_space<hbm>>) dst(%arg14 : memref<80x16xf32, #tpu.memory_space<vmem>>)
    %dma_wait3A_383 = arith.constant 0 : i32
    %dma_wait3A_384 = arith.constant 0 : i32
    %dma_wait3A_385 = arith.constant 0 : i32
    %dma_wait3A_386 = arith.constant 0 : i32
    %dma_wait3A_387 = tpu.memref_slice %arg3[%dma_wait3A_383, %dma_wait3A_384, %dma_wait3A_385, %dma_wait3A_386] : memref<2x32x125x80xi32, #tpu.memory_space<hbm>> -> memref<1x1x16x80xi32, #tpu.memory_space<hbm>>
    %dma_wait3A_388 = tpu.memref_squeeze %dma_wait3A_387 : memref<1x1x16x80xi32, #tpu.memory_space<hbm>> -> memref<16x80xi32, #tpu.memory_space<hbm>>
    %dma_wait3A_389 = arith.constant 0 : i32
    %dma_wait3A_390 = arith.constant 0 : i32
    %dma_wait3A_391 = tpu.memref_slice %arg3[%dma_wait3A_383, %dma_wait3A_384, %dma_wait3A_389, %dma_wait3A_390] : memref<2x32x125x80xi32, #tpu.memory_space<hbm>> -> memref<1x1x16x80xi32, #tpu.memory_space<hbm>>
    %dma_wait3A_392 = tpu.memref_squeeze %dma_wait3A_391 : memref<1x1x16x80xi32, #tpu.memory_space<hbm>> -> memref<16x80xi32, #tpu.memory_space<hbm>>
    tpu.wait_dma2 semaphore(%arg26 : memref<!tpu.dma_semaphore, #tpu.memory_space<semaphore_mem>>) src(%dma_wait3A_392 : memref<16x80xi32, #tpu.memory_space<hbm>>) dst(%arg15 : memref<80x16xf32, #tpu.memory_space<vmem>>)
    %dma_wait3A_393 = arith.constant 0 : i32
    %dma_wait3A_394 = arith.constant 0 : i32
    %dma_wait3A_395 = arith.constant 0 : i32
    %dma_wait3A_396 = arith.constant 0 : i32
    %dma_wait3A_397 = tpu.memref_slice %arg3[%dma_wait3A_393, %dma_wait3A_394, %dma_wait3A_395, %dma_wait3A_396] : memref<2x32x125x80xi32, #tpu.memory_space<hbm>> -> memref<1x1x16x80xi32, #tpu.memory_space<hbm>>
    %dma_wait3A_398 = tpu.memref_squeeze %dma_wait3A_397 : memref<1x1x16x80xi32, #tpu.memory_space<hbm>> -> memref<16x80xi32, #tpu.memory_space<hbm>>
    %dma_wait3A_399 = arith.constant 0 : i32
    %dma_wait3A_400 = arith.constant 0 : i32
    %dma_wait3A_401 = tpu.memref_slice %arg3[%dma_wait3A_393, %dma_wait3A_394, %dma_wait3A_399, %dma_wait3A_400] : memref<2x32x125x80xi32, #tpu.memory_space<hbm>> -> memref<1x1x16x80xi32, #tpu.memory_space<hbm>>
    %dma_wait3A_402 = tpu.memref_squeeze %dma_wait3A_401 : memref<1x1x16x80xi32, #tpu.memory_space<hbm>> -> memref<16x80xi32, #tpu.memory_space<hbm>>
    tpu.wait_dma2 semaphore(%arg26 : memref<!tpu.dma_semaphore, #tpu.memory_space<semaphore_mem>>) src(%dma_wait3A_402 : memref<16x80xi32, #tpu.memory_space<hbm>>) dst(%arg16 : memref<80x16xf32, #tpu.memory_space<vmem>>)
    %dma_wait3A_403 = arith.constant 0 : i32
    %dma_wait3A_404 = arith.constant 0 : i32
    %dma_wait3A_405 = arith.constant 0 : i32
    %dma_wait3A_406 = arith.constant 0 : i32
    %dma_wait3A_407 = tpu.memref_slice %arg3[%dma_wait3A_403, %dma_wait3A_404, %dma_wait3A_405, %dma_wait3A_406] : memref<2x32x125x80xi32, #tpu.memory_space<hbm>> -> memref<1x1x16x80xi32, #tpu.memory_space<hbm>>
    %dma_wait3A_408 = tpu.memref_squeeze %dma_wait3A_407 : memref<1x1x16x80xi32, #tpu.memory_space<hbm>> -> memref<16x80xi32, #tpu.memory_space<hbm>>
    %dma_wait3A_409 = arith.constant 0 : i32
    %dma_wait3A_410 = arith.constant 0 : i32
    %dma_wait3A_411 = tpu.memref_slice %arg3[%dma_wait3A_403, %dma_wait3A_404, %dma_wait3A_409, %dma_wait3A_410] : memref<2x32x125x80xi32, #tpu.memory_space<hbm>> -> memref<1x1x16x80xi32, #tpu.memory_space<hbm>>
    %dma_wait3A_412 = tpu.memref_squeeze %dma_wait3A_411 : memref<1x1x16x80xi32, #tpu.memory_space<hbm>> -> memref<16x80xi32, #tpu.memory_space<hbm>>
    tpu.wait_dma2 semaphore(%arg23 : memref<!tpu.dma_semaphore, #tpu.memory_space<semaphore_mem>>) src(%dma_wait3A_412 : memref<16x80xi32, #tpu.memory_space<hbm>>) dst(%arg7 : memref<80x16xf32, #tpu.memory_space<vmem>>)
    %dma_start3A_413 = arith.constant 120 : i32
    %dma_start3A_414 = arith.constant 0 : i32
    %dma_start3A_415 = tpu.memref_slice %arg6[%dma_start3A_413, %dma_start3A_414] : memref<125x80xi32, #tpu.memory_space<vmem>> -> memref<1x80xi32, #tpu.memory_space<vmem>>
    %dma_start3A_416 = tpu.memref_squeeze %dma_start3A_415 : memref<1x80xi32, #tpu.memory_space<vmem>> -> memref<80xi32, #tpu.memory_space<vmem>>
    %dma_start3A_417 = arith.constant 0 : i32
    %dma_start3A_418 = arith.constant 0 : i32
    %dma_start3A_419 = tpu.memref_slice %arg21[%dma_start3A_417, %dma_start3A_418] : memref<10240x16xf32, #tpu.memory_space<vmem_shared>> -> memref<10240x16xf32, #tpu.memory_space<vmem_shared>>
    tpu.enqueue_indirect_dma source(%arg7 : memref<80x16xf32, #tpu.memory_space<vmem>>) target(%dma_start3A_419 : memref<10240x16xf32, #tpu.memory_space<vmem_shared>>) offsets(%dma_start3A_416 : memref<80xi32, #tpu.memory_space<vmem>>) semaphore(%arg25 : memref<!tpu.dma_semaphore, #tpu.memory_space<semaphore_mem>>) {add = true}
    %dma_wait3A_420 = arith.constant 0 : i32
    %dma_wait3A_421 = arith.constant 0 : i32
    %dma_wait3A_422 = arith.constant 0 : i32
    %dma_wait3A_423 = arith.constant 0 : i32
    %dma_wait3A_424 = tpu.memref_slice %arg3[%dma_wait3A_420, %dma_wait3A_421, %dma_wait3A_422, %dma_wait3A_423] : memref<2x32x125x80xi32, #tpu.memory_space<hbm>> -> memref<1x1x16x80xi32, #tpu.memory_space<hbm>>
    %dma_wait3A_425 = tpu.memref_squeeze %dma_wait3A_424 : memref<1x1x16x80xi32, #tpu.memory_space<hbm>> -> memref<16x80xi32, #tpu.memory_space<hbm>>
    %dma_wait3A_426 = arith.constant 0 : i32
    %dma_wait3A_427 = arith.constant 0 : i32
    %dma_wait3A_428 = tpu.memref_slice %arg3[%dma_wait3A_420, %dma_wait3A_421, %dma_wait3A_426, %dma_wait3A_427] : memref<2x32x125x80xi32, #tpu.memory_space<hbm>> -> memref<1x1x16x80xi32, #tpu.memory_space<hbm>>
    %dma_wait3A_429 = tpu.memref_squeeze %dma_wait3A_428 : memref<1x1x16x80xi32, #tpu.memory_space<hbm>> -> memref<16x80xi32, #tpu.memory_space<hbm>>
    tpu.wait_dma2 semaphore(%arg23 : memref<!tpu.dma_semaphore, #tpu.memory_space<semaphore_mem>>) src(%dma_wait3A_429 : memref<16x80xi32, #tpu.memory_space<hbm>>) dst(%arg8 : memref<80x16xf32, #tpu.memory_space<vmem>>)
    %dma_start3A_430 = arith.constant 121 : i32
    %dma_start3A_431 = arith.constant 0 : i32
    %dma_start3A_432 = tpu.memref_slice %arg6[%dma_start3A_430, %dma_start3A_431] : memref<125x80xi32, #tpu.memory_space<vmem>> -> memref<1x80xi32, #tpu.memory_space<vmem>>
    %dma_start3A_433 = tpu.memref_squeeze %dma_start3A_432 : memref<1x80xi32, #tpu.memory_space<vmem>> -> memref<80xi32, #tpu.memory_space<vmem>>
    %dma_start3A_434 = arith.constant 0 : i32
    %dma_start3A_435 = arith.constant 0 : i32
    %dma_start3A_436 = tpu.memref_slice %arg21[%dma_start3A_434, %dma_start3A_435] : memref<10240x16xf32, #tpu.memory_space<vmem_shared>> -> memref<10240x16xf32, #tpu.memory_space<vmem_shared>>
    tpu.enqueue_indirect_dma source(%arg8 : memref<80x16xf32, #tpu.memory_space<vmem>>) target(%dma_start3A_436 : memref<10240x16xf32, #tpu.memory_space<vmem_shared>>) offsets(%dma_start3A_433 : memref<80xi32, #tpu.memory_space<vmem>>) semaphore(%arg25 : memref<!tpu.dma_semaphore, #tpu.memory_space<semaphore_mem>>) {add = true}
    %dma_wait3A_437 = arith.constant 0 : i32
    %dma_wait3A_438 = arith.constant 0 : i32
    %dma_wait3A_439 = arith.constant 0 : i32
    %dma_wait3A_440 = arith.constant 0 : i32
    %dma_wait3A_441 = tpu.memref_slice %arg3[%dma_wait3A_437, %dma_wait3A_438, %dma_wait3A_439, %dma_wait3A_440] : memref<2x32x125x80xi32, #tpu.memory_space<hbm>> -> memref<1x1x16x80xi32, #tpu.memory_space<hbm>>
    %dma_wait3A_442 = tpu.memref_squeeze %dma_wait3A_441 : memref<1x1x16x80xi32, #tpu.memory_space<hbm>> -> memref<16x80xi32, #tpu.memory_space<hbm>>
    %dma_wait3A_443 = arith.constant 0 : i32
    %dma_wait3A_444 = arith.constant 0 : i32
    %dma_wait3A_445 = tpu.memref_slice %arg3[%dma_wait3A_437, %dma_wait3A_438, %dma_wait3A_443, %dma_wait3A_444] : memref<2x32x125x80xi32, #tpu.memory_space<hbm>> -> memref<1x1x16x80xi32, #tpu.memory_space<hbm>>
    %dma_wait3A_446 = tpu.memref_squeeze %dma_wait3A_445 : memref<1x1x16x80xi32, #tpu.memory_space<hbm>> -> memref<16x80xi32, #tpu.memory_space<hbm>>
    tpu.wait_dma2 semaphore(%arg23 : memref<!tpu.dma_semaphore, #tpu.memory_space<semaphore_mem>>) src(%dma_wait3A_446 : memref<16x80xi32, #tpu.memory_space<hbm>>) dst(%arg9 : memref<80x16xf32, #tpu.memory_space<vmem>>)
    %dma_start3A_447 = arith.constant 122 : i32
    %dma_start3A_448 = arith.constant 0 : i32
    %dma_start3A_449 = tpu.memref_slice %arg6[%dma_start3A_447, %dma_start3A_448] : memref<125x80xi32, #tpu.memory_space<vmem>> -> memref<1x80xi32, #tpu.memory_space<vmem>>
    %dma_start3A_450 = tpu.memref_squeeze %dma_start3A_449 : memref<1x80xi32, #tpu.memory_space<vmem>> -> memref<80xi32, #tpu.memory_space<vmem>>
    %dma_start3A_451 = arith.constant 0 : i32
    %dma_start3A_452 = arith.constant 0 : i32
    %dma_start3A_453 = tpu.memref_slice %arg21[%dma_start3A_451, %dma_start3A_452] : memref<10240x16xf32, #tpu.memory_space<vmem_shared>> -> memref<10240x16xf32, #tpu.memory_space<vmem_shared>>
    tpu.enqueue_indirect_dma source(%arg9 : memref<80x16xf32, #tpu.memory_space<vmem>>) target(%dma_start3A_453 : memref<10240x16xf32, #tpu.memory_space<vmem_shared>>) offsets(%dma_start3A_450 : memref<80xi32, #tpu.memory_space<vmem>>) semaphore(%arg25 : memref<!tpu.dma_semaphore, #tpu.memory_space<semaphore_mem>>) {add = true}
    %dma_wait3A_454 = arith.constant 0 : i32
    %dma_wait3A_455 = arith.constant 0 : i32
    %dma_wait3A_456 = arith.constant 0 : i32
    %dma_wait3A_457 = arith.constant 0 : i32
    %dma_wait3A_458 = tpu.memref_slice %arg3[%dma_wait3A_454, %dma_wait3A_455, %dma_wait3A_456, %dma_wait3A_457] : memref<2x32x125x80xi32, #tpu.memory_space<hbm>> -> memref<1x1x16x80xi32, #tpu.memory_space<hbm>>
    %dma_wait3A_459 = tpu.memref_squeeze %dma_wait3A_458 : memref<1x1x16x80xi32, #tpu.memory_space<hbm>> -> memref<16x80xi32, #tpu.memory_space<hbm>>
    %dma_wait3A_460 = arith.constant 0 : i32
    %dma_wait3A_461 = arith.constant 0 : i32
    %dma_wait3A_462 = tpu.memref_slice %arg3[%dma_wait3A_454, %dma_wait3A_455, %dma_wait3A_460, %dma_wait3A_461] : memref<2x32x125x80xi32, #tpu.memory_space<hbm>> -> memref<1x1x16x80xi32, #tpu.memory_space<hbm>>
    %dma_wait3A_463 = tpu.memref_squeeze %dma_wait3A_462 : memref<1x1x16x80xi32, #tpu.memory_space<hbm>> -> memref<16x80xi32, #tpu.memory_space<hbm>>
    tpu.wait_dma2 semaphore(%arg23 : memref<!tpu.dma_semaphore, #tpu.memory_space<semaphore_mem>>) src(%dma_wait3A_463 : memref<16x80xi32, #tpu.memory_space<hbm>>) dst(%arg10 : memref<80x16xf32, #tpu.memory_space<vmem>>)
    %dma_start3A_464 = arith.constant 123 : i32
    %dma_start3A_465 = arith.constant 0 : i32
    %dma_start3A_466 = tpu.memref_slice %arg6[%dma_start3A_464, %dma_start3A_465] : memref<125x80xi32, #tpu.memory_space<vmem>> -> memref<1x80xi32, #tpu.memory_space<vmem>>
    %dma_start3A_467 = tpu.memref_squeeze %dma_start3A_466 : memref<1x80xi32, #tpu.memory_space<vmem>> -> memref<80xi32, #tpu.memory_space<vmem>>
    %dma_start3A_468 = arith.constant 0 : i32
    %dma_start3A_469 = arith.constant 0 : i32
    %dma_start3A_470 = tpu.memref_slice %arg21[%dma_start3A_468, %dma_start3A_469] : memref<10240x16xf32, #tpu.memory_space<vmem_shared>> -> memref<10240x16xf32, #tpu.memory_space<vmem_shared>>
    tpu.enqueue_indirect_dma source(%arg10 : memref<80x16xf32, #tpu.memory_space<vmem>>) target(%dma_start3A_470 : memref<10240x16xf32, #tpu.memory_space<vmem_shared>>) offsets(%dma_start3A_467 : memref<80xi32, #tpu.memory_space<vmem>>) semaphore(%arg25 : memref<!tpu.dma_semaphore, #tpu.memory_space<semaphore_mem>>) {add = true}
    %dma_wait3A_471 = arith.constant 0 : i32
    %dma_wait3A_472 = arith.constant 0 : i32
    %dma_wait3A_473 = arith.constant 0 : i32
    %dma_wait3A_474 = arith.constant 0 : i32
    %dma_wait3A_475 = tpu.memref_slice %arg3[%dma_wait3A_471, %dma_wait3A_472, %dma_wait3A_473, %dma_wait3A_474] : memref<2x32x125x80xi32, #tpu.memory_space<hbm>> -> memref<1x1x16x80xi32, #tpu.memory_space<hbm>>
    %dma_wait3A_476 = tpu.memref_squeeze %dma_wait3A_475 : memref<1x1x16x80xi32, #tpu.memory_space<hbm>> -> memref<16x80xi32, #tpu.memory_space<hbm>>
    %dma_wait3A_477 = arith.constant 0 : i32
    %dma_wait3A_478 = arith.constant 0 : i32
    %dma_wait3A_479 = tpu.memref_slice %arg3[%dma_wait3A_471, %dma_wait3A_472, %dma_wait3A_477, %dma_wait3A_478] : memref<2x32x125x80xi32, #tpu.memory_space<hbm>> -> memref<1x1x16x80xi32, #tpu.memory_space<hbm>>
    %dma_wait3A_480 = tpu.memref_squeeze %dma_wait3A_479 : memref<1x1x16x80xi32, #tpu.memory_space<hbm>> -> memref<16x80xi32, #tpu.memory_space<hbm>>
    tpu.wait_dma2 semaphore(%arg23 : memref<!tpu.dma_semaphore, #tpu.memory_space<semaphore_mem>>) src(%dma_wait3A_480 : memref<16x80xi32, #tpu.memory_space<hbm>>) dst(%arg11 : memref<80x16xf32, #tpu.memory_space<vmem>>)
    %dma_start3A_481 = arith.constant 124 : i32
    %dma_start3A_482 = arith.constant 0 : i32
    %dma_start3A_483 = tpu.memref_slice %arg6[%dma_start3A_481, %dma_start3A_482] : memref<125x80xi32, #tpu.memory_space<vmem>> -> memref<1x80xi32, #tpu.memory_space<vmem>>
    %dma_start3A_484 = tpu.memref_squeeze %dma_start3A_483 : memref<1x80xi32, #tpu.memory_space<vmem>> -> memref<80xi32, #tpu.memory_space<vmem>>
    %dma_start3A_485 = arith.constant 0 : i32
    %dma_start3A_486 = arith.constant 0 : i32
    %dma_start3A_487 = tpu.memref_slice %arg21[%dma_start3A_485, %dma_start3A_486] : memref<10240x16xf32, #tpu.memory_space<vmem_shared>> -> memref<10240x16xf32, #tpu.memory_space<vmem_shared>>
    tpu.enqueue_indirect_dma source(%arg11 : memref<80x16xf32, #tpu.memory_space<vmem>>) target(%dma_start3A_487 : memref<10240x16xf32, #tpu.memory_space<vmem_shared>>) offsets(%dma_start3A_484 : memref<80xi32, #tpu.memory_space<vmem>>) semaphore(%arg25 : memref<!tpu.dma_semaphore, #tpu.memory_space<semaphore_mem>>) {add = true}
    %dma_wait3A_488 = arith.constant 0 : i32
    %dma_wait3A_489 = arith.constant 0 : i32
    %dma_wait3A_490 = arith.constant 0 : i32
    %dma_wait3A_491 = arith.constant 0 : i32
    %dma_wait3A_492 = tpu.memref_slice %arg3[%dma_wait3A_488, %dma_wait3A_489, %dma_wait3A_490, %dma_wait3A_491] : memref<2x32x125x80xi32, #tpu.memory_space<hbm>> -> memref<1x1x16x80xi32, #tpu.memory_space<hbm>>
    %dma_wait3A_493 = tpu.memref_squeeze %dma_wait3A_492 : memref<1x1x16x80xi32, #tpu.memory_space<hbm>> -> memref<16x80xi32, #tpu.memory_space<hbm>>
    %dma_wait3A_494 = arith.constant 0 : i32
    %dma_wait3A_495 = arith.constant 0 : i32
    %dma_wait3A_496 = tpu.memref_slice %arg3[%dma_wait3A_488, %dma_wait3A_489, %dma_wait3A_494, %dma_wait3A_495] : memref<2x32x125x80xi32, #tpu.memory_space<hbm>> -> memref<1x1x16x80xi32, #tpu.memory_space<hbm>>
    %dma_wait3A_497 = tpu.memref_squeeze %dma_wait3A_496 : memref<1x1x16x80xi32, #tpu.memory_space<hbm>> -> memref<16x80xi32, #tpu.memory_space<hbm>>
    tpu.wait_dma2 semaphore(%arg25 : memref<!tpu.dma_semaphore, #tpu.memory_space<semaphore_mem>>) src(%dma_wait3A_497 : memref<16x80xi32, #tpu.memory_space<hbm>>) dst(%arg7 : memref<80x16xf32, #tpu.memory_space<vmem>>)
    %dma_wait3A_498 = arith.constant 0 : i32
    %dma_wait3A_499 = arith.constant 0 : i32
    %dma_wait3A_500 = arith.constant 0 : i32
    %dma_wait3A_501 = arith.constant 0 : i32
    %dma_wait3A_502 = tpu.memref_slice %arg3[%dma_wait3A_498, %dma_wait3A_499, %dma_wait3A_500, %dma_wait3A_501] : memref<2x32x125x80xi32, #tpu.memory_space<hbm>> -> memref<1x1x16x80xi32, #tpu.memory_space<hbm>>
    %dma_wait3A_503 = tpu.memref_squeeze %dma_wait3A_502 : memref<1x1x16x80xi32, #tpu.memory_space<hbm>> -> memref<16x80xi32, #tpu.memory_space<hbm>>
    %dma_wait3A_504 = arith.constant 0 : i32
    %dma_wait3A_505 = arith.constant 0 : i32
    %dma_wait3A_506 = tpu.memref_slice %arg3[%dma_wait3A_498, %dma_wait3A_499, %dma_wait3A_504, %dma_wait3A_505] : memref<2x32x125x80xi32, #tpu.memory_space<hbm>> -> memref<1x1x16x80xi32, #tpu.memory_space<hbm>>
    %dma_wait3A_507 = tpu.memref_squeeze %dma_wait3A_506 : memref<1x1x16x80xi32, #tpu.memory_space<hbm>> -> memref<16x80xi32, #tpu.memory_space<hbm>>
    tpu.wait_dma2 semaphore(%arg25 : memref<!tpu.dma_semaphore, #tpu.memory_space<semaphore_mem>>) src(%dma_wait3A_507 : memref<16x80xi32, #tpu.memory_space<hbm>>) dst(%arg8 : memref<80x16xf32, #tpu.memory_space<vmem>>)
    %dma_wait3A_508 = arith.constant 0 : i32
    %dma_wait3A_509 = arith.constant 0 : i32
    %dma_wait3A_510 = arith.constant 0 : i32
    %dma_wait3A_511 = arith.constant 0 : i32
    %dma_wait3A_512 = tpu.memref_slice %arg3[%dma_wait3A_508, %dma_wait3A_509, %dma_wait3A_510, %dma_wait3A_511] : memref<2x32x125x80xi32, #tpu.memory_space<hbm>> -> memref<1x1x16x80xi32, #tpu.memory_space<hbm>>
    %dma_wait3A_513 = tpu.memref_squeeze %dma_wait3A_512 : memref<1x1x16x80xi32, #tpu.memory_space<hbm>> -> memref<16x80xi32, #tpu.memory_space<hbm>>
    %dma_wait3A_514 = arith.constant 0 : i32
    %dma_wait3A_515 = arith.constant 0 : i32
    %dma_wait3A_516 = tpu.memref_slice %arg3[%dma_wait3A_508, %dma_wait3A_509, %dma_wait3A_514, %dma_wait3A_515] : memref<2x32x125x80xi32, #tpu.memory_space<hbm>> -> memref<1x1x16x80xi32, #tpu.memory_space<hbm>>
    %dma_wait3A_517 = tpu.memref_squeeze %dma_wait3A_516 : memref<1x1x16x80xi32, #tpu.memory_space<hbm>> -> memref<16x80xi32, #tpu.memory_space<hbm>>
    tpu.wait_dma2 semaphore(%arg25 : memref<!tpu.dma_semaphore, #tpu.memory_space<semaphore_mem>>) src(%dma_wait3A_517 : memref<16x80xi32, #tpu.memory_space<hbm>>) dst(%arg9 : memref<80x16xf32, #tpu.memory_space<vmem>>)
    %dma_wait3A_518 = arith.constant 0 : i32
    %dma_wait3A_519 = arith.constant 0 : i32
    %dma_wait3A_520 = arith.constant 0 : i32
    %dma_wait3A_521 = arith.constant 0 : i32
    %dma_wait3A_522 = tpu.memref_slice %arg3[%dma_wait3A_518, %dma_wait3A_519, %dma_wait3A_520, %dma_wait3A_521] : memref<2x32x125x80xi32, #tpu.memory_space<hbm>> -> memref<1x1x16x80xi32, #tpu.memory_space<hbm>>
    %dma_wait3A_523 = tpu.memref_squeeze %dma_wait3A_522 : memref<1x1x16x80xi32, #tpu.memory_space<hbm>> -> memref<16x80xi32, #tpu.memory_space<hbm>>
    %dma_wait3A_524 = arith.constant 0 : i32
    %dma_wait3A_525 = arith.constant 0 : i32
    %dma_wait3A_526 = tpu.memref_slice %arg3[%dma_wait3A_518, %dma_wait3A_519, %dma_wait3A_524, %dma_wait3A_525] : memref<2x32x125x80xi32, #tpu.memory_space<hbm>> -> memref<1x1x16x80xi32, #tpu.memory_space<hbm>>
    %dma_wait3A_527 = tpu.memref_squeeze %dma_wait3A_526 : memref<1x1x16x80xi32, #tpu.memory_space<hbm>> -> memref<16x80xi32, #tpu.memory_space<hbm>>
    tpu.wait_dma2 semaphore(%arg25 : memref<!tpu.dma_semaphore, #tpu.memory_space<semaphore_mem>>) src(%dma_wait3A_527 : memref<16x80xi32, #tpu.memory_space<hbm>>) dst(%arg10 : memref<80x16xf32, #tpu.memory_space<vmem>>)
    %dma_wait3A_528 = arith.constant 0 : i32
    %dma_wait3A_529 = arith.constant 0 : i32
    %dma_wait3A_530 = arith.constant 0 : i32
    %dma_wait3A_531 = arith.constant 0 : i32
    %dma_wait3A_532 = tpu.memref_slice %arg3[%dma_wait3A_528, %dma_wait3A_529, %dma_wait3A_530, %dma_wait3A_531] : memref<2x32x125x80xi32, #tpu.memory_space<hbm>> -> memref<1x1x16x80xi32, #tpu.memory_space<hbm>>
    %dma_wait3A_533 = tpu.memref_squeeze %dma_wait3A_532 : memref<1x1x16x80xi32, #tpu.memory_space<hbm>> -> memref<16x80xi32, #tpu.memory_space<hbm>>
    %dma_wait3A_534 = arith.constant 0 : i32
    %dma_wait3A_535 = arith.constant 0 : i32
    %dma_wait3A_536 = tpu.memref_slice %arg3[%dma_wait3A_528, %dma_wait3A_529, %dma_wait3A_534, %dma_wait3A_535] : memref<2x32x125x80xi32, #tpu.memory_space<hbm>> -> memref<1x1x16x80xi32, #tpu.memory_space<hbm>>
    %dma_wait3A_537 = tpu.memref_squeeze %dma_wait3A_536 : memref<1x1x16x80xi32, #tpu.memory_space<hbm>> -> memref<16x80xi32, #tpu.memory_space<hbm>>
    tpu.wait_dma2 semaphore(%arg25 : memref<!tpu.dma_semaphore, #tpu.memory_space<semaphore_mem>>) src(%dma_wait3A_537 : memref<16x80xi32, #tpu.memory_space<hbm>>) dst(%arg11 : memref<80x16xf32, #tpu.memory_space<vmem>>)
    %barrier3A_538 = arith.constant 0 : index
    tpu.barrier barrier_id(%barrier3A_538)
    %mul3A_539 = arith.constant 640 : i32
    %mul3A_540 = arith.muli %arg1, %mul3A_539 : i32
    "tpu.region"() ({
      %run_scoped3A_566 = tpu.sem_alloc : memref<!tpu.dma_semaphore, #tpu.memory_space<semaphore_mem>>
      %dma_start3A_567 = arith.constant 0 : i32
      %dma_start3A_568 = tpu.memref_slice %arg21[%mul3A_540, %dma_start3A_567] : memref<10240x16xf32, #tpu.memory_space<vmem_shared>> -> memref<640x16xf32, #tpu.memory_space<vmem_shared>>
      %dma_start3A_569 = arith.constant 0 : i32
      %dma_start3A_570 = tpu.memref_slice %arg21[%mul3A_540, %dma_start3A_569] : memref<10240x16xf32, #tpu.memory_space<vmem_shared>> -> memref<640x16xf32, #tpu.memory_space<vmem_shared>>
      tpu.enqueue_dma source(%dma_start3A_570 : memref<640x16xf32, #tpu.memory_space<vmem_shared>>) target(%arg17 : memref<640x16xf32, #tpu.memory_space<vmem>>) target_semaphore(%run_scoped3A_566 : memref<!tpu.dma_semaphore, #tpu.memory_space<semaphore_mem>>)
      %dma_wait3A_571 = arith.constant 0 : i32
      %dma_wait3A_572 = tpu.memref_slice %arg21[%mul3A_540, %dma_wait3A_571] : memref<10240x16xf32, #tpu.memory_space<vmem_shared>> -> memref<640x16xf32, #tpu.memory_space<vmem_shared>>
      %dma_wait3A_573 = arith.constant 0 : i32
      %dma_wait3A_574 = tpu.memref_slice %arg21[%mul3A_540, %dma_wait3A_573] : memref<10240x16xf32, #tpu.memory_space<vmem_shared>> -> memref<640x16xf32, #tpu.memory_space<vmem_shared>>
      tpu.wait_dma2 semaphore(%run_scoped3A_566 : memref<!tpu.dma_semaphore, #tpu.memory_space<semaphore_mem>>) src(%dma_wait3A_574 : memref<640x16xf32, #tpu.memory_space<vmem_shared>>) dst(%arg17 : memref<640x16xf32, #tpu.memory_space<vmem>>)
      tpu.yield
    }) : () -> ()
    %scan3A_541 = arith.constant 0 : i32
    %scan3A_542 = arith.constant 0 : i32
    %scan3A_543 = arith.constant 80 : i32
    %scan3A_544 = arith.addi %scan3A_542, %scan3A_543 : i32
    %scan3A_545 = arith.constant 1 : i32
    %scan3A_546 = scf.for %scan3A_566 = %scan3A_542 to %scan3A_544 step %scan3A_545 iter_args(%scan3A_567 = %scan3A_541) -> (i32)  : i32 {
      %mul3A_568 = arith.constant 8 : i32
      %mul3A_569 = arith.muli %scan3A_566, %mul3A_568 : i32
      %add3A_570 = arith.constant 0 : i32
      %add3A_571 = arith.addi %mul3A_569, %add3A_570 : i32
      %get3A = arith.index_cast %add3A_571 : i32 to index
      %get3A_572 = arith.constant 0 : index
      %get3A_573 = tpu.vector_load %arg17[%get3A, %get3A_572] {strides = array<i32>} : memref<640x16xf32, #tpu.memory_space<vmem>>, vector<16xf32>,
      %swap3A = arith.index_cast %scan3A_566 : i32 to index
      %swap3A_574 = arith.constant 0 : index
      %swap3A_575 = tpu.vector_load %arg18[%swap3A, %swap3A_574] {strides = array<i32>} : memref<80x128xf32, #tpu.memory_space<vmem>>, vector<16xf32>,
      tpu.vector_store %arg18[%swap3A, %swap3A_574], %get3A_573 {strides = array<i32>} : memref<80x128xf32, #tpu.memory_space<vmem>>, vector<16xf32>,
      %mul3A_576 = arith.constant 8 : i32
      %mul3A_577 = arith.muli %scan3A_566, %mul3A_576 : i32
      %add3A_578 = arith.constant 1 : i32
      %add3A_579 = arith.addi %mul3A_577, %add3A_578 : i32
      %get3A_580 = arith.index_cast %add3A_579 : i32 to index
      %get3A_581 = arith.constant 0 : index
      %get3A_582 = tpu.vector_load %arg17[%get3A_580, %get3A_581] {strides = array<i32>} : memref<640x16xf32, #tpu.memory_space<vmem>>, vector<16xf32>,
      %swap3A_583 = arith.index_cast %scan3A_566 : i32 to index
      %swap3A_584 = arith.constant 16 : index
      %swap3A_585 = tpu.vector_load %arg18[%swap3A_583, %swap3A_584] {strides = array<i32>} : memref<80x128xf32, #tpu.memory_space<vmem>>, vector<16xf32>,
      tpu.vector_store %arg18[%swap3A_583, %swap3A_584], %get3A_582 {strides = array<i32>} : memref<80x128xf32, #tpu.memory_space<vmem>>, vector<16xf32>,
      %mul3A_586 = arith.constant 8 : i32
      %mul3A_587 = arith.muli %scan3A_566, %mul3A_586 : i32
      %add3A_588 = arith.constant 2 : i32
      %add3A_589 = arith.addi %mul3A_587, %add3A_588 : i32
      %get3A_590 = arith.index_cast %add3A_589 : i32 to index
      %get3A_591 = arith.constant 0 : index
      %get3A_592 = tpu.vector_load %arg17[%get3A_590, %get3A_591] {strides = array<i32>} : memref<640x16xf32, #tpu.memory_space<vmem>>, vector<16xf32>,
      %swap3A_593 = arith.index_cast %scan3A_566 : i32 to index
      %swap3A_594 = arith.constant 32 : index
      %swap3A_595 = tpu.vector_load %arg18[%swap3A_593, %swap3A_594] {strides = array<i32>} : memref<80x128xf32, #tpu.memory_space<vmem>>, vector<16xf32>,
      tpu.vector_store %arg18[%swap3A_593, %swap3A_594], %get3A_592 {strides = array<i32>} : memref<80x128xf32, #tpu.memory_space<vmem>>, vector<16xf32>,
      %mul3A_596 = arith.constant 8 : i32
      %mul3A_597 = arith.muli %scan3A_566, %mul3A_596 : i32
      %add3A_598 = arith.constant 3 : i32
      %add3A_599 = arith.addi %mul3A_597, %add3A_598 : i32
      %get3A_600 = arith.index_cast %add3A_599 : i32 to index
      %get3A_601 = arith.constant 0 : index
      %get3A_602 = tpu.vector_load %arg17[%get3A_600, %get3A_601] {strides = array<i32>} : memref<640x16xf32, #tpu.memory_space<vmem>>, vector<16xf32>,
      %swap3A_603 = arith.index_cast %scan3A_566 : i32 to index
      %swap3A_604 = arith.constant 48 : index
      %swap3A_605 = tpu.vector_load %arg18[%swap3A_603, %swap3A_604] {strides = array<i32>} : memref<80x128xf32, #tpu.memory_space<vmem>>, vector<16xf32>,
      tpu.vector_store %arg18[%swap3A_603, %swap3A_604], %get3A_602 {strides = array<i32>} : memref<80x128xf32, #tpu.memory_space<vmem>>, vector<16xf32>,
      %mul3A_606 = arith.constant 8 : i32
      %mul3A_607 = arith.muli %scan3A_566, %mul3A_606 : i32
      %add3A_608 = arith.constant 4 : i32
      %add3A_609 = arith.addi %mul3A_607, %add3A_608 : i32
      %get3A_610 = arith.index_cast %add3A_609 : i32 to index
      %get3A_611 = arith.constant 0 : index
      %get3A_612 = tpu.vector_load %arg17[%get3A_610, %get3A_611] {strides = array<i32>} : memref<640x16xf32, #tpu.memory_space<vmem>>, vector<16xf32>,
      %swap3A_613 = arith.index_cast %scan3A_566 : i32 to index
      %swap3A_614 = arith.constant 64 : index
      %swap3A_615 = tpu.vector_load %arg18[%swap3A_613, %swap3A_614] {strides = array<i32>} : memref<80x128xf32, #tpu.memory_space<vmem>>, vector<16xf32>,
      tpu.vector_store %arg18[%swap3A_613, %swap3A_614], %get3A_612 {strides = array<i32>} : memref<80x128xf32, #tpu.memory_space<vmem>>, vector<16xf32>,
      %mul3A_616 = arith.constant 8 : i32
      %mul3A_617 = arith.muli %scan3A_566, %mul3A_616 : i32
      %add3A_618 = arith.constant 5 : i32
      %add3A_619 = arith.addi %mul3A_617, %add3A_618 : i32
      %get3A_620 = arith.index_cast %add3A_619 : i32 to index
      %get3A_621 = arith.constant 0 : index
      %get3A_622 = tpu.vector_load %arg17[%get3A_620, %get3A_621] {strides = array<i32>} : memref<640x16xf32, #tpu.memory_space<vmem>>, vector<16xf32>,
      %swap3A_623 = arith.index_cast %scan3A_566 : i32 to index
      %swap3A_624 = arith.constant 80 : index
      %swap3A_625 = tpu.vector_load %arg18[%swap3A_623, %swap3A_624] {strides = array<i32>} : memref<80x128xf32, #tpu.memory_space<vmem>>, vector<16xf32>,
      tpu.vector_store %arg18[%swap3A_623, %swap3A_624], %get3A_622 {strides = array<i32>} : memref<80x128xf32, #tpu.memory_space<vmem>>, vector<16xf32>,
      %mul3A_626 = arith.constant 8 : i32
      %mul3A_627 = arith.muli %scan3A_566, %mul3A_626 : i32
      %add3A_628 = arith.constant 6 : i32
      %add3A_629 = arith.addi %mul3A_627, %add3A_628 : i32
      %get3A_630 = arith.index_cast %add3A_629 : i32 to index
      %get3A_631 = arith.constant 0 : index
      %get3A_632 = tpu.vector_load %arg17[%get3A_630, %get3A_631] {strides = array<i32>} : memref<640x16xf32, #tpu.memory_space<vmem>>, vector<16xf32>,
      %swap3A_633 = arith.index_cast %scan3A_566 : i32 to index
      %swap3A_634 = arith.constant 96 : index
      %swap3A_635 = tpu.vector_load %arg18[%swap3A_633, %swap3A_634] {strides = array<i32>} : memref<80x128xf32, #tpu.memory_space<vmem>>, vector<16xf32>,
      tpu.vector_store %arg18[%swap3A_633, %swap3A_634], %get3A_632 {strides = array<i32>} : memref<80x128xf32, #tpu.memory_space<vmem>>, vector<16xf32>,
      %mul3A_636 = arith.constant 8 : i32
      %mul3A_637 = arith.muli %scan3A_566, %mul3A_636 : i32
      %add3A_638 = arith.constant 7 : i32
      %add3A_639 = arith.addi %mul3A_637, %add3A_638 : i32
      %get3A_640 = arith.index_cast %add3A_639 : i32 to index
      %get3A_641 = arith.constant 0 : index
      %get3A_642 = tpu.vector_load %arg17[%get3A_640, %get3A_641] {strides = array<i32>} : memref<640x16xf32, #tpu.memory_space<vmem>>, vector<16xf32>,
      %swap3A_643 = arith.index_cast %scan3A_566 : i32 to index
      %swap3A_644 = arith.constant 112 : index
      %swap3A_645 = tpu.vector_load %arg18[%swap3A_643, %swap3A_644] {strides = array<i32>} : memref<80x128xf32, #tpu.memory_space<vmem>>, vector<16xf32>,
      tpu.vector_store %arg18[%swap3A_643, %swap3A_644], %get3A_642 {strides = array<i32>} : memref<80x128xf32, #tpu.memory_space<vmem>>, vector<16xf32>,
      %scan3A_646 = arith.constant 0 : i32
      scf.yield %scan3A_646 : i32
    }
    %scan3A_547 = arith.constant 80 : i32
    %mul3A_548 = arith.constant 640 : i32
    %mul3A_549 = arith.muli %arg1, %mul3A_548 : i32
    %jit3A = arith.constant 8 : i32
    %div3A = arith.divsi %mul3A_549, %jit3A : i32
    %sign3A = arith.constant 0 : i32
    %sign3A_550 = arith.cmpi sgt, %mul3A_549, %sign3A : i32
    %sign3A_551 = arith.extui %sign3A_550 : i1 to i32
    %sign3A_552 = arith.constant 0 : i32
    %sign3A_553 = arith.cmpi slt, %mul3A_549, %sign3A_552 : i32
    %sign3A_554 = arith.extui %sign3A_553 : i1 to i32
    %sign3A_555 = arith.subi %sign3A_551, %sign3A_554 : i32
    %sign3A_556 = arith.constant 0 : i32
    %sign3A_557 = arith.cmpi sgt, %jit3A, %sign3A_556 : i32
    %sign3A_558 = arith.extui %sign3A_557 : i1 to i32
    %sign3A_559 = arith.constant 0 : i32
    %sign3A_560 = arith.cmpi slt, %jit3A, %sign3A_559 : i32
    %sign3A_561 = arith.extui %sign3A_560 : i1 to i32
    %sign3A_562 = arith.subi %sign3A_558, %sign3A_561 : i32
    %ne3A = arith.cmpi ne, %sign3A_555, %sign3A_562 : i32
    %rem3A = arith.remsi %mul3A_549, %jit3A : i32
    %ne3A_563 = arith.constant 0 : i32
    %ne3A_564 = arith.cmpi ne, %rem3A, %ne3A_563 : i32
    %and3A = arith.andi %ne3A, %ne3A_564 : i1
    %sub3A = arith.constant 1 : i32
    %sub3A_565 = arith.subi %div3A, %sub3A : i32
    %select_n3A = arith.select %and3A, %sub3A_565, %div3A : i32
    "tpu.region"() ({
      %run_scoped3A_566 = tpu.sem_alloc : memref<!tpu.dma_semaphore, #tpu.memory_space<semaphore_mem>>
      %dma_start3A_567 = arith.constant 0 : i32
      %dma_start3A_568 = tpu.memref_slice %arg4[%arg0, %select_n3A, %dma_start3A_567] : memref<2x1280x128xf32, #tpu.memory_space<hbm>> -> memref<1x80x128xf32, #tpu.memory_space<hbm>>
      %dma_start3A_569 = tpu.memref_squeeze %dma_start3A_568 : memref<1x80x128xf32, #tpu.memory_space<hbm>> -> memref<80x128xf32, #tpu.memory_space<hbm>>
      %dma_start3A_570 = arith.constant 0 : i32
      %dma_start3A_571 = tpu.memref_slice %arg4[%arg0, %select_n3A, %dma_start3A_570] : memref<2x1280x128xf32, #tpu.memory_space<hbm>> -> memref<1x80x128xf32, #tpu.memory_space<hbm>>
      %dma_start3A_572 = tpu.memref_squeeze %dma_start3A_571 : memref<1x80x128xf32, #tpu.memory_space<hbm>> -> memref<80x128xf32, #tpu.memory_space<hbm>>
      tpu.enqueue_dma source(%arg18 : memref<80x128xf32, #tpu.memory_space<vmem>>) target(%dma_start3A_572 : memref<80x128xf32, #tpu.memory_space<hbm>>) target_semaphore(%run_scoped3A_566 : memref<!tpu.dma_semaphore, #tpu.memory_space<semaphore_mem>>)
      %dma_wait3A_573 = arith.constant 0 : i32
      %dma_wait3A_574 = tpu.memref_slice %arg4[%arg0, %select_n3A, %dma_wait3A_573] : memref<2x1280x128xf32, #tpu.memory_space<hbm>> -> memref<1x80x128xf32, #tpu.memory_space<hbm>>
      %dma_wait3A_575 = tpu.memref_squeeze %dma_wait3A_574 : memref<1x80x128xf32, #tpu.memory_space<hbm>> -> memref<80x128xf32, #tpu.memory_space<hbm>>
      %dma_wait3A_576 = arith.constant 0 : i32
      %dma_wait3A_577 = tpu.memref_slice %arg4[%arg0, %select_n3A, %dma_wait3A_576] : memref<2x1280x128xf32, #tpu.memory_space<hbm>> -> memref<1x80x128xf32, #tpu.memory_space<hbm>>
      %dma_wait3A_578 = tpu.memref_squeeze %dma_wait3A_577 : memref<1x80x128xf32, #tpu.memory_space<hbm>> -> memref<80x128xf32, #tpu.memory_space<hbm>>
      tpu.wait_dma2 semaphore(%run_scoped3A_566 : memref<!tpu.dma_semaphore, #tpu.memory_space<semaphore_mem>>) src(%arg18 : memref<80x128xf32, #tpu.memory_space<vmem>>) dst(%dma_wait3A_578 : memref<80x128xf32, #tpu.memory_space<hbm>>)
      tpu.yield
    }) : () -> ()
    return
  }
}

module attributes {stable_mosaic.version = 14 : i64} {
  func.func @mm_kernel(%arg0: i32, %arg1: memref<2048x128xf32, #tpu.memory_space<vmem>>, %arg2: memref<128x16xf32, #tpu.memory_space<vmem>>, %arg3: memref<16x2048xf32, #tpu.memory_space<vmem>>) attributes {dimension_semantics = [#tpu.dimension_semantics<arbitrary>], iteration_bounds = array<i64: 5>, scalar_prefetch = 0 : i64, scratch_operands = 0 : i64, tpu.core_type = #tpu.core_type<tc>, window_params = [{transform_indices = @transform_0, window_bounds = array<i64: 2048, 128>}, {pipeline_mode = #tpu.pipeline_mode<synchronous>, transform_indices = @transform_1, window_bounds = array<i64: 128, 16>}, {transform_indices = @transform_2, window_bounds = array<i64: 16, 2048>}]} {
    %get3A = arith.constant 0 : index
    %get3A_0 = arith.constant 0 : index
    %get3A_1 = vector.load %arg2[%get3A, %get3A_0] : memref<128x16xf32, #tpu.memory_space<vmem>>, vector<128x16xf32>
    %get3A_2 = arith.constant 0 : index
    %get3A_3 = arith.constant 0 : index
    %get3A_4 = vector.load %arg1[%get3A_2, %get3A_3] : memref<2048x128xf32, #tpu.memory_space<vmem>>, vector<2048x128xf32>
    %dot_general3A = arith.constant dense<0.000000e+00> : vector<16x2048xf32>
    %dot_general3A_5 = tpu.matmul %get3A_1, %get3A_4, %dot_general3A {dimension_numbers = #tpu.dot_dimension_numbers<[0], [1], [1], [0], [0, 1, 1, 0], [], []>, transpose_lhs_hint = false} : vector<128x16xf32>, vector<2048x128xf32>, vector<16x2048xf32> -> vector<16x2048xf32>
    %swap3A = arith.constant 0 : index
    %swap3A_6 = arith.constant 0 : index
    %swap3A_7 = vector.load %arg3[%swap3A, %swap3A_6] : memref<16x2048xf32, #tpu.memory_space<vmem>>, vector<16x2048xf32>
    tpu.vector_store %arg3[%swap3A, %swap3A_6], %dot_general3A_5 {strides = array<i32>} : memref<16x2048xf32, #tpu.memory_space<vmem>>, vector<16x2048xf32>,
    return
  }
  func.func @transform_0(%arg0: i32) -> (i32, i32) {
    %c0_i32 = arith.constant 0 : i32
    %c0_i32_0 = arith.constant 0 : i32
    return %arg0, %c0_i32 : i32, i32
  }
  func.func @transform_1(%arg0: i32) -> (i32, i32) {
    %c0_i32 = arith.constant 0 : i32
    %c0_i32_0 = arith.constant 0 : i32
    %c0_i32_1 = arith.constant 0 : i32
    return %c0_i32, %c0_i32_0 : i32, i32
  }
  func.func @transform_2(%arg0: i32) -> (i32, i32) {
    %c0_i32 = arith.constant 0 : i32
    %c0_i32_0 = arith.constant 0 : i32
    return %c0_i32, %arg0 : i32, i32
  }
}

module attributes {stable_mosaic.version = 14 : i64} {
  func.func @cm_kernel(%arg0: i32, %arg1: memref<2x1280x128xf32, #tpu.memory_space<vmem>>, %arg2: memref<128x56xf32, #tpu.memory_space<vmem>>, %arg3: memref<1280x56xf32, #tpu.memory_space<vmem>>) attributes {dimension_semantics = [#tpu.dimension_semantics<arbitrary>], iteration_bounds = array<i64: 1>, scalar_prefetch = 0 : i64, scratch_operands = 0 : i64, tpu.core_type = #tpu.core_type<tc>, window_params = [{pipeline_mode = #tpu.pipeline_mode<synchronous>, transform_indices = @transform_0, window_bounds = array<i64: 2, 1280, 128>}, {pipeline_mode = #tpu.pipeline_mode<synchronous>, transform_indices = @transform_1, window_bounds = array<i64: 128, 56>}, {pipeline_mode = #tpu.pipeline_mode<synchronous>, transform_indices = @transform_2, window_bounds = array<i64: 1280, 56>}]} {
    %get3A = arith.constant 0 : index
    %get3A_0 = arith.constant 0 : index
    %get3A_1 = arith.constant 0 : index
    %get3A_2 = vector.load %arg1[%get3A, %get3A_0, %get3A_1] : memref<2x1280x128xf32, #tpu.memory_space<vmem>>, vector<1x1280x128xf32>
    %get3A_3 = vector.shape_cast %get3A_2 : vector<1x1280x128xf32> to vector<1280x128xf32>
    %get3A_4 = arith.constant 1 : index
    %get3A_5 = arith.constant 0 : index
    %get3A_6 = arith.constant 0 : index
    %get3A_7 = vector.load %arg1[%get3A_4, %get3A_5, %get3A_6] : memref<2x1280x128xf32, #tpu.memory_space<vmem>>, vector<1x1280x128xf32>
    %get3A_8 = vector.shape_cast %get3A_7 : vector<1x1280x128xf32> to vector<1280x128xf32>
    %add3A = arith.addf %get3A_3, %get3A_8 : vector<1280x128xf32>
    %get3A_9 = arith.constant 0 : index
    %get3A_10 = arith.constant 0 : index
    %get3A_11 = vector.load %arg2[%get3A_9, %get3A_10] : memref<128x56xf32, #tpu.memory_space<vmem>>, vector<128x56xf32>
    %dot_general3A = arith.constant dense<0.000000e+00> : vector<1280x56xf32>
    %dot_general3A_12 = tpu.matmul %add3A, %get3A_11, %dot_general3A {dimension_numbers = #tpu.dot_dimension_numbers<[1], [0], [0], [1], [0, 0, 1, 1], [], []>, transpose_lhs_hint = false} : vector<1280x128xf32>, vector<128x56xf32>, vector<1280x56xf32> -> vector<1280x56xf32>
    %swap3A = arith.constant 0 : index
    %swap3A_13 = arith.constant 0 : index
    %swap3A_14 = vector.load %arg3[%swap3A, %swap3A_13] : memref<1280x56xf32, #tpu.memory_space<vmem>>, vector<1280x56xf32>
    tpu.vector_store %arg3[%swap3A, %swap3A_13], %dot_general3A_12 {strides = array<i32>} : memref<1280x56xf32, #tpu.memory_space<vmem>>, vector<1280x56xf32>,
    return
  }
  func.func @transform_0(%arg0: i32) -> (i32, i32, i32) {
    %c0_i32 = arith.constant 0 : i32
    %c0_i32_0 = arith.constant 0 : i32
    %c0_i32_1 = arith.constant 0 : i32
    %c0_i32_2 = arith.constant 0 : i32
    return %c0_i32, %c0_i32_0, %c0_i32_1 : i32, i32, i32
  }
  func.func @transform_1(%arg0: i32) -> (i32, i32) {
    %c0_i32 = arith.constant 0 : i32
    %c0_i32_0 = arith.constant 0 : i32
    %c0_i32_1 = arith.constant 0 : i32
    return %c0_i32, %c0_i32_0 : i32, i32
  }
  func.func @transform_2(%arg0: i32) -> (i32, i32) {
    %c0_i32 = arith.constant 0 : i32
    %c0_i32_0 = arith.constant 0 : i32
    %c0_i32_1 = arith.constant 0 : i32
    return %c0_i32, %c0_i32_0 : i32, i32
  }
}

</mosaic_0001>

<sc_bundles>
// kernel: kernel.6.cloned.1.call-start
scs
__scs_entry_jumppad:
0x0: {  	(pc) =	sbr.rel $0x88, $3  }
0x1: {  	(tag) =	ssettag $0x0;
	lr =	simm.s32 $0x1  }
0x2: {  	[smem:$0x3F9D] =	sst lr;
	_ =	strace $0xD0000000  }
0x3: {  	_ = 	snop  }
0x4: {  	_ = 	snop  }
0x5: {  	_ = 	snop  }
0x6: {  	_ = 	snop  }
0x7: {  	_ = 	snop  }
__scs_overlays_trampoline_lowered:
0x8: {  	[smem:$0x3FAC] =	sst s0  }
0x9: {  	[smem:$0x3FAD] =	sst s1  }
0xa: {  	[smem:$0x3FAE] =	sst s2  }
0xb: {  	[smem:$0x3FAF] =	sst s3  }
0xc: {  	[smem:$0x3FB0] =	sst s4  }
0xd: {  	[smem:$0x3FB1] =	sst s5  }
0xe: {  	[smem:$0x3FB2] =	sst s6  }
0xf: {  	[smem:$0x3FB3] =	sst s7  }
0x10: {  	[smem:$0x3FB4] =	sst s8  }
0x11: {  	[smem:$0x3FB5] =	sst s9;
	s0 =	simm.s32 @!p0 $0x0  }
0x12: {  	s1 =	sld [smem:$0x3F9B];
	s0 =	simm.s32 @p0 $0x1  }
0x13: {  	[smem:$0x3FB6] =	sst s0;
	s0 =	simm.s32 @!p1 $0x0  }
0x14: {  	s2 =	sld [smem:$0x3F9A];
	s0 =	simm.s32 @p1 $0x1  }
0x15: {  	[smem:$0x3FB7] =	sst s0;
	s0 =	simm.s32 @!p2 $0x0  }
0x16: {  	s3 =	sld [smem:$0x3FDB];
	s0 =	simm.s32 @p2 $0x1  }
0x17: {  	s4 =	simm.s32 $0x1BF5;
	[smem:$0x3FB9] =	sst s0  }
0x18: {  	s0 =	sld [smem:$0x3F9C];
	_ =	swait.ge [sflag:s4], $0x0  }
0x19: {  	s7 =	sld [smem:$0x3F9D]  }
0x1a: {  	s8 =	sadd.s32 $0xFFFFE003, lr  }
0x1b: {  	s9 =	sadd.s32 $0xFFFFFEF7, lr;
	s5 =	simm.s32 $0xFFFFFFFF;
	p2 =	slt.u32 s8, $0xFFFFF086  }
0x1c: {  	p1 =	slt.u32 s9, $0xF7A;
	s5 =	simm.s32 @!p2 $0x0  }
0x1d: {  	s5 =	simm.s32 @p1 $0x1;
	p0 =	seq.s32 s7, s2  }
0x1e: {  	s7 =	smul.u32 @!p0 $0xF7A, s2;
	p2 =	seq.s32 @!p0 s5, $0x0  }
0x1f: {  	s9 =	smul.u32 $0xF7A, s1;
	s8 =	simm.s32 @!p0 $0x1BF5;
	p2 =	por !p2, p0  }
0x20: {  	[sflag:s8] =	ssyncset.s32 @!p0 $0xFFFFF086;
	s6 =	sadd.s32 @!p0 s3, s7;
	s7 =	simm.s32 @!p0 $0x108  }
0x21: {  	s3 =	sadd.s32 s3, s9;
	s6 =	sadd.s32 @!p0 $0x88, s6;
	s7 =	simm.s32 @p2 $0x1082  }
0x22: {  	[simem:s7], [sflag:s8] =	dma.local @!p0 [hbm:s6], $0xF7A  }
0x23: {  	s9 =	sor.u32 $0xD0000000, s2;
	s6 =	simm.s32 $0x108;
	_ =	swait.ge @!p0 [sflag:s8], $0x0  }
0x24: {  	s3 =	sadd.s32 $0x88, s3;
	s6 =	simm.s32 @!p1 $0x1082;
	[sflag:s4] =	ssyncset.s32 $0xFFFFF086  }
0x25: {  	[simem:s6], [sflag:s4] =	dma.local [hbm:s3], $0xF7A  }
0x26: {  	[smem:$0x3F9D] =	sst s1;
	(tag) =	ssettag s2;
	_ =	strace s9  }
0x27: {  	s1 =	sld [smem:$0x3FAD]  }
0x28: {  	s2 =	sld [smem:$0x3FAE]  }
0x29: {  	s4 =	sld [smem:$0x3FB0]  }
0x2a: {  	p0 =	seq.s32 s5, $0x0;
	s5 =	sld [smem:$0x3FB1]  }
0x2b: {  	s6 =	sld [smem:$0x3FB2]  }
0x2c: {  	s7 =	sld [smem:$0x3FB3]  }
0x2d: {  	s3 =	simm.s32 $0x108;
	s8 =	sld [smem:$0x3FB4]  }
0x2e: {  	s3 =	simm.s32 @!p0 $0x1082;
	s9 =	sld [smem:$0x3FB5]  }
0x2f: {  	lr =	sadd.s32 s0, s3;
	s0 =	sld [smem:$0x3FAC]  }
0x30: {  	s3 =	sld [smem:$0x3FAF]  }
0x31: {  	[smem:$0x3FB8] =	sst s10  }
0x32: {  	s10 =	sld [smem:$0x3FB6];
	_ =	sdelay $0x3  }
0x33: {  	p0 =	seq.s32 s10, $0x1;
	s10 =	sld [smem:$0x3FB8];
	_ =	sdelay $0x3  }
0x34: {  	[smem:$0x3FB8] =	sst s10  }
0x35: {  	s10 =	sld [smem:$0x3FB7];
	_ =	sdelay $0x3  }
0x36: {  	p1 =	seq.s32 s10, $0x1;
	s10 =	sld [smem:$0x3FB8];
	_ =	sdelay $0x3  }
0x37: {  	[smem:$0x3FB8] =	sst s10  }
0x38: {  	s10 =	sld [smem:$0x3FB9]  }
0x39: {  	_ = 	snop;
	(pc) =	sbr.ind lr, $3  }
0x3a: {  	_ = 	snop  }
0x3b: {  	_ = 	snop  }
0x3c: {  	p2 =	seq.s32 s10, $0x1;
	s10 =	sld [smem:$0x3FB8]  }
0x3d: {  	_ =	shalt  }
0x3e: {  	_ =	shalt  }
0x3f: {  	_ =	shalt  }
0x40: {  	_ =	shalt  }
0x41: {  	_ =	shalt  }
0x42: {  	_ =	shalt  }
0x43: {  	_ =	shalt  }
0x44: {  	_ =	shalt  }
0x45: {  	_ =	shalt  }
0x46: {  	_ =	shalt  }
0x47: {  	_ =	shalt  }
0x48: {  	_ =	shalt  }
0x49: {  	_ =	shalt  }
0x4a: {  	_ =	shalt  }
0x4b: {  	_ =	shalt  }
0x4c: {  	_ =	shalt  }
0x4d: {  	_ =	shalt  }
0x4e: {  	_ =	shalt  }
0x4f: {  	_ =	shalt  }
0x50: {  	_ =	shalt  }
0x51: {  	_ =	shalt  }
0x52: {  	_ =	shalt  }
0x53: {  	_ =	shalt  }
0x54: {  	_ =	shalt  }
0x55: {  	_ =	shalt  }
0x56: {  	_ =	shalt  }
0x57: {  	_ =	shalt  }
0x58: {  	_ =	shalt  }
0x59: {  	_ =	shalt  }
0x5a: {  	_ =	shalt  }
0x5b: {  	_ =	shalt  }
0x5c: {  	_ =	shalt  }
0x5d: {  	_ =	shalt  }
0x5e: {  	_ =	shalt  }
0x5f: {  	_ =	shalt  }
0x60: {  	_ =	shalt  }
0x61: {  	_ =	shalt  }
0x62: {  	_ =	shalt  }
0x63: {  	_ =	shalt  }
0x64: {  	_ =	shalt  }
0x65: {  	_ =	shalt  }
0x66: {  	_ =	shalt  }
0x67: {  	_ =	shalt  }
0x68: {  	_ =	shalt  }
0x69: {  	_ =	shalt  }
0x6a: {  	_ =	shalt  }
0x6b: {  	_ =	shalt  }
0x6c: {  	_ =	shalt  }
0x6d: {  	_ =	shalt  }
0x6e: {  	_ =	shalt  }
0x6f: {  	_ =	shalt  }
0x70: {  	_ =	shalt  }
0x71: {  	_ =	shalt  }
0x72: {  	_ =	shalt  }
0x73: {  	_ =	shalt  }
0x74: {  	_ =	shalt  }
0x75: {  	_ =	shalt  }
0x76: {  	_ =	shalt  }
0x77: {  	_ =	shalt  }
0x78: {  	_ =	shalt  }
0x79: {  	_ =	shalt  }
0x7a: {  	_ =	shalt  }
0x7b: {  	_ =	shalt  }
0x7c: {  	_ =	shalt  }
0x7d: {  	_ =	shalt  }
0x7e: {  	_ =	shalt  }
0x7f: {  	_ =	shalt  }
0x80: {  	_ =	shalt  }
0x81: {  	_ =	shalt  }
0x82: {  	_ =	shalt  }
0x83: {  	_ =	shalt  }
0x84: {  	_ =	shalt  }
0x85: {  	_ =	shalt  }
0x86: {  	_ =	shalt  }
0x87: {  	_ =	shalt  }
.Lfunc_end0:
.L_simem_size_0:
called_computation_lowered:
.L_overlay_start_0:
0x88: {  	s2 =	sld [smem:$0x3FD9]  }
0x89: {  	s3 =	sld [smem:$0x3FFE];
	_ =	sdelay $0x1  }
0x8a: {  	s1 =	srdreg.scid  }
0x8b: {  	s0 =	sand.u32 $0x1, s1  }
0x8c: {  	s16 =	sshll.u32 s0, $0xA;
	s2 =	sadd.s32 s3, s2  }
0x8d: {  	s2 =	sadd.s32 s2, s16  }
0x8e: {  	[smem:$0x3FC4] =	sst s2  }
0x8f: {  	_ = 	snop  }
0x90: {  	(tm) =	ssettm $0x1  }
0x91: {  	s17 =	sld [smem:$0x3FFB];
	_ =	sdelay $0x3  }
0x92: {  	_ =	strace s17  }
0x93: {  	s2 =	sld [smem:$0x3FFC];
	_ =	sdelay $0x3  }
0x94: {  	_ =	strace s2  }
0x95: {  	s2 =	sld [smem:$0x3FFD];
	_ =	sdelay $0x3  }
0x96: {  	_ =	strace s2  }
0x97: {  	_ =	strace $0x8FFFFFFF  }
0x98: {  	s18 =	sld [smem:$0x3FDB];
	_ =	sdelay $0x1  }
0x99: {  	s19 =	simm.s32 $_scs_section_size  }
0x9a: {  	s4 =	simm.s32 $_size__tile_overlayer_lowered;
	s5 =	simm.s32 $_tile_overlayer_lowered  }
0x9b: {  	s22 =	simm.s32 $0x1BFF;
	s21 =	sshll.u32 s5, $0x1;
	s2 =	sadd.s32 s19, s18  }
0x9c: {  	s6 =	simm.s32 $0x0;
	s20 =	sshll.u32 s4, $0x1;
	s4 =	sadd.s32 s21, s2  }
0x9d: {  	[timem:s6], [sflag:s22] =	dma.local [hbm:s4], s20  }
0x9e: {  	_ =	swait.ge [sflag:s22], s20  }
0x9f: {  	s3 =	ssub.s32 $0x0, s20;
	[sflag:s22] =	ssyncset.done $0x0  }
0xa0: {  	[sflag:s22] =	ssyncadd.s32 s3;
	_ =	sdelay $0x1  }
0xa1: {  	s23 =	simm.s32 $0x1B8B  }
0xa2: {  	_ =	swait.ge [sflag:s23], $0x1  }
0xa3: {  	[sflag:s23] =	ssyncset.done $0x0  }
0xa4: {  	s25 =	simm.s32 $0x1B8E;
	s24 =	sld [smem:$0x3FFE];
	[sflag:s23] =	ssyncadd.s32 $0xFFFFFFFF  }
0xa5: {  	s26 =	simm.s32 $execute0_lowered;
	[smem:$0x3FD2] =	sst s25  }
0xa6: {  	s4 =	sshll.u32 s26, $0x1;
	_ =	strace $0x80000046;
	[dreg:$0x1] =	wrdreg $0xFFFFFFFF  }
0xa7: {  	s28 =	simm.s32 $_size_execute0_lowered;
	s2 =	sadd.s32 s2, s4;
	[dreg:$0x0] =	wrdreg $0x0  }
0xa8: {  	s4 =	sshll.u32 s28, $0x1;
	[dreg:$0x2] =	wrdreg s2  }
0xa9: {  	[dreg:$0x3] =	wrdreg s4  }
0xaa: {  	[dreg:$0x4] =	wrdreg $0xC0  }
0xab: {  	_ =	task [dreg:s6], $0x5FFFF  }
0xac: {  	[dreg:$0x1] =	wrdreg $0xFFFFFFFF  }
0xad: {  	[dreg:$0x0] =	wrdreg $0x60  }
0xae: {  	[dreg:$0x2] =	wrdreg s24  }
0xaf: {  	[dreg:$0x3] =	wrdreg $0xF8A00  }
0xb0: {  	[dreg:$0x4] =	wrdreg $0x120A00  }
0xb1: {  	[dreg:$0x5] =	wrdreg $0x9  }
0xb2: {  	_ =	task.clear_ibuf [dreg:s6], $0x6FFFF;
	_ =	strace $0x90000046  }
0xb3: {  	s29 =	simm.s32 $0x9;
	_ =	strace $0x80000048  }
0xb4: {  	_ =	swait.ge [sflag:s29], $0x1  }
0xb5: {  	[sflag:s29] =	ssyncadd.s32 $0xFFFFFFFF  }
0xb6: {  	_ =	strace $0x90000048  }
0xb7: {  	_ =	sfence  }
0xb8: {  	s30 =	sld [smem:$0x0];
	_ =	sdelay $0x2  }
0xb9: {  	s31 =	sshll.u32 s1, $0xD;
	s1 =	sshrl.u32 s1, $0x2  }
0xba: {  	s3 =	sand.u32 $0x4000, s31;
	s1 =	sadd.s32 s1, s30  }
0xbb: {  	s0 =	sor.u32 s3, s0;
	s1 =	sshll.u32 s1, $0x11  }
0xbc: {  	s0 =	sor.u32 s1, s0  }
0xbd: {  	s0 =	sadd.s32 $0x8F2B, s0  }
0xbe: {  	[sflag:s0] =	ssyncadd.remote.s32 $0x1  }
0xbf: {  	_ =	sfence.sel $0xFFFF  }
0xc0: {  	[dreg:$0x0] =	wrdreg $0xFFFFFFFF;
	(pc) =	sbr.abs _section_cstart, $3  }
0xc1: {  	[dreg:$0x1] =	wrdreg $0xFFFFFFFF  }
0xc2: {  	_ =	task.clear_ibuf [dreg:s6], $0x2FFFF;
	_ =	strace $0x9FFFFFFF  }
0xc3: {  	(tm) =	ssettm $0x7FFFFFFF  }
tec
execute0_lowered:
.L_overlay_start_1:
0x0: {  	(tag) =	ssettag $0x1  }
0x1: {  	s0 =	rddreg [dreg:$0x0]  }
0x2: {  	s2 =	rddreg [dreg:$0x1]  }
0x3: {  	s3 =	rddreg [dreg:$0x2]  }
0x4: {  	s6 =	stileid.u32;
	s1 =	srdreg.scid  }
0x5: {  	s8 =	simm.s32 $0x0;
	s12 =	simm.s32 $0x5;
	s13 =	simm.s32 $0xD020  }
0x6: {  	s17 =	simm.s32 $0x50;
	s19 =	simm.s32 $0x4E20;
	s28 =	simm.s32 $0x6220  }
0x7: {  	s30 =	simm.s32 $0x6720;
	s15 =	simm.s32 $0x7120;
	s29 =	simm.s32 $0x7B20  }
0x8: {  	s31 =	simm.s32 $0x1;
	s4 =	smul.u32 $0x50, s6;
	s1 =	sand.u32 $0x1, s1  }
0x9: {  	s7 =	smul.u32 $0x2800, s6;
	[smem:$0x7FF] =	sst s8;
	s5 =	sshll.u32 s1, $0x4  }
0xa: {  	s21 =	smul.u32 $0x28000, s1;
	_ =	strace $0x80000047;
	s1 =	ssub.s32 $0x2, s1  }
0xb: {  	s5 =	sor.u32 s6, s5;
	s4 =	sadd.s32 s4, s0;
	s22 =	sshrl.u32 s1, $0x1  }
0xc: {  	s23 =	sadd.s32 s7, s3;
	s5 =	smul.u32 $0x2710, s5;
	s6 =	sadd.s32 s7, s21  }
0xd: {  	s1 =	ssub.s32 s1, s22;
	[dreg:$0x4] =	wrdreg s23;
	s21 =	simm.s32 $0x5320  }
0xe: {  	s23 =	simm.s32 $0x5820;
	s22 =	simm.s32 $0x2;
	s6 =	sshrl.u32 s6, $0x3  }
0xf: {  	s26 =	smax.u32 s1, $0x1;
	s1 =	simm.s32 $0x3;
	s5 =	sshrl.u32 s5, $0x3  }
0x10: {  	[dreg:$0x8] =	wrdreg s26;
	s26 =	simm.s32 $0x4;
	s9 =	sadd.s32 s5, s0  }
0x11: {  	s0 =	sadd.s32 s6, s0;
	s5 =	sadd.s32 s7, s2;
	s6 =	sadd.s32 $0x1000, s4  }
0x12: {  	s4 =	simm.s32 $0x8020;
	s7 =	simm.s32 $0x0;
	s24 =	sadd.s32 $0xFC40, s9  }
0x13: {  	s25 =	sadd.s32 $0x6000, s9;
	s0 =	sadd.s32 $0x19A00, s0;
	[dreg:$0x5] =	wrdreg s24  }
0x14: {  	s14 =	sadd.s32 $0x500, s6;
	s16 =	sadd.s32 $0xA00, s6;
	[dreg:$0x6] =	wrdreg s25  }
0x15: {  	v1 =	vlaneseq.u32;
	s18 =	sadd.s32 $0xF00, s6;
	s20 =	sadd.s32 $0x1400, s6;
	[dreg:$0x7] =	wrdreg s0  }
0x16: {  	v0 =	vimm.f32 $0.0e+00;
	v1 =	vmul.u32 $0x288, v1;
	s25 =	simm.s32 $0x5D20;
	s0 =	simm.s32 $0x6C20;
	s24 =	simm.s32 $0x7620  }
.LBB2_1:
0x17: {  	s8 =	simm.s32 $0x40;
	s9 =	simm.s32 $0x0  }
.LBB2_2:
0x18: {  	p0 =	sne.s32 s8, $0x9FC0;
	[tilespmem:s9+$0x8020] =	vst v0;
	s9 =	smov.u32 s8;
	s8 =	sadd.s32 $0x40, s8  }
.Ltmp0:
0x19: {  	(pc) =	sbr.rel @p0 .LBB2_2-.Ltmp0, $2  }
0x1a: {  	_ =	sdelay $0x2  }
0x1b: {  	s9 =	sshra.s32 s9, $0x2  }
0x1c: {  	[tilespmem:s9+$0x8020] =	vst v0;
	s8 =	simm.s32 $0x8020  }
0x1d: {  	[spmem:s5] =	stream.linear.scatter [tilespmem:s8], [sflag:$0x5], $0x2800, $0x38;
	[tilespmem:$0x148A0] =	vst v63  }
0x1e: {  	_ =	swait.ge [sflag:s12], $0x2800  }
0x1f: {  	[sflag:s12] =	ssyncset.done $0x0  }
0x20: {  	s9 =	simm.s32 $0x0;
	[sflag:s12] =	ssyncadd.s32 $0xFFFFD800  }
0x21: {  	[tilespmem:s13], [sflag:$0x5] =	stream.linear.gather [hbm4b:s6+s9], $0x280, $0x38;
	[tilespmem:$0x148A0] =	vst v63  }
0x22: {  	s10 =	simm.s32 $0xD2A8  }
0x23: {  	[tilespmem:s10], [sflag:$0x5] =	stream.linear.gather [hbm4b:s14+s9], $0x280, $0x38;
	[tilespmem:$0x148A0] =	vst v63  }
0x24: {  	s11 =	simm.s32 $0xD530  }
0x25: {  	[tilespmem:s11], [sflag:$0x5] =	stream.linear.gather [hbm4b:s16+s9], $0x280, $0x38;
	[tilespmem:$0x148A0] =	vst v63  }
0x26: {  	s11 =	simm.s32 $0xD7B8  }
0x27: {  	[tilespmem:s11], [sflag:$0x5] =	stream.linear.gather [hbm4b:s18+s9], $0x280, $0x38;
	[tilespmem:$0x148A0] =	vst v63  }
0x28: {  	s11 =	simm.s32 $0xDA40  }
0x29: {  	[tilespmem:s11], [sflag:$0x5] =	stream.linear.gather [hbm4b:s20+s9], $0x280, $0x38;
	[tilespmem:$0x148A0] =	vst v63  }
0x2a: {  	s10 =	sadd.s32 $0x1900, s6;
	s11 =	simm.s32 $0xDCC8  }
0x2b: {  	[tilespmem:s11], [sflag:$0x5] =	stream.linear.gather [hbm4b:s10+s9], $0x280, $0x38;
	[tilespmem:$0x148A0] =	vst v63  }
0x2c: {  	s10 =	sadd.s32 $0x1E00, s6;
	s11 =	simm.s32 $0xDF50  }
0x2d: {  	[tilespmem:s11], [sflag:$0x5] =	stream.linear.gather [hbm4b:s10+s9], $0x280, $0x38;
	[tilespmem:$0x148A0] =	vst v63  }
0x2e: {  	s10 =	sadd.s32 $0x2300, s6;
	s11 =	simm.s32 $0xE1D8  }
0x2f: {  	[tilespmem:s11], [sflag:$0x5] =	stream.linear.gather [hbm4b:s10+s9], $0x280, $0x38;
	[tilespmem:$0x148A0] =	vst v63  }
0x30: {  	s10 =	sadd.s32 $0x2800, s6;
	s11 =	simm.s32 $0xE460  }
0x31: {  	[tilespmem:s11], [sflag:$0x5] =	stream.linear.gather [hbm4b:s10+s9], $0x280, $0x38;
	[tilespmem:$0x148A0] =	vst v63  }
0x32: {  	s10 =	sadd.s32 $0x2D00, s6;
	s11 =	simm.s32 $0xE6E8  }
0x33: {  	[tilespmem:s11], [sflag:$0x5] =	stream.linear.gather [hbm4b:s10+s9], $0x280, $0x38;
	[tilespmem:$0x148A0] =	vst v63  }
0x34: {  	s10 =	sadd.s32 $0x3200, s6;
	s11 =	simm.s32 $0xE970  }
0x35: {  	[tilespmem:s11], [sflag:$0x5] =	stream.linear.gather [hbm4b:s10+s9], $0x280, $0x38;
	[tilespmem:$0x148A0] =	vst v63  }
0x36: {  	s10 =	sadd.s32 $0x3700, s6;
	s11 =	simm.s32 $0xEBF8  }
0x37: {  	[tilespmem:s11], [sflag:$0x5] =	stream.linear.gather [hbm4b:s10+s9], $0x280, $0x38;
	[tilespmem:$0x148A0] =	vst v63  }
0x38: {  	s10 =	sadd.s32 $0x3C00, s6;
	s11 =	simm.s32 $0xEE80  }
0x39: {  	[tilespmem:s11], [sflag:$0x5] =	stream.linear.gather [hbm4b:s10+s9], $0x280, $0x38;
	[tilespmem:$0x148A0] =	vst v63  }
0x3a: {  	s10 =	sadd.s32 $0x4100, s6;
	s11 =	simm.s32 $0xF108  }
0x3b: {  	[tilespmem:s11], [sflag:$0x5] =	stream.linear.gather [hbm4b:s10+s9], $0x280, $0x38;
	[tilespmem:$0x148A0] =	vst v63  }
0x3c: {  	v2 =	vmov s9;
	s10 =	sadd.s32 $0x4600, s6;
	s11 =	simm.s32 $0xF390  }
0x3d: {  	v2 =	vand.u32 $0x3FF, v2;
	[tilespmem:s11], [sflag:$0x5] =	stream.linear.gather [hbm4b:s10+s9], $0x280, $0x38;
	[tilespmem:$0x148A0] =	vst v63  }
0x3e: {  	v2 =	vadd.s32 v1, v2;
	s10 =	sadd.s32 $0x4B00, s6;
	s11 =	simm.s32 $0xF618  }
0x3f: {  	[tilespmem:s11], [sflag:$0x5] =	stream.linear.gather [hbm4b:s10+s9], $0x280, $0x38;
	[tilespmem:$0x148A0] =	vst v63  }
0x40: {  	_ =	swait.ge [sflag:s12], $0x2800  }
0x41: {  	s10 =	simm.s32 $0x1;
	[sflag:s12] =	ssyncset.done $0x0  }
0x42: {  	v3 =	vmov s10;
	[sflag:s12] =	ssyncadd.s32 $0xFFFFD800  }
0x43: {  	v3 =	vand.u32 $0x3FF, v3;
	v2 =	vld.idx.msk [tilespmem:v2+s13+$0x0], $0xffff  }
0x44: {  	v4 =	vadd.s32 v1, v3;
	_ =	sdelay $0x3  }
0x45: {  	s11 =	simm.s32 $0x2;
	[tilespmem:s8+$0x0] =	vst v2  }
0x46: {  	s9 =	simm.s32 $0x3;
	v3 =	vmov s11;
	v2 =	vld.idx.msk [tilespmem:v4+s13+$0x0], $0xffff  }
.LBB2_4:
0x47: {  	p0 =	sne.s32 s9, $0x27F;
	v3 =	vand.u32 $0x3FF, v3  }
0x48: {  	v4 =	vadd.s32 v1, v3  }
.Ltmp1:
0x49: {  	(pc) =	sbr.rel @p0 .LBB2_4-.Ltmp1, $4  }
0x4a: {  	_ = 	snop  }
0x4b: {  	s8 =	sadd.s32 $0x10, s8  }
0x4c: {  	[tilespmem:s8+$0x0] =	vst v2  }
0x4d: {  	v3 =	vmov s9;
	s9 =	sadd.s32 $0x1, s9;
	v2 =	vld.idx.msk [tilespmem:v4+s13+$0x0], $0xffff  }
0x4e: {  	v3 =	vand.u32 $0x3FF, v3  }
0x4f: {  	v3 =	vadd.s32 v1, v3;
	_ =	sdelay $0x2  }
0x50: {  	s8 =	sadd.s32 $0x10, s8  }
0x51: {  	[tilespmem:s8+$0x0] =	vst v2  }
0x52: {  	v2 =	vld.idx.msk [tilespmem:v3+s13+$0x0], $0xffff;
	_ =	sdelay $0x3  }
0x53: {  	s8 =	sadd.s32 $0x10, s8  }
0x54: {  	s10 =	rddreg [dreg:$0x4];
	[tilespmem:s8+$0x0] =	vst v2  }
0x55: {  	[spmem:s10] =	stream.linear.scatter [tilespmem:s4], [sflag:$0x5], $0x2800, $0x38;
	[tilespmem:$0x148A0] =	vst v63  }
0x56: {  	_ =	swait.ge [sflag:s12], $0x2800  }
0x57: {  	[sflag:s12] =	ssyncset.done $0x0  }
0x58: {  	s8 =	simm.s32 $0x0;
	s9 =	rddreg [dreg:$0x5];
	[sflag:s12] =	ssyncadd.s32 $0xFFFFD800  }
0x59: {  	[tilespmem:s8], [sflag:$0x5] =	stream.linear.gather [hbm4b:s9+s8], $0x2710, $0x38;
	[tilespmem:$0x148A0] =	vst v63  }
0x5a: {  	_ =	swait.ge [sflag:s12], $0x2710  }
0x5b: {  	[sflag:s12] =	ssyncset.done $0x0  }
0x5c: {  	s10 =	simm.s32 $0x2710;
	s11 =	rddreg [dreg:$0x6];
	[sflag:s12] =	ssyncadd.s32 $0xFFFFD8F0  }
0x5d: {  	[tilespmem:s10], [sflag:$0x5] =	stream.linear.gather [hbm4b:s11+s8], $0x2710, $0x38;
	[tilespmem:$0x148A0] =	vst v63  }
0x5e: {  	_ =	swait.ge [sflag:s12], $0x2710  }
0x5f: {  	[sflag:s12] =	ssyncset.done $0x0  }
0x60: {  	[sflag:s12] =	ssyncadd.s32 $0xFFFFD8F0  }
0x61: {  	[bflag:$0x0] =	sbarrier.arrive $0xFFFF  }
0x62: {  	[tilespmem:s19], [sflag:$0x1] =	stream.indirect.gather [spmem:s3], $0x10, s8, s17, $0xb8;
	[tilespmem:$0x148A0] =	vst v63  }
0x63: {  	_ = 	snop  }
0x64: {  	[tilespmem:s21], [sflag:$0x1] =	stream.indirect.gather [spmem:s3], $0x10, s17, s17, $0xb8;
	[tilespmem:$0x148A0] =	vst v63  }
0x65: {  	s9 =	simm.s32 $0xA0  }
0x66: {  	[tilespmem:s23], [sflag:$0x1] =	stream.indirect.gather [spmem:s3], $0x10, s9, s17, $0xb8;
	[tilespmem:$0x148A0] =	vst v63  }
0x67: {  	s10 =	simm.s32 $0xF0  }
0x68: {  	[tilespmem:s25], [sflag:$0x1] =	stream.indirect.gather [spmem:s3], $0x10, s10, s17, $0xb8;
	[tilespmem:$0x148A0] =	vst v63  }
0x69: {  	s11 =	simm.s32 $0x140  }
0x6a: {  	[tilespmem:s28], [sflag:$0x1] =	stream.indirect.gather [spmem:s3], $0x10, s11, s17, $0xb8;
	[tilespmem:$0x148A0] =	vst v63  }
0x6b: {  	s9 =	simm.s32 $0x190  }
0x6c: {  	[tilespmem:s30], [sflag:$0x2] =	stream.indirect.gather [spmem:s3], $0x10, s9, s17, $0xb8;
	[tilespmem:$0x148A0] =	vst v63  }
0x6d: {  	s10 =	simm.s32 $0x1E0  }
0x6e: {  	[tilespmem:s0], [sflag:$0x2] =	stream.indirect.gather [spmem:s3], $0x10, s10, s17, $0xb8;
	[tilespmem:$0x148A0] =	vst v63  }
0x6f: {  	s11 =	simm.s32 $0x230  }
0x70: {  	[tilespmem:s15], [sflag:$0x2] =	stream.indirect.gather [spmem:s3], $0x10, s11, s17, $0xb8;
	[tilespmem:$0x148A0] =	vst v63  }
0x71: {  	s9 =	simm.s32 $0x280  }
0x72: {  	[tilespmem:s24], [sflag:$0x2] =	stream.indirect.gather [spmem:s3], $0x10, s9, s17, $0xb8;
	[tilespmem:$0x148A0] =	vst v63  }
0x73: {  	s10 =	simm.s32 $0x2D0  }
0x74: {  	[tilespmem:s29], [sflag:$0x2] =	stream.indirect.gather [spmem:s3], $0x10, s10, s17, $0xb8;
	[tilespmem:$0x148A0] =	vst v63  }
0x75: {  	_ =	swait.ge [sflag:s31], $0x500  }
0x76: {  	[sflag:s31] =	ssyncset.done $0x0  }
0x77: {  	s11 =	simm.s32 $0x2710;
	[sflag:s31] =	ssyncadd.s32 $0xFFFFFB00  }
0x78: {  	[spmem:s2] =	stream.indirect.scatter.add.f32 [tilespmem:s19], [sflag:$0x3], $0x10, s11, s17, $0xb8;
	[tilespmem:$0x148A0] =	vst v63  }
0x79: {  	_ =	swait.ge [sflag:s31], $0x500  }
0x7a: {  	[sflag:s31] =	ssyncset.done $0x0  }
0x7b: {  	s9 =	simm.s32 $0x2760;
	[sflag:s31] =	ssyncadd.s32 $0xFFFFFB00  }
0x7c: {  	[spmem:s2] =	stream.indirect.scatter.add.f32 [tilespmem:s21], [sflag:$0x3], $0x10, s9, s17, $0xb8;
	[tilespmem:$0x148A0] =	vst v63  }
0x7d: {  	_ =	swait.ge [sflag:s31], $0x500  }
0x7e: {  	[sflag:s31] =	ssyncset.done $0x0  }
0x7f: {  	s10 =	simm.s32 $0x27B0;
	[sflag:s31] =	ssyncadd.s32 $0xFFFFFB00  }
0x80: {  	[spmem:s2] =	stream.indirect.scatter.add.f32 [tilespmem:s23], [sflag:$0x3], $0x10, s10, s17, $0xb8;
	[tilespmem:$0x148A0] =	vst v63  }
0x81: {  	_ =	swait.ge [sflag:s31], $0x500  }
0x82: {  	[sflag:s31] =	ssyncset.done $0x0  }
0x83: {  	s11 =	simm.s32 $0x2800;
	[sflag:s31] =	ssyncadd.s32 $0xFFFFFB00  }
0x84: {  	[spmem:s2] =	stream.indirect.scatter.add.f32 [tilespmem:s25], [sflag:$0x3], $0x10, s11, s17, $0xb8;
	[tilespmem:$0x148A0] =	vst v63  }
0x85: {  	_ =	swait.ge [sflag:s31], $0x500  }
0x86: {  	[sflag:s31] =	ssyncset.done $0x0  }
0x87: {  	s9 =	simm.s32 $0x2850;
	[sflag:s31] =	ssyncadd.s32 $0xFFFFFB00  }
0x88: {  	[spmem:s2] =	stream.indirect.scatter.add.f32 [tilespmem:s28], [sflag:$0x3], $0x10, s9, s17, $0xb8;
	[tilespmem:$0x148A0] =	vst v63  }
0x89: {  	_ =	swait.ge [sflag:s1], $0x500  }
0x8a: {  	[sflag:s1] =	ssyncset.done $0x0  }
0x8b: {  	[sflag:s1] =	ssyncadd.s32 $0xFFFFFB00  }
0x8c: {  	_ =	swait.ge [sflag:s1], $0x500  }
0x8d: {  	[sflag:s1] =	ssyncset.done $0x0  }
0x8e: {  	[sflag:s1] =	ssyncadd.s32 $0xFFFFFB00  }
0x8f: {  	_ =	swait.ge [sflag:s1], $0x500  }
0x90: {  	[sflag:s1] =	ssyncset.done $0x0  }
0x91: {  	[sflag:s1] =	ssyncadd.s32 $0xFFFFFB00  }
0x92: {  	_ =	swait.ge [sflag:s1], $0x500  }
0x93: {  	[sflag:s1] =	ssyncset.done $0x0  }
0x94: {  	[sflag:s1] =	ssyncadd.s32 $0xFFFFFB00  }
0x95: {  	_ =	swait.ge [sflag:s1], $0x500  }
0x96: {  	[sflag:s1] =	ssyncset.done $0x0  }
0x97: {  	s10 =	simm.s32 $0x320;
	[sflag:s1] =	ssyncadd.s32 $0xFFFFFB00  }
0x98: {  	[tilespmem:s19], [sflag:$0x1] =	stream.indirect.gather [spmem:s3], $0x10, s10, s17, $0xb8;
	[tilespmem:$0x148A0] =	vst v63  }
0x99: {  	s11 =	simm.s32 $0x370  }
0x9a: {  	[tilespmem:s21], [sflag:$0x1] =	stream.indirect.gather [spmem:s3], $0x10, s11, s17, $0xb8;
	[tilespmem:$0x148A0] =	vst v63  }
0x9b: {  	s9 =	simm.s32 $0x3C0  }
0x9c: {  	[tilespmem:s23], [sflag:$0x1] =	stream.indirect.gather [spmem:s3], $0x10, s9, s17, $0xb8;
	[tilespmem:$0x148A0] =	vst v63  }
0x9d: {  	s10 =	simm.s32 $0x410  }
0x9e: {  	[tilespmem:s25], [sflag:$0x1] =	stream.indirect.gather [spmem:s3], $0x10, s10, s17, $0xb8;
	[tilespmem:$0x148A0] =	vst v63  }
0x9f: {  	s11 =	simm.s32 $0x460  }
0xa0: {  	[tilespmem:s28], [sflag:$0x1] =	stream.indirect.gather [spmem:s3], $0x10, s11, s17, $0xb8;
	[tilespmem:$0x148A0] =	vst v63  }
0xa1: {  	_ =	swait.ge [sflag:s22], $0x500  }
0xa2: {  	[sflag:s22] =	ssyncset.done $0x0  }
0xa3: {  	s9 =	simm.s32 $0x28A0;
	[sflag:s22] =	ssyncadd.s32 $0xFFFFFB00  }
0xa4: {  	[spmem:s2] =	stream.indirect.scatter.add.f32 [tilespmem:s30], [sflag:$0x4], $0x10, s9, s17, $0xb8;
	[tilespmem:$0x148A0] =	vst v63  }
0xa5: {  	_ =	swait.ge [sflag:s22], $0x500  }
0xa6: {  	[sflag:s22] =	ssyncset.done $0x0  }
0xa7: {  	s10 =	simm.s32 $0x28F0;
	[sflag:s22] =	ssyncadd.s32 $0xFFFFFB00  }
0xa8: {  	[spmem:s2] =	stream.indirect.scatter.add.f32 [tilespmem:s0], [sflag:$0x4], $0x10, s10, s17, $0xb8;
	[tilespmem:$0x148A0] =	vst v63  }
0xa9: {  	_ =	swait.ge [sflag:s22], $0x500  }
0xaa: {  	[sflag:s22] =	ssyncset.done $0x0  }
0xab: {  	s11 =	simm.s32 $0x2940;
	[sflag:s22] =	ssyncadd.s32 $0xFFFFFB00  }
0xac: {  	[spmem:s2] =	stream.indirect.scatter.add.f32 [tilespmem:s15], [sflag:$0x4], $0x10, s11, s17, $0xb8;
	[tilespmem:$0x148A0] =	vst v63  }
0xad: {  	_ =	swait.ge [sflag:s22], $0x500  }
0xae: {  	[sflag:s22] =	ssyncset.done $0x0  }
0xaf: {  	s9 =	simm.s32 $0x2990;
	[sflag:s22] =	ssyncadd.s32 $0xFFFFFB00  }
0xb0: {  	[spmem:s2] =	stream.indirect.scatter.add.f32 [tilespmem:s24], [sflag:$0x4], $0x10, s9, s17, $0xb8;
	[tilespmem:$0x148A0] =	vst v63  }
0xb1: {  	_ =	swait.ge [sflag:s22], $0x500  }
0xb2: {  	[sflag:s22] =	ssyncset.done $0x0  }
0xb3: {  	s10 =	simm.s32 $0x29E0;
	[sflag:s22] =	ssyncadd.s32 $0xFFFFFB00  }
0xb4: {  	[spmem:s2] =	stream.indirect.scatter.add.f32 [tilespmem:s29], [sflag:$0x4], $0x10, s10, s17, $0xb8;
	[tilespmem:$0x148A0] =	vst v63  }
0xb5: {  	_ =	swait.ge [sflag:s26], $0x500  }
0xb6: {  	[sflag:s26] =	ssyncset.done $0x0  }
0xb7: {  	[sflag:s26] =	ssyncadd.s32 $0xFFFFFB00  }
0xb8: {  	_ =	swait.ge [sflag:s26], $0x500  }
0xb9: {  	[sflag:s26] =	ssyncset.done $0x0  }
0xba: {  	[sflag:s26] =	ssyncadd.s32 $0xFFFFFB00  }
0xbb: {  	_ =	swait.ge [sflag:s26], $0x500  }
0xbc: {  	[sflag:s26] =	ssyncset.done $0x0  }
0xbd: {  	[sflag:s26] =	ssyncadd.s32 $0xFFFFFB00  }
0xbe: {  	_ =	swait.ge [sflag:s26], $0x500  }
0xbf: {  	[sflag:s26] =	ssyncset.done $0x0  }
0xc0: {  	[sflag:s26] =	ssyncadd.s32 $0xFFFFFB00  }
0xc1: {  	_ =	swait.ge [sflag:s26], $0x500  }
0xc2: {  	[sflag:s26] =	ssyncset.done $0x0  }
0xc3: {  	s11 =	simm.s32 $0x4B0;
	[sflag:s26] =	ssyncadd.s32 $0xFFFFFB00  }
0xc4: {  	[tilespmem:s30], [sflag:$0x2] =	stream.indirect.gather [spmem:s3], $0x10, s11, s17, $0xb8;
	[tilespmem:$0x148A0] =	vst v63  }
0xc5: {  	s9 =	simm.s32 $0x500  }
0xc6: {  	[tilespmem:s0], [sflag:$0x2] =	stream.indirect.gather [spmem:s3], $0x10, s9, s17, $0xb8;
	[tilespmem:$0x148A0] =	vst v63  }
0xc7: {  	s10 =	simm.s32 $0x550  }
0xc8: {  	[tilespmem:s15], [sflag:$0x2] =	stream.indirect.gather [spmem:s3], $0x10, s10, s17, $0xb8;
	[tilespmem:$0x148A0] =	vst v63  }
0xc9: {  	s8 =	simm.s32 $0xC80;
	s11 =	simm.s32 $0x5A0;
	s9 =	simm.s32 $0x5F0  }
0xca: {  	[tilespmem:s24], [sflag:$0x2] =	stream.indirect.gather [spmem:s3], $0x10, s11, s17, $0xb8;
	[tilespmem:$0x148A0] =	vst v63  }
.LBB2_6:
0xcb: {  	[tilespmem:s29], [sflag:$0x2] =	stream.indirect.gather [spmem:s3], $0x10, s9, s17, $0xb8;
	[tilespmem:$0x148A0] =	vst v63  }
0xcc: {  	s9 =	smov.u32 s8  }
0xcd: {  	p0 =	sne.s32 s8, $0x7D00;
	s8 =	sadd.s32 $0xC80, s8;
	_ =	swait.ge [sflag:s31], $0x500  }
0xce: {  	s9 =	sshra.s32 s9, $0x2;
	[sflag:s31] =	ssyncset.done $0x0  }
0xcf: {  	s10 =	sadd.s32 $0x2710, s9;
	[sflag:s31] =	ssyncadd.s32 $0xFFFFFB00  }
0xd0: {  	[spmem:s2] =	stream.indirect.scatter.add.f32 [tilespmem:s19], [sflag:$0x3], $0x10, s10, s17, $0xb8;
	[tilespmem:$0x148A0] =	vst v63  }
0xd1: {  	_ =	swait.ge [sflag:s31], $0x500  }
0xd2: {  	[sflag:s31] =	ssyncset.done $0x0  }
0xd3: {  	s10 =	sadd.s32 $0x2760, s9;
	[sflag:s31] =	ssyncadd.s32 $0xFFFFFB00  }
0xd4: {  	[spmem:s2] =	stream.indirect.scatter.add.f32 [tilespmem:s21], [sflag:$0x3], $0x10, s10, s17, $0xb8;
	[tilespmem:$0x148A0] =	vst v63  }
0xd5: {  	_ =	swait.ge [sflag:s31], $0x500  }
0xd6: {  	[sflag:s31] =	ssyncset.done $0x0  }
0xd7: {  	s10 =	sadd.s32 $0x27B0, s9;
	[sflag:s31] =	ssyncadd.s32 $0xFFFFFB00  }
0xd8: {  	[spmem:s2] =	stream.indirect.scatter.add.f32 [tilespmem:s23], [sflag:$0x3], $0x10, s10, s17, $0xb8;
	[tilespmem:$0x148A0] =	vst v63  }
0xd9: {  	_ =	swait.ge [sflag:s31], $0x500  }
0xda: {  	[sflag:s31] =	ssyncset.done $0x0  }
0xdb: {  	s10 =	sadd.s32 $0x2800, s9;
	[sflag:s31] =	ssyncadd.s32 $0xFFFFFB00  }
0xdc: {  	[spmem:s2] =	stream.indirect.scatter.add.f32 [tilespmem:s25], [sflag:$0x3], $0x10, s10, s17, $0xb8;
	[tilespmem:$0x148A0] =	vst v63  }
0xdd: {  	_ =	swait.ge [sflag:s31], $0x500  }
0xde: {  	[sflag:s31] =	ssyncset.done $0x0  }
0xdf: {  	s10 =	sadd.s32 $0x2850, s9;
	[sflag:s31] =	ssyncadd.s32 $0xFFFFFB00  }
0xe0: {  	[spmem:s2] =	stream.indirect.scatter.add.f32 [tilespmem:s28], [sflag:$0x3], $0x10, s10, s17, $0xb8;
	[tilespmem:$0x148A0] =	vst v63  }
0xe1: {  	_ =	swait.ge [sflag:s1], $0x500  }
0xe2: {  	[sflag:s1] =	ssyncset.done $0x0  }
0xe3: {  	[sflag:s1] =	ssyncadd.s32 $0xFFFFFB00  }
0xe4: {  	_ =	swait.ge [sflag:s1], $0x500  }
0xe5: {  	[sflag:s1] =	ssyncset.done $0x0  }
0xe6: {  	[sflag:s1] =	ssyncadd.s32 $0xFFFFFB00  }
0xe7: {  	_ =	swait.ge [sflag:s1], $0x500  }
0xe8: {  	[sflag:s1] =	ssyncset.done $0x0  }
0xe9: {  	[sflag:s1] =	ssyncadd.s32 $0xFFFFFB00  }
0xea: {  	_ =	swait.ge [sflag:s1], $0x500  }
0xeb: {  	[sflag:s1] =	ssyncset.done $0x0  }
0xec: {  	[sflag:s1] =	ssyncadd.s32 $0xFFFFFB00  }
0xed: {  	_ =	swait.ge [sflag:s1], $0x500  }
0xee: {  	[sflag:s1] =	ssyncset.done $0x0  }
0xef: {  	s10 =	sadd.s32 $0x320, s9;
	[sflag:s1] =	ssyncadd.s32 $0xFFFFFB00  }
0xf0: {  	[tilespmem:s19], [sflag:$0x1] =	stream.indirect.gather [spmem:s3], $0x10, s10, s17, $0xb8;
	[tilespmem:$0x148A0] =	vst v63  }
0xf1: {  	s10 =	sadd.s32 $0x370, s9  }
0xf2: {  	[tilespmem:s21], [sflag:$0x1] =	stream.indirect.gather [spmem:s3], $0x10, s10, s17, $0xb8;
	[tilespmem:$0x148A0] =	vst v63  }
0xf3: {  	s10 =	sadd.s32 $0x3C0, s9  }
0xf4: {  	[tilespmem:s23], [sflag:$0x1] =	stream.indirect.gather [spmem:s3], $0x10, s10, s17, $0xb8;
	[tilespmem:$0x148A0] =	vst v63  }
0xf5: {  	s10 =	sadd.s32 $0x410, s9  }
0xf6: {  	[tilespmem:s25], [sflag:$0x1] =	stream.indirect.gather [spmem:s3], $0x10, s10, s17, $0xb8;
	[tilespmem:$0x148A0] =	vst v63  }
0xf7: {  	s10 =	sadd.s32 $0x460, s9  }
0xf8: {  	[tilespmem:s28], [sflag:$0x1] =	stream.indirect.gather [spmem:s3], $0x10, s10, s17, $0xb8;
	[tilespmem:$0x148A0] =	vst v63  }
0xf9: {  	_ =	swait.ge [sflag:s22], $0x500  }
0xfa: {  	[sflag:s22] =	ssyncset.done $0x0  }
0xfb: {  	s10 =	sadd.s32 $0x28A0, s9;
	[sflag:s22] =	ssyncadd.s32 $0xFFFFFB00  }
0xfc: {  	[spmem:s2] =	stream.indirect.scatter.add.f32 [tilespmem:s30], [sflag:$0x4], $0x10, s10, s17, $0xb8;
	[tilespmem:$0x148A0] =	vst v63  }
0xfd: {  	_ =	swait.ge [sflag:s22], $0x500  }
0xfe: {  	[sflag:s22] =	ssyncset.done $0x0  }
0xff: {  	s10 =	sadd.s32 $0x28F0, s9;
	[sflag:s22] =	ssyncadd.s32 $0xFFFFFB00  }
0x100: {  	[spmem:s2] =	stream.indirect.scatter.add.f32 [tilespmem:s0], [sflag:$0x4], $0x10, s10, s17, $0xb8;
	[tilespmem:$0x148A0] =	vst v63  }
0x101: {  	_ =	swait.ge [sflag:s22], $0x500  }
0x102: {  	[sflag:s22] =	ssyncset.done $0x0  }
0x103: {  	s10 =	sadd.s32 $0x2940, s9;
	[sflag:s22] =	ssyncadd.s32 $0xFFFFFB00  }
0x104: {  	[spmem:s2] =	stream.indirect.scatter.add.f32 [tilespmem:s15], [sflag:$0x4], $0x10, s10, s17, $0xb8;
	[tilespmem:$0x148A0] =	vst v63  }
0x105: {  	_ =	swait.ge [sflag:s22], $0x500  }
0x106: {  	[sflag:s22] =	ssyncset.done $0x0  }
0x107: {  	s10 =	sadd.s32 $0x2990, s9;
	[sflag:s22] =	ssyncadd.s32 $0xFFFFFB00  }
0x108: {  	[spmem:s2] =	stream.indirect.scatter.add.f32 [tilespmem:s24], [sflag:$0x4], $0x10, s10, s17, $0xb8;
	[tilespmem:$0x148A0] =	vst v63  }
0x109: {  	_ =	swait.ge [sflag:s22], $0x500  }
0x10a: {  	[sflag:s22] =	ssyncset.done $0x0  }
0x10b: {  	s10 =	sadd.s32 $0x29E0, s9;
	[sflag:s22] =	ssyncadd.s32 $0xFFFFFB00  }
0x10c: {  	[spmem:s2] =	stream.indirect.scatter.add.f32 [tilespmem:s29], [sflag:$0x4], $0x10, s10, s17, $0xb8;
	[tilespmem:$0x148A0] =	vst v63  }
0x10d: {  	_ =	swait.ge [sflag:s26], $0x500  }
0x10e: {  	[sflag:s26] =	ssyncset.done $0x0  }
0x10f: {  	[sflag:s26] =	ssyncadd.s32 $0xFFFFFB00  }
0x110: {  	_ =	swait.ge [sflag:s26], $0x500  }
0x111: {  	[sflag:s26] =	ssyncset.done $0x0  }
0x112: {  	[sflag:s26] =	ssyncadd.s32 $0xFFFFFB00  }
0x113: {  	_ =	swait.ge [sflag:s26], $0x500  }
0x114: {  	[sflag:s26] =	ssyncset.done $0x0  }
0x115: {  	[sflag:s26] =	ssyncadd.s32 $0xFFFFFB00  }
0x116: {  	_ =	swait.ge [sflag:s26], $0x500  }
0x117: {  	[sflag:s26] =	ssyncset.done $0x0  }
0x118: {  	[sflag:s26] =	ssyncadd.s32 $0xFFFFFB00  }
0x119: {  	_ =	swait.ge [sflag:s26], $0x500  }
0x11a: {  	[sflag:s26] =	ssyncset.done $0x0  }
0x11b: {  	s10 =	sadd.s32 $0x4B0, s9;
	[sflag:s26] =	ssyncadd.s32 $0xFFFFFB00  }
0x11c: {  	[tilespmem:s30], [sflag:$0x2] =	stream.indirect.gather [spmem:s3], $0x10, s10, s17, $0xb8;
	[tilespmem:$0x148A0] =	vst v63  }
0x11d: {  	s10 =	sadd.s32 $0x500, s9  }
0x11e: {  	[tilespmem:s0], [sflag:$0x2] =	stream.indirect.gather [spmem:s3], $0x10, s10, s17, $0xb8;
	[tilespmem:$0x148A0] =	vst v63  }
.Ltmp2:
0x11f: {  	s10 =	sadd.s32 $0x550, s9;
	(pc) =	sbr.rel @p0 .LBB2_6-.Ltmp2, $4  }
0x120: {  	[tilespmem:s15], [sflag:$0x2] =	stream.indirect.gather [spmem:s3], $0x10, s10, s17, $0xb8;
	[tilespmem:$0x148A0] =	vst v63  }
0x121: {  	s10 =	sadd.s32 $0x5A0, s9  }
0x122: {  	[tilespmem:s24], [sflag:$0x2] =	stream.indirect.gather [spmem:s3], $0x10, s10, s17, $0xb8;
	[tilespmem:$0x148A0] =	vst v63  }
0x123: {  	s9 =	sadd.s32 $0x5F0, s9  }
0x124: {  	[tilespmem:s29], [sflag:$0x2] =	stream.indirect.gather [spmem:s3], $0x10, s9, s17, $0xb8;
	[tilespmem:$0x148A0] =	vst v63  }
0x125: {  	_ =	swait.ge [sflag:s31], $0x500  }
0x126: {  	[sflag:s31] =	ssyncset.done $0x0  }
0x127: {  	s8 =	simm.s32 $0x4970;
	[sflag:s31] =	ssyncadd.s32 $0xFFFFFB00  }
0x128: {  	[spmem:s2] =	stream.indirect.scatter.add.f32 [tilespmem:s19], [sflag:$0x3], $0x10, s8, s17, $0xb8;
	[tilespmem:$0x148A0] =	vst v63  }
0x129: {  	_ =	swait.ge [sflag:s31], $0x500  }
0x12a: {  	[sflag:s31] =	ssyncset.done $0x0  }
0x12b: {  	s11 =	simm.s32 $0x49C0;
	[sflag:s31] =	ssyncadd.s32 $0xFFFFFB00  }
0x12c: {  	[spmem:s2] =	stream.indirect.scatter.add.f32 [tilespmem:s21], [sflag:$0x3], $0x10, s11, s17, $0xb8;
	[tilespmem:$0x148A0] =	vst v63  }
0x12d: {  	_ =	swait.ge [sflag:s31], $0x500  }
0x12e: {  	[sflag:s31] =	ssyncset.done $0x0  }
0x12f: {  	s9 =	simm.s32 $0x4A10;
	[sflag:s31] =	ssyncadd.s32 $0xFFFFFB00  }
0x130: {  	[spmem:s2] =	stream.indirect.scatter.add.f32 [tilespmem:s23], [sflag:$0x3], $0x10, s9, s17, $0xb8;
	[tilespmem:$0x148A0] =	vst v63  }
0x131: {  	_ =	swait.ge [sflag:s31], $0x500  }
0x132: {  	[sflag:s31] =	ssyncset.done $0x0  }
0x133: {  	s10 =	simm.s32 $0x4A60;
	[sflag:s31] =	ssyncadd.s32 $0xFFFFFB00  }
0x134: {  	[spmem:s2] =	stream.indirect.scatter.add.f32 [tilespmem:s25], [sflag:$0x3], $0x10, s10, s17, $0xb8;
	[tilespmem:$0x148A0] =	vst v63  }
0x135: {  	_ =	swait.ge [sflag:s31], $0x500  }
0x136: {  	[sflag:s31] =	ssyncset.done $0x0  }
0x137: {  	s11 =	simm.s32 $0x4AB0;
	[sflag:s31] =	ssyncadd.s32 $0xFFFFFB00  }
0x138: {  	[spmem:s2] =	stream.indirect.scatter.add.f32 [tilespmem:s28], [sflag:$0x3], $0x10, s11, s17, $0xb8;
	[tilespmem:$0x148A0] =	vst v63  }
0x139: {  	_ =	swait.ge [sflag:s1], $0x500  }
0x13a: {  	[sflag:s1] =	ssyncset.done $0x0  }
0x13b: {  	[sflag:s1] =	ssyncadd.s32 $0xFFFFFB00  }
0x13c: {  	_ =	swait.ge [sflag:s1], $0x500  }
0x13d: {  	[sflag:s1] =	ssyncset.done $0x0  }
0x13e: {  	[sflag:s1] =	ssyncadd.s32 $0xFFFFFB00  }
0x13f: {  	_ =	swait.ge [sflag:s1], $0x500  }
0x140: {  	[sflag:s1] =	ssyncset.done $0x0  }
0x141: {  	[sflag:s1] =	ssyncadd.s32 $0xFFFFFB00  }
0x142: {  	_ =	swait.ge [sflag:s1], $0x500  }
0x143: {  	[sflag:s1] =	ssyncset.done $0x0  }
0x144: {  	[sflag:s1] =	ssyncadd.s32 $0xFFFFFB00  }
0x145: {  	_ =	swait.ge [sflag:s1], $0x500  }
0x146: {  	[sflag:s1] =	ssyncset.done $0x0  }
0x147: {  	s9 =	simm.s32 $0x2580;
	[sflag:s1] =	ssyncadd.s32 $0xFFFFFB00  }
0x148: {  	[tilespmem:s19], [sflag:$0x1] =	stream.indirect.gather [spmem:s3], $0x10, s9, s17, $0xb8;
	[tilespmem:$0x148A0] =	vst v63  }
0x149: {  	s10 =	simm.s32 $0x25D0  }
0x14a: {  	[tilespmem:s21], [sflag:$0x1] =	stream.indirect.gather [spmem:s3], $0x10, s10, s17, $0xb8;
	[tilespmem:$0x148A0] =	vst v63  }
0x14b: {  	s11 =	simm.s32 $0x2620  }
0x14c: {  	[tilespmem:s23], [sflag:$0x1] =	stream.indirect.gather [spmem:s3], $0x10, s11, s17, $0xb8;
	[tilespmem:$0x148A0] =	vst v63  }
0x14d: {  	s9 =	simm.s32 $0x2670  }
0x14e: {  	[tilespmem:s25], [sflag:$0x1] =	stream.indirect.gather [spmem:s3], $0x10, s9, s17, $0xb8;
	[tilespmem:$0x148A0] =	vst v63  }
0x14f: {  	s10 =	simm.s32 $0x26C0  }
0x150: {  	[tilespmem:s28], [sflag:$0x1] =	stream.indirect.gather [spmem:s3], $0x10, s10, s17, $0xb8;
	[tilespmem:$0x148A0] =	vst v63  }
0x151: {  	_ =	swait.ge [sflag:s22], $0x500  }
0x152: {  	[sflag:s22] =	ssyncset.done $0x0  }
0x153: {  	s11 =	simm.s32 $0x4B00;
	[sflag:s22] =	ssyncadd.s32 $0xFFFFFB00  }
0x154: {  	[spmem:s2] =	stream.indirect.scatter.add.f32 [tilespmem:s30], [sflag:$0x4], $0x10, s11, s17, $0xb8;
	[tilespmem:$0x148A0] =	vst v63  }
0x155: {  	_ =	swait.ge [sflag:s22], $0x500  }
0x156: {  	[sflag:s22] =	ssyncset.done $0x0  }
0x157: {  	s9 =	simm.s32 $0x4B50;
	[sflag:s22] =	ssyncadd.s32 $0xFFFFFB00  }
0x158: {  	[spmem:s2] =	stream.indirect.scatter.add.f32 [tilespmem:s0], [sflag:$0x4], $0x10, s9, s17, $0xb8;
	[tilespmem:$0x148A0] =	vst v63  }
0x159: {  	_ =	swait.ge [sflag:s22], $0x500  }
0x15a: {  	[sflag:s22] =	ssyncset.done $0x0  }
0x15b: {  	s10 =	simm.s32 $0x4BA0;
	[sflag:s22] =	ssyncadd.s32 $0xFFFFFB00  }
0x15c: {  	[spmem:s2] =	stream.indirect.scatter.add.f32 [tilespmem:s15], [sflag:$0x4], $0x10, s10, s17, $0xb8;
	[tilespmem:$0x148A0] =	vst v63  }
0x15d: {  	_ =	swait.ge [sflag:s22], $0x500  }
0x15e: {  	[sflag:s22] =	ssyncset.done $0x0  }
0x15f: {  	s11 =	simm.s32 $0x4BF0;
	[sflag:s22] =	ssyncadd.s32 $0xFFFFFB00  }
0x160: {  	[spmem:s2] =	stream.indirect.scatter.add.f32 [tilespmem:s24], [sflag:$0x4], $0x10, s11, s17, $0xb8;
	[tilespmem:$0x148A0] =	vst v63  }
0x161: {  	_ =	swait.ge [sflag:s22], $0x500  }
0x162: {  	[sflag:s22] =	ssyncset.done $0x0  }
0x163: {  	s9 =	simm.s32 $0x4C40;
	[sflag:s22] =	ssyncadd.s32 $0xFFFFFB00  }
0x164: {  	[spmem:s2] =	stream.indirect.scatter.add.f32 [tilespmem:s29], [sflag:$0x4], $0x10, s9, s17, $0xb8;
	[tilespmem:$0x148A0] =	vst v63  }
0x165: {  	_ =	swait.ge [sflag:s26], $0x500  }
0x166: {  	[sflag:s26] =	ssyncset.done $0x0  }
0x167: {  	[sflag:s26] =	ssyncadd.s32 $0xFFFFFB00  }
0x168: {  	_ =	swait.ge [sflag:s26], $0x500  }
0x169: {  	[sflag:s26] =	ssyncset.done $0x0  }
0x16a: {  	[sflag:s26] =	ssyncadd.s32 $0xFFFFFB00  }
0x16b: {  	_ =	swait.ge [sflag:s26], $0x500  }
0x16c: {  	[sflag:s26] =	ssyncset.done $0x0  }
0x16d: {  	[sflag:s26] =	ssyncadd.s32 $0xFFFFFB00  }
0x16e: {  	_ =	swait.ge [sflag:s26], $0x500  }
0x16f: {  	[sflag:s26] =	ssyncset.done $0x0  }
0x170: {  	[sflag:s26] =	ssyncadd.s32 $0xFFFFFB00  }
0x171: {  	_ =	swait.ge [sflag:s26], $0x500  }
0x172: {  	[sflag:s26] =	ssyncset.done $0x0  }
0x173: {  	[sflag:s26] =	ssyncadd.s32 $0xFFFFFB00  }
0x174: {  	_ =	swait.ge [sflag:s31], $0x500  }
0x175: {  	[sflag:s31] =	ssyncset.done $0x0  }
0x176: {  	s10 =	simm.s32 $0x4C90;
	[sflag:s31] =	ssyncadd.s32 $0xFFFFFB00  }
0x177: {  	[spmem:s2] =	stream.indirect.scatter.add.f32 [tilespmem:s19], [sflag:$0x3], $0x10, s10, s17, $0xb8;
	[tilespmem:$0x148A0] =	vst v63  }
0x178: {  	_ =	swait.ge [sflag:s31], $0x500  }
0x179: {  	[sflag:s31] =	ssyncset.done $0x0  }
0x17a: {  	s11 =	simm.s32 $0x4CE0;
	[sflag:s31] =	ssyncadd.s32 $0xFFFFFB00  }
0x17b: {  	[spmem:s2] =	stream.indirect.scatter.add.f32 [tilespmem:s21], [sflag:$0x3], $0x10, s11, s17, $0xb8;
	[tilespmem:$0x148A0] =	vst v63  }
0x17c: {  	_ =	swait.ge [sflag:s31], $0x500  }
0x17d: {  	[sflag:s31] =	ssyncset.done $0x0  }
0x17e: {  	s9 =	simm.s32 $0x4D30;
	[sflag:s31] =	ssyncadd.s32 $0xFFFFFB00  }
0x17f: {  	[spmem:s2] =	stream.indirect.scatter.add.f32 [tilespmem:s23], [sflag:$0x3], $0x10, s9, s17, $0xb8;
	[tilespmem:$0x148A0] =	vst v63  }
0x180: {  	_ =	swait.ge [sflag:s31], $0x500  }
0x181: {  	[sflag:s31] =	ssyncset.done $0x0  }
0x182: {  	s10 =	simm.s32 $0x4D80;
	[sflag:s31] =	ssyncadd.s32 $0xFFFFFB00  }
0x183: {  	[spmem:s2] =	stream.indirect.scatter.add.f32 [tilespmem:s25], [sflag:$0x3], $0x10, s10, s17, $0xb8;
	[tilespmem:$0x148A0] =	vst v63  }
0x184: {  	_ =	swait.ge [sflag:s31], $0x500  }
0x185: {  	[sflag:s31] =	ssyncset.done $0x0  }
0x186: {  	s11 =	simm.s32 $0x4DD0;
	[sflag:s31] =	ssyncadd.s32 $0xFFFFFB00  }
0x187: {  	[spmem:s2] =	stream.indirect.scatter.add.f32 [tilespmem:s28], [sflag:$0x3], $0x10, s11, s17, $0xb8;
	[tilespmem:$0x148A0] =	vst v63  }
0x188: {  	_ =	swait.ge [sflag:s1], $0x500  }
0x189: {  	[sflag:s1] =	ssyncset.done $0x0  }
0x18a: {  	[sflag:s1] =	ssyncadd.s32 $0xFFFFFB00  }
0x18b: {  	_ =	swait.ge [sflag:s1], $0x500  }
0x18c: {  	[sflag:s1] =	ssyncset.done $0x0  }
0x18d: {  	[sflag:s1] =	ssyncadd.s32 $0xFFFFFB00  }
0x18e: {  	_ =	swait.ge [sflag:s1], $0x500  }
0x18f: {  	[sflag:s1] =	ssyncset.done $0x0  }
0x190: {  	[sflag:s1] =	ssyncadd.s32 $0xFFFFFB00  }
0x191: {  	_ =	swait.ge [sflag:s1], $0x500  }
0x192: {  	[sflag:s1] =	ssyncset.done $0x0  }
0x193: {  	[sflag:s1] =	ssyncadd.s32 $0xFFFFFB00  }
0x194: {  	_ =	swait.ge [sflag:s1], $0x500  }
0x195: {  	[sflag:s1] =	ssyncset.done $0x0  }
0x196: {  	[sflag:s1] =	ssyncadd.s32 $0xFFFFFB00  }
0x197: {  	[bflag:$0x0] =	sbarrier.arrive $0xFFFF  }
0x198: {  	[tilespmem:s4], [sflag:$0x5] =	stream.linear.gather [spmem:s5], $0x2800, $0x38;
	[tilespmem:$0x148A0] =	vst v63  }
0x199: {  	_ =	swait.ge [sflag:s12], $0x2800  }
0x19a: {  	[sflag:s12] =	ssyncset.done $0x0  }
0x19b: {  	s8 =	simm.s32 $0x0;
	[sflag:s12] =	ssyncadd.s32 $0xFFFFD800  }
0x19c: {  	v5 =	vld [tilespmem:s8+$0x8090]  }
0x19d: {  	v6 =	vld [tilespmem:s8+$0x8020]  }
0x19e: {  	v7 =	vld [tilespmem:s8+$0x8030]  }
0x19f: {  	v4 =	vld [tilespmem:s8+$0x8040]  }
0x1a0: {  	v2 =	vld [tilespmem:s8+$0x8050]  }
0x1a1: {  	v3 =	vld [tilespmem:s8+$0x8060];
	[tilespmem:s8+$0xA890] =	vst v5  }
0x1a2: {  	[tilespmem:s8+$0xA820] =	vst v6;
	v5 =	vld [tilespmem:s8+$0x8070]  }
0x1a3: {  	s9 =	simm.s32 $0x80;
	s10 =	simm.s32 $0x400;
	[tilespmem:s8+$0xA830] =	vst v7;
	v6 =	vld [tilespmem:s8+$0x8080]  }
.LBB2_8:
0x1a4: {  	p0 =	sne.s32 s10, $0x9E00;
	v7 =	vld [tilespmem:s9+$0x8090];
	[tilespmem:s8+$0xA840] =	vst v4  }
0x1a5: {  	v8 =	vld [tilespmem:s9+$0x8020];
	[tilespmem:s8+$0xA850] =	vst v2  }
0x1a6: {  	v9 =	vld [tilespmem:s9+$0x8030];
	[tilespmem:s8+$0xA860] =	vst v3  }
.Ltmp3:
0x1a7: {  	v4 =	vld [tilespmem:s9+$0x8040];
	[tilespmem:s8+$0xA870] =	vst v5;
	(pc) =	sbr.rel @p0 .LBB2_8-.Ltmp3, $4  }
0x1a8: {  	v2 =	vld [tilespmem:s9+$0x8050];
	[tilespmem:s8+$0xA880] =	vst v6;
	s8 =	smov.u32 s9  }
0x1a9: {  	v3 =	vld [tilespmem:s8+$0x8060];
	[tilespmem:s8+$0xA890] =	vst v7  }
0x1aa: {  	[tilespmem:s8+$0xA820] =	vst v8;
	v5 =	vld [tilespmem:s8+$0x8070]  }
0x1ab: {  	s9 =	sshra.s32 s10, $0x2;
	s10 =	sadd.s32 $0x200, s10;
	[tilespmem:s8+$0xA830] =	vst v9;
	v6 =	vld [tilespmem:s8+$0x8080]  }
0x1ac: {  	v7 =	vld [tilespmem:s9+$0x8090];
	[tilespmem:s8+$0xA840] =	vst v4  }
0x1ad: {  	v4 =	vld [tilespmem:s9+$0x8020];
	[tilespmem:s8+$0xA850] =	vst v2  }
0x1ae: {  	v2 =	vld [tilespmem:s9+$0x8030];
	[tilespmem:s8+$0xA860] =	vst v3  }
0x1af: {  	v3 =	vld [tilespmem:s9+$0x8040];
	[tilespmem:s8+$0xA870] =	vst v5  }
0x1b0: {  	v5 =	vld [tilespmem:s9+$0x8050];
	[tilespmem:s8+$0xA880] =	vst v6  }
0x1b1: {  	v6 =	vld [tilespmem:s9+$0x8060];
	[tilespmem:s9+$0xA890] =	vst v7  }
0x1b2: {  	v63 =	vld [tilespmem:s9+$0x8070];
	[tilespmem:s9+$0xA820] =	vst v4  }
0x1b3: {  	[tilespmem:s9+$0xA830] =	vst v2;
	v2 =	vld [tilespmem:s9+$0x8080]  }
0x1b4: {  	[tilespmem:s9+$0xA840] =	vst v3  }
0x1b5: {  	[tilespmem:s9+$0xA850] =	vst v5  }
0x1b6: {  	[tilespmem:s9+$0xA860] =	vst v6  }
0x1b7: {  	[tilespmem:s9+$0xA870] =	vst v63  }
0x1b8: {  	s11 =	rddreg [dreg:$0x7];
	s10 =	simm.s32 $0xA820;
	[tilespmem:s9+$0xA880] =	vst v2;
	s9 =	simm.s32 $0x0  }
0x1b9: {  	[hbm4b:s11+s9] =	stream.linear.scatter [tilespmem:s10], [sflag:$0x5], $0x2800, $0x38;
	[tilespmem:$0x148A0] =	vst v63  }
0x1ba: {  	_ =	swait.ge [sflag:s12], $0x2800  }
0x1bb: {  	s7 =	sadd.s32 $0x1, s7;
	s11 =	rddreg [dreg:$0x8]  }
0x1bc: {  	p0 =	sne.s32 s7, s11  }
.Ltmp4:
0x1bd: {  	_ = 	snop;
	(pc) =	sbr.rel @p0 .LBB2_1-.Ltmp4, $3  }
0x1be: {  	_ =	sdelay $0x1  }
0x1bf: {  	[sflag:s12] =	ssyncset.done $0x0  }
0x1c0: {  	[sflag:s12] =	ssyncadd.s32 $0xFFFFD800  }
0x1c1: {  	_ =	sfence.sel $0x180000  }
0x1c2: {  	[bflag:$0x0] =	sbarrier.arrive $0xFFFF  }
0x1c3: {  	_ =	strace $0x90000047  }
0x1c4: {  	s0 =	stileid.u32;
	[bflag:$0x2] =	sbarrier.arrive $0xFFFF  }
0x1c5: {  	p0 =	sne.s32 s0, $0x0;
	s0 =	rddreg [dreg:$0x3]  }
0x1c6: {  	s0 =	sadd.s32 @!p0 $0x100000, s0  }
0x1c7: {  	[sflag:s0] =	ssyncadd.tile.s32 @!p0 $0x1;
	_ =	shalt  }
.Lfunc_end2:
_tile_overlayer_lowered:
.L_overlay_start_2:
0x1c8: {  	(tag) =	ssettag $0x2  }
0x1c9: {  	s0 =	rddreg [dreg:$0x0];
	s2 =	stileid.u32  }
0x1ca: {  	s1 =	rddreg [dreg:$0x1];
	p0 =	sne.s32 s2, $0x0  }
0x1cb: {  	s3 =	rddreg [dreg:$0x2];
	[bflag:$0x3] =	sbarrier.arrive $0xFFFF;
	s2 =	simm.s32 @!p0 $0x1C05  }
0x1cc: {  	[timem:s3], [sflag:s2] =	dma.local @!p0 [hbm:s0], s1  }
0x1cd: {  	s0 =	simm.s32 @!p0 $0x5  }
0x1ce: {  	_ =	swait.ge @!p0 [sflag:s0], s1  }
0x1cf: {  	s1 =	ssub.s32 @!p0 $0x0, s1;
	[sflag:s0] =	ssyncset.done @!p0 $0x0  }
0x1d0: {  	[sflag:s0] =	ssyncadd.s32 @!p0 s1  }
0x1d1: {  	[bflag:$0x3] =	sbarrier.arrive $0xFFFF  }
0x1d2: {  	_ =	shalt  }

// kernel: kernel.9.cloned.1.call-start
scs
__scs_entry_jumppad:
0x0: {  	(pc) =	sbr.rel $0x88, $3  }
0x1: {  	(tag) =	ssettag $0x0;
	lr =	simm.s32 $0x1  }
0x2: {  	[smem:$0x3F9D] =	sst lr;
	_ =	strace $0xD0000000  }
0x3: {  	_ = 	snop  }
0x4: {  	_ = 	snop  }
0x5: {  	_ = 	snop  }
0x6: {  	_ = 	snop  }
0x7: {  	_ = 	snop  }
__scs_overlays_trampoline_lowered:
0x8: {  	[smem:$0x3FAC] =	sst s0  }
0x9: {  	[smem:$0x3FAD] =	sst s1  }
0xa: {  	[smem:$0x3FAE] =	sst s2  }
0xb: {  	[smem:$0x3FAF] =	sst s3  }
0xc: {  	[smem:$0x3FB0] =	sst s4  }
0xd: {  	[smem:$0x3FB1] =	sst s5  }
0xe: {  	[smem:$0x3FB2] =	sst s6  }
0xf: {  	[smem:$0x3FB3] =	sst s7  }
0x10: {  	[smem:$0x3FB4] =	sst s8  }
0x11: {  	[smem:$0x3FB5] =	sst s9;
	s0 =	simm.s32 @!p0 $0x0  }
0x12: {  	s1 =	sld [smem:$0x3F9B];
	s0 =	simm.s32 @p0 $0x1  }
0x13: {  	[smem:$0x3FB6] =	sst s0;
	s0 =	simm.s32 @!p1 $0x0  }
0x14: {  	s2 =	sld [smem:$0x3F9A];
	s0 =	simm.s32 @p1 $0x1  }
0x15: {  	[smem:$0x3FB7] =	sst s0;
	s0 =	simm.s32 @!p2 $0x0  }
0x16: {  	s3 =	sld [smem:$0x3FDB];
	s0 =	simm.s32 @p2 $0x1  }
0x17: {  	s4 =	simm.s32 $0x1BF5;
	[smem:$0x3FB9] =	sst s0  }
0x18: {  	s0 =	sld [smem:$0x3F9C];
	_ =	swait.ge [sflag:s4], $0x0  }
0x19: {  	s7 =	sld [smem:$0x3F9D]  }
0x1a: {  	s8 =	sadd.s32 $0xFFFFE003, lr  }
0x1b: {  	s9 =	sadd.s32 $0xFFFFFEF7, lr;
	s5 =	simm.s32 $0xFFFFFFFF;
	p2 =	slt.u32 s8, $0xFFFFF086  }
0x1c: {  	p1 =	slt.u32 s9, $0xF7A;
	s5 =	simm.s32 @!p2 $0x0  }
0x1d: {  	s5 =	simm.s32 @p1 $0x1;
	p0 =	seq.s32 s7, s2  }
0x1e: {  	s7 =	smul.u32 @!p0 $0xF7A, s2;
	p2 =	seq.s32 @!p0 s5, $0x0  }
0x1f: {  	s9 =	smul.u32 $0xF7A, s1;
	s8 =	simm.s32 @!p0 $0x1BF5;
	p2 =	por !p2, p0  }
0x20: {  	[sflag:s8] =	ssyncset.s32 @!p0 $0xFFFFF086;
	s6 =	sadd.s32 @!p0 s3, s7;
	s7 =	simm.s32 @!p0 $0x108  }
0x21: {  	s3 =	sadd.s32 s3, s9;
	s6 =	sadd.s32 @!p0 $0x88, s6;
	s7 =	simm.s32 @p2 $0x1082  }
0x22: {  	[simem:s7], [sflag:s8] =	dma.local @!p0 [hbm:s6], $0xF7A  }
0x23: {  	s9 =	sor.u32 $0xD0000000, s2;
	s6 =	simm.s32 $0x108;
	_ =	swait.ge @!p0 [sflag:s8], $0x0  }
0x24: {  	s3 =	sadd.s32 $0x88, s3;
	s6 =	simm.s32 @!p1 $0x1082;
	[sflag:s4] =	ssyncset.s32 $0xFFFFF086  }
0x25: {  	[simem:s6], [sflag:s4] =	dma.local [hbm:s3], $0xF7A  }
0x26: {  	[smem:$0x3F9D] =	sst s1;
	(tag) =	ssettag s2;
	_ =	strace s9  }
0x27: {  	s1 =	sld [smem:$0x3FAD]  }
0x28: {  	s2 =	sld [smem:$0x3FAE]  }
0x29: {  	s4 =	sld [smem:$0x3FB0]  }
0x2a: {  	p0 =	seq.s32 s5, $0x0;
	s5 =	sld [smem:$0x3FB1]  }
0x2b: {  	s6 =	sld [smem:$0x3FB2]  }
0x2c: {  	s7 =	sld [smem:$0x3FB3]  }
0x2d: {  	s3 =	simm.s32 $0x108;
	s8 =	sld [smem:$0x3FB4]  }
0x2e: {  	s3 =	simm.s32 @!p0 $0x1082;
	s9 =	sld [smem:$0x3FB5]  }
0x2f: {  	lr =	sadd.s32 s0, s3;
	s0 =	sld [smem:$0x3FAC]  }
0x30: {  	s3 =	sld [smem:$0x3FAF]  }
0x31: {  	[smem:$0x3FB8] =	sst s10  }
0x32: {  	s10 =	sld [smem:$0x3FB6];
	_ =	sdelay $0x3  }
0x33: {  	p0 =	seq.s32 s10, $0x1;
	s10 =	sld [smem:$0x3FB8];
	_ =	sdelay $0x3  }
0x34: {  	[smem:$0x3FB8] =	sst s10  }
0x35: {  	s10 =	sld [smem:$0x3FB7];
	_ =	sdelay $0x3  }
0x36: {  	p1 =	seq.s32 s10, $0x1;
	s10 =	sld [smem:$0x3FB8];
	_ =	sdelay $0x3  }
0x37: {  	[smem:$0x3FB8] =	sst s10  }
0x38: {  	s10 =	sld [smem:$0x3FB9]  }
0x39: {  	_ = 	snop;
	(pc) =	sbr.ind lr, $3  }
0x3a: {  	_ = 	snop  }
0x3b: {  	_ = 	snop  }
0x3c: {  	p2 =	seq.s32 s10, $0x1;
	s10 =	sld [smem:$0x3FB8]  }
0x3d: {  	_ =	shalt  }
0x3e: {  	_ =	shalt  }
0x3f: {  	_ =	shalt  }
0x40: {  	_ =	shalt  }
0x41: {  	_ =	shalt  }
0x42: {  	_ =	shalt  }
0x43: {  	_ =	shalt  }
0x44: {  	_ =	shalt  }
0x45: {  	_ =	shalt  }
0x46: {  	_ =	shalt  }
0x47: {  	_ =	shalt  }
0x48: {  	_ =	shalt  }
0x49: {  	_ =	shalt  }
0x4a: {  	_ =	shalt  }
0x4b: {  	_ =	shalt  }
0x4c: {  	_ =	shalt  }
0x4d: {  	_ =	shalt  }
0x4e: {  	_ =	shalt  }
0x4f: {  	_ =	shalt  }
0x50: {  	_ =	shalt  }
0x51: {  	_ =	shalt  }
0x52: {  	_ =	shalt  }
0x53: {  	_ =	shalt  }
0x54: {  	_ =	shalt  }
0x55: {  	_ =	shalt  }
0x56: {  	_ =	shalt  }
0x57: {  	_ =	shalt  }
0x58: {  	_ =	shalt  }
0x59: {  	_ =	shalt  }
0x5a: {  	_ =	shalt  }
0x5b: {  	_ =	shalt  }
0x5c: {  	_ =	shalt  }
0x5d: {  	_ =	shalt  }
0x5e: {  	_ =	shalt  }
0x5f: {  	_ =	shalt  }
0x60: {  	_ =	shalt  }
0x61: {  	_ =	shalt  }
0x62: {  	_ =	shalt  }
0x63: {  	_ =	shalt  }
0x64: {  	_ =	shalt  }
0x65: {  	_ =	shalt  }
0x66: {  	_ =	shalt  }
0x67: {  	_ =	shalt  }
0x68: {  	_ =	shalt  }
0x69: {  	_ =	shalt  }
0x6a: {  	_ =	shalt  }
0x6b: {  	_ =	shalt  }
0x6c: {  	_ =	shalt  }
0x6d: {  	_ =	shalt  }
0x6e: {  	_ =	shalt  }
0x6f: {  	_ =	shalt  }
0x70: {  	_ =	shalt  }
0x71: {  	_ =	shalt  }
0x72: {  	_ =	shalt  }
0x73: {  	_ =	shalt  }
0x74: {  	_ =	shalt  }
0x75: {  	_ =	shalt  }
0x76: {  	_ =	shalt  }
0x77: {  	_ =	shalt  }
0x78: {  	_ =	shalt  }
0x79: {  	_ =	shalt  }
0x7a: {  	_ =	shalt  }
0x7b: {  	_ =	shalt  }
0x7c: {  	_ =	shalt  }
0x7d: {  	_ =	shalt  }
0x7e: {  	_ =	shalt  }
0x7f: {  	_ =	shalt  }
0x80: {  	_ =	shalt  }
0x81: {  	_ =	shalt  }
0x82: {  	_ =	shalt  }
0x83: {  	_ =	shalt  }
0x84: {  	_ =	shalt  }
0x85: {  	_ =	shalt  }
0x86: {  	_ =	shalt  }
0x87: {  	_ =	shalt  }
.Lfunc_end0:
.L_simem_size_0:
called_computation.1_lowered:
.L_overlay_start_0:
0x88: {  	s2 =	sld [smem:$0x3FD9]  }
0x89: {  	s3 =	sld [smem:$0x3FFE];
	_ =	sdelay $0x1  }
0x8a: {  	s1 =	srdreg.scid  }
0x8b: {  	s0 =	sand.u32 $0x1, s1  }
0x8c: {  	s16 =	sshll.u32 s0, $0xA;
	s2 =	sadd.s32 s3, s2  }
0x8d: {  	s2 =	sadd.s32 s2, s16  }
0x8e: {  	[smem:$0x3FC4] =	sst s2  }
0x8f: {  	_ = 	snop  }
0x90: {  	(tm) =	ssettm $0x1  }
0x91: {  	s17 =	sld [smem:$0x3FFB];
	_ =	sdelay $0x3  }
0x92: {  	_ =	strace s17  }
0x93: {  	s2 =	sld [smem:$0x3FFC];
	_ =	sdelay $0x3  }
0x94: {  	_ =	strace s2  }
0x95: {  	s2 =	sld [smem:$0x3FFD];
	_ =	sdelay $0x3  }
0x96: {  	_ =	strace s2  }
0x97: {  	_ =	strace $0x8FFFFFFF  }
0x98: {  	s18 =	sld [smem:$0x3FDB];
	_ =	sdelay $0x1  }
0x99: {  	s19 =	simm.s32 $_scs_section_size  }
0x9a: {  	s4 =	simm.s32 $_size__tile_overlayer_lowered;
	s5 =	simm.s32 $_tile_overlayer_lowered  }
0x9b: {  	s22 =	simm.s32 $0x1BFF;
	s21 =	sshll.u32 s5, $0x1;
	s2 =	sadd.s32 s19, s18  }
0x9c: {  	s6 =	simm.s32 $0x0;
	s20 =	sshll.u32 s4, $0x1;
	s4 =	sadd.s32 s21, s2  }
0x9d: {  	[timem:s6], [sflag:s22] =	dma.local [hbm:s4], s20  }
0x9e: {  	_ =	swait.ge [sflag:s22], s20  }
0x9f: {  	s3 =	ssub.s32 $0x0, s20;
	[sflag:s22] =	ssyncset.done $0x0  }
0xa0: {  	[sflag:s22] =	ssyncadd.s32 s3;
	_ =	sdelay $0x1  }
0xa1: {  	s23 =	simm.s32 $0x1B8B  }
0xa2: {  	_ =	swait.ge [sflag:s23], $0x1  }
0xa3: {  	[sflag:s23] =	ssyncset.done $0x0  }
0xa4: {  	s25 =	simm.s32 $0x1B8E;
	s24 =	sld [smem:$0x3FFE];
	[sflag:s23] =	ssyncadd.s32 $0xFFFFFFFF  }
0xa5: {  	s26 =	simm.s32 $execute0_lowered;
	[smem:$0x3FD2] =	sst s25  }
0xa6: {  	s4 =	sshll.u32 s26, $0x1;
	_ =	strace $0x80000049;
	[dreg:$0x1] =	wrdreg $0xFFFFFFFF  }
0xa7: {  	s28 =	simm.s32 $_size_execute0_lowered;
	s2 =	sadd.s32 s2, s4;
	[dreg:$0x0] =	wrdreg $0x0  }
0xa8: {  	s4 =	sshll.u32 s28, $0x1;
	[dreg:$0x2] =	wrdreg s2  }
0xa9: {  	[dreg:$0x3] =	wrdreg s4  }
0xaa: {  	[dreg:$0x4] =	wrdreg $0xC0  }
0xab: {  	_ =	task [dreg:s6], $0x5FFFF  }
0xac: {  	[dreg:$0x1] =	wrdreg $0xFFFFFFFF  }
0xad: {  	[dreg:$0x0] =	wrdreg $0x60  }
0xae: {  	[dreg:$0x2] =	wrdreg s24  }
0xaf: {  	[dreg:$0x3] =	wrdreg $0xF8200  }
0xb0: {  	[dreg:$0x4] =	wrdreg $0x120200  }
0xb1: {  	[dreg:$0x5] =	wrdreg $0x9  }
0xb2: {  	_ =	task.clear_ibuf [dreg:s6], $0x6FFFF;
	_ =	strace $0x90000049  }
0xb3: {  	s29 =	simm.s32 $0x9;
	_ =	strace $0x8000004B  }
0xb4: {  	_ =	swait.ge [sflag:s29], $0x1  }
0xb5: {  	[sflag:s29] =	ssyncadd.s32 $0xFFFFFFFF  }
0xb6: {  	_ =	strace $0x9000004B  }
0xb7: {  	_ =	sfence  }
0xb8: {  	s30 =	sld [smem:$0x0];
	_ =	sdelay $0x2  }
0xb9: {  	s31 =	sshll.u32 s1, $0xD;
	s1 =	sshrl.u32 s1, $0x2  }
0xba: {  	s3 =	sand.u32 $0x4000, s31;
	s1 =	sadd.s32 s1, s30  }
0xbb: {  	s0 =	sor.u32 s3, s0;
	s1 =	sshll.u32 s1, $0x11  }
0xbc: {  	s0 =	sor.u32 s1, s0  }
0xbd: {  	s0 =	sadd.s32 $0x8F2B, s0  }
0xbe: {  	[sflag:s0] =	ssyncadd.remote.s32 $0x1  }
0xbf: {  	_ =	sfence.sel $0xFFFF  }
0xc0: {  	[dreg:$0x0] =	wrdreg $0xFFFFFFFF;
	(pc) =	sbr.abs _section_cstart, $3  }
0xc1: {  	[dreg:$0x1] =	wrdreg $0xFFFFFFFF  }
0xc2: {  	_ =	task.clear_ibuf [dreg:s6], $0x2FFFF;
	_ =	strace $0x9FFFFFFF  }
0xc3: {  	(tm) =	ssettm $0x7FFFFFFF  }
tec
execute0_lowered:
.L_overlay_start_1:
0x0: {  	(tag) =	ssettag $0x1  }
0x1: {  	s0 =	rddreg [dreg:$0x0]  }
0x2: {  	s2 =	rddreg [dreg:$0x1]  }
0x3: {  	s3 =	rddreg [dreg:$0x2]  }
0x4: {  	s1 =	srdreg.scid;
	s6 =	stileid.u32;
	s7 =	simm.s32 $0x0  }
0x5: {  	s13 =	simm.s32 $0x8020;
	s14 =	simm.s32 $0x5;
	s15 =	simm.s32 $0xA820  }
0x6: {  	s18 =	simm.s32 $0x50;
	s19 =	simm.s32 $0x4E20;
	s20 =	simm.s32 $0x5320  }
0x7: {  	s22 =	simm.s32 $0x5820;
	s24 =	simm.s32 $0x5D20;
	s29 =	simm.s32 $0x6720  }
0x8: {  	s31 =	simm.s32 $0x6C20;
	s16 =	simm.s32 $0x7620;
	s21 =	simm.s32 $0x7B20  }
0x9: {  	s23 =	simm.s32 $0x1;
	s28 =	simm.s32 $0x2;
	s30 =	simm.s32 $0x4  }
0xa: {  	s17 =	simm.s32 $0x0;
	s1 =	sand.u32 $0x1, s1;
	s4 =	smul.u32 $0x2800, s6  }
0xb: {  	[smem:$0x7FF] =	sst s7;
	s5 =	sshll.u32 s1, $0x4;
	s25 =	smul.u32 $0x28000, s1  }
0xc: {  	_ =	strace $0x8000004A;
	s1 =	ssub.s32 $0x2, s1;
	s5 =	sor.u32 s6, s5  }
0xd: {  	s26 =	sshrl.u32 s4, $0x3;
	s8 =	sshrl.u32 s1, $0x1;
	s5 =	smul.u32 $0x2710, s5  }
0xe: {  	s7 =	sadd.s32 s26, s0;
	s6 =	sadd.s32 s4, s25;
	s1 =	ssub.s32 s1, s8  }
0xf: {  	s8 =	sadd.s32 s4, s3;
	s26 =	simm.s32 $0x6220;
	s25 =	simm.s32 $0x3  }
0x10: {  	s6 =	sshrl.u32 s6, $0x3;
	s12 =	smax.u32 s1, $0x1;
	s5 =	sshrl.u32 s5, $0x3  }
0x11: {  	s1 =	simm.s32 $0x7120;
	s10 =	sadd.s32 s5, s0;
	s0 =	sadd.s32 s6, s0  }
0x12: {  	s5 =	sadd.s32 s4, s2;
	s6 =	sadd.s32 $0x19A00, s7;
	s7 =	sadd.s32 $0x1EA00, s7  }
0x13: {  	v0 =	vimm.f32 $0.0e+00;
	s9 =	sadd.s32 $0xFC40, s10;
	s10 =	sadd.s32 $0x6000, s10;
	s11 =	sadd.s32 $0x23A00, s0  }
.LBB2_1:
0x14: {  	s0 =	simm.s32 $0x40;
	s4 =	simm.s32 $0x0  }
.LBB2_2:
0x15: {  	p0 =	sne.s32 s0, $0x9FC0;
	[tilespmem:s4+$0x8020] =	vst v0;
	s4 =	smov.u32 s0;
	s0 =	sadd.s32 $0x40, s0  }
.Ltmp0:
0x16: {  	(pc) =	sbr.rel @p0 .LBB2_2-.Ltmp0, $2  }
0x17: {  	_ =	sdelay $0x2  }
0x18: {  	s4 =	sshra.s32 s4, $0x2  }
0x19: {  	[tilespmem:s4+$0x8020] =	vst v0  }
0x1a: {  	[spmem:s5] =	stream.linear.scatter [tilespmem:s13], [sflag:$0x5], $0x2800, $0x38;
	[tilespmem:$0x14820] =	vst v63  }
0x1b: {  	_ =	swait.ge [sflag:s14], $0x2800  }
0x1c: {  	[sflag:s14] =	ssyncset.done $0x0  }
0x1d: {  	s0 =	simm.s32 $0x0;
	[sflag:s14] =	ssyncadd.s32 $0xFFFFD800  }
0x1e: {  	[tilespmem:s15], [sflag:$0x5] =	stream.linear.gather [hbm4b:s6+s0], $0x2800, $0x38;
	[tilespmem:$0x14820] =	vst v63  }
0x1f: {  	_ =	swait.ge [sflag:s14], $0x2800  }
0x20: {  	[sflag:s14] =	ssyncset.done $0x0  }
0x21: {  	s15 =	simm.s32 $0xD020;
	[sflag:s14] =	ssyncadd.s32 $0xFFFFD800  }
0x22: {  	[tilespmem:s15], [sflag:$0x5] =	stream.linear.gather [hbm4b:s7+s0], $0x2800, $0x38;
	[tilespmem:$0x14820] =	vst v63  }
0x23: {  	_ =	swait.ge [sflag:s14], $0x2800  }
0x24: {  	[sflag:s14] =	ssyncset.done $0x0  }
0x25: {  	s0 =	simm.s32 $0x0;
	[sflag:s14] =	ssyncadd.s32 $0xFFFFD800  }
0x26: {  	v1 =	vld [tilespmem:s0+$0xA890]  }
0x27: {  	v2 =	vld [tilespmem:s0+$0xD090]  }
0x28: {  	v3 =	vld [tilespmem:s0+$0xA820]  }
0x29: {  	v4 =	vld [tilespmem:s0+$0xD020]  }
0x2a: {  	v5 =	vld [tilespmem:s0+$0xA830]  }
0x2b: {  	v6 =	vld [tilespmem:s0+$0xD030]  }
0x2c: {  	v7 =	vld [tilespmem:s0+$0xA840]  }
0x2d: {  	v1 =	vadd.f32 v2, v1;
	v2 =	vld [tilespmem:s0+$0xD040]  }
0x2e: {  	v8 =	vld [tilespmem:s0+$0xA850]  }
0x2f: {  	v9 =	vld [tilespmem:s0+$0xD050];
	v3 =	vadd.f32 v4, v3  }
0x30: {  	v10 =	vld [tilespmem:s0+$0xA860];
	v1 =	vmax.f32 v1, $0.0e+00  }
0x31: {  	[tilespmem:s0+$0x8090] =	vst v1;
	v1 =	vmax.f32 v3, $0.0e+00;
	v3 =	vadd.f32 v6, v5;
	v6 =	vld [tilespmem:s0+$0xD060]  }
0x32: {  	v4 =	vld [tilespmem:s0+$0xD070];
	v2 =	vadd.f32 v2, v7  }
0x33: {  	[tilespmem:s0+$0x8020] =	vst v1;
	v1 =	vld [tilespmem:s0+$0xA870];
	v3 =	vmax.f32 v3, $0.0e+00  }
0x34: {  	v5 =	vld [tilespmem:s0+$0xD080];
	v7 =	vadd.f32 v9, v8;
	[tilespmem:s0+$0x8030] =	vst v3;
	v3 =	vmax.f32 v2, $0.0e+00  }
0x35: {  	s4 =	simm.s32 $0x80;
	v2 =	vld [tilespmem:s0+$0xA880];
	[tilespmem:s0+$0x8040] =	vst v3  }
0x36: {  	s15 =	simm.s32 $0x400;
	v7 =	vmax.f32 v7, $0.0e+00;
	v6 =	vadd.f32 v6, v10;
	v3 =	vld [tilespmem:s4+$0xA890]  }
.LBB2_4:
0x37: {  	p0 =	sne.s32 s15, $0x9E00;
	v8 =	vld [tilespmem:s4+$0xD090];
	[tilespmem:s0+$0x8050] =	vst v7  }
0x38: {  	v7 =	vld [tilespmem:s4+$0xA820];
	v6 =	vmax.f32 v6, $0.0e+00;
	v1 =	vadd.f32 v4, v1  }
0x39: {  	v4 =	vld [tilespmem:s4+$0xD020];
	[tilespmem:s0+$0x8060] =	vst v6  }
0x3a: {  	v6 =	vld [tilespmem:s4+$0xA830];
	v1 =	vmax.f32 v1, $0.0e+00;
	v2 =	vadd.f32 v5, v2  }
0x3b: {  	v5 =	vld [tilespmem:s4+$0xD030];
	[tilespmem:s0+$0x8070] =	vst v1  }
0x3c: {  	v1 =	vld [tilespmem:s4+$0xA840];
	v3 =	vadd.f32 v8, v3;
	v2 =	vmax.f32 v2, $0.0e+00  }
0x3d: {  	v8 =	vld [tilespmem:s4+$0xD040];
	[tilespmem:s0+$0x8080] =	vst v2;
	s0 =	smov.u32 s4  }
0x3e: {  	v2 =	vadd.f32 v4, v7;
	v7 =	vld [tilespmem:s0+$0xA850];
	v3 =	vmax.f32 v3, $0.0e+00  }
0x3f: {  	v9 =	vld [tilespmem:s0+$0xD050];
	[tilespmem:s0+$0x8090] =	vst v3  }
0x40: {  	v2 =	vmax.f32 v2, $0.0e+00;
	v3 =	vadd.f32 v5, v6;
	v6 =	vld [tilespmem:s0+$0xA860]  }
0x41: {  	[tilespmem:s0+$0x8020] =	vst v2;
	v10 =	vld [tilespmem:s0+$0xD060]  }
.Ltmp1:
0x42: {  	v2 =	vmax.f32 v3, $0.0e+00;
	v3 =	vadd.f32 v8, v1;
	v1 =	vld [tilespmem:s0+$0xA870];
	(pc) =	sbr.rel @p0 .LBB2_4-.Ltmp1, $4  }
0x43: {  	[tilespmem:s0+$0x8030] =	vst v2;
	v4 =	vld [tilespmem:s0+$0xD070]  }
0x44: {  	v3 =	vmax.f32 v3, $0.0e+00;
	v7 =	vadd.f32 v9, v7;
	v2 =	vld [tilespmem:s0+$0xA880]  }
0x45: {  	s4 =	sshra.s32 s15, $0x2;
	[tilespmem:s0+$0x8040] =	vst v3;
	v5 =	vld [tilespmem:s0+$0xD080]  }
0x46: {  	s15 =	sadd.s32 $0x200, s15;
	v3 =	vld [tilespmem:s4+$0xA890];
	v7 =	vmax.f32 v7, $0.0e+00;
	v6 =	vadd.f32 v10, v6  }
0x47: {  	v8 =	vld [tilespmem:s4+$0xD090];
	[tilespmem:s0+$0x8050] =	vst v7  }
0x48: {  	v7 =	vld [tilespmem:s4+$0xA820];
	v6 =	vmax.f32 v6, $0.0e+00;
	v1 =	vadd.f32 v4, v1  }
0x49: {  	v9 =	vld [tilespmem:s4+$0xD020];
	[tilespmem:s0+$0x8060] =	vst v6  }
0x4a: {  	v57 =	vld [tilespmem:s4+$0xA830];
	v1 =	vmax.f32 v1, $0.0e+00;
	v2 =	vadd.f32 v5, v2  }
0x4b: {  	v6 =	vld [tilespmem:s4+$0xD030];
	[tilespmem:s0+$0x8070] =	vst v1  }
0x4c: {  	v1 =	vld [tilespmem:s4+$0xA840];
	v2 =	vmax.f32 v2, $0.0e+00  }
0x4d: {  	v58 =	vld [tilespmem:s4+$0xD040];
	[tilespmem:s0+$0x8080] =	vst v2  }
0x4e: {  	v2 =	vld [tilespmem:s4+$0xA850]  }
0x4f: {  	v3 =	vadd.f32 v8, v3;
	v59 =	vld [tilespmem:s4+$0xD050]  }
0x50: {  	v7 =	vadd.f32 v9, v7;
	v60 =	vld [tilespmem:s4+$0xA860]  }
0x51: {  	v3 =	vmax.f32 v3, $0.0e+00;
	v61 =	vld [tilespmem:s4+$0xA870]  }
0x52: {  	v62 =	vld [tilespmem:s4+$0xD070];
	[tilespmem:s4+$0x8090] =	vst v3;
	v3 =	vmax.f32 v7, $0.0e+00;
	v1 =	vadd.f32 v58, v1  }
0x53: {  	[tilespmem:s4+$0x8020] =	vst v3;
	v3 =	vld [tilespmem:s4+$0xD060]  }
0x54: {  	v63 =	vld [tilespmem:s4+$0xA880];
	v1 =	vmax.f32 v1, $0.0e+00  }
0x55: {  	[tilespmem:s4+$0x8040] =	vst v1;
	v1 =	vld [tilespmem:s4+$0xD080]  }
0x56: {  	v4 =	vadd.f32 v6, v57  }
0x57: {  	v2 =	vadd.f32 v59, v2  }
0x58: {  	v4 =	vmax.f32 v4, $0.0e+00;
	v3 =	vadd.f32 v3, v60  }
0x59: {  	[tilespmem:s4+$0x8030] =	vst v4;
	v4 =	vadd.f32 v62, v61;
	v2 =	vmax.f32 v2, $0.0e+00  }
0x5a: {  	[tilespmem:s4+$0x8050] =	vst v2;
	v2 =	vmax.f32 v3, $0.0e+00;
	v1 =	vadd.f32 v1, v63  }
0x5b: {  	[tilespmem:s4+$0x8060] =	vst v2;
	v2 =	vmax.f32 v4, $0.0e+00  }
0x5c: {  	[tilespmem:s4+$0x8070] =	vst v2;
	v1 =	vmax.f32 v1, $0.0e+00  }
0x5d: {  	[tilespmem:s4+$0x8080] =	vst v1  }
0x5e: {  	[spmem:s8] =	stream.linear.scatter [tilespmem:s13], [sflag:$0x5], $0x2800, $0x38;
	[tilespmem:$0x14820] =	vst v63  }
0x5f: {  	_ =	swait.ge [sflag:s14], $0x2800  }
0x60: {  	[sflag:s14] =	ssyncset.done $0x0  }
0x61: {  	s0 =	simm.s32 $0x0;
	[sflag:s14] =	ssyncadd.s32 $0xFFFFD800  }
0x62: {  	[tilespmem:s0], [sflag:$0x5] =	stream.linear.gather [hbm4b:s9+s0], $0x2710, $0x38;
	[tilespmem:$0x14820] =	vst v63  }
0x63: {  	_ =	swait.ge [sflag:s14], $0x2710  }
0x64: {  	[sflag:s14] =	ssyncset.done $0x0  }
0x65: {  	s15 =	simm.s32 $0x2710;
	[sflag:s14] =	ssyncadd.s32 $0xFFFFD8F0  }
0x66: {  	[tilespmem:s15], [sflag:$0x5] =	stream.linear.gather [hbm4b:s10+s0], $0x2710, $0x38;
	[tilespmem:$0x14820] =	vst v63  }
0x67: {  	_ =	swait.ge [sflag:s14], $0x2710  }
0x68: {  	[sflag:s14] =	ssyncset.done $0x0  }
0x69: {  	[sflag:s14] =	ssyncadd.s32 $0xFFFFD8F0  }
0x6a: {  	[bflag:$0x0] =	sbarrier.arrive $0xFFFF  }
0x6b: {  	[tilespmem:s19], [sflag:$0x1] =	stream.indirect.gather [spmem:s3], $0x10, s0, s18, $0xb8;
	[tilespmem:$0x14820] =	vst v63  }
0x6c: {  	_ = 	snop  }
0x6d: {  	[tilespmem:s20], [sflag:$0x1] =	stream.indirect.gather [spmem:s3], $0x10, s18, s18, $0xb8;
	[tilespmem:$0x14820] =	vst v63  }
0x6e: {  	s15 =	simm.s32 $0xA0  }
0x6f: {  	[tilespmem:s22], [sflag:$0x1] =	stream.indirect.gather [spmem:s3], $0x10, s15, s18, $0xb8;
	[tilespmem:$0x14820] =	vst v63  }
0x70: {  	s4 =	simm.s32 $0xF0  }
0x71: {  	[tilespmem:s24], [sflag:$0x1] =	stream.indirect.gather [spmem:s3], $0x10, s4, s18, $0xb8;
	[tilespmem:$0x14820] =	vst v63  }
0x72: {  	s15 =	simm.s32 $0x140  }
0x73: {  	[tilespmem:s26], [sflag:$0x1] =	stream.indirect.gather [spmem:s3], $0x10, s15, s18, $0xb8;
	[tilespmem:$0x14820] =	vst v63  }
0x74: {  	s4 =	simm.s32 $0x190  }
0x75: {  	[tilespmem:s29], [sflag:$0x2] =	stream.indirect.gather [spmem:s3], $0x10, s4, s18, $0xb8;
	[tilespmem:$0x14820] =	vst v63  }
0x76: {  	s15 =	simm.s32 $0x1E0  }
0x77: {  	[tilespmem:s31], [sflag:$0x2] =	stream.indirect.gather [spmem:s3], $0x10, s15, s18, $0xb8;
	[tilespmem:$0x14820] =	vst v63  }
0x78: {  	s4 =	simm.s32 $0x230  }
0x79: {  	[tilespmem:s1], [sflag:$0x2] =	stream.indirect.gather [spmem:s3], $0x10, s4, s18, $0xb8;
	[tilespmem:$0x14820] =	vst v63  }
0x7a: {  	s15 =	simm.s32 $0x280  }
0x7b: {  	[tilespmem:s16], [sflag:$0x2] =	stream.indirect.gather [spmem:s3], $0x10, s15, s18, $0xb8;
	[tilespmem:$0x14820] =	vst v63  }
0x7c: {  	s4 =	simm.s32 $0x2D0  }
0x7d: {  	[tilespmem:s21], [sflag:$0x2] =	stream.indirect.gather [spmem:s3], $0x10, s4, s18, $0xb8;
	[tilespmem:$0x14820] =	vst v63  }
0x7e: {  	_ =	swait.ge [sflag:s23], $0x500  }
0x7f: {  	[sflag:s23] =	ssyncset.done $0x0  }
0x80: {  	s15 =	simm.s32 $0x2710;
	[sflag:s23] =	ssyncadd.s32 $0xFFFFFB00  }
0x81: {  	[spmem:s2] =	stream.indirect.scatter.add.f32 [tilespmem:s19], [sflag:$0x3], $0x10, s15, s18, $0xb8;
	[tilespmem:$0x14820] =	vst v63  }
0x82: {  	_ =	swait.ge [sflag:s23], $0x500  }
0x83: {  	[sflag:s23] =	ssyncset.done $0x0  }
0x84: {  	s4 =	simm.s32 $0x2760;
	[sflag:s23] =	ssyncadd.s32 $0xFFFFFB00  }
0x85: {  	[spmem:s2] =	stream.indirect.scatter.add.f32 [tilespmem:s20], [sflag:$0x3], $0x10, s4, s18, $0xb8;
	[tilespmem:$0x14820] =	vst v63  }
0x86: {  	_ =	swait.ge [sflag:s23], $0x500  }
0x87: {  	[sflag:s23] =	ssyncset.done $0x0  }
0x88: {  	s15 =	simm.s32 $0x27B0;
	[sflag:s23] =	ssyncadd.s32 $0xFFFFFB00  }
0x89: {  	[spmem:s2] =	stream.indirect.scatter.add.f32 [tilespmem:s22], [sflag:$0x3], $0x10, s15, s18, $0xb8;
	[tilespmem:$0x14820] =	vst v63  }
0x8a: {  	_ =	swait.ge [sflag:s23], $0x500  }
0x8b: {  	[sflag:s23] =	ssyncset.done $0x0  }
0x8c: {  	s4 =	simm.s32 $0x2800;
	[sflag:s23] =	ssyncadd.s32 $0xFFFFFB00  }
0x8d: {  	[spmem:s2] =	stream.indirect.scatter.add.f32 [tilespmem:s24], [sflag:$0x3], $0x10, s4, s18, $0xb8;
	[tilespmem:$0x14820] =	vst v63  }
0x8e: {  	_ =	swait.ge [sflag:s23], $0x500  }
0x8f: {  	[sflag:s23] =	ssyncset.done $0x0  }
0x90: {  	s15 =	simm.s32 $0x2850;
	[sflag:s23] =	ssyncadd.s32 $0xFFFFFB00  }
0x91: {  	[spmem:s2] =	stream.indirect.scatter.add.f32 [tilespmem:s26], [sflag:$0x3], $0x10, s15, s18, $0xb8;
	[tilespmem:$0x14820] =	vst v63  }
0x92: {  	_ =	swait.ge [sflag:s25], $0x500  }
0x93: {  	[sflag:s25] =	ssyncset.done $0x0  }
0x94: {  	[sflag:s25] =	ssyncadd.s32 $0xFFFFFB00  }
0x95: {  	_ =	swait.ge [sflag:s25], $0x500  }
0x96: {  	[sflag:s25] =	ssyncset.done $0x0  }
0x97: {  	[sflag:s25] =	ssyncadd.s32 $0xFFFFFB00  }
0x98: {  	_ =	swait.ge [sflag:s25], $0x500  }
0x99: {  	[sflag:s25] =	ssyncset.done $0x0  }
0x9a: {  	[sflag:s25] =	ssyncadd.s32 $0xFFFFFB00  }
0x9b: {  	_ =	swait.ge [sflag:s25], $0x500  }
0x9c: {  	[sflag:s25] =	ssyncset.done $0x0  }
0x9d: {  	[sflag:s25] =	ssyncadd.s32 $0xFFFFFB00  }
0x9e: {  	_ =	swait.ge [sflag:s25], $0x500  }
0x9f: {  	[sflag:s25] =	ssyncset.done $0x0  }
0xa0: {  	s4 =	simm.s32 $0x320;
	[sflag:s25] =	ssyncadd.s32 $0xFFFFFB00  }
0xa1: {  	[tilespmem:s19], [sflag:$0x1] =	stream.indirect.gather [spmem:s3], $0x10, s4, s18, $0xb8;
	[tilespmem:$0x14820] =	vst v63  }
0xa2: {  	s15 =	simm.s32 $0x370  }
0xa3: {  	[tilespmem:s20], [sflag:$0x1] =	stream.indirect.gather [spmem:s3], $0x10, s15, s18, $0xb8;
	[tilespmem:$0x14820] =	vst v63  }
0xa4: {  	s4 =	simm.s32 $0x3C0  }
0xa5: {  	[tilespmem:s22], [sflag:$0x1] =	stream.indirect.gather [spmem:s3], $0x10, s4, s18, $0xb8;
	[tilespmem:$0x14820] =	vst v63  }
0xa6: {  	s15 =	simm.s32 $0x410  }
0xa7: {  	[tilespmem:s24], [sflag:$0x1] =	stream.indirect.gather [spmem:s3], $0x10, s15, s18, $0xb8;
	[tilespmem:$0x14820] =	vst v63  }
0xa8: {  	s4 =	simm.s32 $0x460  }
0xa9: {  	[tilespmem:s26], [sflag:$0x1] =	stream.indirect.gather [spmem:s3], $0x10, s4, s18, $0xb8;
	[tilespmem:$0x14820] =	vst v63  }
0xaa: {  	_ =	swait.ge [sflag:s28], $0x500  }
0xab: {  	[sflag:s28] =	ssyncset.done $0x0  }
0xac: {  	s15 =	simm.s32 $0x28A0;
	[sflag:s28] =	ssyncadd.s32 $0xFFFFFB00  }
0xad: {  	[spmem:s2] =	stream.indirect.scatter.add.f32 [tilespmem:s29], [sflag:$0x4], $0x10, s15, s18, $0xb8;
	[tilespmem:$0x14820] =	vst v63  }
0xae: {  	_ =	swait.ge [sflag:s28], $0x500  }
0xaf: {  	[sflag:s28] =	ssyncset.done $0x0  }
0xb0: {  	s4 =	simm.s32 $0x28F0;
	[sflag:s28] =	ssyncadd.s32 $0xFFFFFB00  }
0xb1: {  	[spmem:s2] =	stream.indirect.scatter.add.f32 [tilespmem:s31], [sflag:$0x4], $0x10, s4, s18, $0xb8;
	[tilespmem:$0x14820] =	vst v63  }
0xb2: {  	_ =	swait.ge [sflag:s28], $0x500  }
0xb3: {  	[sflag:s28] =	ssyncset.done $0x0  }
0xb4: {  	s15 =	simm.s32 $0x2940;
	[sflag:s28] =	ssyncadd.s32 $0xFFFFFB00  }
0xb5: {  	[spmem:s2] =	stream.indirect.scatter.add.f32 [tilespmem:s1], [sflag:$0x4], $0x10, s15, s18, $0xb8;
	[tilespmem:$0x14820] =	vst v63  }
0xb6: {  	_ =	swait.ge [sflag:s28], $0x500  }
0xb7: {  	[sflag:s28] =	ssyncset.done $0x0  }
0xb8: {  	s4 =	simm.s32 $0x2990;
	[sflag:s28] =	ssyncadd.s32 $0xFFFFFB00  }
0xb9: {  	[spmem:s2] =	stream.indirect.scatter.add.f32 [tilespmem:s16], [sflag:$0x4], $0x10, s4, s18, $0xb8;
	[tilespmem:$0x14820] =	vst v63  }
0xba: {  	_ =	swait.ge [sflag:s28], $0x500  }
0xbb: {  	[sflag:s28] =	ssyncset.done $0x0  }
0xbc: {  	s15 =	simm.s32 $0x29E0;
	[sflag:s28] =	ssyncadd.s32 $0xFFFFFB00  }
0xbd: {  	[spmem:s2] =	stream.indirect.scatter.add.f32 [tilespmem:s21], [sflag:$0x4], $0x10, s15, s18, $0xb8;
	[tilespmem:$0x14820] =	vst v63  }
0xbe: {  	_ =	swait.ge [sflag:s30], $0x500  }
0xbf: {  	[sflag:s30] =	ssyncset.done $0x0  }
0xc0: {  	[sflag:s30] =	ssyncadd.s32 $0xFFFFFB00  }
0xc1: {  	_ =	swait.ge [sflag:s30], $0x500  }
0xc2: {  	[sflag:s30] =	ssyncset.done $0x0  }
0xc3: {  	[sflag:s30] =	ssyncadd.s32 $0xFFFFFB00  }
0xc4: {  	_ =	swait.ge [sflag:s30], $0x500  }
0xc5: {  	[sflag:s30] =	ssyncset.done $0x0  }
0xc6: {  	[sflag:s30] =	ssyncadd.s32 $0xFFFFFB00  }
0xc7: {  	_ =	swait.ge [sflag:s30], $0x500  }
0xc8: {  	[sflag:s30] =	ssyncset.done $0x0  }
0xc9: {  	[sflag:s30] =	ssyncadd.s32 $0xFFFFFB00  }
0xca: {  	_ =	swait.ge [sflag:s30], $0x500  }
0xcb: {  	[sflag:s30] =	ssyncset.done $0x0  }
0xcc: {  	s4 =	simm.s32 $0x4B0;
	[sflag:s30] =	ssyncadd.s32 $0xFFFFFB00  }
0xcd: {  	[tilespmem:s29], [sflag:$0x2] =	stream.indirect.gather [spmem:s3], $0x10, s4, s18, $0xb8;
	[tilespmem:$0x14820] =	vst v63  }
0xce: {  	s15 =	simm.s32 $0x500  }
0xcf: {  	[tilespmem:s31], [sflag:$0x2] =	stream.indirect.gather [spmem:s3], $0x10, s15, s18, $0xb8;
	[tilespmem:$0x14820] =	vst v63  }
0xd0: {  	s4 =	simm.s32 $0x550  }
0xd1: {  	[tilespmem:s1], [sflag:$0x2] =	stream.indirect.gather [spmem:s3], $0x10, s4, s18, $0xb8;
	[tilespmem:$0x14820] =	vst v63  }
0xd2: {  	s0 =	simm.s32 $0xC80;
	s15 =	simm.s32 $0x5A0;
	s4 =	simm.s32 $0x5F0  }
0xd3: {  	[tilespmem:s16], [sflag:$0x2] =	stream.indirect.gather [spmem:s3], $0x10, s15, s18, $0xb8;
	[tilespmem:$0x14820] =	vst v63  }
.LBB2_6:
0xd4: {  	[tilespmem:s21], [sflag:$0x2] =	stream.indirect.gather [spmem:s3], $0x10, s4, s18, $0xb8;
	[tilespmem:$0x14820] =	vst v63  }
0xd5: {  	s4 =	smov.u32 s0  }
0xd6: {  	p0 =	sne.s32 s0, $0x7D00;
	s0 =	sadd.s32 $0xC80, s0;
	_ =	swait.ge [sflag:s23], $0x500  }
0xd7: {  	s4 =	sshra.s32 s4, $0x2;
	[sflag:s23] =	ssyncset.done $0x0  }
0xd8: {  	s15 =	sadd.s32 $0x2710, s4;
	[sflag:s23] =	ssyncadd.s32 $0xFFFFFB00  }
0xd9: {  	[spmem:s2] =	stream.indirect.scatter.add.f32 [tilespmem:s19], [sflag:$0x3], $0x10, s15, s18, $0xb8;
	[tilespmem:$0x14820] =	vst v63  }
0xda: {  	_ =	swait.ge [sflag:s23], $0x500  }
0xdb: {  	[sflag:s23] =	ssyncset.done $0x0  }
0xdc: {  	s15 =	sadd.s32 $0x2760, s4;
	[sflag:s23] =	ssyncadd.s32 $0xFFFFFB00  }
0xdd: {  	[spmem:s2] =	stream.indirect.scatter.add.f32 [tilespmem:s20], [sflag:$0x3], $0x10, s15, s18, $0xb8;
	[tilespmem:$0x14820] =	vst v63  }
0xde: {  	_ =	swait.ge [sflag:s23], $0x500  }
0xdf: {  	[sflag:s23] =	ssyncset.done $0x0  }
0xe0: {  	s15 =	sadd.s32 $0x27B0, s4;
	[sflag:s23] =	ssyncadd.s32 $0xFFFFFB00  }
0xe1: {  	[spmem:s2] =	stream.indirect.scatter.add.f32 [tilespmem:s22], [sflag:$0x3], $0x10, s15, s18, $0xb8;
	[tilespmem:$0x14820] =	vst v63  }
0xe2: {  	_ =	swait.ge [sflag:s23], $0x500  }
0xe3: {  	[sflag:s23] =	ssyncset.done $0x0  }
0xe4: {  	s15 =	sadd.s32 $0x2800, s4;
	[sflag:s23] =	ssyncadd.s32 $0xFFFFFB00  }
0xe5: {  	[spmem:s2] =	stream.indirect.scatter.add.f32 [tilespmem:s24], [sflag:$0x3], $0x10, s15, s18, $0xb8;
	[tilespmem:$0x14820] =	vst v63  }
0xe6: {  	_ =	swait.ge [sflag:s23], $0x500  }
0xe7: {  	[sflag:s23] =	ssyncset.done $0x0  }
0xe8: {  	s15 =	sadd.s32 $0x2850, s4;
	[sflag:s23] =	ssyncadd.s32 $0xFFFFFB00  }
0xe9: {  	[spmem:s2] =	stream.indirect.scatter.add.f32 [tilespmem:s26], [sflag:$0x3], $0x10, s15, s18, $0xb8;
	[tilespmem:$0x14820] =	vst v63  }
0xea: {  	_ =	swait.ge [sflag:s25], $0x500  }
0xeb: {  	[sflag:s25] =	ssyncset.done $0x0  }
0xec: {  	[sflag:s25] =	ssyncadd.s32 $0xFFFFFB00  }
0xed: {  	_ =	swait.ge [sflag:s25], $0x500  }
0xee: {  	[sflag:s25] =	ssyncset.done $0x0  }
0xef: {  	[sflag:s25] =	ssyncadd.s32 $0xFFFFFB00  }
0xf0: {  	_ =	swait.ge [sflag:s25], $0x500  }
0xf1: {  	[sflag:s25] =	ssyncset.done $0x0  }
0xf2: {  	[sflag:s25] =	ssyncadd.s32 $0xFFFFFB00  }
0xf3: {  	_ =	swait.ge [sflag:s25], $0x500  }
0xf4: {  	[sflag:s25] =	ssyncset.done $0x0  }
0xf5: {  	[sflag:s25] =	ssyncadd.s32 $0xFFFFFB00  }
0xf6: {  	_ =	swait.ge [sflag:s25], $0x500  }
0xf7: {  	[sflag:s25] =	ssyncset.done $0x0  }
0xf8: {  	s15 =	sadd.s32 $0x320, s4;
	[sflag:s25] =	ssyncadd.s32 $0xFFFFFB00  }
0xf9: {  	[tilespmem:s19], [sflag:$0x1] =	stream.indirect.gather [spmem:s3], $0x10, s15, s18, $0xb8;
	[tilespmem:$0x14820] =	vst v63  }
0xfa: {  	s15 =	sadd.s32 $0x370, s4  }
0xfb: {  	[tilespmem:s20], [sflag:$0x1] =	stream.indirect.gather [spmem:s3], $0x10, s15, s18, $0xb8;
	[tilespmem:$0x14820] =	vst v63  }
0xfc: {  	s15 =	sadd.s32 $0x3C0, s4  }
0xfd: {  	[tilespmem:s22], [sflag:$0x1] =	stream.indirect.gather [spmem:s3], $0x10, s15, s18, $0xb8;
	[tilespmem:$0x14820] =	vst v63  }
0xfe: {  	s15 =	sadd.s32 $0x410, s4  }
0xff: {  	[tilespmem:s24], [sflag:$0x1] =	stream.indirect.gather [spmem:s3], $0x10, s15, s18, $0xb8;
	[tilespmem:$0x14820] =	vst v63  }
0x100: {  	s15 =	sadd.s32 $0x460, s4  }
0x101: {  	[tilespmem:s26], [sflag:$0x1] =	stream.indirect.gather [spmem:s3], $0x10, s15, s18, $0xb8;
	[tilespmem:$0x14820] =	vst v63  }
0x102: {  	_ =	swait.ge [sflag:s28], $0x500  }
0x103: {  	[sflag:s28] =	ssyncset.done $0x0  }
0x104: {  	s15 =	sadd.s32 $0x28A0, s4;
	[sflag:s28] =	ssyncadd.s32 $0xFFFFFB00  }
0x105: {  	[spmem:s2] =	stream.indirect.scatter.add.f32 [tilespmem:s29], [sflag:$0x4], $0x10, s15, s18, $0xb8;
	[tilespmem:$0x14820] =	vst v63  }
0x106: {  	_ =	swait.ge [sflag:s28], $0x500  }
0x107: {  	[sflag:s28] =	ssyncset.done $0x0  }
0x108: {  	s15 =	sadd.s32 $0x28F0, s4;
	[sflag:s28] =	ssyncadd.s32 $0xFFFFFB00  }
0x109: {  	[spmem:s2] =	stream.indirect.scatter.add.f32 [tilespmem:s31], [sflag:$0x4], $0x10, s15, s18, $0xb8;
	[tilespmem:$0x14820] =	vst v63  }
0x10a: {  	_ =	swait.ge [sflag:s28], $0x500  }
0x10b: {  	[sflag:s28] =	ssyncset.done $0x0  }
0x10c: {  	s15 =	sadd.s32 $0x2940, s4;
	[sflag:s28] =	ssyncadd.s32 $0xFFFFFB00  }
0x10d: {  	[spmem:s2] =	stream.indirect.scatter.add.f32 [tilespmem:s1], [sflag:$0x4], $0x10, s15, s18, $0xb8;
	[tilespmem:$0x14820] =	vst v63  }
0x10e: {  	_ =	swait.ge [sflag:s28], $0x500  }
0x10f: {  	[sflag:s28] =	ssyncset.done $0x0  }
0x110: {  	s15 =	sadd.s32 $0x2990, s4;
	[sflag:s28] =	ssyncadd.s32 $0xFFFFFB00  }
0x111: {  	[spmem:s2] =	stream.indirect.scatter.add.f32 [tilespmem:s16], [sflag:$0x4], $0x10, s15, s18, $0xb8;
	[tilespmem:$0x14820] =	vst v63  }
0x112: {  	_ =	swait.ge [sflag:s28], $0x500  }
0x113: {  	[sflag:s28] =	ssyncset.done $0x0  }
0x114: {  	s15 =	sadd.s32 $0x29E0, s4;
	[sflag:s28] =	ssyncadd.s32 $0xFFFFFB00  }
0x115: {  	[spmem:s2] =	stream.indirect.scatter.add.f32 [tilespmem:s21], [sflag:$0x4], $0x10, s15, s18, $0xb8;
	[tilespmem:$0x14820] =	vst v63  }
0x116: {  	_ =	swait.ge [sflag:s30], $0x500  }
0x117: {  	[sflag:s30] =	ssyncset.done $0x0  }
0x118: {  	[sflag:s30] =	ssyncadd.s32 $0xFFFFFB00  }
0x119: {  	_ =	swait.ge [sflag:s30], $0x500  }
0x11a: {  	[sflag:s30] =	ssyncset.done $0x0  }
0x11b: {  	[sflag:s30] =	ssyncadd.s32 $0xFFFFFB00  }
0x11c: {  	_ =	swait.ge [sflag:s30], $0x500  }
0x11d: {  	[sflag:s30] =	ssyncset.done $0x0  }
0x11e: {  	[sflag:s30] =	ssyncadd.s32 $0xFFFFFB00  }
0x11f: {  	_ =	swait.ge [sflag:s30], $0x500  }
0x120: {  	[sflag:s30] =	ssyncset.done $0x0  }
0x121: {  	[sflag:s30] =	ssyncadd.s32 $0xFFFFFB00  }
0x122: {  	_ =	swait.ge [sflag:s30], $0x500  }
0x123: {  	[sflag:s30] =	ssyncset.done $0x0  }
0x124: {  	s15 =	sadd.s32 $0x4B0, s4;
	[sflag:s30] =	ssyncadd.s32 $0xFFFFFB00  }
0x125: {  	[tilespmem:s29], [sflag:$0x2] =	stream.indirect.gather [spmem:s3], $0x10, s15, s18, $0xb8;
	[tilespmem:$0x14820] =	vst v63  }
0x126: {  	s15 =	sadd.s32 $0x500, s4  }
0x127: {  	[tilespmem:s31], [sflag:$0x2] =	stream.indirect.gather [spmem:s3], $0x10, s15, s18, $0xb8;
	[tilespmem:$0x14820] =	vst v63  }
.Ltmp2:
0x128: {  	s15 =	sadd.s32 $0x550, s4;
	(pc) =	sbr.rel @p0 .LBB2_6-.Ltmp2, $4  }
0x129: {  	[tilespmem:s1], [sflag:$0x2] =	stream.indirect.gather [spmem:s3], $0x10, s15, s18, $0xb8;
	[tilespmem:$0x14820] =	vst v63  }
0x12a: {  	s15 =	sadd.s32 $0x5A0, s4  }
0x12b: {  	[tilespmem:s16], [sflag:$0x2] =	stream.indirect.gather [spmem:s3], $0x10, s15, s18, $0xb8;
	[tilespmem:$0x14820] =	vst v63  }
0x12c: {  	s4 =	sadd.s32 $0x5F0, s4  }
0x12d: {  	[tilespmem:s21], [sflag:$0x2] =	stream.indirect.gather [spmem:s3], $0x10, s4, s18, $0xb8;
	[tilespmem:$0x14820] =	vst v63  }
0x12e: {  	_ =	swait.ge [sflag:s23], $0x500  }
0x12f: {  	[sflag:s23] =	ssyncset.done $0x0  }
0x130: {  	s0 =	simm.s32 $0x4970;
	[sflag:s23] =	ssyncadd.s32 $0xFFFFFB00  }
0x131: {  	[spmem:s2] =	stream.indirect.scatter.add.f32 [tilespmem:s19], [sflag:$0x3], $0x10, s0, s18, $0xb8;
	[tilespmem:$0x14820] =	vst v63  }
0x132: {  	_ =	swait.ge [sflag:s23], $0x500  }
0x133: {  	[sflag:s23] =	ssyncset.done $0x0  }
0x134: {  	s15 =	simm.s32 $0x49C0;
	[sflag:s23] =	ssyncadd.s32 $0xFFFFFB00  }
0x135: {  	[spmem:s2] =	stream.indirect.scatter.add.f32 [tilespmem:s20], [sflag:$0x3], $0x10, s15, s18, $0xb8;
	[tilespmem:$0x14820] =	vst v63  }
0x136: {  	_ =	swait.ge [sflag:s23], $0x500  }
0x137: {  	[sflag:s23] =	ssyncset.done $0x0  }
0x138: {  	s4 =	simm.s32 $0x4A10;
	[sflag:s23] =	ssyncadd.s32 $0xFFFFFB00  }
0x139: {  	[spmem:s2] =	stream.indirect.scatter.add.f32 [tilespmem:s22], [sflag:$0x3], $0x10, s4, s18, $0xb8;
	[tilespmem:$0x14820] =	vst v63  }
0x13a: {  	_ =	swait.ge [sflag:s23], $0x500  }
0x13b: {  	[sflag:s23] =	ssyncset.done $0x0  }
0x13c: {  	s15 =	simm.s32 $0x4A60;
	[sflag:s23] =	ssyncadd.s32 $0xFFFFFB00  }
0x13d: {  	[spmem:s2] =	stream.indirect.scatter.add.f32 [tilespmem:s24], [sflag:$0x3], $0x10, s15, s18, $0xb8;
	[tilespmem:$0x14820] =	vst v63  }
0x13e: {  	_ =	swait.ge [sflag:s23], $0x500  }
0x13f: {  	[sflag:s23] =	ssyncset.done $0x0  }
0x140: {  	s4 =	simm.s32 $0x4AB0;
	[sflag:s23] =	ssyncadd.s32 $0xFFFFFB00  }
0x141: {  	[spmem:s2] =	stream.indirect.scatter.add.f32 [tilespmem:s26], [sflag:$0x3], $0x10, s4, s18, $0xb8;
	[tilespmem:$0x14820] =	vst v63  }
0x142: {  	_ =	swait.ge [sflag:s25], $0x500  }
0x143: {  	[sflag:s25] =	ssyncset.done $0x0  }
0x144: {  	[sflag:s25] =	ssyncadd.s32 $0xFFFFFB00  }
0x145: {  	_ =	swait.ge [sflag:s25], $0x500  }
0x146: {  	[sflag:s25] =	ssyncset.done $0x0  }
0x147: {  	[sflag:s25] =	ssyncadd.s32 $0xFFFFFB00  }
0x148: {  	_ =	swait.ge [sflag:s25], $0x500  }
0x149: {  	[sflag:s25] =	ssyncset.done $0x0  }
0x14a: {  	[sflag:s25] =	ssyncadd.s32 $0xFFFFFB00  }
0x14b: {  	_ =	swait.ge [sflag:s25], $0x500  }
0x14c: {  	[sflag:s25] =	ssyncset.done $0x0  }
0x14d: {  	[sflag:s25] =	ssyncadd.s32 $0xFFFFFB00  }
0x14e: {  	_ =	swait.ge [sflag:s25], $0x500  }
0x14f: {  	[sflag:s25] =	ssyncset.done $0x0  }
0x150: {  	s15 =	simm.s32 $0x2580;
	[sflag:s25] =	ssyncadd.s32 $0xFFFFFB00  }
0x151: {  	[tilespmem:s19], [sflag:$0x1] =	stream.indirect.gather [spmem:s3], $0x10, s15, s18, $0xb8;
	[tilespmem:$0x14820] =	vst v63  }
0x152: {  	s4 =	simm.s32 $0x25D0  }
0x153: {  	[tilespmem:s20], [sflag:$0x1] =	stream.indirect.gather [spmem:s3], $0x10, s4, s18, $0xb8;
	[tilespmem:$0x14820] =	vst v63  }
0x154: {  	s15 =	simm.s32 $0x2620  }
0x155: {  	[tilespmem:s22], [sflag:$0x1] =	stream.indirect.gather [spmem:s3], $0x10, s15, s18, $0xb8;
	[tilespmem:$0x14820] =	vst v63  }
0x156: {  	s4 =	simm.s32 $0x2670  }
0x157: {  	[tilespmem:s24], [sflag:$0x1] =	stream.indirect.gather [spmem:s3], $0x10, s4, s18, $0xb8;
	[tilespmem:$0x14820] =	vst v63  }
0x158: {  	s15 =	simm.s32 $0x26C0  }
0x159: {  	[tilespmem:s26], [sflag:$0x1] =	stream.indirect.gather [spmem:s3], $0x10, s15, s18, $0xb8;
	[tilespmem:$0x14820] =	vst v63  }
0x15a: {  	_ =	swait.ge [sflag:s28], $0x500  }
0x15b: {  	[sflag:s28] =	ssyncset.done $0x0  }
0x15c: {  	s4 =	simm.s32 $0x4B00;
	[sflag:s28] =	ssyncadd.s32 $0xFFFFFB00  }
0x15d: {  	[spmem:s2] =	stream.indirect.scatter.add.f32 [tilespmem:s29], [sflag:$0x4], $0x10, s4, s18, $0xb8;
	[tilespmem:$0x14820] =	vst v63  }
0x15e: {  	_ =	swait.ge [sflag:s28], $0x500  }
0x15f: {  	[sflag:s28] =	ssyncset.done $0x0  }
0x160: {  	s15 =	simm.s32 $0x4B50;
	[sflag:s28] =	ssyncadd.s32 $0xFFFFFB00  }
0x161: {  	[spmem:s2] =	stream.indirect.scatter.add.f32 [tilespmem:s31], [sflag:$0x4], $0x10, s15, s18, $0xb8;
	[tilespmem:$0x14820] =	vst v63  }
0x162: {  	_ =	swait.ge [sflag:s28], $0x500  }
0x163: {  	[sflag:s28] =	ssyncset.done $0x0  }
0x164: {  	s4 =	simm.s32 $0x4BA0;
	[sflag:s28] =	ssyncadd.s32 $0xFFFFFB00  }
0x165: {  	[spmem:s2] =	stream.indirect.scatter.add.f32 [tilespmem:s1], [sflag:$0x4], $0x10, s4, s18, $0xb8;
	[tilespmem:$0x14820] =	vst v63  }
0x166: {  	_ =	swait.ge [sflag:s28], $0x500  }
0x167: {  	[sflag:s28] =	ssyncset.done $0x0  }
0x168: {  	s15 =	simm.s32 $0x4BF0;
	[sflag:s28] =	ssyncadd.s32 $0xFFFFFB00  }
0x169: {  	[spmem:s2] =	stream.indirect.scatter.add.f32 [tilespmem:s16], [sflag:$0x4], $0x10, s15, s18, $0xb8;
	[tilespmem:$0x14820] =	vst v63  }
0x16a: {  	_ =	swait.ge [sflag:s28], $0x500  }
0x16b: {  	[sflag:s28] =	ssyncset.done $0x0  }
0x16c: {  	s4 =	simm.s32 $0x4C40;
	[sflag:s28] =	ssyncadd.s32 $0xFFFFFB00  }
0x16d: {  	[spmem:s2] =	stream.indirect.scatter.add.f32 [tilespmem:s21], [sflag:$0x4], $0x10, s4, s18, $0xb8;
	[tilespmem:$0x14820] =	vst v63  }
0x16e: {  	_ =	swait.ge [sflag:s30], $0x500  }
0x16f: {  	[sflag:s30] =	ssyncset.done $0x0  }
0x170: {  	[sflag:s30] =	ssyncadd.s32 $0xFFFFFB00  }
0x171: {  	_ =	swait.ge [sflag:s30], $0x500  }
0x172: {  	[sflag:s30] =	ssyncset.done $0x0  }
0x173: {  	[sflag:s30] =	ssyncadd.s32 $0xFFFFFB00  }
0x174: {  	_ =	swait.ge [sflag:s30], $0x500  }
0x175: {  	[sflag:s30] =	ssyncset.done $0x0  }
0x176: {  	[sflag:s30] =	ssyncadd.s32 $0xFFFFFB00  }
0x177: {  	_ =	swait.ge [sflag:s30], $0x500  }
0x178: {  	[sflag:s30] =	ssyncset.done $0x0  }
0x179: {  	[sflag:s30] =	ssyncadd.s32 $0xFFFFFB00  }
0x17a: {  	_ =	swait.ge [sflag:s30], $0x500  }
0x17b: {  	[sflag:s30] =	ssyncset.done $0x0  }
0x17c: {  	[sflag:s30] =	ssyncadd.s32 $0xFFFFFB00  }
0x17d: {  	_ =	swait.ge [sflag:s23], $0x500  }
0x17e: {  	[sflag:s23] =	ssyncset.done $0x0  }
0x17f: {  	s15 =	simm.s32 $0x4C90;
	[sflag:s23] =	ssyncadd.s32 $0xFFFFFB00  }
0x180: {  	[spmem:s2] =	stream.indirect.scatter.add.f32 [tilespmem:s19], [sflag:$0x3], $0x10, s15, s18, $0xb8;
	[tilespmem:$0x14820] =	vst v63  }
0x181: {  	_ =	swait.ge [sflag:s23], $0x500  }
0x182: {  	[sflag:s23] =	ssyncset.done $0x0  }
0x183: {  	s4 =	simm.s32 $0x4CE0;
	[sflag:s23] =	ssyncadd.s32 $0xFFFFFB00  }
0x184: {  	[spmem:s2] =	stream.indirect.scatter.add.f32 [tilespmem:s20], [sflag:$0x3], $0x10, s4, s18, $0xb8;
	[tilespmem:$0x14820] =	vst v63  }
0x185: {  	_ =	swait.ge [sflag:s23], $0x500  }
0x186: {  	[sflag:s23] =	ssyncset.done $0x0  }
0x187: {  	s15 =	simm.s32 $0x4D30;
	[sflag:s23] =	ssyncadd.s32 $0xFFFFFB00  }
0x188: {  	[spmem:s2] =	stream.indirect.scatter.add.f32 [tilespmem:s22], [sflag:$0x3], $0x10, s15, s18, $0xb8;
	[tilespmem:$0x14820] =	vst v63  }
0x189: {  	_ =	swait.ge [sflag:s23], $0x500  }
0x18a: {  	[sflag:s23] =	ssyncset.done $0x0  }
0x18b: {  	s4 =	simm.s32 $0x4D80;
	[sflag:s23] =	ssyncadd.s32 $0xFFFFFB00  }
0x18c: {  	[spmem:s2] =	stream.indirect.scatter.add.f32 [tilespmem:s24], [sflag:$0x3], $0x10, s4, s18, $0xb8;
	[tilespmem:$0x14820] =	vst v63  }
0x18d: {  	_ =	swait.ge [sflag:s23], $0x500  }
0x18e: {  	[sflag:s23] =	ssyncset.done $0x0  }
0x18f: {  	s15 =	simm.s32 $0x4DD0;
	[sflag:s23] =	ssyncadd.s32 $0xFFFFFB00  }
0x190: {  	[spmem:s2] =	stream.indirect.scatter.add.f32 [tilespmem:s26], [sflag:$0x3], $0x10, s15, s18, $0xb8;
	[tilespmem:$0x14820] =	vst v63  }
0x191: {  	_ =	swait.ge [sflag:s25], $0x500  }
0x192: {  	[sflag:s25] =	ssyncset.done $0x0  }
0x193: {  	[sflag:s25] =	ssyncadd.s32 $0xFFFFFB00  }
0x194: {  	_ =	swait.ge [sflag:s25], $0x500  }
0x195: {  	[sflag:s25] =	ssyncset.done $0x0  }
0x196: {  	[sflag:s25] =	ssyncadd.s32 $0xFFFFFB00  }
0x197: {  	_ =	swait.ge [sflag:s25], $0x500  }
0x198: {  	[sflag:s25] =	ssyncset.done $0x0  }
0x199: {  	[sflag:s25] =	ssyncadd.s32 $0xFFFFFB00  }
0x19a: {  	_ =	swait.ge [sflag:s25], $0x500  }
0x19b: {  	[sflag:s25] =	ssyncset.done $0x0  }
0x19c: {  	[sflag:s25] =	ssyncadd.s32 $0xFFFFFB00  }
0x19d: {  	_ =	swait.ge [sflag:s25], $0x500  }
0x19e: {  	[sflag:s25] =	ssyncset.done $0x0  }
0x19f: {  	[sflag:s25] =	ssyncadd.s32 $0xFFFFFB00  }
0x1a0: {  	[bflag:$0x0] =	sbarrier.arrive $0xFFFF  }
0x1a1: {  	[tilespmem:s13], [sflag:$0x5] =	stream.linear.gather [spmem:s5], $0x2800, $0x38;
	[tilespmem:$0x14820] =	vst v63  }
0x1a2: {  	_ =	swait.ge [sflag:s14], $0x2800  }
0x1a3: {  	[sflag:s14] =	ssyncset.done $0x0  }
0x1a4: {  	s0 =	simm.s32 $0x0;
	[sflag:s14] =	ssyncadd.s32 $0xFFFFD800  }
0x1a5: {  	v4 =	vld [tilespmem:s0+$0x8090]  }
0x1a6: {  	v5 =	vld [tilespmem:s0+$0x8020]  }
0x1a7: {  	v6 =	vld [tilespmem:s0+$0x8030]  }
0x1a8: {  	v3 =	vld [tilespmem:s0+$0x8040]  }
0x1a9: {  	v1 =	vld [tilespmem:s0+$0x8050]  }
0x1aa: {  	v2 =	vld [tilespmem:s0+$0x8060];
	[tilespmem:s0+$0xA890] =	vst v4  }
0x1ab: {  	[tilespmem:s0+$0xA820] =	vst v5;
	v4 =	vld [tilespmem:s0+$0x8070]  }
0x1ac: {  	s4 =	simm.s32 $0x80;
	s15 =	simm.s32 $0x400;
	[tilespmem:s0+$0xA830] =	vst v6;
	v5 =	vld [tilespmem:s0+$0x8080]  }
.LBB2_8:
0x1ad: {  	p0 =	sne.s32 s15, $0x9E00;
	v6 =	vld [tilespmem:s4+$0x8090];
	[tilespmem:s0+$0xA840] =	vst v3  }
0x1ae: {  	v7 =	vld [tilespmem:s4+$0x8020];
	[tilespmem:s0+$0xA850] =	vst v1  }
0x1af: {  	v8 =	vld [tilespmem:s4+$0x8030];
	[tilespmem:s0+$0xA860] =	vst v2  }
.Ltmp3:
0x1b0: {  	v3 =	vld [tilespmem:s4+$0x8040];
	[tilespmem:s0+$0xA870] =	vst v4;
	(pc) =	sbr.rel @p0 .LBB2_8-.Ltmp3, $4  }
0x1b1: {  	v1 =	vld [tilespmem:s4+$0x8050];
	[tilespmem:s0+$0xA880] =	vst v5;
	s0 =	smov.u32 s4  }
0x1b2: {  	v2 =	vld [tilespmem:s0+$0x8060];
	[tilespmem:s0+$0xA890] =	vst v6  }
0x1b3: {  	[tilespmem:s0+$0xA820] =	vst v7;
	v4 =	vld [tilespmem:s0+$0x8070]  }
0x1b4: {  	s4 =	sshra.s32 s15, $0x2;
	s15 =	sadd.s32 $0x200, s15;
	[tilespmem:s0+$0xA830] =	vst v8;
	v5 =	vld [tilespmem:s0+$0x8080]  }
0x1b5: {  	v6 =	vld [tilespmem:s4+$0x8090];
	[tilespmem:s0+$0xA840] =	vst v3  }
0x1b6: {  	v3 =	vld [tilespmem:s4+$0x8020];
	[tilespmem:s0+$0xA850] =	vst v1  }
0x1b7: {  	v1 =	vld [tilespmem:s4+$0x8030];
	[tilespmem:s0+$0xA860] =	vst v2  }
0x1b8: {  	v2 =	vld [tilespmem:s4+$0x8040];
	[tilespmem:s0+$0xA870] =	vst v4  }
0x1b9: {  	v4 =	vld [tilespmem:s4+$0x8050];
	[tilespmem:s0+$0xA880] =	vst v5  }
0x1ba: {  	v5 =	vld [tilespmem:s4+$0x8060];
	[tilespmem:s4+$0xA890] =	vst v6  }
0x1bb: {  	[tilespmem:s4+$0xA820] =	vst v3;
	v3 =	vld [tilespmem:s4+$0x8070]  }
0x1bc: {  	[tilespmem:s4+$0xA830] =	vst v1;
	v1 =	vld [tilespmem:s4+$0x8080]  }
0x1bd: {  	[tilespmem:s4+$0xA840] =	vst v2  }
0x1be: {  	[tilespmem:s4+$0xA850] =	vst v4  }
0x1bf: {  	s17 =	sadd.s32 $0x1, s17;
	[tilespmem:s4+$0xA860] =	vst v5  }
0x1c0: {  	p0 =	sne.s32 s17, s12;
	[tilespmem:s4+$0xA870] =	vst v3  }
.Ltmp4:
0x1c1: {  	s15 =	simm.s32 $0xA820;
	[tilespmem:s4+$0xA880] =	vst v1;
	s4 =	simm.s32 $0x0;
	(pc) =	sbr.rel @p0 .LBB2_1-.Ltmp4, $4  }
0x1c2: {  	[hbm4b:s11+s4] =	stream.linear.scatter [tilespmem:s15], [sflag:$0x5], $0x2800, $0x38;
	[tilespmem:$0x14820] =	vst v63  }
0x1c3: {  	_ =	swait.ge [sflag:s14], $0x2800  }
0x1c4: {  	[sflag:s14] =	ssyncset.done $0x0  }
0x1c5: {  	[sflag:s14] =	ssyncadd.s32 $0xFFFFD800  }
0x1c6: {  	_ =	sfence.sel $0x180000  }
0x1c7: {  	[bflag:$0x0] =	sbarrier.arrive $0xFFFF  }
0x1c8: {  	_ =	strace $0x9000004A  }
0x1c9: {  	s0 =	stileid.u32;
	[bflag:$0x2] =	sbarrier.arrive $0xFFFF  }
0x1ca: {  	p0 =	sne.s32 s0, $0x0;
	s0 =	rddreg [dreg:$0x3]  }
0x1cb: {  	s0 =	sadd.s32 @!p0 $0x100000, s0  }
0x1cc: {  	[sflag:s0] =	ssyncadd.tile.s32 @!p0 $0x1;
	_ =	shalt  }
.Lfunc_end2:
_tile_overlayer_lowered:
.L_overlay_start_2:
0x1cd: {  	(tag) =	ssettag $0x2  }
0x1ce: {  	s0 =	rddreg [dreg:$0x0];
	s2 =	stileid.u32  }
0x1cf: {  	s1 =	rddreg [dreg:$0x1];
	p0 =	sne.s32 s2, $0x0  }
0x1d0: {  	s3 =	rddreg [dreg:$0x2];
	[bflag:$0x3] =	sbarrier.arrive $0xFFFF;
	s2 =	simm.s32 @!p0 $0x1C05  }
0x1d1: {  	[timem:s3], [sflag:s2] =	dma.local @!p0 [hbm:s0], s1  }
0x1d2: {  	s0 =	simm.s32 @!p0 $0x5  }
0x1d3: {  	_ =	swait.ge @!p0 [sflag:s0], s1  }
0x1d4: {  	s1 =	ssub.s32 @!p0 $0x0, s1;
	[sflag:s0] =	ssyncset.done @!p0 $0x0  }
0x1d5: {  	[sflag:s0] =	ssyncadd.s32 @!p0 s1  }
0x1d6: {  	[bflag:$0x3] =	sbarrier.arrive $0xFFFF  }
0x1d7: {  	_ =	shalt  }

</sc_bundles>
